<compile_context>
chip_gen: v7x
topology: tpu7x:2x2x1
jax: 0.10.2.dev20260603
libtpu: 0.0.44.dev20260713+nightly
codegen_flags: <defaults>
</compile_context>

<pallas_src>
import functools

import jax
import jax.numpy as jnp
from jax import lax
from jax.experimental import pallas as pl
from jax.experimental.pallas import tpu as pltpu
from jax.experimental.pallas import tpu_sc as plsc

N = 10000
NPAD = 10240
DIN = 128
DH = 64
E = 320000
ETOT = E + N
WINDOW = 128
NCORES = 2
NSUB = 16
NW = NCORES * NSUB
WPW = 81
NWIN = NW * WPW
EPAD = NWIN * WINDOW
NEG = 0.2
EPS = 1e-16



def _make_sc_pass(nheads):
  mesh = plsc.VectorSubcoreMesh(core_axis_name="c", subcore_axis_name="s")
  out_type = (
      [jax.ShapeDtypeStruct((NCORES, NPAD, DH), jnp.float32)] * nheads
      + [jax.ShapeDtypeStruct((NCORES, NPAD), jnp.float32)] * nheads)
  scratch = (
      [pltpu.VMEM((N,), jnp.float32)] * (2 * nheads)
      + [pltpu.VMEM((WINDOW,), jnp.int32)] * 2
      + [pltpu.VMEM((WINDOW, DH), jnp.float32)]
      + [pltpu.VMEM((WINDOW, DH), jnp.float32)] * nheads
      + [pltpu.VMEM((WINDOW + 16,), jnp.float32)] * nheads
      + [pltpu.VMEM((16, DH), jnp.float32)]
      + [pltpu.VMEM((WINDOW,), jnp.float32)]
      + [pltpu.VMEM_SHARED((NPAD, DH), jnp.float32)] * nheads
      + [pltpu.VMEM_SHARED((NPAD,), jnp.float32)] * nheads
      + [pltpu.SemaphoreType.DMA])

  @functools.partial(pl.kernel, out_type=out_type, mesh=mesh,
                     compiler_params=pltpu.CompilerParams(
                         needs_layout_passes=False,
                         use_tc_tiling_on_sc=False),
                     scratch_types=scratch)
  def sc_pass(src_hbm, dst_hbm, tabs_hbm, feat_hbm, *rest):
    rest = list(rest)
    aggs_out = [rest.pop(0) for _ in range(nheads)]
    dens_out = [rest.pop(0) for _ in range(nheads)]
    tabs = [rest.pop(0) for _ in range(2 * nheads)]
    src_v = rest.pop(0)
    dst_v = rest.pop(0)
    rows_v = rest.pop(0)
    srows = [rest.pop(0) for _ in range(nheads)]
    wv = [rest.pop(0) for _ in range(nheads)]
    zblk = rest.pop(0)
    zrow = rest.pop(0)
    aggs_sh = [rest.pop(0) for _ in range(nheads)]
    dens_sh = [rest.pop(0) for _ in range(nheads)]
    sem = rest.pop(0)

    cid = lax.axis_index("c")
    sid = lax.axis_index("s")
    wid = sid * NCORES + cid

    for t in range(2 * nheads):
      pltpu.sync_copy(tabs_hbm.at[t], tabs[t])

    zero16 = jnp.zeros((16,), jnp.float32)
    for i in range(16):
      for c in range(DH // 16):
        zblk[i, pl.ds(c * 16, 16)] = zero16
    for c in range(WINDOW // 16):
      zrow[pl.ds(c * 16, 16)] = zero16
    rpt = NPAD // NSUB
    nbase = sid * rpt

    def zbody(i, carry):
      for h in range(nheads):
        pltpu.sync_copy(zblk, aggs_sh[h].at[pl.ds(nbase + i * 16, 16)])
      return carry
    lax.fori_loop(0, rpt // 16, zbody, 0)
    for h in range(nheads):
      for i in range(rpt // WINDOW):
        pltpu.sync_copy(zrow, dens_sh[h].at[pl.ds(nbase + i * WINDOW, WINDOW)])

    plsc.subcore_barrier()

    iota16 = lax.iota(jnp.int32, 16)

    def wbody(j, carry):
      row = wid * WPW + j
      pltpu.sync_copy(src_hbm.at[row], src_v)
      pltpu.sync_copy(dst_hbm.at[row], dst_v)
      pltpu.async_copy(feat_hbm.at[src_v], rows_v, sem).wait()
      ebase = row * WINDOW
      for jj in range(WINDOW // 16):
        s16 = src_v[pl.ds(jj * 16, 16)]
        d16 = dst_v[pl.ds(jj * 16, 16)]
        valid = (ebase + jj * 16 + iota16) < ETOT
        for h in range(nheads):
          e = (plsc.load_gather(tabs[2 * h], [s16])
               + plsc.load_gather(tabs[2 * h + 1], [d16]))
          e = jnp.where(e > 0, e, NEG * e)
          wv[h][pl.ds(jj * 16, 16)] = jnp.where(valid, jnp.exp(e), 0.0)

      def sbody(ei, carry):
        for h in range(nheads):
          ws = wv[h][pl.ds(ei, 16)][0]
          for c in range(DH // 16):
            srows[h][ei, pl.ds(c * 16, 16)] = rows_v[ei, pl.ds(c * 16, 16)] * ws
        return carry
      lax.fori_loop(0, WINDOW, sbody, 0, unroll=4)

      for h in range(nheads):
        pltpu.sync_copy(srows[h], aggs_sh[h].at[dst_v], add=True)
        pltpu.sync_copy(wv[h].at[pl.ds(0, WINDOW)], dens_sh[h].at[dst_v],
                        add=True)
      return carry
    lax.fori_loop(0, WPW, wbody, 0)

    plsc.subcore_barrier()

    for h in range(nheads):
      pltpu.sync_copy(aggs_sh[h].at[pl.ds(nbase, rpt)],
                      aggs_out[h].at[cid, pl.ds(nbase, rpt)])
      pltpu.sync_copy(dens_sh[h].at[pl.ds(nbase, rpt)],
                      dens_out[h].at[cid, pl.ds(nbase, rpt)])

  return sc_pass


_sc_pass1 = _make_sc_pass(1)



def _tc_prep_body(x_ref, w_ref, a_ref, h_ref, tab_ref):
  h = jnp.dot(x_ref[...], w_ref[...], preferred_element_type=jnp.float32)
  h_ref[...] = h
  tab_ref[0, :] = jnp.dot(h, a_ref[0, :], preferred_element_type=jnp.float32)
  tab_ref[1, :] = jnp.dot(h, a_ref[1, :], preferred_element_type=jnp.float32)


def _tc_prep(x, w_enc, a2):
  return pl.pallas_call(
      _tc_prep_body,
      out_shape=[jax.ShapeDtypeStruct((N, DH), jnp.float32),
                 jax.ShapeDtypeStruct((2, N), jnp.float32)],
  )(x, w_enc, a2)


def _tc_mid_body(agg_ref, den_ref, b_ref, wa_ref, aa_ref, ws_ref, as_ref,
                 h_ref, tabs_ref):
  agg = agg_ref[0, :N, :] + agg_ref[1, :N, :]
  den = den_ref[0, :N] + den_ref[1, :N]
  h = agg / (den[:, None] + EPS) + b_ref[0, :][None, :]
  h_ref[...] = h
  for i, (w_ref, av_ref) in enumerate(((wa_ref, aa_ref), (ws_ref, as_ref))):
    for k in range(2):
      v = jnp.dot(w_ref[...], av_ref[k, :], preferred_element_type=jnp.float32)
      tabs_ref[2 * i + k, :] = jnp.dot(h, v, preferred_element_type=jnp.float32)


def _tc_mid(aggp, denp, b_enc, w_attr, a_attr2, w_str, a_str2):
  return pl.pallas_call(
      _tc_mid_body,
      out_shape=[jax.ShapeDtypeStruct((N, DH), jnp.float32),
                 jax.ShapeDtypeStruct((4, N), jnp.float32)],
  )(aggp, denp, b_enc, w_attr, a_attr2, w_str, a_str2)


def _tc_fin_body(agga_ref, dena_ref, aggs_ref, dens_ref, wa_ref, ba_ref,
                 ws_ref, bs_ref, x_ref, hs_ref):
  agga = agga_ref[0, :N, :] + agga_ref[1, :N, :]
  dena = dena_ref[0, :N] + dena_ref[1, :N]
  ha = agga / (dena[:, None] + EPS)
  x_ref[...] = (jnp.dot(ha, wa_ref[...], preferred_element_type=jnp.float32)
                + ba_ref[0, :][None, :])
  aggs = aggs_ref[0, :N, :] + aggs_ref[1, :N, :]
  dens = dens_ref[0, :N] + dens_ref[1, :N]
  hs = aggs / (dens[:, None] + EPS)
  hs_ref[...] = (jnp.dot(hs, ws_ref[...], preferred_element_type=jnp.float32)
                 + bs_ref[0, :][None, :])


def _tc_fin(aggpa, denpa, aggps, denps, w_attr, b_attr, w_str, b_str):
  return pl.pallas_call(
      _tc_fin_body,
      out_shape=[jax.ShapeDtypeStruct((N, DIN), jnp.float32),
                 jax.ShapeDtypeStruct((N, DIN), jnp.float32)],
  )(aggpa, denpa, aggps, denps, w_attr, b_attr, w_str, b_str)


def _tc_mm_body(hr_ref, hc_ref, o_ref):
  o_ref[...] = lax.dot_general(
      hr_ref[...], hc_ref[...], (((1,), (1,)), ((), ())),
      preferred_element_type=jnp.float32)


def _tc_mm(h):
  blk = 400
  return pl.pallas_call(
      _tc_mm_body,
      grid=(N // blk,),
      in_specs=[pl.BlockSpec((blk, DIN), lambda i: (i, 0)),
                pl.BlockSpec((N, DIN), lambda i: (0, 0))],
      out_specs=pl.BlockSpec((blk, N), lambda i: (i, 0)),
      out_shape=jax.ShapeDtypeStruct((N, N), jnp.float32),
  )(h, h)



def kernel(x, edge_index, W_enc, a_src_enc, a_dst_enc, b_enc,
           W_attr, a_src_attr, a_dst_attr, b_attr,
           W_str, a_src_str, a_dst_str, b_str):
  loop = jnp.arange(N, dtype=jnp.int32)
  pad = jnp.arange(EPAD - ETOT, dtype=jnp.int32)
  src2d = jnp.concatenate([edge_index[0], loop, pad]).reshape(NWIN, WINDOW)
  dst2d = jnp.concatenate([edge_index[1], loop, pad]).reshape(NWIN, WINDOW)

  a_enc2 = jnp.stack([a_src_enc, a_dst_enc])
  a_attr2 = jnp.stack([a_src_attr, a_dst_attr])
  a_str2 = jnp.stack([a_src_str, a_dst_str])

  h0, tab0 = _tc_prep(x, W_enc, a_enc2)
  agg0, den0 = _sc_pass1(src2d, dst2d, tab0, h0)
  h, tabs = _tc_mid(agg0, den0, b_enc.reshape(1, DH), W_attr, a_attr2,
                    W_str, a_str2)
  agga, dena = _sc_pass1(src2d, dst2d, tabs[0:2], h)
  aggs, dens = _sc_pass1(src2d, dst2d, tabs[2:4], h)
  x_, h_ = _tc_fin(agga, dena, aggs, dens, W_attr, b_attr.reshape(1, DIN),
                   W_str, b_str.reshape(1, DIN))
  s_ = _tc_mm(h_)
  return (x_, s_)

# --- scband reference (transcript-rebuilt; emitter-appended) ---
"""Pipeline reference for scband-auto-encoder-31233002176556 (READ-ONLY COPY).

The authoritative reference and input builder live on the scoring server;
editing this copy changes nothing except your own understanding.
"""

import jax, jax.numpy as jnp
import numpy as np

N = 10000
IN_DIM = 128
HID_DIM = 64
E = 320000


def _glorot(key, shape):
    fan_in, fan_out = shape[0], shape[-1]
    s = np.sqrt(6.0 / (fan_in + fan_out))
    return jax.random.uniform(key, shape, dtype=jnp.float32, minval=-s, maxval=s)


def setup_inputs(seed: int = 0) -> dict:
    key = jax.random.key(seed)
    ks = jax.random.split(key, 16)
    inp = {}
    inp["x"] = jax.random.normal(ks[0], (N, IN_DIM), dtype=jnp.float32)
    inp["edge_index"] = jax.random.randint(ks[1], (2, E), 0, N, dtype=jnp.int32)
    # shared_encoder GATConv(in_dim -> hid_dim), heads=1
    inp["W_enc"] = _glorot(ks[2], (IN_DIM, HID_DIM))
    inp["a_src_enc"] = _glorot(ks[3], (1, HID_DIM))[0]
    inp["a_dst_enc"] = _glorot(ks[4], (1, HID_DIM))[0]
    inp["b_enc"] = jnp.zeros((HID_DIM,), dtype=jnp.float32)
    # attr_decoder GATConv(hid_dim -> in_dim)
    inp["W_attr"] = _glorot(ks[5], (HID_DIM, IN_DIM))
    inp["a_src_attr"] = _glorot(ks[6], (1, IN_DIM))[0]
    inp["a_dst_attr"] = _glorot(ks[7], (1, IN_DIM))[0]
    inp["b_attr"] = jnp.zeros((IN_DIM,), dtype=jnp.float32)
    # struct_decoder GATConv(hid_dim -> in_dim)
    inp["W_str"] = _glorot(ks[8], (HID_DIM, IN_DIM))
    inp["a_src_str"] = _glorot(ks[9], (1, IN_DIM))[0]
    inp["a_dst_str"] = _glorot(ks[10], (1, IN_DIM))[0]
    inp["b_str"] = jnp.zeros((IN_DIM,), dtype=jnp.float32)
    return inp


def _gat_conv(x, src, dst, W, a_src, a_dst, b, n):
    # PyG GATConv (heads=1): linear transform, additive attention,
    # leaky_relu(0.2), softmax over incoming edges per dst node, scatter-add.
    h = x @ W
    alpha_src = (h * a_src).sum(axis=-1)
    alpha_dst = (h * a_dst).sum(axis=-1)
    e = alpha_src[src] + alpha_dst[dst]
    e = jax.nn.leaky_relu(e, negative_slope=0.2)
    emax = jax.ops.segment_max(e, dst, num_segments=n)
    emax = jnp.where(jnp.isfinite(emax), emax, 0.0)
    ex = jnp.exp(e - emax[dst])
    denom = jax.ops.segment_sum(ex, dst, num_segments=n)
    coef = ex / (denom[dst] + 1e-16)
    out = jax.ops.segment_sum(h[src] * coef[:, None], dst, num_segments=n)
    return out + b


def reference(x, edge_index, W_enc, a_src_enc, a_dst_enc, b_enc,
              W_attr, a_src_attr, a_dst_attr, b_attr,
              W_str, a_src_str, a_dst_str, b_str):
    n = x.shape[0]
    # PyG GATConv default add_self_loops=True
    loop = jnp.arange(n, dtype=edge_index.dtype)
    src = jnp.concatenate([edge_index[0], loop])
    dst = jnp.concatenate([edge_index[1], loop])
    h = _gat_conv(x, src, dst, W_enc, a_src_enc, a_dst_enc, b_enc, n)
    x_ = _gat_conv(h, src, dst, W_attr, a_src_attr, a_dst_attr, b_attr, n)
    h_ = _gat_conv(h, src, dst, W_str, a_src_str, a_dst_str, b_str, n)
    s_ = h_ @ h_.T
    return (x_, s_)

if __name__ == "__main__":
    import jax
    _d = setup_inputs()
    print(jax.jit(kernel)(*tuple(_d.values())))

</pallas_src>

<mosaic_0001>
#map = affine_map<(d0, d1) -> (0, 0)>
#map1 = affine_map<(d0, d1) -> (0, 0, 0)>
module attributes {stable_mosaic.version = 14 : i64} {
  func.func @sc_pass(%arg0: i32, %arg1: i32, %arg2: memref<2592x128xi32, #tpu.memory_space<hbm>>, %arg3: memref<2592x128xi32, #tpu.memory_space<hbm>>, %arg4: memref<2x10000xf32, #tpu.memory_space<hbm>>, %arg5: memref<10000x64xf32, #tpu.memory_space<hbm>>, %arg6: memref<2x10240x64xf32, #tpu.memory_space<hbm>>, %arg7: memref<2x10240xf32, #tpu.memory_space<hbm>>, %arg8: memref<10000xf32, #tpu.memory_space<vmem>>, %arg9: memref<10000xf32, #tpu.memory_space<vmem>>, %arg10: memref<128xi32, #tpu.memory_space<vmem>>, %arg11: memref<128xi32, #tpu.memory_space<vmem>>, %arg12: memref<128x64xf32, #tpu.memory_space<vmem>>, %arg13: memref<128x64xf32, #tpu.memory_space<vmem>>, %arg14: memref<144xf32, #tpu.memory_space<vmem>>, %arg15: memref<16x64xf32, #tpu.memory_space<vmem>>, %arg16: memref<128xf32, #tpu.memory_space<vmem>>, %arg17: memref<10240x64xf32, #tpu.memory_space<vmem_shared>>, %arg18: memref<10240xf32, #tpu.memory_space<vmem_shared>>, %arg19: memref<!tpu.dma_semaphore, #tpu.memory_space<semaphore_mem>>) attributes {dimension_semantics = [#tpu.dimension_semantics<core_parallel>, #tpu.dimension_semantics<subcore_parallel>], iteration_bounds = array<i64: 2, 16>, scalar_prefetch = 0 : i64, scratch_operands = 12 : i64, tpu.core_type = #tpu.core_type<sc_vector_subcore>, window_params = [{transform_indices = #map}, {transform_indices = #map}, {transform_indices = #map}, {transform_indices = #map}, {transform_indices = #map1}, {transform_indices = #map}]} {
    %mul3A = arith.constant 2 : i32
    %mul3A_0 = arith.muli %arg1, %mul3A : i32
    %add3A = arith.addi %mul3A_0, %arg0 : i32
    %run_scoped3A = arith.constant 0 : i32
    "tpu.region"() ({
      %run_scoped3A_298 = tpu.sem_alloc : memref<!tpu.dma_semaphore, #tpu.memory_space<semaphore_mem>>
      %dma_start3A = arith.constant 0 : i32
      %dma_start3A_299 = tpu.memref_slice %arg4[%run_scoped3A, %dma_start3A] : memref<2x10000xf32, #tpu.memory_space<hbm>> -> memref<1x10000xf32, #tpu.memory_space<hbm>>
      %dma_start3A_300 = tpu.memref_squeeze %dma_start3A_299 : memref<1x10000xf32, #tpu.memory_space<hbm>> -> memref<10000xf32, #tpu.memory_space<hbm>>
      %dma_start3A_301 = arith.constant 0 : i32
      %dma_start3A_302 = tpu.memref_slice %arg4[%run_scoped3A, %dma_start3A_301] : memref<2x10000xf32, #tpu.memory_space<hbm>> -> memref<1x10000xf32, #tpu.memory_space<hbm>>
      %dma_start3A_303 = tpu.memref_squeeze %dma_start3A_302 : memref<1x10000xf32, #tpu.memory_space<hbm>> -> memref<10000xf32, #tpu.memory_space<hbm>>
      tpu.enqueue_dma source(%dma_start3A_303 : memref<10000xf32, #tpu.memory_space<hbm>>) target(%arg8 : memref<10000xf32, #tpu.memory_space<vmem>>) target_semaphore(%run_scoped3A_298 : memref<!tpu.dma_semaphore, #tpu.memory_space<semaphore_mem>>)
      %dma_wait3A = arith.constant 0 : i32
      %dma_wait3A_304 = tpu.memref_slice %arg4[%run_scoped3A, %dma_wait3A] : memref<2x10000xf32, #tpu.memory_space<hbm>> -> memref<1x10000xf32, #tpu.memory_space<hbm>>
      %dma_wait3A_305 = tpu.memref_squeeze %dma_wait3A_304 : memref<1x10000xf32, #tpu.memory_space<hbm>> -> memref<10000xf32, #tpu.memory_space<hbm>>
      %dma_wait3A_306 = arith.constant 0 : i32
      %dma_wait3A_307 = tpu.memref_slice %arg4[%run_scoped3A, %dma_wait3A_306] : memref<2x10000xf32, #tpu.memory_space<hbm>> -> memref<1x10000xf32, #tpu.memory_space<hbm>>
      %dma_wait3A_308 = tpu.memref_squeeze %dma_wait3A_307 : memref<1x10000xf32, #tpu.memory_space<hbm>> -> memref<10000xf32, #tpu.memory_space<hbm>>
      tpu.wait_dma2 semaphore(%run_scoped3A_298 : memref<!tpu.dma_semaphore, #tpu.memory_space<semaphore_mem>>) src(%dma_wait3A_308 : memref<10000xf32, #tpu.memory_space<hbm>>) dst(%arg8 : memref<10000xf32, #tpu.memory_space<vmem>>)
      tpu.yield
    }) : () -> ()
    %run_scoped3A_1 = arith.constant 1 : i32
    "tpu.region"() ({
      %run_scoped3A_298 = tpu.sem_alloc : memref<!tpu.dma_semaphore, #tpu.memory_space<semaphore_mem>>
      %dma_start3A = arith.constant 0 : i32
      %dma_start3A_299 = tpu.memref_slice %arg4[%run_scoped3A_1, %dma_start3A] : memref<2x10000xf32, #tpu.memory_space<hbm>> -> memref<1x10000xf32, #tpu.memory_space<hbm>>
      %dma_start3A_300 = tpu.memref_squeeze %dma_start3A_299 : memref<1x10000xf32, #tpu.memory_space<hbm>> -> memref<10000xf32, #tpu.memory_space<hbm>>
      %dma_start3A_301 = arith.constant 0 : i32
      %dma_start3A_302 = tpu.memref_slice %arg4[%run_scoped3A_1, %dma_start3A_301] : memref<2x10000xf32, #tpu.memory_space<hbm>> -> memref<1x10000xf32, #tpu.memory_space<hbm>>
      %dma_start3A_303 = tpu.memref_squeeze %dma_start3A_302 : memref<1x10000xf32, #tpu.memory_space<hbm>> -> memref<10000xf32, #tpu.memory_space<hbm>>
      tpu.enqueue_dma source(%dma_start3A_303 : memref<10000xf32, #tpu.memory_space<hbm>>) target(%arg9 : memref<10000xf32, #tpu.memory_space<vmem>>) target_semaphore(%run_scoped3A_298 : memref<!tpu.dma_semaphore, #tpu.memory_space<semaphore_mem>>)
      %dma_wait3A = arith.constant 0 : i32
      %dma_wait3A_304 = tpu.memref_slice %arg4[%run_scoped3A_1, %dma_wait3A] : memref<2x10000xf32, #tpu.memory_space<hbm>> -> memref<1x10000xf32, #tpu.memory_space<hbm>>
      %dma_wait3A_305 = tpu.memref_squeeze %dma_wait3A_304 : memref<1x10000xf32, #tpu.memory_space<hbm>> -> memref<10000xf32, #tpu.memory_space<hbm>>
      %dma_wait3A_306 = arith.constant 0 : i32
      %dma_wait3A_307 = tpu.memref_slice %arg4[%run_scoped3A_1, %dma_wait3A_306] : memref<2x10000xf32, #tpu.memory_space<hbm>> -> memref<1x10000xf32, #tpu.memory_space<hbm>>
      %dma_wait3A_308 = tpu.memref_squeeze %dma_wait3A_307 : memref<1x10000xf32, #tpu.memory_space<hbm>> -> memref<10000xf32, #tpu.memory_space<hbm>>
      tpu.wait_dma2 semaphore(%run_scoped3A_298 : memref<!tpu.dma_semaphore, #tpu.memory_space<semaphore_mem>>) src(%dma_wait3A_308 : memref<10000xf32, #tpu.memory_space<hbm>>) dst(%arg9 : memref<10000xf32, #tpu.memory_space<vmem>>)
      tpu.yield
    }) : () -> ()
    %broadcast_in_dim3A = arith.constant 0.000000e+00 : f32
    %broadcast_in_dim3A_2 = vector.broadcast %broadcast_in_dim3A : f32 to vector<16xf32>
    %swap3A = arith.constant 0 : i32
    %swap3A_3 = arith.index_cast %swap3A : i32 to index
    %swap3A_4 = arith.constant 0 : index
    %swap3A_5 = tpu.vector_load %arg15[%swap3A_3, %swap3A_4] {strides = array<i32>} : memref<16x64xf32, #tpu.memory_space<vmem>>, vector<16xf32>,
    tpu.vector_store %arg15[%swap3A_3, %swap3A_4], %broadcast_in_dim3A_2 {strides = array<i32>} : memref<16x64xf32, #tpu.memory_space<vmem>>, vector<16xf32>,
    %swap3A_6 = arith.constant 0 : i32
    %swap3A_7 = arith.index_cast %swap3A_6 : i32 to index
    %swap3A_8 = arith.constant 16 : index
    %swap3A_9 = tpu.vector_load %arg15[%swap3A_7, %swap3A_8] {strides = array<i32>} : memref<16x64xf32, #tpu.memory_space<vmem>>, vector<16xf32>,
    tpu.vector_store %arg15[%swap3A_7, %swap3A_8], %broadcast_in_dim3A_2 {strides = array<i32>} : memref<16x64xf32, #tpu.memory_space<vmem>>, vector<16xf32>,
    %swap3A_10 = arith.constant 0 : i32
    %swap3A_11 = arith.index_cast %swap3A_10 : i32 to index
    %swap3A_12 = arith.constant 32 : index
    %swap3A_13 = tpu.vector_load %arg15[%swap3A_11, %swap3A_12] {strides = array<i32>} : memref<16x64xf32, #tpu.memory_space<vmem>>, vector<16xf32>,
    tpu.vector_store %arg15[%swap3A_11, %swap3A_12], %broadcast_in_dim3A_2 {strides = array<i32>} : memref<16x64xf32, #tpu.memory_space<vmem>>, vector<16xf32>,
    %swap3A_14 = arith.constant 0 : i32
    %swap3A_15 = arith.index_cast %swap3A_14 : i32 to index
    %swap3A_16 = arith.constant 48 : index
    %swap3A_17 = tpu.vector_load %arg15[%swap3A_15, %swap3A_16] {strides = array<i32>} : memref<16x64xf32, #tpu.memory_space<vmem>>, vector<16xf32>,
    tpu.vector_store %arg15[%swap3A_15, %swap3A_16], %broadcast_in_dim3A_2 {strides = array<i32>} : memref<16x64xf32, #tpu.memory_space<vmem>>, vector<16xf32>,
    %swap3A_18 = arith.constant 1 : i32
    %swap3A_19 = arith.index_cast %swap3A_18 : i32 to index
    %swap3A_20 = arith.constant 0 : index
    %swap3A_21 = tpu.vector_load %arg15[%swap3A_19, %swap3A_20] {strides = array<i32>} : memref<16x64xf32, #tpu.memory_space<vmem>>, vector<16xf32>,
    tpu.vector_store %arg15[%swap3A_19, %swap3A_20], %broadcast_in_dim3A_2 {strides = array<i32>} : memref<16x64xf32, #tpu.memory_space<vmem>>, vector<16xf32>,
    %swap3A_22 = arith.constant 1 : i32
    %swap3A_23 = arith.index_cast %swap3A_22 : i32 to index
    %swap3A_24 = arith.constant 16 : index
    %swap3A_25 = tpu.vector_load %arg15[%swap3A_23, %swap3A_24] {strides = array<i32>} : memref<16x64xf32, #tpu.memory_space<vmem>>, vector<16xf32>,
    tpu.vector_store %arg15[%swap3A_23, %swap3A_24], %broadcast_in_dim3A_2 {strides = array<i32>} : memref<16x64xf32, #tpu.memory_space<vmem>>, vector<16xf32>,
    %swap3A_26 = arith.constant 1 : i32
    %swap3A_27 = arith.index_cast %swap3A_26 : i32 to index
    %swap3A_28 = arith.constant 32 : index
    %swap3A_29 = tpu.vector_load %arg15[%swap3A_27, %swap3A_28] {strides = array<i32>} : memref<16x64xf32, #tpu.memory_space<vmem>>, vector<16xf32>,
    tpu.vector_store %arg15[%swap3A_27, %swap3A_28], %broadcast_in_dim3A_2 {strides = array<i32>} : memref<16x64xf32, #tpu.memory_space<vmem>>, vector<16xf32>,
    %swap3A_30 = arith.constant 1 : i32
    %swap3A_31 = arith.index_cast %swap3A_30 : i32 to index
    %swap3A_32 = arith.constant 48 : index
    %swap3A_33 = tpu.vector_load %arg15[%swap3A_31, %swap3A_32] {strides = array<i32>} : memref<16x64xf32, #tpu.memory_space<vmem>>, vector<16xf32>,
    tpu.vector_store %arg15[%swap3A_31, %swap3A_32], %broadcast_in_dim3A_2 {strides = array<i32>} : memref<16x64xf32, #tpu.memory_space<vmem>>, vector<16xf32>,
    %swap3A_34 = arith.constant 2 : i32
    %swap3A_35 = arith.index_cast %swap3A_34 : i32 to index
    %swap3A_36 = arith.constant 0 : index
    %swap3A_37 = tpu.vector_load %arg15[%swap3A_35, %swap3A_36] {strides = array<i32>} : memref<16x64xf32, #tpu.memory_space<vmem>>, vector<16xf32>,
    tpu.vector_store %arg15[%swap3A_35, %swap3A_36], %broadcast_in_dim3A_2 {strides = array<i32>} : memref<16x64xf32, #tpu.memory_space<vmem>>, vector<16xf32>,
    %swap3A_38 = arith.constant 2 : i32
    %swap3A_39 = arith.index_cast %swap3A_38 : i32 to index
    %swap3A_40 = arith.constant 16 : index
    %swap3A_41 = tpu.vector_load %arg15[%swap3A_39, %swap3A_40] {strides = array<i32>} : memref<16x64xf32, #tpu.memory_space<vmem>>, vector<16xf32>,
    tpu.vector_store %arg15[%swap3A_39, %swap3A_40], %broadcast_in_dim3A_2 {strides = array<i32>} : memref<16x64xf32, #tpu.memory_space<vmem>>, vector<16xf32>,
    %swap3A_42 = arith.constant 2 : i32
    %swap3A_43 = arith.index_cast %swap3A_42 : i32 to index
    %swap3A_44 = arith.constant 32 : index
    %swap3A_45 = tpu.vector_load %arg15[%swap3A_43, %swap3A_44] {strides = array<i32>} : memref<16x64xf32, #tpu.memory_space<vmem>>, vector<16xf32>,
    tpu.vector_store %arg15[%swap3A_43, %swap3A_44], %broadcast_in_dim3A_2 {strides = array<i32>} : memref<16x64xf32, #tpu.memory_space<vmem>>, vector<16xf32>,
    %swap3A_46 = arith.constant 2 : i32
    %swap3A_47 = arith.index_cast %swap3A_46 : i32 to index
    %swap3A_48 = arith.constant 48 : index
    %swap3A_49 = tpu.vector_load %arg15[%swap3A_47, %swap3A_48] {strides = array<i32>} : memref<16x64xf32, #tpu.memory_space<vmem>>, vector<16xf32>,
    tpu.vector_store %arg15[%swap3A_47, %swap3A_48], %broadcast_in_dim3A_2 {strides = array<i32>} : memref<16x64xf32, #tpu.memory_space<vmem>>, vector<16xf32>,
    %swap3A_50 = arith.constant 3 : i32
    %swap3A_51 = arith.index_cast %swap3A_50 : i32 to index
    %swap3A_52 = arith.constant 0 : index
    %swap3A_53 = tpu.vector_load %arg15[%swap3A_51, %swap3A_52] {strides = array<i32>} : memref<16x64xf32, #tpu.memory_space<vmem>>, vector<16xf32>,
    tpu.vector_store %arg15[%swap3A_51, %swap3A_52], %broadcast_in_dim3A_2 {strides = array<i32>} : memref<16x64xf32, #tpu.memory_space<vmem>>, vector<16xf32>,
    %swap3A_54 = arith.constant 3 : i32
    %swap3A_55 = arith.index_cast %swap3A_54 : i32 to index
    %swap3A_56 = arith.constant 16 : index
    %swap3A_57 = tpu.vector_load %arg15[%swap3A_55, %swap3A_56] {strides = array<i32>} : memref<16x64xf32, #tpu.memory_space<vmem>>, vector<16xf32>,
    tpu.vector_store %arg15[%swap3A_55, %swap3A_56], %broadcast_in_dim3A_2 {strides = array<i32>} : memref<16x64xf32, #tpu.memory_space<vmem>>, vector<16xf32>,
    %swap3A_58 = arith.constant 3 : i32
    %swap3A_59 = arith.index_cast %swap3A_58 : i32 to index
    %swap3A_60 = arith.constant 32 : index
    %swap3A_61 = tpu.vector_load %arg15[%swap3A_59, %swap3A_60] {strides = array<i32>} : memref<16x64xf32, #tpu.memory_space<vmem>>, vector<16xf32>,
    tpu.vector_store %arg15[%swap3A_59, %swap3A_60], %broadcast_in_dim3A_2 {strides = array<i32>} : memref<16x64xf32, #tpu.memory_space<vmem>>, vector<16xf32>,
    %swap3A_62 = arith.constant 3 : i32
    %swap3A_63 = arith.index_cast %swap3A_62 : i32 to index
    %swap3A_64 = arith.constant 48 : index
    %swap3A_65 = tpu.vector_load %arg15[%swap3A_63, %swap3A_64] {strides = array<i32>} : memref<16x64xf32, #tpu.memory_space<vmem>>, vector<16xf32>,
    tpu.vector_store %arg15[%swap3A_63, %swap3A_64], %broadcast_in_dim3A_2 {strides = array<i32>} : memref<16x64xf32, #tpu.memory_space<vmem>>, vector<16xf32>,
    %swap3A_66 = arith.constant 4 : i32
    %swap3A_67 = arith.index_cast %swap3A_66 : i32 to index
    %swap3A_68 = arith.constant 0 : index
    %swap3A_69 = tpu.vector_load %arg15[%swap3A_67, %swap3A_68] {strides = array<i32>} : memref<16x64xf32, #tpu.memory_space<vmem>>, vector<16xf32>,
    tpu.vector_store %arg15[%swap3A_67, %swap3A_68], %broadcast_in_dim3A_2 {strides = array<i32>} : memref<16x64xf32, #tpu.memory_space<vmem>>, vector<16xf32>,
    %swap3A_70 = arith.constant 4 : i32
    %swap3A_71 = arith.index_cast %swap3A_70 : i32 to index
    %swap3A_72 = arith.constant 16 : index
    %swap3A_73 = tpu.vector_load %arg15[%swap3A_71, %swap3A_72] {strides = array<i32>} : memref<16x64xf32, #tpu.memory_space<vmem>>, vector<16xf32>,
    tpu.vector_store %arg15[%swap3A_71, %swap3A_72], %broadcast_in_dim3A_2 {strides = array<i32>} : memref<16x64xf32, #tpu.memory_space<vmem>>, vector<16xf32>,
    %swap3A_74 = arith.constant 4 : i32
    %swap3A_75 = arith.index_cast %swap3A_74 : i32 to index
    %swap3A_76 = arith.constant 32 : index
    %swap3A_77 = tpu.vector_load %arg15[%swap3A_75, %swap3A_76] {strides = array<i32>} : memref<16x64xf32, #tpu.memory_space<vmem>>, vector<16xf32>,
    tpu.vector_store %arg15[%swap3A_75, %swap3A_76], %broadcast_in_dim3A_2 {strides = array<i32>} : memref<16x64xf32, #tpu.memory_space<vmem>>, vector<16xf32>,
    %swap3A_78 = arith.constant 4 : i32
    %swap3A_79 = arith.index_cast %swap3A_78 : i32 to index
    %swap3A_80 = arith.constant 48 : index
    %swap3A_81 = tpu.vector_load %arg15[%swap3A_79, %swap3A_80] {strides = array<i32>} : memref<16x64xf32, #tpu.memory_space<vmem>>, vector<16xf32>,
    tpu.vector_store %arg15[%swap3A_79, %swap3A_80], %broadcast_in_dim3A_2 {strides = array<i32>} : memref<16x64xf32, #tpu.memory_space<vmem>>, vector<16xf32>,
    %swap3A_82 = arith.constant 5 : i32
    %swap3A_83 = arith.index_cast %swap3A_82 : i32 to index
    %swap3A_84 = arith.constant 0 : index
    %swap3A_85 = tpu.vector_load %arg15[%swap3A_83, %swap3A_84] {strides = array<i32>} : memref<16x64xf32, #tpu.memory_space<vmem>>, vector<16xf32>,
    tpu.vector_store %arg15[%swap3A_83, %swap3A_84], %broadcast_in_dim3A_2 {strides = array<i32>} : memref<16x64xf32, #tpu.memory_space<vmem>>, vector<16xf32>,
    %swap3A_86 = arith.constant 5 : i32
    %swap3A_87 = arith.index_cast %swap3A_86 : i32 to index
    %swap3A_88 = arith.constant 16 : index
    %swap3A_89 = tpu.vector_load %arg15[%swap3A_87, %swap3A_88] {strides = array<i32>} : memref<16x64xf32, #tpu.memory_space<vmem>>, vector<16xf32>,
    tpu.vector_store %arg15[%swap3A_87, %swap3A_88], %broadcast_in_dim3A_2 {strides = array<i32>} : memref<16x64xf32, #tpu.memory_space<vmem>>, vector<16xf32>,
    %swap3A_90 = arith.constant 5 : i32
    %swap3A_91 = arith.index_cast %swap3A_90 : i32 to index
    %swap3A_92 = arith.constant 32 : index
    %swap3A_93 = tpu.vector_load %arg15[%swap3A_91, %swap3A_92] {strides = array<i32>} : memref<16x64xf32, #tpu.memory_space<vmem>>, vector<16xf32>,
    tpu.vector_store %arg15[%swap3A_91, %swap3A_92], %broadcast_in_dim3A_2 {strides = array<i32>} : memref<16x64xf32, #tpu.memory_space<vmem>>, vector<16xf32>,
    %swap3A_94 = arith.constant 5 : i32
    %swap3A_95 = arith.index_cast %swap3A_94 : i32 to index
    %swap3A_96 = arith.constant 48 : index
    %swap3A_97 = tpu.vector_load %arg15[%swap3A_95, %swap3A_96] {strides = array<i32>} : memref<16x64xf32, #tpu.memory_space<vmem>>, vector<16xf32>,
    tpu.vector_store %arg15[%swap3A_95, %swap3A_96], %broadcast_in_dim3A_2 {strides = array<i32>} : memref<16x64xf32, #tpu.memory_space<vmem>>, vector<16xf32>,
    %swap3A_98 = arith.constant 6 : i32
    %swap3A_99 = arith.index_cast %swap3A_98 : i32 to index
    %swap3A_100 = arith.constant 0 : index
    %swap3A_101 = tpu.vector_load %arg15[%swap3A_99, %swap3A_100] {strides = array<i32>} : memref<16x64xf32, #tpu.memory_space<vmem>>, vector<16xf32>,
    tpu.vector_store %arg15[%swap3A_99, %swap3A_100], %broadcast_in_dim3A_2 {strides = array<i32>} : memref<16x64xf32, #tpu.memory_space<vmem>>, vector<16xf32>,
    %swap3A_102 = arith.constant 6 : i32
    %swap3A_103 = arith.index_cast %swap3A_102 : i32 to index
    %swap3A_104 = arith.constant 16 : index
    %swap3A_105 = tpu.vector_load %arg15[%swap3A_103, %swap3A_104] {strides = array<i32>} : memref<16x64xf32, #tpu.memory_space<vmem>>, vector<16xf32>,
    tpu.vector_store %arg15[%swap3A_103, %swap3A_104], %broadcast_in_dim3A_2 {strides = array<i32>} : memref<16x64xf32, #tpu.memory_space<vmem>>, vector<16xf32>,
    %swap3A_106 = arith.constant 6 : i32
    %swap3A_107 = arith.index_cast %swap3A_106 : i32 to index
    %swap3A_108 = arith.constant 32 : index
    %swap3A_109 = tpu.vector_load %arg15[%swap3A_107, %swap3A_108] {strides = array<i32>} : memref<16x64xf32, #tpu.memory_space<vmem>>, vector<16xf32>,
    tpu.vector_store %arg15[%swap3A_107, %swap3A_108], %broadcast_in_dim3A_2 {strides = array<i32>} : memref<16x64xf32, #tpu.memory_space<vmem>>, vector<16xf32>,
    %swap3A_110 = arith.constant 6 : i32
    %swap3A_111 = arith.index_cast %swap3A_110 : i32 to index
    %swap3A_112 = arith.constant 48 : index
    %swap3A_113 = tpu.vector_load %arg15[%swap3A_111, %swap3A_112] {strides = array<i32>} : memref<16x64xf32, #tpu.memory_space<vmem>>, vector<16xf32>,
    tpu.vector_store %arg15[%swap3A_111, %swap3A_112], %broadcast_in_dim3A_2 {strides = array<i32>} : memref<16x64xf32, #tpu.memory_space<vmem>>, vector<16xf32>,
    %swap3A_114 = arith.constant 7 : i32
    %swap3A_115 = arith.index_cast %swap3A_114 : i32 to index
    %swap3A_116 = arith.constant 0 : index
    %swap3A_117 = tpu.vector_load %arg15[%swap3A_115, %swap3A_116] {strides = array<i32>} : memref<16x64xf32, #tpu.memory_space<vmem>>, vector<16xf32>,
    tpu.vector_store %arg15[%swap3A_115, %swap3A_116], %broadcast_in_dim3A_2 {strides = array<i32>} : memref<16x64xf32, #tpu.memory_space<vmem>>, vector<16xf32>,
    %swap3A_118 = arith.constant 7 : i32
    %swap3A_119 = arith.index_cast %swap3A_118 : i32 to index
    %swap3A_120 = arith.constant 16 : index
    %swap3A_121 = tpu.vector_load %arg15[%swap3A_119, %swap3A_120] {strides = array<i32>} : memref<16x64xf32, #tpu.memory_space<vmem>>, vector<16xf32>,
    tpu.vector_store %arg15[%swap3A_119, %swap3A_120], %broadcast_in_dim3A_2 {strides = array<i32>} : memref<16x64xf32, #tpu.memory_space<vmem>>, vector<16xf32>,
    %swap3A_122 = arith.constant 7 : i32
    %swap3A_123 = arith.index_cast %swap3A_122 : i32 to index
    %swap3A_124 = arith.constant 32 : index
    %swap3A_125 = tpu.vector_load %arg15[%swap3A_123, %swap3A_124] {strides = array<i32>} : memref<16x64xf32, #tpu.memory_space<vmem>>, vector<16xf32>,
    tpu.vector_store %arg15[%swap3A_123, %swap3A_124], %broadcast_in_dim3A_2 {strides = array<i32>} : memref<16x64xf32, #tpu.memory_space<vmem>>, vector<16xf32>,
    %swap3A_126 = arith.constant 7 : i32
    %swap3A_127 = arith.index_cast %swap3A_126 : i32 to index
    %swap3A_128 = arith.constant 48 : index
    %swap3A_129 = tpu.vector_load %arg15[%swap3A_127, %swap3A_128] {strides = array<i32>} : memref<16x64xf32, #tpu.memory_space<vmem>>, vector<16xf32>,
    tpu.vector_store %arg15[%swap3A_127, %swap3A_128], %broadcast_in_dim3A_2 {strides = array<i32>} : memref<16x64xf32, #tpu.memory_space<vmem>>, vector<16xf32>,
    %swap3A_130 = arith.constant 8 : i32
    %swap3A_131 = arith.index_cast %swap3A_130 : i32 to index
    %swap3A_132 = arith.constant 0 : index
    %swap3A_133 = tpu.vector_load %arg15[%swap3A_131, %swap3A_132] {strides = array<i32>} : memref<16x64xf32, #tpu.memory_space<vmem>>, vector<16xf32>,
    tpu.vector_store %arg15[%swap3A_131, %swap3A_132], %broadcast_in_dim3A_2 {strides = array<i32>} : memref<16x64xf32, #tpu.memory_space<vmem>>, vector<16xf32>,
    %swap3A_134 = arith.constant 8 : i32
    %swap3A_135 = arith.index_cast %swap3A_134 : i32 to index
    %swap3A_136 = arith.constant 16 : index
    %swap3A_137 = tpu.vector_load %arg15[%swap3A_135, %swap3A_136] {strides = array<i32>} : memref<16x64xf32, #tpu.memory_space<vmem>>, vector<16xf32>,
    tpu.vector_store %arg15[%swap3A_135, %swap3A_136], %broadcast_in_dim3A_2 {strides = array<i32>} : memref<16x64xf32, #tpu.memory_space<vmem>>, vector<16xf32>,
    %swap3A_138 = arith.constant 8 : i32
    %swap3A_139 = arith.index_cast %swap3A_138 : i32 to index
    %swap3A_140 = arith.constant 32 : index
    %swap3A_141 = tpu.vector_load %arg15[%swap3A_139, %swap3A_140] {strides = array<i32>} : memref<16x64xf32, #tpu.memory_space<vmem>>, vector<16xf32>,
    tpu.vector_store %arg15[%swap3A_139, %swap3A_140], %broadcast_in_dim3A_2 {strides = array<i32>} : memref<16x64xf32, #tpu.memory_space<vmem>>, vector<16xf32>,
    %swap3A_142 = arith.constant 8 : i32
    %swap3A_143 = arith.index_cast %swap3A_142 : i32 to index
    %swap3A_144 = arith.constant 48 : index
    %swap3A_145 = tpu.vector_load %arg15[%swap3A_143, %swap3A_144] {strides = array<i32>} : memref<16x64xf32, #tpu.memory_space<vmem>>, vector<16xf32>,
    tpu.vector_store %arg15[%swap3A_143, %swap3A_144], %broadcast_in_dim3A_2 {strides = array<i32>} : memref<16x64xf32, #tpu.memory_space<vmem>>, vector<16xf32>,
    %swap3A_146 = arith.constant 9 : i32
    %swap3A_147 = arith.index_cast %swap3A_146 : i32 to index
    %swap3A_148 = arith.constant 0 : index
    %swap3A_149 = tpu.vector_load %arg15[%swap3A_147, %swap3A_148] {strides = array<i32>} : memref<16x64xf32, #tpu.memory_space<vmem>>, vector<16xf32>,
    tpu.vector_store %arg15[%swap3A_147, %swap3A_148], %broadcast_in_dim3A_2 {strides = array<i32>} : memref<16x64xf32, #tpu.memory_space<vmem>>, vector<16xf32>,
    %swap3A_150 = arith.constant 9 : i32
    %swap3A_151 = arith.index_cast %swap3A_150 : i32 to index
    %swap3A_152 = arith.constant 16 : index
    %swap3A_153 = tpu.vector_load %arg15[%swap3A_151, %swap3A_152] {strides = array<i32>} : memref<16x64xf32, #tpu.memory_space<vmem>>, vector<16xf32>,
    tpu.vector_store %arg15[%swap3A_151, %swap3A_152], %broadcast_in_dim3A_2 {strides = array<i32>} : memref<16x64xf32, #tpu.memory_space<vmem>>, vector<16xf32>,
    %swap3A_154 = arith.constant 9 : i32
    %swap3A_155 = arith.index_cast %swap3A_154 : i32 to index
    %swap3A_156 = arith.constant 32 : index
    %swap3A_157 = tpu.vector_load %arg15[%swap3A_155, %swap3A_156] {strides = array<i32>} : memref<16x64xf32, #tpu.memory_space<vmem>>, vector<16xf32>,
    tpu.vector_store %arg15[%swap3A_155, %swap3A_156], %broadcast_in_dim3A_2 {strides = array<i32>} : memref<16x64xf32, #tpu.memory_space<vmem>>, vector<16xf32>,
    %swap3A_158 = arith.constant 9 : i32
    %swap3A_159 = arith.index_cast %swap3A_158 : i32 to index
    %swap3A_160 = arith.constant 48 : index
    %swap3A_161 = tpu.vector_load %arg15[%swap3A_159, %swap3A_160] {strides = array<i32>} : memref<16x64xf32, #tpu.memory_space<vmem>>, vector<16xf32>,
    tpu.vector_store %arg15[%swap3A_159, %swap3A_160], %broadcast_in_dim3A_2 {strides = array<i32>} : memref<16x64xf32, #tpu.memory_space<vmem>>, vector<16xf32>,
    %swap3A_162 = arith.constant 10 : i32
    %swap3A_163 = arith.index_cast %swap3A_162 : i32 to index
    %swap3A_164 = arith.constant 0 : index
    %swap3A_165 = tpu.vector_load %arg15[%swap3A_163, %swap3A_164] {strides = array<i32>} : memref<16x64xf32, #tpu.memory_space<vmem>>, vector<16xf32>,
    tpu.vector_store %arg15[%swap3A_163, %swap3A_164], %broadcast_in_dim3A_2 {strides = array<i32>} : memref<16x64xf32, #tpu.memory_space<vmem>>, vector<16xf32>,
    %swap3A_166 = arith.constant 10 : i32
    %swap3A_167 = arith.index_cast %swap3A_166 : i32 to index
    %swap3A_168 = arith.constant 16 : index
    %swap3A_169 = tpu.vector_load %arg15[%swap3A_167, %swap3A_168] {strides = array<i32>} : memref<16x64xf32, #tpu.memory_space<vmem>>, vector<16xf32>,
    tpu.vector_store %arg15[%swap3A_167, %swap3A_168], %broadcast_in_dim3A_2 {strides = array<i32>} : memref<16x64xf32, #tpu.memory_space<vmem>>, vector<16xf32>,
    %swap3A_170 = arith.constant 10 : i32
    %swap3A_171 = arith.index_cast %swap3A_170 : i32 to index
    %swap3A_172 = arith.constant 32 : index
    %swap3A_173 = tpu.vector_load %arg15[%swap3A_171, %swap3A_172] {strides = array<i32>} : memref<16x64xf32, #tpu.memory_space<vmem>>, vector<16xf32>,
    tpu.vector_store %arg15[%swap3A_171, %swap3A_172], %broadcast_in_dim3A_2 {strides = array<i32>} : memref<16x64xf32, #tpu.memory_space<vmem>>, vector<16xf32>,
    %swap3A_174 = arith.constant 10 : i32
    %swap3A_175 = arith.index_cast %swap3A_174 : i32 to index
    %swap3A_176 = arith.constant 48 : index
    %swap3A_177 = tpu.vector_load %arg15[%swap3A_175, %swap3A_176] {strides = array<i32>} : memref<16x64xf32, #tpu.memory_space<vmem>>, vector<16xf32>,
    tpu.vector_store %arg15[%swap3A_175, %swap3A_176], %broadcast_in_dim3A_2 {strides = array<i32>} : memref<16x64xf32, #tpu.memory_space<vmem>>, vector<16xf32>,
    %swap3A_178 = arith.constant 11 : i32
    %swap3A_179 = arith.index_cast %swap3A_178 : i32 to index
    %swap3A_180 = arith.constant 0 : index
    %swap3A_181 = tpu.vector_load %arg15[%swap3A_179, %swap3A_180] {strides = array<i32>} : memref<16x64xf32, #tpu.memory_space<vmem>>, vector<16xf32>,
    tpu.vector_store %arg15[%swap3A_179, %swap3A_180], %broadcast_in_dim3A_2 {strides = array<i32>} : memref<16x64xf32, #tpu.memory_space<vmem>>, vector<16xf32>,
    %swap3A_182 = arith.constant 11 : i32
    %swap3A_183 = arith.index_cast %swap3A_182 : i32 to index
    %swap3A_184 = arith.constant 16 : index
    %swap3A_185 = tpu.vector_load %arg15[%swap3A_183, %swap3A_184] {strides = array<i32>} : memref<16x64xf32, #tpu.memory_space<vmem>>, vector<16xf32>,
    tpu.vector_store %arg15[%swap3A_183, %swap3A_184], %broadcast_in_dim3A_2 {strides = array<i32>} : memref<16x64xf32, #tpu.memory_space<vmem>>, vector<16xf32>,
    %swap3A_186 = arith.constant 11 : i32
    %swap3A_187 = arith.index_cast %swap3A_186 : i32 to index
    %swap3A_188 = arith.constant 32 : index
    %swap3A_189 = tpu.vector_load %arg15[%swap3A_187, %swap3A_188] {strides = array<i32>} : memref<16x64xf32, #tpu.memory_space<vmem>>, vector<16xf32>,
    tpu.vector_store %arg15[%swap3A_187, %swap3A_188], %broadcast_in_dim3A_2 {strides = array<i32>} : memref<16x64xf32, #tpu.memory_space<vmem>>, vector<16xf32>,
    %swap3A_190 = arith.constant 11 : i32
    %swap3A_191 = arith.index_cast %swap3A_190 : i32 to index
    %swap3A_192 = arith.constant 48 : index
    %swap3A_193 = tpu.vector_load %arg15[%swap3A_191, %swap3A_192] {strides = array<i32>} : memref<16x64xf32, #tpu.memory_space<vmem>>, vector<16xf32>,
    tpu.vector_store %arg15[%swap3A_191, %swap3A_192], %broadcast_in_dim3A_2 {strides = array<i32>} : memref<16x64xf32, #tpu.memory_space<vmem>>, vector<16xf32>,
    %swap3A_194 = arith.constant 12 : i32
    %swap3A_195 = arith.index_cast %swap3A_194 : i32 to index
    %swap3A_196 = arith.constant 0 : index
    %swap3A_197 = tpu.vector_load %arg15[%swap3A_195, %swap3A_196] {strides = array<i32>} : memref<16x64xf32, #tpu.memory_space<vmem>>, vector<16xf32>,
    tpu.vector_store %arg15[%swap3A_195, %swap3A_196], %broadcast_in_dim3A_2 {strides = array<i32>} : memref<16x64xf32, #tpu.memory_space<vmem>>, vector<16xf32>,
    %swap3A_198 = arith.constant 12 : i32
    %swap3A_199 = arith.index_cast %swap3A_198 : i32 to index
    %swap3A_200 = arith.constant 16 : index
    %swap3A_201 = tpu.vector_load %arg15[%swap3A_199, %swap3A_200] {strides = array<i32>} : memref<16x64xf32, #tpu.memory_space<vmem>>, vector<16xf32>,
    tpu.vector_store %arg15[%swap3A_199, %swap3A_200], %broadcast_in_dim3A_2 {strides = array<i32>} : memref<16x64xf32, #tpu.memory_space<vmem>>, vector<16xf32>,
    %swap3A_202 = arith.constant 12 : i32
    %swap3A_203 = arith.index_cast %swap3A_202 : i32 to index
    %swap3A_204 = arith.constant 32 : index
    %swap3A_205 = tpu.vector_load %arg15[%swap3A_203, %swap3A_204] {strides = array<i32>} : memref<16x64xf32, #tpu.memory_space<vmem>>, vector<16xf32>,
    tpu.vector_store %arg15[%swap3A_203, %swap3A_204], %broadcast_in_dim3A_2 {strides = array<i32>} : memref<16x64xf32, #tpu.memory_space<vmem>>, vector<16xf32>,
    %swap3A_206 = arith.constant 12 : i32
    %swap3A_207 = arith.index_cast %swap3A_206 : i32 to index
    %swap3A_208 = arith.constant 48 : index
    %swap3A_209 = tpu.vector_load %arg15[%swap3A_207, %swap3A_208] {strides = array<i32>} : memref<16x64xf32, #tpu.memory_space<vmem>>, vector<16xf32>,
    tpu.vector_store %arg15[%swap3A_207, %swap3A_208], %broadcast_in_dim3A_2 {strides = array<i32>} : memref<16x64xf32, #tpu.memory_space<vmem>>, vector<16xf32>,
    %swap3A_210 = arith.constant 13 : i32
    %swap3A_211 = arith.index_cast %swap3A_210 : i32 to index
    %swap3A_212 = arith.constant 0 : index
    %swap3A_213 = tpu.vector_load %arg15[%swap3A_211, %swap3A_212] {strides = array<i32>} : memref<16x64xf32, #tpu.memory_space<vmem>>, vector<16xf32>,
    tpu.vector_store %arg15[%swap3A_211, %swap3A_212], %broadcast_in_dim3A_2 {strides = array<i32>} : memref<16x64xf32, #tpu.memory_space<vmem>>, vector<16xf32>,
    %swap3A_214 = arith.constant 13 : i32
    %swap3A_215 = arith.index_cast %swap3A_214 : i32 to index
    %swap3A_216 = arith.constant 16 : index
    %swap3A_217 = tpu.vector_load %arg15[%swap3A_215, %swap3A_216] {strides = array<i32>} : memref<16x64xf32, #tpu.memory_space<vmem>>, vector<16xf32>,
    tpu.vector_store %arg15[%swap3A_215, %swap3A_216], %broadcast_in_dim3A_2 {strides = array<i32>} : memref<16x64xf32, #tpu.memory_space<vmem>>, vector<16xf32>,
    %swap3A_218 = arith.constant 13 : i32
    %swap3A_219 = arith.index_cast %swap3A_218 : i32 to index
    %swap3A_220 = arith.constant 32 : index
    %swap3A_221 = tpu.vector_load %arg15[%swap3A_219, %swap3A_220] {strides = array<i32>} : memref<16x64xf32, #tpu.memory_space<vmem>>, vector<16xf32>,
    tpu.vector_store %arg15[%swap3A_219, %swap3A_220], %broadcast_in_dim3A_2 {strides = array<i32>} : memref<16x64xf32, #tpu.memory_space<vmem>>, vector<16xf32>,
    %swap3A_222 = arith.constant 13 : i32
    %swap3A_223 = arith.index_cast %swap3A_222 : i32 to index
    %swap3A_224 = arith.constant 48 : index
    %swap3A_225 = tpu.vector_load %arg15[%swap3A_223, %swap3A_224] {strides = array<i32>} : memref<16x64xf32, #tpu.memory_space<vmem>>, vector<16xf32>,
    tpu.vector_store %arg15[%swap3A_223, %swap3A_224], %broadcast_in_dim3A_2 {strides = array<i32>} : memref<16x64xf32, #tpu.memory_space<vmem>>, vector<16xf32>,
    %swap3A_226 = arith.constant 14 : i32
    %swap3A_227 = arith.index_cast %swap3A_226 : i32 to index
    %swap3A_228 = arith.constant 0 : index
    %swap3A_229 = tpu.vector_load %arg15[%swap3A_227, %swap3A_228] {strides = array<i32>} : memref<16x64xf32, #tpu.memory_space<vmem>>, vector<16xf32>,
    tpu.vector_store %arg15[%swap3A_227, %swap3A_228], %broadcast_in_dim3A_2 {strides = array<i32>} : memref<16x64xf32, #tpu.memory_space<vmem>>, vector<16xf32>,
    %swap3A_230 = arith.constant 14 : i32
    %swap3A_231 = arith.index_cast %swap3A_230 : i32 to index
    %swap3A_232 = arith.constant 16 : index
    %swap3A_233 = tpu.vector_load %arg15[%swap3A_231, %swap3A_232] {strides = array<i32>} : memref<16x64xf32, #tpu.memory_space<vmem>>, vector<16xf32>,
    tpu.vector_store %arg15[%swap3A_231, %swap3A_232], %broadcast_in_dim3A_2 {strides = array<i32>} : memref<16x64xf32, #tpu.memory_space<vmem>>, vector<16xf32>,
    %swap3A_234 = arith.constant 14 : i32
    %swap3A_235 = arith.index_cast %swap3A_234 : i32 to index
    %swap3A_236 = arith.constant 32 : index
    %swap3A_237 = tpu.vector_load %arg15[%swap3A_235, %swap3A_236] {strides = array<i32>} : memref<16x64xf32, #tpu.memory_space<vmem>>, vector<16xf32>,
    tpu.vector_store %arg15[%swap3A_235, %swap3A_236], %broadcast_in_dim3A_2 {strides = array<i32>} : memref<16x64xf32, #tpu.memory_space<vmem>>, vector<16xf32>,
    %swap3A_238 = arith.constant 14 : i32
    %swap3A_239 = arith.index_cast %swap3A_238 : i32 to index
    %swap3A_240 = arith.constant 48 : index
    %swap3A_241 = tpu.vector_load %arg15[%swap3A_239, %swap3A_240] {strides = array<i32>} : memref<16x64xf32, #tpu.memory_space<vmem>>, vector<16xf32>,
    tpu.vector_store %arg15[%swap3A_239, %swap3A_240], %broadcast_in_dim3A_2 {strides = array<i32>} : memref<16x64xf32, #tpu.memory_space<vmem>>, vector<16xf32>,
    %swap3A_242 = arith.constant 15 : i32
    %swap3A_243 = arith.index_cast %swap3A_242 : i32 to index
    %swap3A_244 = arith.constant 0 : index
    %swap3A_245 = tpu.vector_load %arg15[%swap3A_243, %swap3A_244] {strides = array<i32>} : memref<16x64xf32, #tpu.memory_space<vmem>>, vector<16xf32>,
    tpu.vector_store %arg15[%swap3A_243, %swap3A_244], %broadcast_in_dim3A_2 {strides = array<i32>} : memref<16x64xf32, #tpu.memory_space<vmem>>, vector<16xf32>,
    %swap3A_246 = arith.constant 15 : i32
    %swap3A_247 = arith.index_cast %swap3A_246 : i32 to index
    %swap3A_248 = arith.constant 16 : index
    %swap3A_249 = tpu.vector_load %arg15[%swap3A_247, %swap3A_248] {strides = array<i32>} : memref<16x64xf32, #tpu.memory_space<vmem>>, vector<16xf32>,
    tpu.vector_store %arg15[%swap3A_247, %swap3A_248], %broadcast_in_dim3A_2 {strides = array<i32>} : memref<16x64xf32, #tpu.memory_space<vmem>>, vector<16xf32>,
    %swap3A_250 = arith.constant 15 : i32
    %swap3A_251 = arith.index_cast %swap3A_250 : i32 to index
    %swap3A_252 = arith.constant 32 : index
    %swap3A_253 = tpu.vector_load %arg15[%swap3A_251, %swap3A_252] {strides = array<i32>} : memref<16x64xf32, #tpu.memory_space<vmem>>, vector<16xf32>,
    tpu.vector_store %arg15[%swap3A_251, %swap3A_252], %broadcast_in_dim3A_2 {strides = array<i32>} : memref<16x64xf32, #tpu.memory_space<vmem>>, vector<16xf32>,
    %swap3A_254 = arith.constant 15 : i32
    %swap3A_255 = arith.index_cast %swap3A_254 : i32 to index
    %swap3A_256 = arith.constant 48 : index
    %swap3A_257 = tpu.vector_load %arg15[%swap3A_255, %swap3A_256] {strides = array<i32>} : memref<16x64xf32, #tpu.memory_space<vmem>>, vector<16xf32>,
    tpu.vector_store %arg15[%swap3A_255, %swap3A_256], %broadcast_in_dim3A_2 {strides = array<i32>} : memref<16x64xf32, #tpu.memory_space<vmem>>, vector<16xf32>,
    %swap3A_258 = arith.constant 0 : index
    %swap3A_259 = tpu.vector_load %arg16[%swap3A_258] {strides = array<i32>} : memref<128xf32, #tpu.memory_space<vmem>>, vector<16xf32>,
    tpu.vector_store %arg16[%swap3A_258], %broadcast_in_dim3A_2 {strides = array<i32>} : memref<128xf32, #tpu.memory_space<vmem>>, vector<16xf32>,
    %swap3A_260 = arith.constant 16 : index
    %swap3A_261 = tpu.vector_load %arg16[%swap3A_260] {strides = array<i32>} : memref<128xf32, #tpu.memory_space<vmem>>, vector<16xf32>,
    tpu.vector_store %arg16[%swap3A_260], %broadcast_in_dim3A_2 {strides = array<i32>} : memref<128xf32, #tpu.memory_space<vmem>>, vector<16xf32>,
    %swap3A_262 = arith.constant 32 : index
    %swap3A_263 = tpu.vector_load %arg16[%swap3A_262] {strides = array<i32>} : memref<128xf32, #tpu.memory_space<vmem>>, vector<16xf32>,
    tpu.vector_store %arg16[%swap3A_262], %broadcast_in_dim3A_2 {strides = array<i32>} : memref<128xf32, #tpu.memory_space<vmem>>, vector<16xf32>,
    %swap3A_264 = arith.constant 48 : index
    %swap3A_265 = tpu.vector_load %arg16[%swap3A_264] {strides = array<i32>} : memref<128xf32, #tpu.memory_space<vmem>>, vector<16xf32>,
    tpu.vector_store %arg16[%swap3A_264], %broadcast_in_dim3A_2 {strides = array<i32>} : memref<128xf32, #tpu.memory_space<vmem>>, vector<16xf32>,
    %swap3A_266 = arith.constant 64 : index
    %swap3A_267 = tpu.vector_load %arg16[%swap3A_266] {strides = array<i32>} : memref<128xf32, #tpu.memory_space<vmem>>, vector<16xf32>,
    tpu.vector_store %arg16[%swap3A_266], %broadcast_in_dim3A_2 {strides = array<i32>} : memref<128xf32, #tpu.memory_space<vmem>>, vector<16xf32>,
    %swap3A_268 = arith.constant 80 : index
    %swap3A_269 = tpu.vector_load %arg16[%swap3A_268] {strides = array<i32>} : memref<128xf32, #tpu.memory_space<vmem>>, vector<16xf32>,
    tpu.vector_store %arg16[%swap3A_268], %broadcast_in_dim3A_2 {strides = array<i32>} : memref<128xf32, #tpu.memory_space<vmem>>, vector<16xf32>,
    %swap3A_270 = arith.constant 96 : index
    %swap3A_271 = tpu.vector_load %arg16[%swap3A_270] {strides = array<i32>} : memref<128xf32, #tpu.memory_space<vmem>>, vector<16xf32>,
    tpu.vector_store %arg16[%swap3A_270], %broadcast_in_dim3A_2 {strides = array<i32>} : memref<128xf32, #tpu.memory_space<vmem>>, vector<16xf32>,
    %swap3A_272 = arith.constant 112 : index
    %swap3A_273 = tpu.vector_load %arg16[%swap3A_272] {strides = array<i32>} : memref<128xf32, #tpu.memory_space<vmem>>, vector<16xf32>,
    tpu.vector_store %arg16[%swap3A_272], %broadcast_in_dim3A_2 {strides = array<i32>} : memref<128xf32, #tpu.memory_space<vmem>>, vector<16xf32>,
    %mul3A_274 = arith.constant 640 : i32
    %mul3A_275 = arith.muli %arg1, %mul3A_274 : i32
    %scan3A = arith.constant 0 : i32
    %scan3A_276 = arith.constant 0 : i32
    %scan3A_277 = arith.constant 40 : i32
    %scan3A_278 = arith.addi %scan3A_276, %scan3A_277 : i32
    %scan3A_279 = arith.constant 1 : i32
    scf.for %scan3A_298 = %scan3A_276 to %scan3A_278 step %scan3A_279  : i32 {
      %mul3A_299 = arith.constant 16 : i32
      %mul3A_300 = arith.muli %scan3A_298, %mul3A_299 : i32
      %add3A_301 = arith.addi %mul3A_275, %mul3A_300 : i32
      "tpu.region"() ({
        %run_scoped3A_302 = tpu.sem_alloc : memref<!tpu.dma_semaphore, #tpu.memory_space<semaphore_mem>>
        %dma_start3A = arith.constant 0 : i32
        %dma_start3A_303 = tpu.memref_slice %arg17[%add3A_301, %dma_start3A] : memref<10240x64xf32, #tpu.memory_space<vmem_shared>> -> memref<16x64xf32, #tpu.memory_space<vmem_shared>>
        %dma_start3A_304 = arith.constant 0 : i32
        %dma_start3A_305 = tpu.memref_slice %arg17[%add3A_301, %dma_start3A_304] : memref<10240x64xf32, #tpu.memory_space<vmem_shared>> -> memref<16x64xf32, #tpu.memory_space<vmem_shared>>
        tpu.enqueue_dma source(%arg15 : memref<16x64xf32, #tpu.memory_space<vmem>>) target(%dma_start3A_305 : memref<16x64xf32, #tpu.memory_space<vmem_shared>>) target_semaphore(%run_scoped3A_302 : memref<!tpu.dma_semaphore, #tpu.memory_space<semaphore_mem>>)
        %dma_wait3A = arith.constant 0 : i32
        %dma_wait3A_306 = tpu.memref_slice %arg17[%add3A_301, %dma_wait3A] : memref<10240x64xf32, #tpu.memory_space<vmem_shared>> -> memref<16x64xf32, #tpu.memory_space<vmem_shared>>
        %dma_wait3A_307 = arith.constant 0 : i32
        %dma_wait3A_308 = tpu.memref_slice %arg17[%add3A_301, %dma_wait3A_307] : memref<10240x64xf32, #tpu.memory_space<vmem_shared>> -> memref<16x64xf32, #tpu.memory_space<vmem_shared>>
        tpu.wait_dma2 semaphore(%run_scoped3A_302 : memref<!tpu.dma_semaphore, #tpu.memory_space<semaphore_mem>>) src(%arg15 : memref<16x64xf32, #tpu.memory_space<vmem>>) dst(%dma_wait3A_308 : memref<16x64xf32, #tpu.memory_space<vmem_shared>>)
        tpu.yield
      }) : () -> ()
    }
    %scan3A_280 = arith.constant 40 : i32
    %add3A_281 = arith.constant 0 : i32
    %add3A_282 = arith.addi %mul3A_275, %add3A_281 : i32
    "tpu.region"() ({
      %run_scoped3A_298 = tpu.sem_alloc : memref<!tpu.dma_semaphore, #tpu.memory_space<semaphore_mem>>
      %dma_start3A = tpu.memref_slice %arg18[%add3A_282] : memref<10240xf32, #tpu.memory_space<vmem_shared>> -> memref<128xf32, #tpu.memory_space<vmem_shared>>
      %dma_start3A_299 = tpu.memref_slice %arg18[%add3A_282] : memref<10240xf32, #tpu.memory_space<vmem_shared>> -> memref<128xf32, #tpu.memory_space<vmem_shared>>
      tpu.enqueue_dma source(%arg16 : memref<128xf32, #tpu.memory_space<vmem>>) target(%dma_start3A_299 : memref<128xf32, #tpu.memory_space<vmem_shared>>) target_semaphore(%run_scoped3A_298 : memref<!tpu.dma_semaphore, #tpu.memory_space<semaphore_mem>>)
      %dma_wait3A = tpu.memref_slice %arg18[%add3A_282] : memref<10240xf32, #tpu.memory_space<vmem_shared>> -> memref<128xf32, #tpu.memory_space<vmem_shared>>
      %dma_wait3A_300 = tpu.memref_slice %arg18[%add3A_282] : memref<10240xf32, #tpu.memory_space<vmem_shared>> -> memref<128xf32, #tpu.memory_space<vmem_shared>>
      tpu.wait_dma2 semaphore(%run_scoped3A_298 : memref<!tpu.dma_semaphore, #tpu.memory_space<semaphore_mem>>) src(%arg16 : memref<128xf32, #tpu.memory_space<vmem>>) dst(%dma_wait3A_300 : memref<128xf32, #tpu.memory_space<vmem_shared>>)
      tpu.yield
    }) : () -> ()
    %add3A_283 = arith.constant 128 : i32
    %add3A_284 = arith.addi %mul3A_275, %add3A_283 : i32
    "tpu.region"() ({
      %run_scoped3A_298 = tpu.sem_alloc : memref<!tpu.dma_semaphore, #tpu.memory_space<semaphore_mem>>
      %dma_start3A = tpu.memref_slice %arg18[%add3A_284] : memref<10240xf32, #tpu.memory_space<vmem_shared>> -> memref<128xf32, #tpu.memory_space<vmem_shared>>
      %dma_start3A_299 = tpu.memref_slice %arg18[%add3A_284] : memref<10240xf32, #tpu.memory_space<vmem_shared>> -> memref<128xf32, #tpu.memory_space<vmem_shared>>
      tpu.enqueue_dma source(%arg16 : memref<128xf32, #tpu.memory_space<vmem>>) target(%dma_start3A_299 : memref<128xf32, #tpu.memory_space<vmem_shared>>) target_semaphore(%run_scoped3A_298 : memref<!tpu.dma_semaphore, #tpu.memory_space<semaphore_mem>>)
      %dma_wait3A = tpu.memref_slice %arg18[%add3A_284] : memref<10240xf32, #tpu.memory_space<vmem_shared>> -> memref<128xf32, #tpu.memory_space<vmem_shared>>
      %dma_wait3A_300 = tpu.memref_slice %arg18[%add3A_284] : memref<10240xf32, #tpu.memory_space<vmem_shared>> -> memref<128xf32, #tpu.memory_space<vmem_shared>>
      tpu.wait_dma2 semaphore(%run_scoped3A_298 : memref<!tpu.dma_semaphore, #tpu.memory_space<semaphore_mem>>) src(%arg16 : memref<128xf32, #tpu.memory_space<vmem>>) dst(%dma_wait3A_300 : memref<128xf32, #tpu.memory_space<vmem_shared>>)
      tpu.yield
    }) : () -> ()
    %add3A_285 = arith.constant 256 : i32
    %add3A_286 = arith.addi %mul3A_275, %add3A_285 : i32
    "tpu.region"() ({
      %run_scoped3A_298 = tpu.sem_alloc : memref<!tpu.dma_semaphore, #tpu.memory_space<semaphore_mem>>
      %dma_start3A = tpu.memref_slice %arg18[%add3A_286] : memref<10240xf32, #tpu.memory_space<vmem_shared>> -> memref<128xf32, #tpu.memory_space<vmem_shared>>
      %dma_start3A_299 = tpu.memref_slice %arg18[%add3A_286] : memref<10240xf32, #tpu.memory_space<vmem_shared>> -> memref<128xf32, #tpu.memory_space<vmem_shared>>
      tpu.enqueue_dma source(%arg16 : memref<128xf32, #tpu.memory_space<vmem>>) target(%dma_start3A_299 : memref<128xf32, #tpu.memory_space<vmem_shared>>) target_semaphore(%run_scoped3A_298 : memref<!tpu.dma_semaphore, #tpu.memory_space<semaphore_mem>>)
      %dma_wait3A = tpu.memref_slice %arg18[%add3A_286] : memref<10240xf32, #tpu.memory_space<vmem_shared>> -> memref<128xf32, #tpu.memory_space<vmem_shared>>
      %dma_wait3A_300 = tpu.memref_slice %arg18[%add3A_286] : memref<10240xf32, #tpu.memory_space<vmem_shared>> -> memref<128xf32, #tpu.memory_space<vmem_shared>>
      tpu.wait_dma2 semaphore(%run_scoped3A_298 : memref<!tpu.dma_semaphore, #tpu.memory_space<semaphore_mem>>) src(%arg16 : memref<128xf32, #tpu.memory_space<vmem>>) dst(%dma_wait3A_300 : memref<128xf32, #tpu.memory_space<vmem_shared>>)
      tpu.yield
    }) : () -> ()
    %add3A_287 = arith.constant 384 : i32
    %add3A_288 = arith.addi %mul3A_275, %add3A_287 : i32
    "tpu.region"() ({
      %run_scoped3A_298 = tpu.sem_alloc : memref<!tpu.dma_semaphore, #tpu.memory_space<semaphore_mem>>
      %dma_start3A = tpu.memref_slice %arg18[%add3A_288] : memref<10240xf32, #tpu.memory_space<vmem_shared>> -> memref<128xf32, #tpu.memory_space<vmem_shared>>
      %dma_start3A_299 = tpu.memref_slice %arg18[%add3A_288] : memref<10240xf32, #tpu.memory_space<vmem_shared>> -> memref<128xf32, #tpu.memory_space<vmem_shared>>
      tpu.enqueue_dma source(%arg16 : memref<128xf32, #tpu.memory_space<vmem>>) target(%dma_start3A_299 : memref<128xf32, #tpu.memory_space<vmem_shared>>) target_semaphore(%run_scoped3A_298 : memref<!tpu.dma_semaphore, #tpu.memory_space<semaphore_mem>>)
      %dma_wait3A = tpu.memref_slice %arg18[%add3A_288] : memref<10240xf32, #tpu.memory_space<vmem_shared>> -> memref<128xf32, #tpu.memory_space<vmem_shared>>
      %dma_wait3A_300 = tpu.memref_slice %arg18[%add3A_288] : memref<10240xf32, #tpu.memory_space<vmem_shared>> -> memref<128xf32, #tpu.memory_space<vmem_shared>>
      tpu.wait_dma2 semaphore(%run_scoped3A_298 : memref<!tpu.dma_semaphore, #tpu.memory_space<semaphore_mem>>) src(%arg16 : memref<128xf32, #tpu.memory_space<vmem>>) dst(%dma_wait3A_300 : memref<128xf32, #tpu.memory_space<vmem_shared>>)
      tpu.yield
    }) : () -> ()
    %add3A_289 = arith.constant 512 : i32
    %add3A_290 = arith.addi %mul3A_275, %add3A_289 : i32
    "tpu.region"() ({
      %run_scoped3A_298 = tpu.sem_alloc : memref<!tpu.dma_semaphore, #tpu.memory_space<semaphore_mem>>
      %dma_start3A = tpu.memref_slice %arg18[%add3A_290] : memref<10240xf32, #tpu.memory_space<vmem_shared>> -> memref<128xf32, #tpu.memory_space<vmem_shared>>
      %dma_start3A_299 = tpu.memref_slice %arg18[%add3A_290] : memref<10240xf32, #tpu.memory_space<vmem_shared>> -> memref<128xf32, #tpu.memory_space<vmem_shared>>
      tpu.enqueue_dma source(%arg16 : memref<128xf32, #tpu.memory_space<vmem>>) target(%dma_start3A_299 : memref<128xf32, #tpu.memory_space<vmem_shared>>) target_semaphore(%run_scoped3A_298 : memref<!tpu.dma_semaphore, #tpu.memory_space<semaphore_mem>>)
      %dma_wait3A = tpu.memref_slice %arg18[%add3A_290] : memref<10240xf32, #tpu.memory_space<vmem_shared>> -> memref<128xf32, #tpu.memory_space<vmem_shared>>
      %dma_wait3A_300 = tpu.memref_slice %arg18[%add3A_290] : memref<10240xf32, #tpu.memory_space<vmem_shared>> -> memref<128xf32, #tpu.memory_space<vmem_shared>>
      tpu.wait_dma2 semaphore(%run_scoped3A_298 : memref<!tpu.dma_semaphore, #tpu.memory_space<semaphore_mem>>) src(%arg16 : memref<128xf32, #tpu.memory_space<vmem>>) dst(%dma_wait3A_300 : memref<128xf32, #tpu.memory_space<vmem_shared>>)
      tpu.yield
    }) : () -> ()
    %barrier3A = arith.constant 0 : index
    tpu.barrier barrier_id(%barrier3A)
    %iota3A = tpu.iota {dimensions = array<i32: 0>} : vector<16xi32>
    %scan3A_291 = arith.constant 0 : i32
    %scan3A_292 = arith.constant 0 : i32
    %scan3A_293 = arith.constant 81 : i32
    %scan3A_294 = arith.addi %scan3A_292, %scan3A_293 : i32
    %scan3A_295 = arith.constant 1 : i32
    scf.for %scan3A_298 = %scan3A_292 to %scan3A_294 step %scan3A_295  : i32 {
      %mul3A_299 = arith.constant 81 : i32
      %mul3A_300 = arith.muli %add3A, %mul3A_299 : i32
      %add3A_301 = arith.addi %mul3A_300, %scan3A_298 : i32
      "tpu.region"() ({
        %run_scoped3A_523 = tpu.sem_alloc : memref<!tpu.dma_semaphore, #tpu.memory_space<semaphore_mem>>
        %dma_start3A_524 = arith.constant 0 : i32
        %dma_start3A_525 = tpu.memref_slice %arg2[%add3A_301, %dma_start3A_524] : memref<2592x128xi32, #tpu.memory_space<hbm>> -> memref<1x128xi32, #tpu.memory_space<hbm>>
        %dma_start3A_526 = tpu.memref_squeeze %dma_start3A_525 : memref<1x128xi32, #tpu.memory_space<hbm>> -> memref<128xi32, #tpu.memory_space<hbm>>
        %dma_start3A_527 = arith.constant 0 : i32
        %dma_start3A_528 = tpu.memref_slice %arg2[%add3A_301, %dma_start3A_527] : memref<2592x128xi32, #tpu.memory_space<hbm>> -> memref<1x128xi32, #tpu.memory_space<hbm>>
        %dma_start3A_529 = tpu.memref_squeeze %dma_start3A_528 : memref<1x128xi32, #tpu.memory_space<hbm>> -> memref<128xi32, #tpu.memory_space<hbm>>
        tpu.enqueue_dma source(%dma_start3A_529 : memref<128xi32, #tpu.memory_space<hbm>>) target(%arg10 : memref<128xi32, #tpu.memory_space<vmem>>) target_semaphore(%run_scoped3A_523 : memref<!tpu.dma_semaphore, #tpu.memory_space<semaphore_mem>>)
        %dma_wait3A_530 = arith.constant 0 : i32
        %dma_wait3A_531 = tpu.memref_slice %arg2[%add3A_301, %dma_wait3A_530] : memref<2592x128xi32, #tpu.memory_space<hbm>> -> memref<1x128xi32, #tpu.memory_space<hbm>>
        %dma_wait3A_532 = tpu.memref_squeeze %dma_wait3A_531 : memref<1x128xi32, #tpu.memory_space<hbm>> -> memref<128xi32, #tpu.memory_space<hbm>>
        %dma_wait3A_533 = arith.constant 0 : i32
        %dma_wait3A_534 = tpu.memref_slice %arg2[%add3A_301, %dma_wait3A_533] : memref<2592x128xi32, #tpu.memory_space<hbm>> -> memref<1x128xi32, #tpu.memory_space<hbm>>
        %dma_wait3A_535 = tpu.memref_squeeze %dma_wait3A_534 : memref<1x128xi32, #tpu.memory_space<hbm>> -> memref<128xi32, #tpu.memory_space<hbm>>
        tpu.wait_dma2 semaphore(%run_scoped3A_523 : memref<!tpu.dma_semaphore, #tpu.memory_space<semaphore_mem>>) src(%dma_wait3A_535 : memref<128xi32, #tpu.memory_space<hbm>>) dst(%arg10 : memref<128xi32, #tpu.memory_space<vmem>>)
        tpu.yield
      }) : () -> ()
      "tpu.region"() ({
        %run_scoped3A_523 = tpu.sem_alloc : memref<!tpu.dma_semaphore, #tpu.memory_space<semaphore_mem>>
        %dma_start3A_524 = arith.constant 0 : i32
        %dma_start3A_525 = tpu.memref_slice %arg3[%add3A_301, %dma_start3A_524] : memref<2592x128xi32, #tpu.memory_space<hbm>> -> memref<1x128xi32, #tpu.memory_space<hbm>>
        %dma_start3A_526 = tpu.memref_squeeze %dma_start3A_525 : memref<1x128xi32, #tpu.memory_space<hbm>> -> memref<128xi32, #tpu.memory_space<hbm>>
        %dma_start3A_527 = arith.constant 0 : i32
        %dma_start3A_528 = tpu.memref_slice %arg3[%add3A_301, %dma_start3A_527] : memref<2592x128xi32, #tpu.memory_space<hbm>> -> memref<1x128xi32, #tpu.memory_space<hbm>>
        %dma_start3A_529 = tpu.memref_squeeze %dma_start3A_528 : memref<1x128xi32, #tpu.memory_space<hbm>> -> memref<128xi32, #tpu.memory_space<hbm>>
        tpu.enqueue_dma source(%dma_start3A_529 : memref<128xi32, #tpu.memory_space<hbm>>) target(%arg11 : memref<128xi32, #tpu.memory_space<vmem>>) target_semaphore(%run_scoped3A_523 : memref<!tpu.dma_semaphore, #tpu.memory_space<semaphore_mem>>)
        %dma_wait3A_530 = arith.constant 0 : i32
        %dma_wait3A_531 = tpu.memref_slice %arg3[%add3A_301, %dma_wait3A_530] : memref<2592x128xi32, #tpu.memory_space<hbm>> -> memref<1x128xi32, #tpu.memory_space<hbm>>
        %dma_wait3A_532 = tpu.memref_squeeze %dma_wait3A_531 : memref<1x128xi32, #tpu.memory_space<hbm>> -> memref<128xi32, #tpu.memory_space<hbm>>
        %dma_wait3A_533 = arith.constant 0 : i32
        %dma_wait3A_534 = tpu.memref_slice %arg3[%add3A_301, %dma_wait3A_533] : memref<2592x128xi32, #tpu.memory_space<hbm>> -> memref<1x128xi32, #tpu.memory_space<hbm>>
        %dma_wait3A_535 = tpu.memref_squeeze %dma_wait3A_534 : memref<1x128xi32, #tpu.memory_space<hbm>> -> memref<128xi32, #tpu.memory_space<hbm>>
        tpu.wait_dma2 semaphore(%run_scoped3A_523 : memref<!tpu.dma_semaphore, #tpu.memory_space<semaphore_mem>>) src(%dma_wait3A_535 : memref<128xi32, #tpu.memory_space<hbm>>) dst(%arg11 : memref<128xi32, #tpu.memory_space<vmem>>)
        tpu.yield
      }) : () -> ()
      %dma_start3A = arith.constant 0 : i32
      %dma_start3A_302 = arith.constant 0 : i32
      %dma_start3A_303 = tpu.memref_slice %arg5[%dma_start3A, %dma_start3A_302] : memref<10000x64xf32, #tpu.memory_space<hbm>> -> memref<10000x64xf32, #tpu.memory_space<hbm>>
      tpu.enqueue_indirect_dma source(%dma_start3A_303 : memref<10000x64xf32, #tpu.memory_space<hbm>>) target(%arg12 : memref<128x64xf32, #tpu.memory_space<vmem>>) offsets(%arg10 : memref<128xi32, #tpu.memory_space<vmem>>) semaphore(%arg19 : memref<!tpu.dma_semaphore, #tpu.memory_space<semaphore_mem>>)
      %dma_wait3A = arith.constant 0 : i32
      %dma_wait3A_304 = arith.constant 0 : i32
      %dma_wait3A_305 = tpu.memref_slice %arg5[%dma_wait3A, %dma_wait3A_304] : memref<10000x64xf32, #tpu.memory_space<hbm>> -> memref<10000x64xf32, #tpu.memory_space<hbm>>
      tpu.wait_indirect_dma semaphore(%arg19 : memref<!tpu.dma_semaphore, #tpu.memory_space<semaphore_mem>>) src(%dma_wait3A_305 : memref<10000x64xf32, #tpu.memory_space<hbm>>) dst(%arg12 : memref<128x64xf32, #tpu.memory_space<vmem>>)
      %mul3A_306 = arith.constant 128 : i32
      %mul3A_307 = arith.muli %add3A_301, %mul3A_306 : i32
      %get3A = arith.constant 0 : index
      %get3A_308 = tpu.vector_load %arg10[%get3A] {strides = array<i32>} : memref<128xi32, #tpu.memory_space<vmem>>, vector<16xi32>,
      %get3A_309 = arith.constant 0 : index
      %get3A_310 = tpu.vector_load %arg11[%get3A_309] {strides = array<i32>} : memref<128xi32, #tpu.memory_space<vmem>>, vector<16xi32>,
      %add3A_311 = arith.constant 0 : i32
      %add3A_312 = arith.addi %mul3A_307, %add3A_311 : i32
      %add3A_313 = vector.broadcast %add3A_312 : i32 to vector<16xi32>
      %add3A_314 = arith.addi %add3A_313, %iota3A : vector<16xi32>
      %lt3A = arith.constant 330000 : i32
      %lt3A_315 = vector.broadcast %lt3A : i32 to vector<16xi32>
      %lt3A_316 = arith.cmpi slt, %add3A_314, %lt3A_315 : vector<16xi32>
      %gather3A = tpu.vector_load_idx %arg8[%get3A_308] : memref<10000xf32, #tpu.memory_space<vmem>>[vector<16xi32>], vector<16xf32>,
      %gather3A_317 = tpu.vector_load_idx %arg9[%get3A_310] : memref<10000xf32, #tpu.memory_space<vmem>>[vector<16xi32>], vector<16xf32>,
      %add3A_318 = arith.addf %gather3A, %gather3A_317 : vector<16xf32>
      %gt3A = arith.constant 0.000000e+00 : f32
      %gt3A_319 = vector.broadcast %gt3A : f32 to vector<16xf32>
      %gt3A_320 = arith.cmpf ogt, %add3A_318, %gt3A_319 : vector<16xf32>
      %mul3A_321 = arith.constant 2.000000e-01 : f32
      %mul3A_322 = vector.broadcast %mul3A_321 : f32 to vector<16xf32>
      %mul3A_323 = arith.mulf %mul3A_322, %add3A_318 : vector<16xf32>
      %select_n3A = arith.select %gt3A_320, %add3A_318, %mul3A_323 : vector<16xi1>, vector<16xf32>
      %exp3A = math.exp %select_n3A : vector<16xf32>
      %jit3A = arith.constant 0.000000e+00 : f32
      %broadcast_in_dim3A_324 = vector.broadcast %jit3A : f32 to vector<16xf32>
      %select_n3A_325 = arith.select %lt3A_316, %exp3A, %broadcast_in_dim3A_324 : vector<16xi1>, vector<16xf32>
      %swap3A_326 = arith.constant 0 : index
      %swap3A_327 = tpu.vector_load %arg14[%swap3A_326] {strides = array<i32>} : memref<144xf32, #tpu.memory_space<vmem>>, vector<16xf32>,
      tpu.vector_store %arg14[%swap3A_326], %select_n3A_325 {strides = array<i32>} : memref<144xf32, #tpu.memory_space<vmem>>, vector<16xf32>,
      %get3A_328 = arith.constant 16 : index
      %get3A_329 = tpu.vector_load %arg10[%get3A_328] {strides = array<i32>} : memref<128xi32, #tpu.memory_space<vmem>>, vector<16xi32>,
      %get3A_330 = arith.constant 16 : index
      %get3A_331 = tpu.vector_load %arg11[%get3A_330] {strides = array<i32>} : memref<128xi32, #tpu.memory_space<vmem>>, vector<16xi32>,
      %add3A_332 = arith.constant 16 : i32
      %add3A_333 = arith.addi %mul3A_307, %add3A_332 : i32
      %add3A_334 = vector.broadcast %add3A_333 : i32 to vector<16xi32>
      %add3A_335 = arith.addi %add3A_334, %iota3A : vector<16xi32>
      %lt3A_336 = arith.constant 330000 : i32
      %lt3A_337 = vector.broadcast %lt3A_336 : i32 to vector<16xi32>
      %lt3A_338 = arith.cmpi slt, %add3A_335, %lt3A_337 : vector<16xi32>
      %gather3A_339 = tpu.vector_load_idx %arg8[%get3A_329] : memref<10000xf32, #tpu.memory_space<vmem>>[vector<16xi32>], vector<16xf32>,
      %gather3A_340 = tpu.vector_load_idx %arg9[%get3A_331] : memref<10000xf32, #tpu.memory_space<vmem>>[vector<16xi32>], vector<16xf32>,
      %add3A_341 = arith.addf %gather3A_339, %gather3A_340 : vector<16xf32>
      %gt3A_342 = arith.constant 0.000000e+00 : f32
      %gt3A_343 = vector.broadcast %gt3A_342 : f32 to vector<16xf32>
      %gt3A_344 = arith.cmpf ogt, %add3A_341, %gt3A_343 : vector<16xf32>
      %mul3A_345 = arith.constant 2.000000e-01 : f32
      %mul3A_346 = vector.broadcast %mul3A_345 : f32 to vector<16xf32>
      %mul3A_347 = arith.mulf %mul3A_346, %add3A_341 : vector<16xf32>
      %select_n3A_348 = arith.select %gt3A_344, %add3A_341, %mul3A_347 : vector<16xi1>, vector<16xf32>
      %exp3A_349 = math.exp %select_n3A_348 : vector<16xf32>
      %jit3A_350 = arith.constant 0.000000e+00 : f32
      %broadcast_in_dim3A_351 = vector.broadcast %jit3A_350 : f32 to vector<16xf32>
      %select_n3A_352 = arith.select %lt3A_338, %exp3A_349, %broadcast_in_dim3A_351 : vector<16xi1>, vector<16xf32>
      %swap3A_353 = arith.constant 16 : index
      %swap3A_354 = tpu.vector_load %arg14[%swap3A_353] {strides = array<i32>} : memref<144xf32, #tpu.memory_space<vmem>>, vector<16xf32>,
      tpu.vector_store %arg14[%swap3A_353], %select_n3A_352 {strides = array<i32>} : memref<144xf32, #tpu.memory_space<vmem>>, vector<16xf32>,
      %get3A_355 = arith.constant 32 : index
      %get3A_356 = tpu.vector_load %arg10[%get3A_355] {strides = array<i32>} : memref<128xi32, #tpu.memory_space<vmem>>, vector<16xi32>,
      %get3A_357 = arith.constant 32 : index
      %get3A_358 = tpu.vector_load %arg11[%get3A_357] {strides = array<i32>} : memref<128xi32, #tpu.memory_space<vmem>>, vector<16xi32>,
      %add3A_359 = arith.constant 32 : i32
      %add3A_360 = arith.addi %mul3A_307, %add3A_359 : i32
      %add3A_361 = vector.broadcast %add3A_360 : i32 to vector<16xi32>
      %add3A_362 = arith.addi %add3A_361, %iota3A : vector<16xi32>
      %lt3A_363 = arith.constant 330000 : i32
      %lt3A_364 = vector.broadcast %lt3A_363 : i32 to vector<16xi32>
      %lt3A_365 = arith.cmpi slt, %add3A_362, %lt3A_364 : vector<16xi32>
      %gather3A_366 = tpu.vector_load_idx %arg8[%get3A_356] : memref<10000xf32, #tpu.memory_space<vmem>>[vector<16xi32>], vector<16xf32>,
      %gather3A_367 = tpu.vector_load_idx %arg9[%get3A_358] : memref<10000xf32, #tpu.memory_space<vmem>>[vector<16xi32>], vector<16xf32>,
      %add3A_368 = arith.addf %gather3A_366, %gather3A_367 : vector<16xf32>
      %gt3A_369 = arith.constant 0.000000e+00 : f32
      %gt3A_370 = vector.broadcast %gt3A_369 : f32 to vector<16xf32>
      %gt3A_371 = arith.cmpf ogt, %add3A_368, %gt3A_370 : vector<16xf32>
      %mul3A_372 = arith.constant 2.000000e-01 : f32
      %mul3A_373 = vector.broadcast %mul3A_372 : f32 to vector<16xf32>
      %mul3A_374 = arith.mulf %mul3A_373, %add3A_368 : vector<16xf32>
      %select_n3A_375 = arith.select %gt3A_371, %add3A_368, %mul3A_374 : vector<16xi1>, vector<16xf32>
      %exp3A_376 = math.exp %select_n3A_375 : vector<16xf32>
      %jit3A_377 = arith.constant 0.000000e+00 : f32
      %broadcast_in_dim3A_378 = vector.broadcast %jit3A_377 : f32 to vector<16xf32>
      %select_n3A_379 = arith.select %lt3A_365, %exp3A_376, %broadcast_in_dim3A_378 : vector<16xi1>, vector<16xf32>
      %swap3A_380 = arith.constant 32 : index
      %swap3A_381 = tpu.vector_load %arg14[%swap3A_380] {strides = array<i32>} : memref<144xf32, #tpu.memory_space<vmem>>, vector<16xf32>,
      tpu.vector_store %arg14[%swap3A_380], %select_n3A_379 {strides = array<i32>} : memref<144xf32, #tpu.memory_space<vmem>>, vector<16xf32>,
      %get3A_382 = arith.constant 48 : index
      %get3A_383 = tpu.vector_load %arg10[%get3A_382] {strides = array<i32>} : memref<128xi32, #tpu.memory_space<vmem>>, vector<16xi32>,
      %get3A_384 = arith.constant 48 : index
      %get3A_385 = tpu.vector_load %arg11[%get3A_384] {strides = array<i32>} : memref<128xi32, #tpu.memory_space<vmem>>, vector<16xi32>,
      %add3A_386 = arith.constant 48 : i32
      %add3A_387 = arith.addi %mul3A_307, %add3A_386 : i32
      %add3A_388 = vector.broadcast %add3A_387 : i32 to vector<16xi32>
      %add3A_389 = arith.addi %add3A_388, %iota3A : vector<16xi32>
      %lt3A_390 = arith.constant 330000 : i32
      %lt3A_391 = vector.broadcast %lt3A_390 : i32 to vector<16xi32>
      %lt3A_392 = arith.cmpi slt, %add3A_389, %lt3A_391 : vector<16xi32>
      %gather3A_393 = tpu.vector_load_idx %arg8[%get3A_383] : memref<10000xf32, #tpu.memory_space<vmem>>[vector<16xi32>], vector<16xf32>,
      %gather3A_394 = tpu.vector_load_idx %arg9[%get3A_385] : memref<10000xf32, #tpu.memory_space<vmem>>[vector<16xi32>], vector<16xf32>,
      %add3A_395 = arith.addf %gather3A_393, %gather3A_394 : vector<16xf32>
      %gt3A_396 = arith.constant 0.000000e+00 : f32
      %gt3A_397 = vector.broadcast %gt3A_396 : f32 to vector<16xf32>
      %gt3A_398 = arith.cmpf ogt, %add3A_395, %gt3A_397 : vector<16xf32>
      %mul3A_399 = arith.constant 2.000000e-01 : f32
      %mul3A_400 = vector.broadcast %mul3A_399 : f32 to vector<16xf32>
      %mul3A_401 = arith.mulf %mul3A_400, %add3A_395 : vector<16xf32>
      %select_n3A_402 = arith.select %gt3A_398, %add3A_395, %mul3A_401 : vector<16xi1>, vector<16xf32>
      %exp3A_403 = math.exp %select_n3A_402 : vector<16xf32>
      %jit3A_404 = arith.constant 0.000000e+00 : f32
      %broadcast_in_dim3A_405 = vector.broadcast %jit3A_404 : f32 to vector<16xf32>
      %select_n3A_406 = arith.select %lt3A_392, %exp3A_403, %broadcast_in_dim3A_405 : vector<16xi1>, vector<16xf32>
      %swap3A_407 = arith.constant 48 : index
      %swap3A_408 = tpu.vector_load %arg14[%swap3A_407] {strides = array<i32>} : memref<144xf32, #tpu.memory_space<vmem>>, vector<16xf32>,
      tpu.vector_store %arg14[%swap3A_407], %select_n3A_406 {strides = array<i32>} : memref<144xf32, #tpu.memory_space<vmem>>, vector<16xf32>,
      %get3A_409 = arith.constant 64 : index
      %get3A_410 = tpu.vector_load %arg10[%get3A_409] {strides = array<i32>} : memref<128xi32, #tpu.memory_space<vmem>>, vector<16xi32>,
      %get3A_411 = arith.constant 64 : index
      %get3A_412 = tpu.vector_load %arg11[%get3A_411] {strides = array<i32>} : memref<128xi32, #tpu.memory_space<vmem>>, vector<16xi32>,
      %add3A_413 = arith.constant 64 : i32
      %add3A_414 = arith.addi %mul3A_307, %add3A_413 : i32
      %add3A_415 = vector.broadcast %add3A_414 : i32 to vector<16xi32>
      %add3A_416 = arith.addi %add3A_415, %iota3A : vector<16xi32>
      %lt3A_417 = arith.constant 330000 : i32
      %lt3A_418 = vector.broadcast %lt3A_417 : i32 to vector<16xi32>
      %lt3A_419 = arith.cmpi slt, %add3A_416, %lt3A_418 : vector<16xi32>
      %gather3A_420 = tpu.vector_load_idx %arg8[%get3A_410] : memref<10000xf32, #tpu.memory_space<vmem>>[vector<16xi32>], vector<16xf32>,
      %gather3A_421 = tpu.vector_load_idx %arg9[%get3A_412] : memref<10000xf32, #tpu.memory_space<vmem>>[vector<16xi32>], vector<16xf32>,
      %add3A_422 = arith.addf %gather3A_420, %gather3A_421 : vector<16xf32>
      %gt3A_423 = arith.constant 0.000000e+00 : f32
      %gt3A_424 = vector.broadcast %gt3A_423 : f32 to vector<16xf32>
      %gt3A_425 = arith.cmpf ogt, %add3A_422, %gt3A_424 : vector<16xf32>
      %mul3A_426 = arith.constant 2.000000e-01 : f32
      %mul3A_427 = vector.broadcast %mul3A_426 : f32 to vector<16xf32>
      %mul3A_428 = arith.mulf %mul3A_427, %add3A_422 : vector<16xf32>
      %select_n3A_429 = arith.select %gt3A_425, %add3A_422, %mul3A_428 : vector<16xi1>, vector<16xf32>
      %exp3A_430 = math.exp %select_n3A_429 : vector<16xf32>
      %jit3A_431 = arith.constant 0.000000e+00 : f32
      %broadcast_in_dim3A_432 = vector.broadcast %jit3A_431 : f32 to vector<16xf32>
      %select_n3A_433 = arith.select %lt3A_419, %exp3A_430, %broadcast_in_dim3A_432 : vector<16xi1>, vector<16xf32>
      %swap3A_434 = arith.constant 64 : index
      %swap3A_435 = tpu.vector_load %arg14[%swap3A_434] {strides = array<i32>} : memref<144xf32, #tpu.memory_space<vmem>>, vector<16xf32>,
      tpu.vector_store %arg14[%swap3A_434], %select_n3A_433 {strides = array<i32>} : memref<144xf32, #tpu.memory_space<vmem>>, vector<16xf32>,
      %get3A_436 = arith.constant 80 : index
      %get3A_437 = tpu.vector_load %arg10[%get3A_436] {strides = array<i32>} : memref<128xi32, #tpu.memory_space<vmem>>, vector<16xi32>,
      %get3A_438 = arith.constant 80 : index
      %get3A_439 = tpu.vector_load %arg11[%get3A_438] {strides = array<i32>} : memref<128xi32, #tpu.memory_space<vmem>>, vector<16xi32>,
      %add3A_440 = arith.constant 80 : i32
      %add3A_441 = arith.addi %mul3A_307, %add3A_440 : i32
      %add3A_442 = vector.broadcast %add3A_441 : i32 to vector<16xi32>
      %add3A_443 = arith.addi %add3A_442, %iota3A : vector<16xi32>
      %lt3A_444 = arith.constant 330000 : i32
      %lt3A_445 = vector.broadcast %lt3A_444 : i32 to vector<16xi32>
      %lt3A_446 = arith.cmpi slt, %add3A_443, %lt3A_445 : vector<16xi32>
      %gather3A_447 = tpu.vector_load_idx %arg8[%get3A_437] : memref<10000xf32, #tpu.memory_space<vmem>>[vector<16xi32>], vector<16xf32>,
      %gather3A_448 = tpu.vector_load_idx %arg9[%get3A_439] : memref<10000xf32, #tpu.memory_space<vmem>>[vector<16xi32>], vector<16xf32>,
      %add3A_449 = arith.addf %gather3A_447, %gather3A_448 : vector<16xf32>
      %gt3A_450 = arith.constant 0.000000e+00 : f32
      %gt3A_451 = vector.broadcast %gt3A_450 : f32 to vector<16xf32>
      %gt3A_452 = arith.cmpf ogt, %add3A_449, %gt3A_451 : vector<16xf32>
      %mul3A_453 = arith.constant 2.000000e-01 : f32
      %mul3A_454 = vector.broadcast %mul3A_453 : f32 to vector<16xf32>
      %mul3A_455 = arith.mulf %mul3A_454, %add3A_449 : vector<16xf32>
      %select_n3A_456 = arith.select %gt3A_452, %add3A_449, %mul3A_455 : vector<16xi1>, vector<16xf32>
      %exp3A_457 = math.exp %select_n3A_456 : vector<16xf32>
      %jit3A_458 = arith.constant 0.000000e+00 : f32
      %broadcast_in_dim3A_459 = vector.broadcast %jit3A_458 : f32 to vector<16xf32>
      %select_n3A_460 = arith.select %lt3A_446, %exp3A_457, %broadcast_in_dim3A_459 : vector<16xi1>, vector<16xf32>
      %swap3A_461 = arith.constant 80 : index
      %swap3A_462 = tpu.vector_load %arg14[%swap3A_461] {strides = array<i32>} : memref<144xf32, #tpu.memory_space<vmem>>, vector<16xf32>,
      tpu.vector_store %arg14[%swap3A_461], %select_n3A_460 {strides = array<i32>} : memref<144xf32, #tpu.memory_space<vmem>>, vector<16xf32>,
      %get3A_463 = arith.constant 96 : index
      %get3A_464 = tpu.vector_load %arg10[%get3A_463] {strides = array<i32>} : memref<128xi32, #tpu.memory_space<vmem>>, vector<16xi32>,
      %get3A_465 = arith.constant 96 : index
      %get3A_466 = tpu.vector_load %arg11[%get3A_465] {strides = array<i32>} : memref<128xi32, #tpu.memory_space<vmem>>, vector<16xi32>,
      %add3A_467 = arith.constant 96 : i32
      %add3A_468 = arith.addi %mul3A_307, %add3A_467 : i32
      %add3A_469 = vector.broadcast %add3A_468 : i32 to vector<16xi32>
      %add3A_470 = arith.addi %add3A_469, %iota3A : vector<16xi32>
      %lt3A_471 = arith.constant 330000 : i32
      %lt3A_472 = vector.broadcast %lt3A_471 : i32 to vector<16xi32>
      %lt3A_473 = arith.cmpi slt, %add3A_470, %lt3A_472 : vector<16xi32>
      %gather3A_474 = tpu.vector_load_idx %arg8[%get3A_464] : memref<10000xf32, #tpu.memory_space<vmem>>[vector<16xi32>], vector<16xf32>,
      %gather3A_475 = tpu.vector_load_idx %arg9[%get3A_466] : memref<10000xf32, #tpu.memory_space<vmem>>[vector<16xi32>], vector<16xf32>,
      %add3A_476 = arith.addf %gather3A_474, %gather3A_475 : vector<16xf32>
      %gt3A_477 = arith.constant 0.000000e+00 : f32
      %gt3A_478 = vector.broadcast %gt3A_477 : f32 to vector<16xf32>
      %gt3A_479 = arith.cmpf ogt, %add3A_476, %gt3A_478 : vector<16xf32>
      %mul3A_480 = arith.constant 2.000000e-01 : f32
      %mul3A_481 = vector.broadcast %mul3A_480 : f32 to vector<16xf32>
      %mul3A_482 = arith.mulf %mul3A_481, %add3A_476 : vector<16xf32>
      %select_n3A_483 = arith.select %gt3A_479, %add3A_476, %mul3A_482 : vector<16xi1>, vector<16xf32>
      %exp3A_484 = math.exp %select_n3A_483 : vector<16xf32>
      %jit3A_485 = arith.constant 0.000000e+00 : f32
      %broadcast_in_dim3A_486 = vector.broadcast %jit3A_485 : f32 to vector<16xf32>
      %select_n3A_487 = arith.select %lt3A_473, %exp3A_484, %broadcast_in_dim3A_486 : vector<16xi1>, vector<16xf32>
      %swap3A_488 = arith.constant 96 : index
      %swap3A_489 = tpu.vector_load %arg14[%swap3A_488] {strides = array<i32>} : memref<144xf32, #tpu.memory_space<vmem>>, vector<16xf32>,
      tpu.vector_store %arg14[%swap3A_488], %select_n3A_487 {strides = array<i32>} : memref<144xf32, #tpu.memory_space<vmem>>, vector<16xf32>,
      %get3A_490 = arith.constant 112 : index
      %get3A_491 = tpu.vector_load %arg10[%get3A_490] {strides = array<i32>} : memref<128xi32, #tpu.memory_space<vmem>>, vector<16xi32>,
      %get3A_492 = arith.constant 112 : index
      %get3A_493 = tpu.vector_load %arg11[%get3A_492] {strides = array<i32>} : memref<128xi32, #tpu.memory_space<vmem>>, vector<16xi32>,
      %add3A_494 = arith.constant 112 : i32
      %add3A_495 = arith.addi %mul3A_307, %add3A_494 : i32
      %add3A_496 = vector.broadcast %add3A_495 : i32 to vector<16xi32>
      %add3A_497 = arith.addi %add3A_496, %iota3A : vector<16xi32>
      %lt3A_498 = arith.constant 330000 : i32
      %lt3A_499 = vector.broadcast %lt3A_498 : i32 to vector<16xi32>
      %lt3A_500 = arith.cmpi slt, %add3A_497, %lt3A_499 : vector<16xi32>
      %gather3A_501 = tpu.vector_load_idx %arg8[%get3A_491] : memref<10000xf32, #tpu.memory_space<vmem>>[vector<16xi32>], vector<16xf32>,
      %gather3A_502 = tpu.vector_load_idx %arg9[%get3A_493] : memref<10000xf32, #tpu.memory_space<vmem>>[vector<16xi32>], vector<16xf32>,
      %add3A_503 = arith.addf %gather3A_501, %gather3A_502 : vector<16xf32>
      %gt3A_504 = arith.constant 0.000000e+00 : f32
      %gt3A_505 = vector.broadcast %gt3A_504 : f32 to vector<16xf32>
      %gt3A_506 = arith.cmpf ogt, %add3A_503, %gt3A_505 : vector<16xf32>
      %mul3A_507 = arith.constant 2.000000e-01 : f32
      %mul3A_508 = vector.broadcast %mul3A_507 : f32 to vector<16xf32>
      %mul3A_509 = arith.mulf %mul3A_508, %add3A_503 : vector<16xf32>
      %select_n3A_510 = arith.select %gt3A_506, %add3A_503, %mul3A_509 : vector<16xi1>, vector<16xf32>
      %exp3A_511 = math.exp %select_n3A_510 : vector<16xf32>
      %jit3A_512 = arith.constant 0.000000e+00 : f32
      %broadcast_in_dim3A_513 = vector.broadcast %jit3A_512 : f32 to vector<16xf32>
      %select_n3A_514 = arith.select %lt3A_500, %exp3A_511, %broadcast_in_dim3A_513 : vector<16xi1>, vector<16xf32>
      %swap3A_515 = arith.constant 112 : index
      %swap3A_516 = tpu.vector_load %arg14[%swap3A_515] {strides = array<i32>} : memref<144xf32, #tpu.memory_space<vmem>>, vector<16xf32>,
      tpu.vector_store %arg14[%swap3A_515], %select_n3A_514 {strides = array<i32>} : memref<144xf32, #tpu.memory_space<vmem>>, vector<16xf32>,
      %scan3A_517 = arith.constant 0 : i32
      %scan3A_518 = arith.constant 0 : i32
      %scan3A_519 = arith.constant 128 : i32
      %scan3A_520 = arith.addi %scan3A_518, %scan3A_519 : i32
      %scan3A_521 = arith.constant 4 : i32
      scf.for %scan3A_523 = %scan3A_518 to %scan3A_520 step %scan3A_521  : i32 {
        %get3A_524 = arith.index_cast %scan3A_523 : i32 to index
        %get3A_525 = tpu.vector_load %arg14[%get3A_524] {strides = array<i32>} : memref<144xf32, #tpu.memory_space<vmem>>, vector<16xf32>,
        %slice3A = vector.extract_strided_slice %get3A_525 {offsets = [0], sizes = [1], strides = [1]} : vector<16xf32> to vector<1xf32>
        %squeeze3A = vector.extract %slice3A[0] : f32 from vector<1xf32>
        %get3A_526 = arith.index_cast %scan3A_523 : i32 to index
        %get3A_527 = arith.constant 0 : index
        %get3A_528 = tpu.vector_load %arg12[%get3A_526, %get3A_527] {strides = array<i32>} : memref<128x64xf32, #tpu.memory_space<vmem>>, vector<16xf32>,
        %mul3A_529 = vector.broadcast %squeeze3A : f32 to vector<16xf32>
        %mul3A_530 = arith.mulf %get3A_528, %mul3A_529 : vector<16xf32>
        %swap3A_531 = arith.index_cast %scan3A_523 : i32 to index
        %swap3A_532 = arith.constant 0 : index
        %swap3A_533 = tpu.vector_load %arg13[%swap3A_531, %swap3A_532] {strides = array<i32>} : memref<128x64xf32, #tpu.memory_space<vmem>>, vector<16xf32>,
        tpu.vector_store %arg13[%swap3A_531, %swap3A_532], %mul3A_530 {strides = array<i32>} : memref<128x64xf32, #tpu.memory_space<vmem>>, vector<16xf32>,
        %get3A_534 = arith.index_cast %scan3A_523 : i32 to index
        %get3A_535 = arith.constant 16 : index
        %get3A_536 = tpu.vector_load %arg12[%get3A_534, %get3A_535] {strides = array<i32>} : memref<128x64xf32, #tpu.memory_space<vmem>>, vector<16xf32>,
        %mul3A_537 = vector.broadcast %squeeze3A : f32 to vector<16xf32>
        %mul3A_538 = arith.mulf %get3A_536, %mul3A_537 : vector<16xf32>
        %swap3A_539 = arith.index_cast %scan3A_523 : i32 to index
        %swap3A_540 = arith.constant 16 : index
        %swap3A_541 = tpu.vector_load %arg13[%swap3A_539, %swap3A_540] {strides = array<i32>} : memref<128x64xf32, #tpu.memory_space<vmem>>, vector<16xf32>,
        tpu.vector_store %arg13[%swap3A_539, %swap3A_540], %mul3A_538 {strides = array<i32>} : memref<128x64xf32, #tpu.memory_space<vmem>>, vector<16xf32>,
        %get3A_542 = arith.index_cast %scan3A_523 : i32 to index
        %get3A_543 = arith.constant 32 : index
        %get3A_544 = tpu.vector_load %arg12[%get3A_542, %get3A_543] {strides = array<i32>} : memref<128x64xf32, #tpu.memory_space<vmem>>, vector<16xf32>,
        %mul3A_545 = vector.broadcast %squeeze3A : f32 to vector<16xf32>
        %mul3A_546 = arith.mulf %get3A_544, %mul3A_545 : vector<16xf32>
        %swap3A_547 = arith.index_cast %scan3A_523 : i32 to index
        %swap3A_548 = arith.constant 32 : index
        %swap3A_549 = tpu.vector_load %arg13[%swap3A_547, %swap3A_548] {strides = array<i32>} : memref<128x64xf32, #tpu.memory_space<vmem>>, vector<16xf32>,
        tpu.vector_store %arg13[%swap3A_547, %swap3A_548], %mul3A_546 {strides = array<i32>} : memref<128x64xf32, #tpu.memory_space<vmem>>, vector<16xf32>,
        %get3A_550 = arith.index_cast %scan3A_523 : i32 to index
        %get3A_551 = arith.constant 48 : index
        %get3A_552 = tpu.vector_load %arg12[%get3A_550, %get3A_551] {strides = array<i32>} : memref<128x64xf32, #tpu.memory_space<vmem>>, vector<16xf32>,
        %mul3A_553 = vector.broadcast %squeeze3A : f32 to vector<16xf32>
        %mul3A_554 = arith.mulf %get3A_552, %mul3A_553 : vector<16xf32>
        %swap3A_555 = arith.index_cast %scan3A_523 : i32 to index
        %swap3A_556 = arith.constant 48 : index
        %swap3A_557 = tpu.vector_load %arg13[%swap3A_555, %swap3A_556] {strides = array<i32>} : memref<128x64xf32, #tpu.memory_space<vmem>>, vector<16xf32>,
        tpu.vector_store %arg13[%swap3A_555, %swap3A_556], %mul3A_554 {strides = array<i32>} : memref<128x64xf32, #tpu.memory_space<vmem>>, vector<16xf32>,
        %scan3A_558 = arith.constant 1 : i32
        %scan3A_559 = arith.addi %scan3A_523, %scan3A_558 : i32
        %get3A_560 = arith.index_cast %scan3A_559 : i32 to index
        %get3A_561 = tpu.vector_load %arg14[%get3A_560] {strides = array<i32>} : memref<144xf32, #tpu.memory_space<vmem>>, vector<16xf32>,
        %slice3A_562 = vector.extract_strided_slice %get3A_561 {offsets = [0], sizes = [1], strides = [1]} : vector<16xf32> to vector<1xf32>
        %squeeze3A_563 = vector.extract %slice3A_562[0] : f32 from vector<1xf32>
        %get3A_564 = arith.index_cast %scan3A_559 : i32 to index
        %get3A_565 = arith.constant 0 : index
        %get3A_566 = tpu.vector_load %arg12[%get3A_564, %get3A_565] {strides = array<i32>} : memref<128x64xf32, #tpu.memory_space<vmem>>, vector<16xf32>,
        %mul3A_567 = vector.broadcast %squeeze3A_563 : f32 to vector<16xf32>
        %mul3A_568 = arith.mulf %get3A_566, %mul3A_567 : vector<16xf32>
        %swap3A_569 = arith.index_cast %scan3A_559 : i32 to index
        %swap3A_570 = arith.constant 0 : index
        %swap3A_571 = tpu.vector_load %arg13[%swap3A_569, %swap3A_570] {strides = array<i32>} : memref<128x64xf32, #tpu.memory_space<vmem>>, vector<16xf32>,
        tpu.vector_store %arg13[%swap3A_569, %swap3A_570], %mul3A_568 {strides = array<i32>} : memref<128x64xf32, #tpu.memory_space<vmem>>, vector<16xf32>,
        %get3A_572 = arith.index_cast %scan3A_559 : i32 to index
        %get3A_573 = arith.constant 16 : index
        %get3A_574 = tpu.vector_load %arg12[%get3A_572, %get3A_573] {strides = array<i32>} : memref<128x64xf32, #tpu.memory_space<vmem>>, vector<16xf32>,
        %mul3A_575 = vector.broadcast %squeeze3A_563 : f32 to vector<16xf32>
        %mul3A_576 = arith.mulf %get3A_574, %mul3A_575 : vector<16xf32>
        %swap3A_577 = arith.index_cast %scan3A_559 : i32 to index
        %swap3A_578 = arith.constant 16 : index
        %swap3A_579 = tpu.vector_load %arg13[%swap3A_577, %swap3A_578] {strides = array<i32>} : memref<128x64xf32, #tpu.memory_space<vmem>>, vector<16xf32>,
        tpu.vector_store %arg13[%swap3A_577, %swap3A_578], %mul3A_576 {strides = array<i32>} : memref<128x64xf32, #tpu.memory_space<vmem>>, vector<16xf32>,
        %get3A_580 = arith.index_cast %scan3A_559 : i32 to index
        %get3A_581 = arith.constant 32 : index
        %get3A_582 = tpu.vector_load %arg12[%get3A_580, %get3A_581] {strides = array<i32>} : memref<128x64xf32, #tpu.memory_space<vmem>>, vector<16xf32>,
        %mul3A_583 = vector.broadcast %squeeze3A_563 : f32 to vector<16xf32>
        %mul3A_584 = arith.mulf %get3A_582, %mul3A_583 : vector<16xf32>
        %swap3A_585 = arith.index_cast %scan3A_559 : i32 to index
        %swap3A_586 = arith.constant 32 : index
        %swap3A_587 = tpu.vector_load %arg13[%swap3A_585, %swap3A_586] {strides = array<i32>} : memref<128x64xf32, #tpu.memory_space<vmem>>, vector<16xf32>,
        tpu.vector_store %arg13[%swap3A_585, %swap3A_586], %mul3A_584 {strides = array<i32>} : memref<128x64xf32, #tpu.memory_space<vmem>>, vector<16xf32>,
        %get3A_588 = arith.index_cast %scan3A_559 : i32 to index
        %get3A_589 = arith.constant 48 : index
        %get3A_590 = tpu.vector_load %arg12[%get3A_588, %get3A_589] {strides = array<i32>} : memref<128x64xf32, #tpu.memory_space<vmem>>, vector<16xf32>,
        %mul3A_591 = vector.broadcast %squeeze3A_563 : f32 to vector<16xf32>
        %mul3A_592 = arith.mulf %get3A_590, %mul3A_591 : vector<16xf32>
        %swap3A_593 = arith.index_cast %scan3A_559 : i32 to index
        %swap3A_594 = arith.constant 48 : index
        %swap3A_595 = tpu.vector_load %arg13[%swap3A_593, %swap3A_594] {strides = array<i32>} : memref<128x64xf32, #tpu.memory_space<vmem>>, vector<16xf32>,
        tpu.vector_store %arg13[%swap3A_593, %swap3A_594], %mul3A_592 {strides = array<i32>} : memref<128x64xf32, #tpu.memory_space<vmem>>, vector<16xf32>,
        %scan3A_596 = arith.constant 2 : i32
        %scan3A_597 = arith.addi %scan3A_523, %scan3A_596 : i32
        %get3A_598 = arith.index_cast %scan3A_597 : i32 to index
        %get3A_599 = tpu.vector_load %arg14[%get3A_598] {strides = array<i32>} : memref<144xf32, #tpu.memory_space<vmem>>, vector<16xf32>,
        %slice3A_600 = vector.extract_strided_slice %get3A_599 {offsets = [0], sizes = [1], strides = [1]} : vector<16xf32> to vector<1xf32>
        %squeeze3A_601 = vector.extract %slice3A_600[0] : f32 from vector<1xf32>
        %get3A_602 = arith.index_cast %scan3A_597 : i32 to index
        %get3A_603 = arith.constant 0 : index
        %get3A_604 = tpu.vector_load %arg12[%get3A_602, %get3A_603] {strides = array<i32>} : memref<128x64xf32, #tpu.memory_space<vmem>>, vector<16xf32>,
        %mul3A_605 = vector.broadcast %squeeze3A_601 : f32 to vector<16xf32>
        %mul3A_606 = arith.mulf %get3A_604, %mul3A_605 : vector<16xf32>
        %swap3A_607 = arith.index_cast %scan3A_597 : i32 to index
        %swap3A_608 = arith.constant 0 : index
        %swap3A_609 = tpu.vector_load %arg13[%swap3A_607, %swap3A_608] {strides = array<i32>} : memref<128x64xf32, #tpu.memory_space<vmem>>, vector<16xf32>,
        tpu.vector_store %arg13[%swap3A_607, %swap3A_608], %mul3A_606 {strides = array<i32>} : memref<128x64xf32, #tpu.memory_space<vmem>>, vector<16xf32>,
        %get3A_610 = arith.index_cast %scan3A_597 : i32 to index
        %get3A_611 = arith.constant 16 : index
        %get3A_612 = tpu.vector_load %arg12[%get3A_610, %get3A_611] {strides = array<i32>} : memref<128x64xf32, #tpu.memory_space<vmem>>, vector<16xf32>,
        %mul3A_613 = vector.broadcast %squeeze3A_601 : f32 to vector<16xf32>
        %mul3A_614 = arith.mulf %get3A_612, %mul3A_613 : vector<16xf32>
        %swap3A_615 = arith.index_cast %scan3A_597 : i32 to index
        %swap3A_616 = arith.constant 16 : index
        %swap3A_617 = tpu.vector_load %arg13[%swap3A_615, %swap3A_616] {strides = array<i32>} : memref<128x64xf32, #tpu.memory_space<vmem>>, vector<16xf32>,
        tpu.vector_store %arg13[%swap3A_615, %swap3A_616], %mul3A_614 {strides = array<i32>} : memref<128x64xf32, #tpu.memory_space<vmem>>, vector<16xf32>,
        %get3A_618 = arith.index_cast %scan3A_597 : i32 to index
        %get3A_619 = arith.constant 32 : index
        %get3A_620 = tpu.vector_load %arg12[%get3A_618, %get3A_619] {strides = array<i32>} : memref<128x64xf32, #tpu.memory_space<vmem>>, vector<16xf32>,
        %mul3A_621 = vector.broadcast %squeeze3A_601 : f32 to vector<16xf32>
        %mul3A_622 = arith.mulf %get3A_620, %mul3A_621 : vector<16xf32>
        %swap3A_623 = arith.index_cast %scan3A_597 : i32 to index
        %swap3A_624 = arith.constant 32 : index
        %swap3A_625 = tpu.vector_load %arg13[%swap3A_623, %swap3A_624] {strides = array<i32>} : memref<128x64xf32, #tpu.memory_space<vmem>>, vector<16xf32>,
        tpu.vector_store %arg13[%swap3A_623, %swap3A_624], %mul3A_622 {strides = array<i32>} : memref<128x64xf32, #tpu.memory_space<vmem>>, vector<16xf32>,
        %get3A_626 = arith.index_cast %scan3A_597 : i32 to index
        %get3A_627 = arith.constant 48 : index
        %get3A_628 = tpu.vector_load %arg12[%get3A_626, %get3A_627] {strides = array<i32>} : memref<128x64xf32, #tpu.memory_space<vmem>>, vector<16xf32>,
        %mul3A_629 = vector.broadcast %squeeze3A_601 : f32 to vector<16xf32>
        %mul3A_630 = arith.mulf %get3A_628, %mul3A_629 : vector<16xf32>
        %swap3A_631 = arith.index_cast %scan3A_597 : i32 to index
        %swap3A_632 = arith.constant 48 : index
        %swap3A_633 = tpu.vector_load %arg13[%swap3A_631, %swap3A_632] {strides = array<i32>} : memref<128x64xf32, #tpu.memory_space<vmem>>, vector<16xf32>,
        tpu.vector_store %arg13[%swap3A_631, %swap3A_632], %mul3A_630 {strides = array<i32>} : memref<128x64xf32, #tpu.memory_space<vmem>>, vector<16xf32>,
        %scan3A_634 = arith.constant 3 : i32
        %scan3A_635 = arith.addi %scan3A_523, %scan3A_634 : i32
        %get3A_636 = arith.index_cast %scan3A_635 : i32 to index
        %get3A_637 = tpu.vector_load %arg14[%get3A_636] {strides = array<i32>} : memref<144xf32, #tpu.memory_space<vmem>>, vector<16xf32>,
        %slice3A_638 = vector.extract_strided_slice %get3A_637 {offsets = [0], sizes = [1], strides = [1]} : vector<16xf32> to vector<1xf32>
        %squeeze3A_639 = vector.extract %slice3A_638[0] : f32 from vector<1xf32>
        %get3A_640 = arith.index_cast %scan3A_635 : i32 to index
        %get3A_641 = arith.constant 0 : index
        %get3A_642 = tpu.vector_load %arg12[%get3A_640, %get3A_641] {strides = array<i32>} : memref<128x64xf32, #tpu.memory_space<vmem>>, vector<16xf32>,
        %mul3A_643 = vector.broadcast %squeeze3A_639 : f32 to vector<16xf32>
        %mul3A_644 = arith.mulf %get3A_642, %mul3A_643 : vector<16xf32>
        %swap3A_645 = arith.index_cast %scan3A_635 : i32 to index
        %swap3A_646 = arith.constant 0 : index
        %swap3A_647 = tpu.vector_load %arg13[%swap3A_645, %swap3A_646] {strides = array<i32>} : memref<128x64xf32, #tpu.memory_space<vmem>>, vector<16xf32>,
        tpu.vector_store %arg13[%swap3A_645, %swap3A_646], %mul3A_644 {strides = array<i32>} : memref<128x64xf32, #tpu.memory_space<vmem>>, vector<16xf32>,
        %get3A_648 = arith.index_cast %scan3A_635 : i32 to index
        %get3A_649 = arith.constant 16 : index
        %get3A_650 = tpu.vector_load %arg12[%get3A_648, %get3A_649] {strides = array<i32>} : memref<128x64xf32, #tpu.memory_space<vmem>>, vector<16xf32>,
        %mul3A_651 = vector.broadcast %squeeze3A_639 : f32 to vector<16xf32>
        %mul3A_652 = arith.mulf %get3A_650, %mul3A_651 : vector<16xf32>
        %swap3A_653 = arith.index_cast %scan3A_635 : i32 to index
        %swap3A_654 = arith.constant 16 : index
        %swap3A_655 = tpu.vector_load %arg13[%swap3A_653, %swap3A_654] {strides = array<i32>} : memref<128x64xf32, #tpu.memory_space<vmem>>, vector<16xf32>,
        tpu.vector_store %arg13[%swap3A_653, %swap3A_654], %mul3A_652 {strides = array<i32>} : memref<128x64xf32, #tpu.memory_space<vmem>>, vector<16xf32>,
        %get3A_656 = arith.index_cast %scan3A_635 : i32 to index
        %get3A_657 = arith.constant 32 : index
        %get3A_658 = tpu.vector_load %arg12[%get3A_656, %get3A_657] {strides = array<i32>} : memref<128x64xf32, #tpu.memory_space<vmem>>, vector<16xf32>,
        %mul3A_659 = vector.broadcast %squeeze3A_639 : f32 to vector<16xf32>
        %mul3A_660 = arith.mulf %get3A_658, %mul3A_659 : vector<16xf32>
        %swap3A_661 = arith.index_cast %scan3A_635 : i32 to index
        %swap3A_662 = arith.constant 32 : index
        %swap3A_663 = tpu.vector_load %arg13[%swap3A_661, %swap3A_662] {strides = array<i32>} : memref<128x64xf32, #tpu.memory_space<vmem>>, vector<16xf32>,
        tpu.vector_store %arg13[%swap3A_661, %swap3A_662], %mul3A_660 {strides = array<i32>} : memref<128x64xf32, #tpu.memory_space<vmem>>, vector<16xf32>,
        %get3A_664 = arith.index_cast %scan3A_635 : i32 to index
        %get3A_665 = arith.constant 48 : index
        %get3A_666 = tpu.vector_load %arg12[%get3A_664, %get3A_665] {strides = array<i32>} : memref<128x64xf32, #tpu.memory_space<vmem>>, vector<16xf32>,
        %mul3A_667 = vector.broadcast %squeeze3A_639 : f32 to vector<16xf32>
        %mul3A_668 = arith.mulf %get3A_666, %mul3A_667 : vector<16xf32>
        %swap3A_669 = arith.index_cast %scan3A_635 : i32 to index
        %swap3A_670 = arith.constant 48 : index
        %swap3A_671 = tpu.vector_load %arg13[%swap3A_669, %swap3A_670] {strides = array<i32>} : memref<128x64xf32, #tpu.memory_space<vmem>>, vector<16xf32>,
        tpu.vector_store %arg13[%swap3A_669, %swap3A_670], %mul3A_668 {strides = array<i32>} : memref<128x64xf32, #tpu.memory_space<vmem>>, vector<16xf32>,
      }
      %scan3A_522 = arith.constant 128 : i32
      "tpu.region"() ({
        %run_scoped3A_523 = tpu.sem_alloc : memref<!tpu.dma_semaphore, #tpu.memory_space<semaphore_mem>>
        %dma_start3A_524 = arith.constant 0 : i32
        %dma_start3A_525 = arith.constant 0 : i32
        %dma_start3A_526 = tpu.memref_slice %arg17[%dma_start3A_524, %dma_start3A_525] : memref<10240x64xf32, #tpu.memory_space<vmem_shared>> -> memref<10240x64xf32, #tpu.memory_space<vmem_shared>>
        tpu.enqueue_indirect_dma source(%arg13 : memref<128x64xf32, #tpu.memory_space<vmem>>) target(%dma_start3A_526 : memref<10240x64xf32, #tpu.memory_space<vmem_shared>>) offsets(%arg11 : memref<128xi32, #tpu.memory_space<vmem>>) semaphore(%run_scoped3A_523 : memref<!tpu.dma_semaphore, #tpu.memory_space<semaphore_mem>>) {add = true}
        %dma_wait3A_527 = arith.constant 0 : i32
        %dma_wait3A_528 = arith.constant 0 : i32
        %dma_wait3A_529 = tpu.memref_slice %arg17[%dma_wait3A_527, %dma_wait3A_528] : memref<10240x64xf32, #tpu.memory_space<vmem_shared>> -> memref<10240x64xf32, #tpu.memory_space<vmem_shared>>
        tpu.wait_indirect_dma semaphore(%run_scoped3A_523 : memref<!tpu.dma_semaphore, #tpu.memory_space<semaphore_mem>>) src(%arg13 : memref<128x64xf32, #tpu.memory_space<vmem>>) dst(%dma_wait3A_529 : memref<10240x64xf32, #tpu.memory_space<vmem_shared>>)
        tpu.yield
      }) : () -> ()
      "tpu.region"() ({
        %run_scoped3A_523 = tpu.sem_alloc : memref<!tpu.dma_semaphore, #tpu.memory_space<semaphore_mem>>
        %dma_start3A_524 = arith.constant 0 : i32
        %dma_start3A_525 = tpu.memref_slice %arg14[%dma_start3A_524] : memref<144xf32, #tpu.memory_space<vmem>> -> memref<128xf32, #tpu.memory_space<vmem>>
        %dma_start3A_526 = arith.constant 0 : i32
        %dma_start3A_527 = tpu.memref_slice %arg18[%dma_start3A_526] : memref<10240xf32, #tpu.memory_space<vmem_shared>> -> memref<10240xf32, #tpu.memory_space<vmem_shared>>
        tpu.enqueue_indirect_dma source(%dma_start3A_525 : memref<128xf32, #tpu.memory_space<vmem>>) target(%dma_start3A_527 : memref<10240xf32, #tpu.memory_space<vmem_shared>>) offsets(%arg11 : memref<128xi32, #tpu.memory_space<vmem>>) semaphore(%run_scoped3A_523 : memref<!tpu.dma_semaphore, #tpu.memory_space<semaphore_mem>>) {add = true}
        %dma_wait3A_528 = arith.constant 0 : i32
        %dma_wait3A_529 = tpu.memref_slice %arg14[%dma_wait3A_528] : memref<144xf32, #tpu.memory_space<vmem>> -> memref<128xf32, #tpu.memory_space<vmem>>
        %dma_wait3A_530 = arith.constant 0 : i32
        %dma_wait3A_531 = tpu.memref_slice %arg18[%dma_wait3A_530] : memref<10240xf32, #tpu.memory_space<vmem_shared>> -> memref<10240xf32, #tpu.memory_space<vmem_shared>>
        tpu.wait_indirect_dma semaphore(%run_scoped3A_523 : memref<!tpu.dma_semaphore, #tpu.memory_space<semaphore_mem>>) src(%dma_wait3A_529 : memref<128xf32, #tpu.memory_space<vmem>>) dst(%dma_wait3A_531 : memref<10240xf32, #tpu.memory_space<vmem_shared>>)
        tpu.yield
      }) : () -> ()
    }
    %scan3A_296 = arith.constant 81 : i32
    %barrier3A_297 = arith.constant 0 : index
    tpu.barrier barrier_id(%barrier3A_297)
    "tpu.region"() ({
      %run_scoped3A_298 = tpu.sem_alloc : memref<!tpu.dma_semaphore, #tpu.memory_space<semaphore_mem>>
      %dma_start3A = arith.constant 0 : i32
      %dma_start3A_299 = tpu.memref_slice %arg6[%arg0, %mul3A_275, %dma_start3A] : memref<2x10240x64xf32, #tpu.memory_space<hbm>> -> memref<1x640x64xf32, #tpu.memory_space<hbm>>
      %dma_start3A_300 = tpu.memref_squeeze %dma_start3A_299 : memref<1x640x64xf32, #tpu.memory_space<hbm>> -> memref<640x64xf32, #tpu.memory_space<hbm>>
      %dma_start3A_301 = arith.constant 0 : i32
      %dma_start3A_302 = tpu.memref_slice %arg17[%mul3A_275, %dma_start3A_301] : memref<10240x64xf32, #tpu.memory_space<vmem_shared>> -> memref<640x64xf32, #tpu.memory_space<vmem_shared>>
      tpu.enqueue_dma source(%dma_start3A_302 : memref<640x64xf32, #tpu.memory_space<vmem_shared>>) target(%dma_start3A_300 : memref<640x64xf32, #tpu.memory_space<hbm>>) target_semaphore(%run_scoped3A_298 : memref<!tpu.dma_semaphore, #tpu.memory_space<semaphore_mem>>)
      %dma_wait3A = arith.constant 0 : i32
      %dma_wait3A_303 = tpu.memref_slice %arg6[%arg0, %mul3A_275, %dma_wait3A] : memref<2x10240x64xf32, #tpu.memory_space<hbm>> -> memref<1x640x64xf32, #tpu.memory_space<hbm>>
      %dma_wait3A_304 = tpu.memref_squeeze %dma_wait3A_303 : memref<1x640x64xf32, #tpu.memory_space<hbm>> -> memref<640x64xf32, #tpu.memory_space<hbm>>
      %dma_wait3A_305 = arith.constant 0 : i32
      %dma_wait3A_306 = tpu.memref_slice %arg17[%mul3A_275, %dma_wait3A_305] : memref<10240x64xf32, #tpu.memory_space<vmem_shared>> -> memref<640x64xf32, #tpu.memory_space<vmem_shared>>
      tpu.wait_dma2 semaphore(%run_scoped3A_298 : memref<!tpu.dma_semaphore, #tpu.memory_space<semaphore_mem>>) src(%dma_wait3A_306 : memref<640x64xf32, #tpu.memory_space<vmem_shared>>) dst(%dma_wait3A_304 : memref<640x64xf32, #tpu.memory_space<hbm>>)
      tpu.yield
    }) : () -> ()
    "tpu.region"() ({
      %run_scoped3A_298 = tpu.sem_alloc : memref<!tpu.dma_semaphore, #tpu.memory_space<semaphore_mem>>
      %dma_start3A = tpu.memref_slice %arg7[%arg0, %mul3A_275] : memref<2x10240xf32, #tpu.memory_space<hbm>> -> memref<1x640xf32, #tpu.memory_space<hbm>>
      %dma_start3A_299 = tpu.memref_squeeze %dma_start3A : memref<1x640xf32, #tpu.memory_space<hbm>> -> memref<640xf32, #tpu.memory_space<hbm>>
      %dma_start3A_300 = tpu.memref_slice %arg18[%mul3A_275] : memref<10240xf32, #tpu.memory_space<vmem_shared>> -> memref<640xf32, #tpu.memory_space<vmem_shared>>
      tpu.enqueue_dma source(%dma_start3A_300 : memref<640xf32, #tpu.memory_space<vmem_shared>>) target(%dma_start3A_299 : memref<640xf32, #tpu.memory_space<hbm>>) target_semaphore(%run_scoped3A_298 : memref<!tpu.dma_semaphore, #tpu.memory_space<semaphore_mem>>)
      %dma_wait3A = tpu.memref_slice %arg7[%arg0, %mul3A_275] : memref<2x10240xf32, #tpu.memory_space<hbm>> -> memref<1x640xf32, #tpu.memory_space<hbm>>
      %dma_wait3A_301 = tpu.memref_squeeze %dma_wait3A : memref<1x640xf32, #tpu.memory_space<hbm>> -> memref<640xf32, #tpu.memory_space<hbm>>
      %dma_wait3A_302 = tpu.memref_slice %arg18[%mul3A_275] : memref<10240xf32, #tpu.memory_space<vmem_shared>> -> memref<640xf32, #tpu.memory_space<vmem_shared>>
      tpu.wait_dma2 semaphore(%run_scoped3A_298 : memref<!tpu.dma_semaphore, #tpu.memory_space<semaphore_mem>>) src(%dma_wait3A_302 : memref<640xf32, #tpu.memory_space<vmem_shared>>) dst(%dma_wait3A_301 : memref<640xf32, #tpu.memory_space<hbm>>)
      tpu.yield
    }) : () -> ()
    return
  }
}

#map = affine_map<(d0, d1) -> (0, 0)>
#map1 = affine_map<(d0, d1) -> (0, 0, 0)>
module attributes {stable_mosaic.version = 14 : i64} {
  func.func @sc_pass(%arg0: i32, %arg1: i32, %arg2: memref<2592x128xi32, #tpu.memory_space<hbm>>, %arg3: memref<2592x128xi32, #tpu.memory_space<hbm>>, %arg4: memref<2x10000xf32, #tpu.memory_space<hbm>>, %arg5: memref<10000x64xf32, #tpu.memory_space<hbm>>, %arg6: memref<2x10240x64xf32, #tpu.memory_space<hbm>>, %arg7: memref<2x10240xf32, #tpu.memory_space<hbm>>, %arg8: memref<10000xf32, #tpu.memory_space<vmem>>, %arg9: memref<10000xf32, #tpu.memory_space<vmem>>, %arg10: memref<128xi32, #tpu.memory_space<vmem>>, %arg11: memref<128xi32, #tpu.memory_space<vmem>>, %arg12: memref<128x64xf32, #tpu.memory_space<vmem>>, %arg13: memref<128x64xf32, #tpu.memory_space<vmem>>, %arg14: memref<144xf32, #tpu.memory_space<vmem>>, %arg15: memref<16x64xf32, #tpu.memory_space<vmem>>, %arg16: memref<128xf32, #tpu.memory_space<vmem>>, %arg17: memref<10240x64xf32, #tpu.memory_space<vmem_shared>>, %arg18: memref<10240xf32, #tpu.memory_space<vmem_shared>>, %arg19: memref<!tpu.dma_semaphore, #tpu.memory_space<semaphore_mem>>) attributes {dimension_semantics = [#tpu.dimension_semantics<core_parallel>, #tpu.dimension_semantics<subcore_parallel>], iteration_bounds = array<i64: 2, 16>, scalar_prefetch = 0 : i64, scratch_operands = 12 : i64, tpu.core_type = #tpu.core_type<sc_vector_subcore>, window_params = [{transform_indices = #map}, {transform_indices = #map}, {transform_indices = #map}, {transform_indices = #map}, {transform_indices = #map1}, {transform_indices = #map}]} {
    %mul3A = arith.constant 2 : i32
    %mul3A_0 = arith.muli %arg1, %mul3A : i32
    %add3A = arith.addi %mul3A_0, %arg0 : i32
    %run_scoped3A = arith.constant 0 : i32
    "tpu.region"() ({
      %run_scoped3A_298 = tpu.sem_alloc : memref<!tpu.dma_semaphore, #tpu.memory_space<semaphore_mem>>
      %dma_start3A = arith.constant 0 : i32
      %dma_start3A_299 = tpu.memref_slice %arg4[%run_scoped3A, %dma_start3A] : memref<2x10000xf32, #tpu.memory_space<hbm>> -> memref<1x10000xf32, #tpu.memory_space<hbm>>
      %dma_start3A_300 = tpu.memref_squeeze %dma_start3A_299 : memref<1x10000xf32, #tpu.memory_space<hbm>> -> memref<10000xf32, #tpu.memory_space<hbm>>
      %dma_start3A_301 = arith.constant 0 : i32
      %dma_start3A_302 = tpu.memref_slice %arg4[%run_scoped3A, %dma_start3A_301] : memref<2x10000xf32, #tpu.memory_space<hbm>> -> memref<1x10000xf32, #tpu.memory_space<hbm>>
      %dma_start3A_303 = tpu.memref_squeeze %dma_start3A_302 : memref<1x10000xf32, #tpu.memory_space<hbm>> -> memref<10000xf32, #tpu.memory_space<hbm>>
      tpu.enqueue_dma source(%dma_start3A_303 : memref<10000xf32, #tpu.memory_space<hbm>>) target(%arg8 : memref<10000xf32, #tpu.memory_space<vmem>>) target_semaphore(%run_scoped3A_298 : memref<!tpu.dma_semaphore, #tpu.memory_space<semaphore_mem>>)
      %dma_wait3A = arith.constant 0 : i32
      %dma_wait3A_304 = tpu.memref_slice %arg4[%run_scoped3A, %dma_wait3A] : memref<2x10000xf32, #tpu.memory_space<hbm>> -> memref<1x10000xf32, #tpu.memory_space<hbm>>
      %dma_wait3A_305 = tpu.memref_squeeze %dma_wait3A_304 : memref<1x10000xf32, #tpu.memory_space<hbm>> -> memref<10000xf32, #tpu.memory_space<hbm>>
      %dma_wait3A_306 = arith.constant 0 : i32
      %dma_wait3A_307 = tpu.memref_slice %arg4[%run_scoped3A, %dma_wait3A_306] : memref<2x10000xf32, #tpu.memory_space<hbm>> -> memref<1x10000xf32, #tpu.memory_space<hbm>>
      %dma_wait3A_308 = tpu.memref_squeeze %dma_wait3A_307 : memref<1x10000xf32, #tpu.memory_space<hbm>> -> memref<10000xf32, #tpu.memory_space<hbm>>
      tpu.wait_dma2 semaphore(%run_scoped3A_298 : memref<!tpu.dma_semaphore, #tpu.memory_space<semaphore_mem>>) src(%dma_wait3A_308 : memref<10000xf32, #tpu.memory_space<hbm>>) dst(%arg8 : memref<10000xf32, #tpu.memory_space<vmem>>)
      tpu.yield
    }) : () -> ()
    %run_scoped3A_1 = arith.constant 1 : i32
    "tpu.region"() ({
      %run_scoped3A_298 = tpu.sem_alloc : memref<!tpu.dma_semaphore, #tpu.memory_space<semaphore_mem>>
      %dma_start3A = arith.constant 0 : i32
      %dma_start3A_299 = tpu.memref_slice %arg4[%run_scoped3A_1, %dma_start3A] : memref<2x10000xf32, #tpu.memory_space<hbm>> -> memref<1x10000xf32, #tpu.memory_space<hbm>>
      %dma_start3A_300 = tpu.memref_squeeze %dma_start3A_299 : memref<1x10000xf32, #tpu.memory_space<hbm>> -> memref<10000xf32, #tpu.memory_space<hbm>>
      %dma_start3A_301 = arith.constant 0 : i32
      %dma_start3A_302 = tpu.memref_slice %arg4[%run_scoped3A_1, %dma_start3A_301] : memref<2x10000xf32, #tpu.memory_space<hbm>> -> memref<1x10000xf32, #tpu.memory_space<hbm>>
      %dma_start3A_303 = tpu.memref_squeeze %dma_start3A_302 : memref<1x10000xf32, #tpu.memory_space<hbm>> -> memref<10000xf32, #tpu.memory_space<hbm>>
      tpu.enqueue_dma source(%dma_start3A_303 : memref<10000xf32, #tpu.memory_space<hbm>>) target(%arg9 : memref<10000xf32, #tpu.memory_space<vmem>>) target_semaphore(%run_scoped3A_298 : memref<!tpu.dma_semaphore, #tpu.memory_space<semaphore_mem>>)
      %dma_wait3A = arith.constant 0 : i32
      %dma_wait3A_304 = tpu.memref_slice %arg4[%run_scoped3A_1, %dma_wait3A] : memref<2x10000xf32, #tpu.memory_space<hbm>> -> memref<1x10000xf32, #tpu.memory_space<hbm>>
      %dma_wait3A_305 = tpu.memref_squeeze %dma_wait3A_304 : memref<1x10000xf32, #tpu.memory_space<hbm>> -> memref<10000xf32, #tpu.memory_space<hbm>>
      %dma_wait3A_306 = arith.constant 0 : i32
      %dma_wait3A_307 = tpu.memref_slice %arg4[%run_scoped3A_1, %dma_wait3A_306] : memref<2x10000xf32, #tpu.memory_space<hbm>> -> memref<1x10000xf32, #tpu.memory_space<hbm>>
      %dma_wait3A_308 = tpu.memref_squeeze %dma_wait3A_307 : memref<1x10000xf32, #tpu.memory_space<hbm>> -> memref<10000xf32, #tpu.memory_space<hbm>>
      tpu.wait_dma2 semaphore(%run_scoped3A_298 : memref<!tpu.dma_semaphore, #tpu.memory_space<semaphore_mem>>) src(%dma_wait3A_308 : memref<10000xf32, #tpu.memory_space<hbm>>) dst(%arg9 : memref<10000xf32, #tpu.memory_space<vmem>>)
      tpu.yield
    }) : () -> ()
    %broadcast_in_dim3A = arith.constant 0.000000e+00 : f32
    %broadcast_in_dim3A_2 = vector.broadcast %broadcast_in_dim3A : f32 to vector<16xf32>
    %swap3A = arith.constant 0 : i32
    %swap3A_3 = arith.index_cast %swap3A : i32 to index
    %swap3A_4 = arith.constant 0 : index
    %swap3A_5 = tpu.vector_load %arg15[%swap3A_3, %swap3A_4] {strides = array<i32>} : memref<16x64xf32, #tpu.memory_space<vmem>>, vector<16xf32>,
    tpu.vector_store %arg15[%swap3A_3, %swap3A_4], %broadcast_in_dim3A_2 {strides = array<i32>} : memref<16x64xf32, #tpu.memory_space<vmem>>, vector<16xf32>,
    %swap3A_6 = arith.constant 0 : i32
    %swap3A_7 = arith.index_cast %swap3A_6 : i32 to index
    %swap3A_8 = arith.constant 16 : index
    %swap3A_9 = tpu.vector_load %arg15[%swap3A_7, %swap3A_8] {strides = array<i32>} : memref<16x64xf32, #tpu.memory_space<vmem>>, vector<16xf32>,
    tpu.vector_store %arg15[%swap3A_7, %swap3A_8], %broadcast_in_dim3A_2 {strides = array<i32>} : memref<16x64xf32, #tpu.memory_space<vmem>>, vector<16xf32>,
    %swap3A_10 = arith.constant 0 : i32
    %swap3A_11 = arith.index_cast %swap3A_10 : i32 to index
    %swap3A_12 = arith.constant 32 : index
    %swap3A_13 = tpu.vector_load %arg15[%swap3A_11, %swap3A_12] {strides = array<i32>} : memref<16x64xf32, #tpu.memory_space<vmem>>, vector<16xf32>,
    tpu.vector_store %arg15[%swap3A_11, %swap3A_12], %broadcast_in_dim3A_2 {strides = array<i32>} : memref<16x64xf32, #tpu.memory_space<vmem>>, vector<16xf32>,
    %swap3A_14 = arith.constant 0 : i32
    %swap3A_15 = arith.index_cast %swap3A_14 : i32 to index
    %swap3A_16 = arith.constant 48 : index
    %swap3A_17 = tpu.vector_load %arg15[%swap3A_15, %swap3A_16] {strides = array<i32>} : memref<16x64xf32, #tpu.memory_space<vmem>>, vector<16xf32>,
    tpu.vector_store %arg15[%swap3A_15, %swap3A_16], %broadcast_in_dim3A_2 {strides = array<i32>} : memref<16x64xf32, #tpu.memory_space<vmem>>, vector<16xf32>,
    %swap3A_18 = arith.constant 1 : i32
    %swap3A_19 = arith.index_cast %swap3A_18 : i32 to index
    %swap3A_20 = arith.constant 0 : index
    %swap3A_21 = tpu.vector_load %arg15[%swap3A_19, %swap3A_20] {strides = array<i32>} : memref<16x64xf32, #tpu.memory_space<vmem>>, vector<16xf32>,
    tpu.vector_store %arg15[%swap3A_19, %swap3A_20], %broadcast_in_dim3A_2 {strides = array<i32>} : memref<16x64xf32, #tpu.memory_space<vmem>>, vector<16xf32>,
    %swap3A_22 = arith.constant 1 : i32
    %swap3A_23 = arith.index_cast %swap3A_22 : i32 to index
    %swap3A_24 = arith.constant 16 : index
    %swap3A_25 = tpu.vector_load %arg15[%swap3A_23, %swap3A_24] {strides = array<i32>} : memref<16x64xf32, #tpu.memory_space<vmem>>, vector<16xf32>,
    tpu.vector_store %arg15[%swap3A_23, %swap3A_24], %broadcast_in_dim3A_2 {strides = array<i32>} : memref<16x64xf32, #tpu.memory_space<vmem>>, vector<16xf32>,
    %swap3A_26 = arith.constant 1 : i32
    %swap3A_27 = arith.index_cast %swap3A_26 : i32 to index
    %swap3A_28 = arith.constant 32 : index
    %swap3A_29 = tpu.vector_load %arg15[%swap3A_27, %swap3A_28] {strides = array<i32>} : memref<16x64xf32, #tpu.memory_space<vmem>>, vector<16xf32>,
    tpu.vector_store %arg15[%swap3A_27, %swap3A_28], %broadcast_in_dim3A_2 {strides = array<i32>} : memref<16x64xf32, #tpu.memory_space<vmem>>, vector<16xf32>,
    %swap3A_30 = arith.constant 1 : i32
    %swap3A_31 = arith.index_cast %swap3A_30 : i32 to index
    %swap3A_32 = arith.constant 48 : index
    %swap3A_33 = tpu.vector_load %arg15[%swap3A_31, %swap3A_32] {strides = array<i32>} : memref<16x64xf32, #tpu.memory_space<vmem>>, vector<16xf32>,
    tpu.vector_store %arg15[%swap3A_31, %swap3A_32], %broadcast_in_dim3A_2 {strides = array<i32>} : memref<16x64xf32, #tpu.memory_space<vmem>>, vector<16xf32>,
    %swap3A_34 = arith.constant 2 : i32
    %swap3A_35 = arith.index_cast %swap3A_34 : i32 to index
    %swap3A_36 = arith.constant 0 : index
    %swap3A_37 = tpu.vector_load %arg15[%swap3A_35, %swap3A_36] {strides = array<i32>} : memref<16x64xf32, #tpu.memory_space<vmem>>, vector<16xf32>,
    tpu.vector_store %arg15[%swap3A_35, %swap3A_36], %broadcast_in_dim3A_2 {strides = array<i32>} : memref<16x64xf32, #tpu.memory_space<vmem>>, vector<16xf32>,
    %swap3A_38 = arith.constant 2 : i32
    %swap3A_39 = arith.index_cast %swap3A_38 : i32 to index
    %swap3A_40 = arith.constant 16 : index
    %swap3A_41 = tpu.vector_load %arg15[%swap3A_39, %swap3A_40] {strides = array<i32>} : memref<16x64xf32, #tpu.memory_space<vmem>>, vector<16xf32>,
    tpu.vector_store %arg15[%swap3A_39, %swap3A_40], %broadcast_in_dim3A_2 {strides = array<i32>} : memref<16x64xf32, #tpu.memory_space<vmem>>, vector<16xf32>,
    %swap3A_42 = arith.constant 2 : i32
    %swap3A_43 = arith.index_cast %swap3A_42 : i32 to index
    %swap3A_44 = arith.constant 32 : index
    %swap3A_45 = tpu.vector_load %arg15[%swap3A_43, %swap3A_44] {strides = array<i32>} : memref<16x64xf32, #tpu.memory_space<vmem>>, vector<16xf32>,
    tpu.vector_store %arg15[%swap3A_43, %swap3A_44], %broadcast_in_dim3A_2 {strides = array<i32>} : memref<16x64xf32, #tpu.memory_space<vmem>>, vector<16xf32>,
    %swap3A_46 = arith.constant 2 : i32
    %swap3A_47 = arith.index_cast %swap3A_46 : i32 to index
    %swap3A_48 = arith.constant 48 : index
    %swap3A_49 = tpu.vector_load %arg15[%swap3A_47, %swap3A_48] {strides = array<i32>} : memref<16x64xf32, #tpu.memory_space<vmem>>, vector<16xf32>,
    tpu.vector_store %arg15[%swap3A_47, %swap3A_48], %broadcast_in_dim3A_2 {strides = array<i32>} : memref<16x64xf32, #tpu.memory_space<vmem>>, vector<16xf32>,
    %swap3A_50 = arith.constant 3 : i32
    %swap3A_51 = arith.index_cast %swap3A_50 : i32 to index
    %swap3A_52 = arith.constant 0 : index
    %swap3A_53 = tpu.vector_load %arg15[%swap3A_51, %swap3A_52] {strides = array<i32>} : memref<16x64xf32, #tpu.memory_space<vmem>>, vector<16xf32>,
    tpu.vector_store %arg15[%swap3A_51, %swap3A_52], %broadcast_in_dim3A_2 {strides = array<i32>} : memref<16x64xf32, #tpu.memory_space<vmem>>, vector<16xf32>,
    %swap3A_54 = arith.constant 3 : i32
    %swap3A_55 = arith.index_cast %swap3A_54 : i32 to index
    %swap3A_56 = arith.constant 16 : index
    %swap3A_57 = tpu.vector_load %arg15[%swap3A_55, %swap3A_56] {strides = array<i32>} : memref<16x64xf32, #tpu.memory_space<vmem>>, vector<16xf32>,
    tpu.vector_store %arg15[%swap3A_55, %swap3A_56], %broadcast_in_dim3A_2 {strides = array<i32>} : memref<16x64xf32, #tpu.memory_space<vmem>>, vector<16xf32>,
    %swap3A_58 = arith.constant 3 : i32
    %swap3A_59 = arith.index_cast %swap3A_58 : i32 to index
    %swap3A_60 = arith.constant 32 : index
    %swap3A_61 = tpu.vector_load %arg15[%swap3A_59, %swap3A_60] {strides = array<i32>} : memref<16x64xf32, #tpu.memory_space<vmem>>, vector<16xf32>,
    tpu.vector_store %arg15[%swap3A_59, %swap3A_60], %broadcast_in_dim3A_2 {strides = array<i32>} : memref<16x64xf32, #tpu.memory_space<vmem>>, vector<16xf32>,
    %swap3A_62 = arith.constant 3 : i32
    %swap3A_63 = arith.index_cast %swap3A_62 : i32 to index
    %swap3A_64 = arith.constant 48 : index
    %swap3A_65 = tpu.vector_load %arg15[%swap3A_63, %swap3A_64] {strides = array<i32>} : memref<16x64xf32, #tpu.memory_space<vmem>>, vector<16xf32>,
    tpu.vector_store %arg15[%swap3A_63, %swap3A_64], %broadcast_in_dim3A_2 {strides = array<i32>} : memref<16x64xf32, #tpu.memory_space<vmem>>, vector<16xf32>,
    %swap3A_66 = arith.constant 4 : i32
    %swap3A_67 = arith.index_cast %swap3A_66 : i32 to index
    %swap3A_68 = arith.constant 0 : index
    %swap3A_69 = tpu.vector_load %arg15[%swap3A_67, %swap3A_68] {strides = array<i32>} : memref<16x64xf32, #tpu.memory_space<vmem>>, vector<16xf32>,
    tpu.vector_store %arg15[%swap3A_67, %swap3A_68], %broadcast_in_dim3A_2 {strides = array<i32>} : memref<16x64xf32, #tpu.memory_space<vmem>>, vector<16xf32>,
    %swap3A_70 = arith.constant 4 : i32
    %swap3A_71 = arith.index_cast %swap3A_70 : i32 to index
    %swap3A_72 = arith.constant 16 : index
    %swap3A_73 = tpu.vector_load %arg15[%swap3A_71, %swap3A_72] {strides = array<i32>} : memref<16x64xf32, #tpu.memory_space<vmem>>, vector<16xf32>,
    tpu.vector_store %arg15[%swap3A_71, %swap3A_72], %broadcast_in_dim3A_2 {strides = array<i32>} : memref<16x64xf32, #tpu.memory_space<vmem>>, vector<16xf32>,
    %swap3A_74 = arith.constant 4 : i32
    %swap3A_75 = arith.index_cast %swap3A_74 : i32 to index
    %swap3A_76 = arith.constant 32 : index
    %swap3A_77 = tpu.vector_load %arg15[%swap3A_75, %swap3A_76] {strides = array<i32>} : memref<16x64xf32, #tpu.memory_space<vmem>>, vector<16xf32>,
    tpu.vector_store %arg15[%swap3A_75, %swap3A_76], %broadcast_in_dim3A_2 {strides = array<i32>} : memref<16x64xf32, #tpu.memory_space<vmem>>, vector<16xf32>,
    %swap3A_78 = arith.constant 4 : i32
    %swap3A_79 = arith.index_cast %swap3A_78 : i32 to index
    %swap3A_80 = arith.constant 48 : index
    %swap3A_81 = tpu.vector_load %arg15[%swap3A_79, %swap3A_80] {strides = array<i32>} : memref<16x64xf32, #tpu.memory_space<vmem>>, vector<16xf32>,
    tpu.vector_store %arg15[%swap3A_79, %swap3A_80], %broadcast_in_dim3A_2 {strides = array<i32>} : memref<16x64xf32, #tpu.memory_space<vmem>>, vector<16xf32>,
    %swap3A_82 = arith.constant 5 : i32
    %swap3A_83 = arith.index_cast %swap3A_82 : i32 to index
    %swap3A_84 = arith.constant 0 : index
    %swap3A_85 = tpu.vector_load %arg15[%swap3A_83, %swap3A_84] {strides = array<i32>} : memref<16x64xf32, #tpu.memory_space<vmem>>, vector<16xf32>,
    tpu.vector_store %arg15[%swap3A_83, %swap3A_84], %broadcast_in_dim3A_2 {strides = array<i32>} : memref<16x64xf32, #tpu.memory_space<vmem>>, vector<16xf32>,
    %swap3A_86 = arith.constant 5 : i32
    %swap3A_87 = arith.index_cast %swap3A_86 : i32 to index
    %swap3A_88 = arith.constant 16 : index
    %swap3A_89 = tpu.vector_load %arg15[%swap3A_87, %swap3A_88] {strides = array<i32>} : memref<16x64xf32, #tpu.memory_space<vmem>>, vector<16xf32>,
    tpu.vector_store %arg15[%swap3A_87, %swap3A_88], %broadcast_in_dim3A_2 {strides = array<i32>} : memref<16x64xf32, #tpu.memory_space<vmem>>, vector<16xf32>,
    %swap3A_90 = arith.constant 5 : i32
    %swap3A_91 = arith.index_cast %swap3A_90 : i32 to index
    %swap3A_92 = arith.constant 32 : index
    %swap3A_93 = tpu.vector_load %arg15[%swap3A_91, %swap3A_92] {strides = array<i32>} : memref<16x64xf32, #tpu.memory_space<vmem>>, vector<16xf32>,
    tpu.vector_store %arg15[%swap3A_91, %swap3A_92], %broadcast_in_dim3A_2 {strides = array<i32>} : memref<16x64xf32, #tpu.memory_space<vmem>>, vector<16xf32>,
    %swap3A_94 = arith.constant 5 : i32
    %swap3A_95 = arith.index_cast %swap3A_94 : i32 to index
    %swap3A_96 = arith.constant 48 : index
    %swap3A_97 = tpu.vector_load %arg15[%swap3A_95, %swap3A_96] {strides = array<i32>} : memref<16x64xf32, #tpu.memory_space<vmem>>, vector<16xf32>,
    tpu.vector_store %arg15[%swap3A_95, %swap3A_96], %broadcast_in_dim3A_2 {strides = array<i32>} : memref<16x64xf32, #tpu.memory_space<vmem>>, vector<16xf32>,
    %swap3A_98 = arith.constant 6 : i32
    %swap3A_99 = arith.index_cast %swap3A_98 : i32 to index
    %swap3A_100 = arith.constant 0 : index
    %swap3A_101 = tpu.vector_load %arg15[%swap3A_99, %swap3A_100] {strides = array<i32>} : memref<16x64xf32, #tpu.memory_space<vmem>>, vector<16xf32>,
    tpu.vector_store %arg15[%swap3A_99, %swap3A_100], %broadcast_in_dim3A_2 {strides = array<i32>} : memref<16x64xf32, #tpu.memory_space<vmem>>, vector<16xf32>,
    %swap3A_102 = arith.constant 6 : i32
    %swap3A_103 = arith.index_cast %swap3A_102 : i32 to index
    %swap3A_104 = arith.constant 16 : index
    %swap3A_105 = tpu.vector_load %arg15[%swap3A_103, %swap3A_104] {strides = array<i32>} : memref<16x64xf32, #tpu.memory_space<vmem>>, vector<16xf32>,
    tpu.vector_store %arg15[%swap3A_103, %swap3A_104], %broadcast_in_dim3A_2 {strides = array<i32>} : memref<16x64xf32, #tpu.memory_space<vmem>>, vector<16xf32>,
    %swap3A_106 = arith.constant 6 : i32
    %swap3A_107 = arith.index_cast %swap3A_106 : i32 to index
    %swap3A_108 = arith.constant 32 : index
    %swap3A_109 = tpu.vector_load %arg15[%swap3A_107, %swap3A_108] {strides = array<i32>} : memref<16x64xf32, #tpu.memory_space<vmem>>, vector<16xf32>,
    tpu.vector_store %arg15[%swap3A_107, %swap3A_108], %broadcast_in_dim3A_2 {strides = array<i32>} : memref<16x64xf32, #tpu.memory_space<vmem>>, vector<16xf32>,
    %swap3A_110 = arith.constant 6 : i32
    %swap3A_111 = arith.index_cast %swap3A_110 : i32 to index
    %swap3A_112 = arith.constant 48 : index
    %swap3A_113 = tpu.vector_load %arg15[%swap3A_111, %swap3A_112] {strides = array<i32>} : memref<16x64xf32, #tpu.memory_space<vmem>>, vector<16xf32>,
    tpu.vector_store %arg15[%swap3A_111, %swap3A_112], %broadcast_in_dim3A_2 {strides = array<i32>} : memref<16x64xf32, #tpu.memory_space<vmem>>, vector<16xf32>,
    %swap3A_114 = arith.constant 7 : i32
    %swap3A_115 = arith.index_cast %swap3A_114 : i32 to index
    %swap3A_116 = arith.constant 0 : index
    %swap3A_117 = tpu.vector_load %arg15[%swap3A_115, %swap3A_116] {strides = array<i32>} : memref<16x64xf32, #tpu.memory_space<vmem>>, vector<16xf32>,
    tpu.vector_store %arg15[%swap3A_115, %swap3A_116], %broadcast_in_dim3A_2 {strides = array<i32>} : memref<16x64xf32, #tpu.memory_space<vmem>>, vector<16xf32>,
    %swap3A_118 = arith.constant 7 : i32
    %swap3A_119 = arith.index_cast %swap3A_118 : i32 to index
    %swap3A_120 = arith.constant 16 : index
    %swap3A_121 = tpu.vector_load %arg15[%swap3A_119, %swap3A_120] {strides = array<i32>} : memref<16x64xf32, #tpu.memory_space<vmem>>, vector<16xf32>,
    tpu.vector_store %arg15[%swap3A_119, %swap3A_120], %broadcast_in_dim3A_2 {strides = array<i32>} : memref<16x64xf32, #tpu.memory_space<vmem>>, vector<16xf32>,
    %swap3A_122 = arith.constant 7 : i32
    %swap3A_123 = arith.index_cast %swap3A_122 : i32 to index
    %swap3A_124 = arith.constant 32 : index
    %swap3A_125 = tpu.vector_load %arg15[%swap3A_123, %swap3A_124] {strides = array<i32>} : memref<16x64xf32, #tpu.memory_space<vmem>>, vector<16xf32>,
    tpu.vector_store %arg15[%swap3A_123, %swap3A_124], %broadcast_in_dim3A_2 {strides = array<i32>} : memref<16x64xf32, #tpu.memory_space<vmem>>, vector<16xf32>,
    %swap3A_126 = arith.constant 7 : i32
    %swap3A_127 = arith.index_cast %swap3A_126 : i32 to index
    %swap3A_128 = arith.constant 48 : index
    %swap3A_129 = tpu.vector_load %arg15[%swap3A_127, %swap3A_128] {strides = array<i32>} : memref<16x64xf32, #tpu.memory_space<vmem>>, vector<16xf32>,
    tpu.vector_store %arg15[%swap3A_127, %swap3A_128], %broadcast_in_dim3A_2 {strides = array<i32>} : memref<16x64xf32, #tpu.memory_space<vmem>>, vector<16xf32>,
    %swap3A_130 = arith.constant 8 : i32
    %swap3A_131 = arith.index_cast %swap3A_130 : i32 to index
    %swap3A_132 = arith.constant 0 : index
    %swap3A_133 = tpu.vector_load %arg15[%swap3A_131, %swap3A_132] {strides = array<i32>} : memref<16x64xf32, #tpu.memory_space<vmem>>, vector<16xf32>,
    tpu.vector_store %arg15[%swap3A_131, %swap3A_132], %broadcast_in_dim3A_2 {strides = array<i32>} : memref<16x64xf32, #tpu.memory_space<vmem>>, vector<16xf32>,
    %swap3A_134 = arith.constant 8 : i32
    %swap3A_135 = arith.index_cast %swap3A_134 : i32 to index
    %swap3A_136 = arith.constant 16 : index
    %swap3A_137 = tpu.vector_load %arg15[%swap3A_135, %swap3A_136] {strides = array<i32>} : memref<16x64xf32, #tpu.memory_space<vmem>>, vector<16xf32>,
    tpu.vector_store %arg15[%swap3A_135, %swap3A_136], %broadcast_in_dim3A_2 {strides = array<i32>} : memref<16x64xf32, #tpu.memory_space<vmem>>, vector<16xf32>,
    %swap3A_138 = arith.constant 8 : i32
    %swap3A_139 = arith.index_cast %swap3A_138 : i32 to index
    %swap3A_140 = arith.constant 32 : index
    %swap3A_141 = tpu.vector_load %arg15[%swap3A_139, %swap3A_140] {strides = array<i32>} : memref<16x64xf32, #tpu.memory_space<vmem>>, vector<16xf32>,
    tpu.vector_store %arg15[%swap3A_139, %swap3A_140], %broadcast_in_dim3A_2 {strides = array<i32>} : memref<16x64xf32, #tpu.memory_space<vmem>>, vector<16xf32>,
    %swap3A_142 = arith.constant 8 : i32
    %swap3A_143 = arith.index_cast %swap3A_142 : i32 to index
    %swap3A_144 = arith.constant 48 : index
    %swap3A_145 = tpu.vector_load %arg15[%swap3A_143, %swap3A_144] {strides = array<i32>} : memref<16x64xf32, #tpu.memory_space<vmem>>, vector<16xf32>,
    tpu.vector_store %arg15[%swap3A_143, %swap3A_144], %broadcast_in_dim3A_2 {strides = array<i32>} : memref<16x64xf32, #tpu.memory_space<vmem>>, vector<16xf32>,
    %swap3A_146 = arith.constant 9 : i32
    %swap3A_147 = arith.index_cast %swap3A_146 : i32 to index
    %swap3A_148 = arith.constant 0 : index
    %swap3A_149 = tpu.vector_load %arg15[%swap3A_147, %swap3A_148] {strides = array<i32>} : memref<16x64xf32, #tpu.memory_space<vmem>>, vector<16xf32>,
    tpu.vector_store %arg15[%swap3A_147, %swap3A_148], %broadcast_in_dim3A_2 {strides = array<i32>} : memref<16x64xf32, #tpu.memory_space<vmem>>, vector<16xf32>,
    %swap3A_150 = arith.constant 9 : i32
    %swap3A_151 = arith.index_cast %swap3A_150 : i32 to index
    %swap3A_152 = arith.constant 16 : index
    %swap3A_153 = tpu.vector_load %arg15[%swap3A_151, %swap3A_152] {strides = array<i32>} : memref<16x64xf32, #tpu.memory_space<vmem>>, vector<16xf32>,
    tpu.vector_store %arg15[%swap3A_151, %swap3A_152], %broadcast_in_dim3A_2 {strides = array<i32>} : memref<16x64xf32, #tpu.memory_space<vmem>>, vector<16xf32>,
    %swap3A_154 = arith.constant 9 : i32
    %swap3A_155 = arith.index_cast %swap3A_154 : i32 to index
    %swap3A_156 = arith.constant 32 : index
    %swap3A_157 = tpu.vector_load %arg15[%swap3A_155, %swap3A_156] {strides = array<i32>} : memref<16x64xf32, #tpu.memory_space<vmem>>, vector<16xf32>,
    tpu.vector_store %arg15[%swap3A_155, %swap3A_156], %broadcast_in_dim3A_2 {strides = array<i32>} : memref<16x64xf32, #tpu.memory_space<vmem>>, vector<16xf32>,
    %swap3A_158 = arith.constant 9 : i32
    %swap3A_159 = arith.index_cast %swap3A_158 : i32 to index
    %swap3A_160 = arith.constant 48 : index
    %swap3A_161 = tpu.vector_load %arg15[%swap3A_159, %swap3A_160] {strides = array<i32>} : memref<16x64xf32, #tpu.memory_space<vmem>>, vector<16xf32>,
    tpu.vector_store %arg15[%swap3A_159, %swap3A_160], %broadcast_in_dim3A_2 {strides = array<i32>} : memref<16x64xf32, #tpu.memory_space<vmem>>, vector<16xf32>,
    %swap3A_162 = arith.constant 10 : i32
    %swap3A_163 = arith.index_cast %swap3A_162 : i32 to index
    %swap3A_164 = arith.constant 0 : index
    %swap3A_165 = tpu.vector_load %arg15[%swap3A_163, %swap3A_164] {strides = array<i32>} : memref<16x64xf32, #tpu.memory_space<vmem>>, vector<16xf32>,
    tpu.vector_store %arg15[%swap3A_163, %swap3A_164], %broadcast_in_dim3A_2 {strides = array<i32>} : memref<16x64xf32, #tpu.memory_space<vmem>>, vector<16xf32>,
    %swap3A_166 = arith.constant 10 : i32
    %swap3A_167 = arith.index_cast %swap3A_166 : i32 to index
    %swap3A_168 = arith.constant 16 : index
    %swap3A_169 = tpu.vector_load %arg15[%swap3A_167, %swap3A_168] {strides = array<i32>} : memref<16x64xf32, #tpu.memory_space<vmem>>, vector<16xf32>,
    tpu.vector_store %arg15[%swap3A_167, %swap3A_168], %broadcast_in_dim3A_2 {strides = array<i32>} : memref<16x64xf32, #tpu.memory_space<vmem>>, vector<16xf32>,
    %swap3A_170 = arith.constant 10 : i32
    %swap3A_171 = arith.index_cast %swap3A_170 : i32 to index
    %swap3A_172 = arith.constant 32 : index
    %swap3A_173 = tpu.vector_load %arg15[%swap3A_171, %swap3A_172] {strides = array<i32>} : memref<16x64xf32, #tpu.memory_space<vmem>>, vector<16xf32>,
    tpu.vector_store %arg15[%swap3A_171, %swap3A_172], %broadcast_in_dim3A_2 {strides = array<i32>} : memref<16x64xf32, #tpu.memory_space<vmem>>, vector<16xf32>,
    %swap3A_174 = arith.constant 10 : i32
    %swap3A_175 = arith.index_cast %swap3A_174 : i32 to index
    %swap3A_176 = arith.constant 48 : index
    %swap3A_177 = tpu.vector_load %arg15[%swap3A_175, %swap3A_176] {strides = array<i32>} : memref<16x64xf32, #tpu.memory_space<vmem>>, vector<16xf32>,
    tpu.vector_store %arg15[%swap3A_175, %swap3A_176], %broadcast_in_dim3A_2 {strides = array<i32>} : memref<16x64xf32, #tpu.memory_space<vmem>>, vector<16xf32>,
    %swap3A_178 = arith.constant 11 : i32
    %swap3A_179 = arith.index_cast %swap3A_178 : i32 to index
    %swap3A_180 = arith.constant 0 : index
    %swap3A_181 = tpu.vector_load %arg15[%swap3A_179, %swap3A_180] {strides = array<i32>} : memref<16x64xf32, #tpu.memory_space<vmem>>, vector<16xf32>,
    tpu.vector_store %arg15[%swap3A_179, %swap3A_180], %broadcast_in_dim3A_2 {strides = array<i32>} : memref<16x64xf32, #tpu.memory_space<vmem>>, vector<16xf32>,
    %swap3A_182 = arith.constant 11 : i32
    %swap3A_183 = arith.index_cast %swap3A_182 : i32 to index
    %swap3A_184 = arith.constant 16 : index
    %swap3A_185 = tpu.vector_load %arg15[%swap3A_183, %swap3A_184] {strides = array<i32>} : memref<16x64xf32, #tpu.memory_space<vmem>>, vector<16xf32>,
    tpu.vector_store %arg15[%swap3A_183, %swap3A_184], %broadcast_in_dim3A_2 {strides = array<i32>} : memref<16x64xf32, #tpu.memory_space<vmem>>, vector<16xf32>,
    %swap3A_186 = arith.constant 11 : i32
    %swap3A_187 = arith.index_cast %swap3A_186 : i32 to index
    %swap3A_188 = arith.constant 32 : index
    %swap3A_189 = tpu.vector_load %arg15[%swap3A_187, %swap3A_188] {strides = array<i32>} : memref<16x64xf32, #tpu.memory_space<vmem>>, vector<16xf32>,
    tpu.vector_store %arg15[%swap3A_187, %swap3A_188], %broadcast_in_dim3A_2 {strides = array<i32>} : memref<16x64xf32, #tpu.memory_space<vmem>>, vector<16xf32>,
    %swap3A_190 = arith.constant 11 : i32
    %swap3A_191 = arith.index_cast %swap3A_190 : i32 to index
    %swap3A_192 = arith.constant 48 : index
    %swap3A_193 = tpu.vector_load %arg15[%swap3A_191, %swap3A_192] {strides = array<i32>} : memref<16x64xf32, #tpu.memory_space<vmem>>, vector<16xf32>,
    tpu.vector_store %arg15[%swap3A_191, %swap3A_192], %broadcast_in_dim3A_2 {strides = array<i32>} : memref<16x64xf32, #tpu.memory_space<vmem>>, vector<16xf32>,
    %swap3A_194 = arith.constant 12 : i32
    %swap3A_195 = arith.index_cast %swap3A_194 : i32 to index
    %swap3A_196 = arith.constant 0 : index
    %swap3A_197 = tpu.vector_load %arg15[%swap3A_195, %swap3A_196] {strides = array<i32>} : memref<16x64xf32, #tpu.memory_space<vmem>>, vector<16xf32>,
    tpu.vector_store %arg15[%swap3A_195, %swap3A_196], %broadcast_in_dim3A_2 {strides = array<i32>} : memref<16x64xf32, #tpu.memory_space<vmem>>, vector<16xf32>,
    %swap3A_198 = arith.constant 12 : i32
    %swap3A_199 = arith.index_cast %swap3A_198 : i32 to index
    %swap3A_200 = arith.constant 16 : index
    %swap3A_201 = tpu.vector_load %arg15[%swap3A_199, %swap3A_200] {strides = array<i32>} : memref<16x64xf32, #tpu.memory_space<vmem>>, vector<16xf32>,
    tpu.vector_store %arg15[%swap3A_199, %swap3A_200], %broadcast_in_dim3A_2 {strides = array<i32>} : memref<16x64xf32, #tpu.memory_space<vmem>>, vector<16xf32>,
    %swap3A_202 = arith.constant 12 : i32
    %swap3A_203 = arith.index_cast %swap3A_202 : i32 to index
    %swap3A_204 = arith.constant 32 : index
    %swap3A_205 = tpu.vector_load %arg15[%swap3A_203, %swap3A_204] {strides = array<i32>} : memref<16x64xf32, #tpu.memory_space<vmem>>, vector<16xf32>,
    tpu.vector_store %arg15[%swap3A_203, %swap3A_204], %broadcast_in_dim3A_2 {strides = array<i32>} : memref<16x64xf32, #tpu.memory_space<vmem>>, vector<16xf32>,
    %swap3A_206 = arith.constant 12 : i32
    %swap3A_207 = arith.index_cast %swap3A_206 : i32 to index
    %swap3A_208 = arith.constant 48 : index
    %swap3A_209 = tpu.vector_load %arg15[%swap3A_207, %swap3A_208] {strides = array<i32>} : memref<16x64xf32, #tpu.memory_space<vmem>>, vector<16xf32>,
    tpu.vector_store %arg15[%swap3A_207, %swap3A_208], %broadcast_in_dim3A_2 {strides = array<i32>} : memref<16x64xf32, #tpu.memory_space<vmem>>, vector<16xf32>,
    %swap3A_210 = arith.constant 13 : i32
    %swap3A_211 = arith.index_cast %swap3A_210 : i32 to index
    %swap3A_212 = arith.constant 0 : index
    %swap3A_213 = tpu.vector_load %arg15[%swap3A_211, %swap3A_212] {strides = array<i32>} : memref<16x64xf32, #tpu.memory_space<vmem>>, vector<16xf32>,
    tpu.vector_store %arg15[%swap3A_211, %swap3A_212], %broadcast_in_dim3A_2 {strides = array<i32>} : memref<16x64xf32, #tpu.memory_space<vmem>>, vector<16xf32>,
    %swap3A_214 = arith.constant 13 : i32
    %swap3A_215 = arith.index_cast %swap3A_214 : i32 to index
    %swap3A_216 = arith.constant 16 : index
    %swap3A_217 = tpu.vector_load %arg15[%swap3A_215, %swap3A_216] {strides = array<i32>} : memref<16x64xf32, #tpu.memory_space<vmem>>, vector<16xf32>,
    tpu.vector_store %arg15[%swap3A_215, %swap3A_216], %broadcast_in_dim3A_2 {strides = array<i32>} : memref<16x64xf32, #tpu.memory_space<vmem>>, vector<16xf32>,
    %swap3A_218 = arith.constant 13 : i32
    %swap3A_219 = arith.index_cast %swap3A_218 : i32 to index
    %swap3A_220 = arith.constant 32 : index
    %swap3A_221 = tpu.vector_load %arg15[%swap3A_219, %swap3A_220] {strides = array<i32>} : memref<16x64xf32, #tpu.memory_space<vmem>>, vector<16xf32>,
    tpu.vector_store %arg15[%swap3A_219, %swap3A_220], %broadcast_in_dim3A_2 {strides = array<i32>} : memref<16x64xf32, #tpu.memory_space<vmem>>, vector<16xf32>,
    %swap3A_222 = arith.constant 13 : i32
    %swap3A_223 = arith.index_cast %swap3A_222 : i32 to index
    %swap3A_224 = arith.constant 48 : index
    %swap3A_225 = tpu.vector_load %arg15[%swap3A_223, %swap3A_224] {strides = array<i32>} : memref<16x64xf32, #tpu.memory_space<vmem>>, vector<16xf32>,
    tpu.vector_store %arg15[%swap3A_223, %swap3A_224], %broadcast_in_dim3A_2 {strides = array<i32>} : memref<16x64xf32, #tpu.memory_space<vmem>>, vector<16xf32>,
    %swap3A_226 = arith.constant 14 : i32
    %swap3A_227 = arith.index_cast %swap3A_226 : i32 to index
    %swap3A_228 = arith.constant 0 : index
    %swap3A_229 = tpu.vector_load %arg15[%swap3A_227, %swap3A_228] {strides = array<i32>} : memref<16x64xf32, #tpu.memory_space<vmem>>, vector<16xf32>,
    tpu.vector_store %arg15[%swap3A_227, %swap3A_228], %broadcast_in_dim3A_2 {strides = array<i32>} : memref<16x64xf32, #tpu.memory_space<vmem>>, vector<16xf32>,
    %swap3A_230 = arith.constant 14 : i32
    %swap3A_231 = arith.index_cast %swap3A_230 : i32 to index
    %swap3A_232 = arith.constant 16 : index
    %swap3A_233 = tpu.vector_load %arg15[%swap3A_231, %swap3A_232] {strides = array<i32>} : memref<16x64xf32, #tpu.memory_space<vmem>>, vector<16xf32>,
    tpu.vector_store %arg15[%swap3A_231, %swap3A_232], %broadcast_in_dim3A_2 {strides = array<i32>} : memref<16x64xf32, #tpu.memory_space<vmem>>, vector<16xf32>,
    %swap3A_234 = arith.constant 14 : i32
    %swap3A_235 = arith.index_cast %swap3A_234 : i32 to index
    %swap3A_236 = arith.constant 32 : index
    %swap3A_237 = tpu.vector_load %arg15[%swap3A_235, %swap3A_236] {strides = array<i32>} : memref<16x64xf32, #tpu.memory_space<vmem>>, vector<16xf32>,
    tpu.vector_store %arg15[%swap3A_235, %swap3A_236], %broadcast_in_dim3A_2 {strides = array<i32>} : memref<16x64xf32, #tpu.memory_space<vmem>>, vector<16xf32>,
    %swap3A_238 = arith.constant 14 : i32
    %swap3A_239 = arith.index_cast %swap3A_238 : i32 to index
    %swap3A_240 = arith.constant 48 : index
    %swap3A_241 = tpu.vector_load %arg15[%swap3A_239, %swap3A_240] {strides = array<i32>} : memref<16x64xf32, #tpu.memory_space<vmem>>, vector<16xf32>,
    tpu.vector_store %arg15[%swap3A_239, %swap3A_240], %broadcast_in_dim3A_2 {strides = array<i32>} : memref<16x64xf32, #tpu.memory_space<vmem>>, vector<16xf32>,
    %swap3A_242 = arith.constant 15 : i32
    %swap3A_243 = arith.index_cast %swap3A_242 : i32 to index
    %swap3A_244 = arith.constant 0 : index
    %swap3A_245 = tpu.vector_load %arg15[%swap3A_243, %swap3A_244] {strides = array<i32>} : memref<16x64xf32, #tpu.memory_space<vmem>>, vector<16xf32>,
    tpu.vector_store %arg15[%swap3A_243, %swap3A_244], %broadcast_in_dim3A_2 {strides = array<i32>} : memref<16x64xf32, #tpu.memory_space<vmem>>, vector<16xf32>,
    %swap3A_246 = arith.constant 15 : i32
    %swap3A_247 = arith.index_cast %swap3A_246 : i32 to index
    %swap3A_248 = arith.constant 16 : index
    %swap3A_249 = tpu.vector_load %arg15[%swap3A_247, %swap3A_248] {strides = array<i32>} : memref<16x64xf32, #tpu.memory_space<vmem>>, vector<16xf32>,
    tpu.vector_store %arg15[%swap3A_247, %swap3A_248], %broadcast_in_dim3A_2 {strides = array<i32>} : memref<16x64xf32, #tpu.memory_space<vmem>>, vector<16xf32>,
    %swap3A_250 = arith.constant 15 : i32
    %swap3A_251 = arith.index_cast %swap3A_250 : i32 to index
    %swap3A_252 = arith.constant 32 : index
    %swap3A_253 = tpu.vector_load %arg15[%swap3A_251, %swap3A_252] {strides = array<i32>} : memref<16x64xf32, #tpu.memory_space<vmem>>, vector<16xf32>,
    tpu.vector_store %arg15[%swap3A_251, %swap3A_252], %broadcast_in_dim3A_2 {strides = array<i32>} : memref<16x64xf32, #tpu.memory_space<vmem>>, vector<16xf32>,
    %swap3A_254 = arith.constant 15 : i32
    %swap3A_255 = arith.index_cast %swap3A_254 : i32 to index
    %swap3A_256 = arith.constant 48 : index
    %swap3A_257 = tpu.vector_load %arg15[%swap3A_255, %swap3A_256] {strides = array<i32>} : memref<16x64xf32, #tpu.memory_space<vmem>>, vector<16xf32>,
    tpu.vector_store %arg15[%swap3A_255, %swap3A_256], %broadcast_in_dim3A_2 {strides = array<i32>} : memref<16x64xf32, #tpu.memory_space<vmem>>, vector<16xf32>,
    %swap3A_258 = arith.constant 0 : index
    %swap3A_259 = tpu.vector_load %arg16[%swap3A_258] {strides = array<i32>} : memref<128xf32, #tpu.memory_space<vmem>>, vector<16xf32>,
    tpu.vector_store %arg16[%swap3A_258], %broadcast_in_dim3A_2 {strides = array<i32>} : memref<128xf32, #tpu.memory_space<vmem>>, vector<16xf32>,
    %swap3A_260 = arith.constant 16 : index
    %swap3A_261 = tpu.vector_load %arg16[%swap3A_260] {strides = array<i32>} : memref<128xf32, #tpu.memory_space<vmem>>, vector<16xf32>,
    tpu.vector_store %arg16[%swap3A_260], %broadcast_in_dim3A_2 {strides = array<i32>} : memref<128xf32, #tpu.memory_space<vmem>>, vector<16xf32>,
    %swap3A_262 = arith.constant 32 : index
    %swap3A_263 = tpu.vector_load %arg16[%swap3A_262] {strides = array<i32>} : memref<128xf32, #tpu.memory_space<vmem>>, vector<16xf32>,
    tpu.vector_store %arg16[%swap3A_262], %broadcast_in_dim3A_2 {strides = array<i32>} : memref<128xf32, #tpu.memory_space<vmem>>, vector<16xf32>,
    %swap3A_264 = arith.constant 48 : index
    %swap3A_265 = tpu.vector_load %arg16[%swap3A_264] {strides = array<i32>} : memref<128xf32, #tpu.memory_space<vmem>>, vector<16xf32>,
    tpu.vector_store %arg16[%swap3A_264], %broadcast_in_dim3A_2 {strides = array<i32>} : memref<128xf32, #tpu.memory_space<vmem>>, vector<16xf32>,
    %swap3A_266 = arith.constant 64 : index
    %swap3A_267 = tpu.vector_load %arg16[%swap3A_266] {strides = array<i32>} : memref<128xf32, #tpu.memory_space<vmem>>, vector<16xf32>,
    tpu.vector_store %arg16[%swap3A_266], %broadcast_in_dim3A_2 {strides = array<i32>} : memref<128xf32, #tpu.memory_space<vmem>>, vector<16xf32>,
    %swap3A_268 = arith.constant 80 : index
    %swap3A_269 = tpu.vector_load %arg16[%swap3A_268] {strides = array<i32>} : memref<128xf32, #tpu.memory_space<vmem>>, vector<16xf32>,
    tpu.vector_store %arg16[%swap3A_268], %broadcast_in_dim3A_2 {strides = array<i32>} : memref<128xf32, #tpu.memory_space<vmem>>, vector<16xf32>,
    %swap3A_270 = arith.constant 96 : index
    %swap3A_271 = tpu.vector_load %arg16[%swap3A_270] {strides = array<i32>} : memref<128xf32, #tpu.memory_space<vmem>>, vector<16xf32>,
    tpu.vector_store %arg16[%swap3A_270], %broadcast_in_dim3A_2 {strides = array<i32>} : memref<128xf32, #tpu.memory_space<vmem>>, vector<16xf32>,
    %swap3A_272 = arith.constant 112 : index
    %swap3A_273 = tpu.vector_load %arg16[%swap3A_272] {strides = array<i32>} : memref<128xf32, #tpu.memory_space<vmem>>, vector<16xf32>,
    tpu.vector_store %arg16[%swap3A_272], %broadcast_in_dim3A_2 {strides = array<i32>} : memref<128xf32, #tpu.memory_space<vmem>>, vector<16xf32>,
    %mul3A_274 = arith.constant 640 : i32
    %mul3A_275 = arith.muli %arg1, %mul3A_274 : i32
    %scan3A = arith.constant 0 : i32
    %scan3A_276 = arith.constant 0 : i32
    %scan3A_277 = arith.constant 40 : i32
    %scan3A_278 = arith.addi %scan3A_276, %scan3A_277 : i32
    %scan3A_279 = arith.constant 1 : i32
    scf.for %scan3A_298 = %scan3A_276 to %scan3A_278 step %scan3A_279  : i32 {
      %mul3A_299 = arith.constant 16 : i32
      %mul3A_300 = arith.muli %scan3A_298, %mul3A_299 : i32
      %add3A_301 = arith.addi %mul3A_275, %mul3A_300 : i32
      "tpu.region"() ({
        %run_scoped3A_302 = tpu.sem_alloc : memref<!tpu.dma_semaphore, #tpu.memory_space<semaphore_mem>>
        %dma_start3A = arith.constant 0 : i32
        %dma_start3A_303 = tpu.memref_slice %arg17[%add3A_301, %dma_start3A] : memref<10240x64xf32, #tpu.memory_space<vmem_shared>> -> memref<16x64xf32, #tpu.memory_space<vmem_shared>>
        %dma_start3A_304 = arith.constant 0 : i32
        %dma_start3A_305 = tpu.memref_slice %arg17[%add3A_301, %dma_start3A_304] : memref<10240x64xf32, #tpu.memory_space<vmem_shared>> -> memref<16x64xf32, #tpu.memory_space<vmem_shared>>
        tpu.enqueue_dma source(%arg15 : memref<16x64xf32, #tpu.memory_space<vmem>>) target(%dma_start3A_305 : memref<16x64xf32, #tpu.memory_space<vmem_shared>>) target_semaphore(%run_scoped3A_302 : memref<!tpu.dma_semaphore, #tpu.memory_space<semaphore_mem>>)
        %dma_wait3A = arith.constant 0 : i32
        %dma_wait3A_306 = tpu.memref_slice %arg17[%add3A_301, %dma_wait3A] : memref<10240x64xf32, #tpu.memory_space<vmem_shared>> -> memref<16x64xf32, #tpu.memory_space<vmem_shared>>
        %dma_wait3A_307 = arith.constant 0 : i32
        %dma_wait3A_308 = tpu.memref_slice %arg17[%add3A_301, %dma_wait3A_307] : memref<10240x64xf32, #tpu.memory_space<vmem_shared>> -> memref<16x64xf32, #tpu.memory_space<vmem_shared>>
        tpu.wait_dma2 semaphore(%run_scoped3A_302 : memref<!tpu.dma_semaphore, #tpu.memory_space<semaphore_mem>>) src(%arg15 : memref<16x64xf32, #tpu.memory_space<vmem>>) dst(%dma_wait3A_308 : memref<16x64xf32, #tpu.memory_space<vmem_shared>>)
        tpu.yield
      }) : () -> ()
    }
    %scan3A_280 = arith.constant 40 : i32
    %add3A_281 = arith.constant 0 : i32
    %add3A_282 = arith.addi %mul3A_275, %add3A_281 : i32
    "tpu.region"() ({
      %run_scoped3A_298 = tpu.sem_alloc : memref<!tpu.dma_semaphore, #tpu.memory_space<semaphore_mem>>
      %dma_start3A = tpu.memref_slice %arg18[%add3A_282] : memref<10240xf32, #tpu.memory_space<vmem_shared>> -> memref<128xf32, #tpu.memory_space<vmem_shared>>
      %dma_start3A_299 = tpu.memref_slice %arg18[%add3A_282] : memref<10240xf32, #tpu.memory_space<vmem_shared>> -> memref<128xf32, #tpu.memory_space<vmem_shared>>
      tpu.enqueue_dma source(%arg16 : memref<128xf32, #tpu.memory_space<vmem>>) target(%dma_start3A_299 : memref<128xf32, #tpu.memory_space<vmem_shared>>) target_semaphore(%run_scoped3A_298 : memref<!tpu.dma_semaphore, #tpu.memory_space<semaphore_mem>>)
      %dma_wait3A = tpu.memref_slice %arg18[%add3A_282] : memref<10240xf32, #tpu.memory_space<vmem_shared>> -> memref<128xf32, #tpu.memory_space<vmem_shared>>
      %dma_wait3A_300 = tpu.memref_slice %arg18[%add3A_282] : memref<10240xf32, #tpu.memory_space<vmem_shared>> -> memref<128xf32, #tpu.memory_space<vmem_shared>>
      tpu.wait_dma2 semaphore(%run_scoped3A_298 : memref<!tpu.dma_semaphore, #tpu.memory_space<semaphore_mem>>) src(%arg16 : memref<128xf32, #tpu.memory_space<vmem>>) dst(%dma_wait3A_300 : memref<128xf32, #tpu.memory_space<vmem_shared>>)
      tpu.yield
    }) : () -> ()
    %add3A_283 = arith.constant 128 : i32
    %add3A_284 = arith.addi %mul3A_275, %add3A_283 : i32
    "tpu.region"() ({
      %run_scoped3A_298 = tpu.sem_alloc : memref<!tpu.dma_semaphore, #tpu.memory_space<semaphore_mem>>
      %dma_start3A = tpu.memref_slice %arg18[%add3A_284] : memref<10240xf32, #tpu.memory_space<vmem_shared>> -> memref<128xf32, #tpu.memory_space<vmem_shared>>
      %dma_start3A_299 = tpu.memref_slice %arg18[%add3A_284] : memref<10240xf32, #tpu.memory_space<vmem_shared>> -> memref<128xf32, #tpu.memory_space<vmem_shared>>
      tpu.enqueue_dma source(%arg16 : memref<128xf32, #tpu.memory_space<vmem>>) target(%dma_start3A_299 : memref<128xf32, #tpu.memory_space<vmem_shared>>) target_semaphore(%run_scoped3A_298 : memref<!tpu.dma_semaphore, #tpu.memory_space<semaphore_mem>>)
      %dma_wait3A = tpu.memref_slice %arg18[%add3A_284] : memref<10240xf32, #tpu.memory_space<vmem_shared>> -> memref<128xf32, #tpu.memory_space<vmem_shared>>
      %dma_wait3A_300 = tpu.memref_slice %arg18[%add3A_284] : memref<10240xf32, #tpu.memory_space<vmem_shared>> -> memref<128xf32, #tpu.memory_space<vmem_shared>>
      tpu.wait_dma2 semaphore(%run_scoped3A_298 : memref<!tpu.dma_semaphore, #tpu.memory_space<semaphore_mem>>) src(%arg16 : memref<128xf32, #tpu.memory_space<vmem>>) dst(%dma_wait3A_300 : memref<128xf32, #tpu.memory_space<vmem_shared>>)
      tpu.yield
    }) : () -> ()
    %add3A_285 = arith.constant 256 : i32
    %add3A_286 = arith.addi %mul3A_275, %add3A_285 : i32
    "tpu.region"() ({
      %run_scoped3A_298 = tpu.sem_alloc : memref<!tpu.dma_semaphore, #tpu.memory_space<semaphore_mem>>
      %dma_start3A = tpu.memref_slice %arg18[%add3A_286] : memref<10240xf32, #tpu.memory_space<vmem_shared>> -> memref<128xf32, #tpu.memory_space<vmem_shared>>
      %dma_start3A_299 = tpu.memref_slice %arg18[%add3A_286] : memref<10240xf32, #tpu.memory_space<vmem_shared>> -> memref<128xf32, #tpu.memory_space<vmem_shared>>
      tpu.enqueue_dma source(%arg16 : memref<128xf32, #tpu.memory_space<vmem>>) target(%dma_start3A_299 : memref<128xf32, #tpu.memory_space<vmem_shared>>) target_semaphore(%run_scoped3A_298 : memref<!tpu.dma_semaphore, #tpu.memory_space<semaphore_mem>>)
      %dma_wait3A = tpu.memref_slice %arg18[%add3A_286] : memref<10240xf32, #tpu.memory_space<vmem_shared>> -> memref<128xf32, #tpu.memory_space<vmem_shared>>
      %dma_wait3A_300 = tpu.memref_slice %arg18[%add3A_286] : memref<10240xf32, #tpu.memory_space<vmem_shared>> -> memref<128xf32, #tpu.memory_space<vmem_shared>>
      tpu.wait_dma2 semaphore(%run_scoped3A_298 : memref<!tpu.dma_semaphore, #tpu.memory_space<semaphore_mem>>) src(%arg16 : memref<128xf32, #tpu.memory_space<vmem>>) dst(%dma_wait3A_300 : memref<128xf32, #tpu.memory_space<vmem_shared>>)
      tpu.yield
    }) : () -> ()
    %add3A_287 = arith.constant 384 : i32
    %add3A_288 = arith.addi %mul3A_275, %add3A_287 : i32
    "tpu.region"() ({
      %run_scoped3A_298 = tpu.sem_alloc : memref<!tpu.dma_semaphore, #tpu.memory_space<semaphore_mem>>
      %dma_start3A = tpu.memref_slice %arg18[%add3A_288] : memref<10240xf32, #tpu.memory_space<vmem_shared>> -> memref<128xf32, #tpu.memory_space<vmem_shared>>
      %dma_start3A_299 = tpu.memref_slice %arg18[%add3A_288] : memref<10240xf32, #tpu.memory_space<vmem_shared>> -> memref<128xf32, #tpu.memory_space<vmem_shared>>
      tpu.enqueue_dma source(%arg16 : memref<128xf32, #tpu.memory_space<vmem>>) target(%dma_start3A_299 : memref<128xf32, #tpu.memory_space<vmem_shared>>) target_semaphore(%run_scoped3A_298 : memref<!tpu.dma_semaphore, #tpu.memory_space<semaphore_mem>>)
      %dma_wait3A = tpu.memref_slice %arg18[%add3A_288] : memref<10240xf32, #tpu.memory_space<vmem_shared>> -> memref<128xf32, #tpu.memory_space<vmem_shared>>
      %dma_wait3A_300 = tpu.memref_slice %arg18[%add3A_288] : memref<10240xf32, #tpu.memory_space<vmem_shared>> -> memref<128xf32, #tpu.memory_space<vmem_shared>>
      tpu.wait_dma2 semaphore(%run_scoped3A_298 : memref<!tpu.dma_semaphore, #tpu.memory_space<semaphore_mem>>) src(%arg16 : memref<128xf32, #tpu.memory_space<vmem>>) dst(%dma_wait3A_300 : memref<128xf32, #tpu.memory_space<vmem_shared>>)
      tpu.yield
    }) : () -> ()
    %add3A_289 = arith.constant 512 : i32
    %add3A_290 = arith.addi %mul3A_275, %add3A_289 : i32
    "tpu.region"() ({
      %run_scoped3A_298 = tpu.sem_alloc : memref<!tpu.dma_semaphore, #tpu.memory_space<semaphore_mem>>
      %dma_start3A = tpu.memref_slice %arg18[%add3A_290] : memref<10240xf32, #tpu.memory_space<vmem_shared>> -> memref<128xf32, #tpu.memory_space<vmem_shared>>
      %dma_start3A_299 = tpu.memref_slice %arg18[%add3A_290] : memref<10240xf32, #tpu.memory_space<vmem_shared>> -> memref<128xf32, #tpu.memory_space<vmem_shared>>
      tpu.enqueue_dma source(%arg16 : memref<128xf32, #tpu.memory_space<vmem>>) target(%dma_start3A_299 : memref<128xf32, #tpu.memory_space<vmem_shared>>) target_semaphore(%run_scoped3A_298 : memref<!tpu.dma_semaphore, #tpu.memory_space<semaphore_mem>>)
      %dma_wait3A = tpu.memref_slice %arg18[%add3A_290] : memref<10240xf32, #tpu.memory_space<vmem_shared>> -> memref<128xf32, #tpu.memory_space<vmem_shared>>
      %dma_wait3A_300 = tpu.memref_slice %arg18[%add3A_290] : memref<10240xf32, #tpu.memory_space<vmem_shared>> -> memref<128xf32, #tpu.memory_space<vmem_shared>>
      tpu.wait_dma2 semaphore(%run_scoped3A_298 : memref<!tpu.dma_semaphore, #tpu.memory_space<semaphore_mem>>) src(%arg16 : memref<128xf32, #tpu.memory_space<vmem>>) dst(%dma_wait3A_300 : memref<128xf32, #tpu.memory_space<vmem_shared>>)
      tpu.yield
    }) : () -> ()
    %barrier3A = arith.constant 0 : index
    tpu.barrier barrier_id(%barrier3A)
    %iota3A = tpu.iota {dimensions = array<i32: 0>} : vector<16xi32>
    %scan3A_291 = arith.constant 0 : i32
    %scan3A_292 = arith.constant 0 : i32
    %scan3A_293 = arith.constant 81 : i32
    %scan3A_294 = arith.addi %scan3A_292, %scan3A_293 : i32
    %scan3A_295 = arith.constant 1 : i32
    scf.for %scan3A_298 = %scan3A_292 to %scan3A_294 step %scan3A_295  : i32 {
      %mul3A_299 = arith.constant 81 : i32
      %mul3A_300 = arith.muli %add3A, %mul3A_299 : i32
      %add3A_301 = arith.addi %mul3A_300, %scan3A_298 : i32
      "tpu.region"() ({
        %run_scoped3A_523 = tpu.sem_alloc : memref<!tpu.dma_semaphore, #tpu.memory_space<semaphore_mem>>
        %dma_start3A_524 = arith.constant 0 : i32
        %dma_start3A_525 = tpu.memref_slice %arg2[%add3A_301, %dma_start3A_524] : memref<2592x128xi32, #tpu.memory_space<hbm>> -> memref<1x128xi32, #tpu.memory_space<hbm>>
        %dma_start3A_526 = tpu.memref_squeeze %dma_start3A_525 : memref<1x128xi32, #tpu.memory_space<hbm>> -> memref<128xi32, #tpu.memory_space<hbm>>
        %dma_start3A_527 = arith.constant 0 : i32
        %dma_start3A_528 = tpu.memref_slice %arg2[%add3A_301, %dma_start3A_527] : memref<2592x128xi32, #tpu.memory_space<hbm>> -> memref<1x128xi32, #tpu.memory_space<hbm>>
        %dma_start3A_529 = tpu.memref_squeeze %dma_start3A_528 : memref<1x128xi32, #tpu.memory_space<hbm>> -> memref<128xi32, #tpu.memory_space<hbm>>
        tpu.enqueue_dma source(%dma_start3A_529 : memref<128xi32, #tpu.memory_space<hbm>>) target(%arg10 : memref<128xi32, #tpu.memory_space<vmem>>) target_semaphore(%run_scoped3A_523 : memref<!tpu.dma_semaphore, #tpu.memory_space<semaphore_mem>>)
        %dma_wait3A_530 = arith.constant 0 : i32
        %dma_wait3A_531 = tpu.memref_slice %arg2[%add3A_301, %dma_wait3A_530] : memref<2592x128xi32, #tpu.memory_space<hbm>> -> memref<1x128xi32, #tpu.memory_space<hbm>>
        %dma_wait3A_532 = tpu.memref_squeeze %dma_wait3A_531 : memref<1x128xi32, #tpu.memory_space<hbm>> -> memref<128xi32, #tpu.memory_space<hbm>>
        %dma_wait3A_533 = arith.constant 0 : i32
        %dma_wait3A_534 = tpu.memref_slice %arg2[%add3A_301, %dma_wait3A_533] : memref<2592x128xi32, #tpu.memory_space<hbm>> -> memref<1x128xi32, #tpu.memory_space<hbm>>
        %dma_wait3A_535 = tpu.memref_squeeze %dma_wait3A_534 : memref<1x128xi32, #tpu.memory_space<hbm>> -> memref<128xi32, #tpu.memory_space<hbm>>
        tpu.wait_dma2 semaphore(%run_scoped3A_523 : memref<!tpu.dma_semaphore, #tpu.memory_space<semaphore_mem>>) src(%dma_wait3A_535 : memref<128xi32, #tpu.memory_space<hbm>>) dst(%arg10 : memref<128xi32, #tpu.memory_space<vmem>>)
        tpu.yield
      }) : () -> ()
      "tpu.region"() ({
        %run_scoped3A_523 = tpu.sem_alloc : memref<!tpu.dma_semaphore, #tpu.memory_space<semaphore_mem>>
        %dma_start3A_524 = arith.constant 0 : i32
        %dma_start3A_525 = tpu.memref_slice %arg3[%add3A_301, %dma_start3A_524] : memref<2592x128xi32, #tpu.memory_space<hbm>> -> memref<1x128xi32, #tpu.memory_space<hbm>>
        %dma_start3A_526 = tpu.memref_squeeze %dma_start3A_525 : memref<1x128xi32, #tpu.memory_space<hbm>> -> memref<128xi32, #tpu.memory_space<hbm>>
        %dma_start3A_527 = arith.constant 0 : i32
        %dma_start3A_528 = tpu.memref_slice %arg3[%add3A_301, %dma_start3A_527] : memref<2592x128xi32, #tpu.memory_space<hbm>> -> memref<1x128xi32, #tpu.memory_space<hbm>>
        %dma_start3A_529 = tpu.memref_squeeze %dma_start3A_528 : memref<1x128xi32, #tpu.memory_space<hbm>> -> memref<128xi32, #tpu.memory_space<hbm>>
        tpu.enqueue_dma source(%dma_start3A_529 : memref<128xi32, #tpu.memory_space<hbm>>) target(%arg11 : memref<128xi32, #tpu.memory_space<vmem>>) target_semaphore(%run_scoped3A_523 : memref<!tpu.dma_semaphore, #tpu.memory_space<semaphore_mem>>)
        %dma_wait3A_530 = arith.constant 0 : i32
        %dma_wait3A_531 = tpu.memref_slice %arg3[%add3A_301, %dma_wait3A_530] : memref<2592x128xi32, #tpu.memory_space<hbm>> -> memref<1x128xi32, #tpu.memory_space<hbm>>
        %dma_wait3A_532 = tpu.memref_squeeze %dma_wait3A_531 : memref<1x128xi32, #tpu.memory_space<hbm>> -> memref<128xi32, #tpu.memory_space<hbm>>
        %dma_wait3A_533 = arith.constant 0 : i32
        %dma_wait3A_534 = tpu.memref_slice %arg3[%add3A_301, %dma_wait3A_533] : memref<2592x128xi32, #tpu.memory_space<hbm>> -> memref<1x128xi32, #tpu.memory_space<hbm>>
        %dma_wait3A_535 = tpu.memref_squeeze %dma_wait3A_534 : memref<1x128xi32, #tpu.memory_space<hbm>> -> memref<128xi32, #tpu.memory_space<hbm>>
        tpu.wait_dma2 semaphore(%run_scoped3A_523 : memref<!tpu.dma_semaphore, #tpu.memory_space<semaphore_mem>>) src(%dma_wait3A_535 : memref<128xi32, #tpu.memory_space<hbm>>) dst(%arg11 : memref<128xi32, #tpu.memory_space<vmem>>)
        tpu.yield
      }) : () -> ()
      %dma_start3A = arith.constant 0 : i32
      %dma_start3A_302 = arith.constant 0 : i32
      %dma_start3A_303 = tpu.memref_slice %arg5[%dma_start3A, %dma_start3A_302] : memref<10000x64xf32, #tpu.memory_space<hbm>> -> memref<10000x64xf32, #tpu.memory_space<hbm>>
      tpu.enqueue_indirect_dma source(%dma_start3A_303 : memref<10000x64xf32, #tpu.memory_space<hbm>>) target(%arg12 : memref<128x64xf32, #tpu.memory_space<vmem>>) offsets(%arg10 : memref<128xi32, #tpu.memory_space<vmem>>) semaphore(%arg19 : memref<!tpu.dma_semaphore, #tpu.memory_space<semaphore_mem>>)
      %dma_wait3A = arith.constant 0 : i32
      %dma_wait3A_304 = arith.constant 0 : i32
      %dma_wait3A_305 = tpu.memref_slice %arg5[%dma_wait3A, %dma_wait3A_304] : memref<10000x64xf32, #tpu.memory_space<hbm>> -> memref<10000x64xf32, #tpu.memory_space<hbm>>
      tpu.wait_indirect_dma semaphore(%arg19 : memref<!tpu.dma_semaphore, #tpu.memory_space<semaphore_mem>>) src(%dma_wait3A_305 : memref<10000x64xf32, #tpu.memory_space<hbm>>) dst(%arg12 : memref<128x64xf32, #tpu.memory_space<vmem>>)
      %mul3A_306 = arith.constant 128 : i32
      %mul3A_307 = arith.muli %add3A_301, %mul3A_306 : i32
      %get3A = arith.constant 0 : index
      %get3A_308 = tpu.vector_load %arg10[%get3A] {strides = array<i32>} : memref<128xi32, #tpu.memory_space<vmem>>, vector<16xi32>,
      %get3A_309 = arith.constant 0 : index
      %get3A_310 = tpu.vector_load %arg11[%get3A_309] {strides = array<i32>} : memref<128xi32, #tpu.memory_space<vmem>>, vector<16xi32>,
      %add3A_311 = arith.constant 0 : i32
      %add3A_312 = arith.addi %mul3A_307, %add3A_311 : i32
      %add3A_313 = vector.broadcast %add3A_312 : i32 to vector<16xi32>
      %add3A_314 = arith.addi %add3A_313, %iota3A : vector<16xi32>
      %lt3A = arith.constant 330000 : i32
      %lt3A_315 = vector.broadcast %lt3A : i32 to vector<16xi32>
      %lt3A_316 = arith.cmpi slt, %add3A_314, %lt3A_315 : vector<16xi32>
      %gather3A = tpu.vector_load_idx %arg8[%get3A_308] : memref<10000xf32, #tpu.memory_space<vmem>>[vector<16xi32>], vector<16xf32>,
      %gather3A_317 = tpu.vector_load_idx %arg9[%get3A_310] : memref<10000xf32, #tpu.memory_space<vmem>>[vector<16xi32>], vector<16xf32>,
      %add3A_318 = arith.addf %gather3A, %gather3A_317 : vector<16xf32>
      %gt3A = arith.constant 0.000000e+00 : f32
      %gt3A_319 = vector.broadcast %gt3A : f32 to vector<16xf32>
      %gt3A_320 = arith.cmpf ogt, %add3A_318, %gt3A_319 : vector<16xf32>
      %mul3A_321 = arith.constant 2.000000e-01 : f32
      %mul3A_322 = vector.broadcast %mul3A_321 : f32 to vector<16xf32>
      %mul3A_323 = arith.mulf %mul3A_322, %add3A_318 : vector<16xf32>
      %select_n3A = arith.select %gt3A_320, %add3A_318, %mul3A_323 : vector<16xi1>, vector<16xf32>
      %exp3A = math.exp %select_n3A : vector<16xf32>
      %jit3A = arith.constant 0.000000e+00 : f32
      %broadcast_in_dim3A_324 = vector.broadcast %jit3A : f32 to vector<16xf32>
      %select_n3A_325 = arith.select %lt3A_316, %exp3A, %broadcast_in_dim3A_324 : vector<16xi1>, vector<16xf32>
      %swap3A_326 = arith.constant 0 : index
      %swap3A_327 = tpu.vector_load %arg14[%swap3A_326] {strides = array<i32>} : memref<144xf32, #tpu.memory_space<vmem>>, vector<16xf32>,
      tpu.vector_store %arg14[%swap3A_326], %select_n3A_325 {strides = array<i32>} : memref<144xf32, #tpu.memory_space<vmem>>, vector<16xf32>,
      %get3A_328 = arith.constant 16 : index
      %get3A_329 = tpu.vector_load %arg10[%get3A_328] {strides = array<i32>} : memref<128xi32, #tpu.memory_space<vmem>>, vector<16xi32>,
      %get3A_330 = arith.constant 16 : index
      %get3A_331 = tpu.vector_load %arg11[%get3A_330] {strides = array<i32>} : memref<128xi32, #tpu.memory_space<vmem>>, vector<16xi32>,
      %add3A_332 = arith.constant 16 : i32
      %add3A_333 = arith.addi %mul3A_307, %add3A_332 : i32
      %add3A_334 = vector.broadcast %add3A_333 : i32 to vector<16xi32>
      %add3A_335 = arith.addi %add3A_334, %iota3A : vector<16xi32>
      %lt3A_336 = arith.constant 330000 : i32
      %lt3A_337 = vector.broadcast %lt3A_336 : i32 to vector<16xi32>
      %lt3A_338 = arith.cmpi slt, %add3A_335, %lt3A_337 : vector<16xi32>
      %gather3A_339 = tpu.vector_load_idx %arg8[%get3A_329] : memref<10000xf32, #tpu.memory_space<vmem>>[vector<16xi32>], vector<16xf32>,
      %gather3A_340 = tpu.vector_load_idx %arg9[%get3A_331] : memref<10000xf32, #tpu.memory_space<vmem>>[vector<16xi32>], vector<16xf32>,
      %add3A_341 = arith.addf %gather3A_339, %gather3A_340 : vector<16xf32>
      %gt3A_342 = arith.constant 0.000000e+00 : f32
      %gt3A_343 = vector.broadcast %gt3A_342 : f32 to vector<16xf32>
      %gt3A_344 = arith.cmpf ogt, %add3A_341, %gt3A_343 : vector<16xf32>
      %mul3A_345 = arith.constant 2.000000e-01 : f32
      %mul3A_346 = vector.broadcast %mul3A_345 : f32 to vector<16xf32>
      %mul3A_347 = arith.mulf %mul3A_346, %add3A_341 : vector<16xf32>
      %select_n3A_348 = arith.select %gt3A_344, %add3A_341, %mul3A_347 : vector<16xi1>, vector<16xf32>
      %exp3A_349 = math.exp %select_n3A_348 : vector<16xf32>
      %jit3A_350 = arith.constant 0.000000e+00 : f32
      %broadcast_in_dim3A_351 = vector.broadcast %jit3A_350 : f32 to vector<16xf32>
      %select_n3A_352 = arith.select %lt3A_338, %exp3A_349, %broadcast_in_dim3A_351 : vector<16xi1>, vector<16xf32>
      %swap3A_353 = arith.constant 16 : index
      %swap3A_354 = tpu.vector_load %arg14[%swap3A_353] {strides = array<i32>} : memref<144xf32, #tpu.memory_space<vmem>>, vector<16xf32>,
      tpu.vector_store %arg14[%swap3A_353], %select_n3A_352 {strides = array<i32>} : memref<144xf32, #tpu.memory_space<vmem>>, vector<16xf32>,
      %get3A_355 = arith.constant 32 : index
      %get3A_356 = tpu.vector_load %arg10[%get3A_355] {strides = array<i32>} : memref<128xi32, #tpu.memory_space<vmem>>, vector<16xi32>,
      %get3A_357 = arith.constant 32 : index
      %get3A_358 = tpu.vector_load %arg11[%get3A_357] {strides = array<i32>} : memref<128xi32, #tpu.memory_space<vmem>>, vector<16xi32>,
      %add3A_359 = arith.constant 32 : i32
      %add3A_360 = arith.addi %mul3A_307, %add3A_359 : i32
      %add3A_361 = vector.broadcast %add3A_360 : i32 to vector<16xi32>
      %add3A_362 = arith.addi %add3A_361, %iota3A : vector<16xi32>
      %lt3A_363 = arith.constant 330000 : i32
      %lt3A_364 = vector.broadcast %lt3A_363 : i32 to vector<16xi32>
      %lt3A_365 = arith.cmpi slt, %add3A_362, %lt3A_364 : vector<16xi32>
      %gather3A_366 = tpu.vector_load_idx %arg8[%get3A_356] : memref<10000xf32, #tpu.memory_space<vmem>>[vector<16xi32>], vector<16xf32>,
      %gather3A_367 = tpu.vector_load_idx %arg9[%get3A_358] : memref<10000xf32, #tpu.memory_space<vmem>>[vector<16xi32>], vector<16xf32>,
      %add3A_368 = arith.addf %gather3A_366, %gather3A_367 : vector<16xf32>
      %gt3A_369 = arith.constant 0.000000e+00 : f32
      %gt3A_370 = vector.broadcast %gt3A_369 : f32 to vector<16xf32>
      %gt3A_371 = arith.cmpf ogt, %add3A_368, %gt3A_370 : vector<16xf32>
      %mul3A_372 = arith.constant 2.000000e-01 : f32
      %mul3A_373 = vector.broadcast %mul3A_372 : f32 to vector<16xf32>
      %mul3A_374 = arith.mulf %mul3A_373, %add3A_368 : vector<16xf32>
      %select_n3A_375 = arith.select %gt3A_371, %add3A_368, %mul3A_374 : vector<16xi1>, vector<16xf32>
      %exp3A_376 = math.exp %select_n3A_375 : vector<16xf32>
      %jit3A_377 = arith.constant 0.000000e+00 : f32
      %broadcast_in_dim3A_378 = vector.broadcast %jit3A_377 : f32 to vector<16xf32>
      %select_n3A_379 = arith.select %lt3A_365, %exp3A_376, %broadcast_in_dim3A_378 : vector<16xi1>, vector<16xf32>
      %swap3A_380 = arith.constant 32 : index
      %swap3A_381 = tpu.vector_load %arg14[%swap3A_380] {strides = array<i32>} : memref<144xf32, #tpu.memory_space<vmem>>, vector<16xf32>,
      tpu.vector_store %arg14[%swap3A_380], %select_n3A_379 {strides = array<i32>} : memref<144xf32, #tpu.memory_space<vmem>>, vector<16xf32>,
      %get3A_382 = arith.constant 48 : index
      %get3A_383 = tpu.vector_load %arg10[%get3A_382] {strides = array<i32>} : memref<128xi32, #tpu.memory_space<vmem>>, vector<16xi32>,
      %get3A_384 = arith.constant 48 : index
      %get3A_385 = tpu.vector_load %arg11[%get3A_384] {strides = array<i32>} : memref<128xi32, #tpu.memory_space<vmem>>, vector<16xi32>,
      %add3A_386 = arith.constant 48 : i32
      %add3A_387 = arith.addi %mul3A_307, %add3A_386 : i32
      %add3A_388 = vector.broadcast %add3A_387 : i32 to vector<16xi32>
      %add3A_389 = arith.addi %add3A_388, %iota3A : vector<16xi32>
      %lt3A_390 = arith.constant 330000 : i32
      %lt3A_391 = vector.broadcast %lt3A_390 : i32 to vector<16xi32>
      %lt3A_392 = arith.cmpi slt, %add3A_389, %lt3A_391 : vector<16xi32>
      %gather3A_393 = tpu.vector_load_idx %arg8[%get3A_383] : memref<10000xf32, #tpu.memory_space<vmem>>[vector<16xi32>], vector<16xf32>,
      %gather3A_394 = tpu.vector_load_idx %arg9[%get3A_385] : memref<10000xf32, #tpu.memory_space<vmem>>[vector<16xi32>], vector<16xf32>,
      %add3A_395 = arith.addf %gather3A_393, %gather3A_394 : vector<16xf32>
      %gt3A_396 = arith.constant 0.000000e+00 : f32
      %gt3A_397 = vector.broadcast %gt3A_396 : f32 to vector<16xf32>
      %gt3A_398 = arith.cmpf ogt, %add3A_395, %gt3A_397 : vector<16xf32>
      %mul3A_399 = arith.constant 2.000000e-01 : f32
      %mul3A_400 = vector.broadcast %mul3A_399 : f32 to vector<16xf32>
      %mul3A_401 = arith.mulf %mul3A_400, %add3A_395 : vector<16xf32>
      %select_n3A_402 = arith.select %gt3A_398, %add3A_395, %mul3A_401 : vector<16xi1>, vector<16xf32>
      %exp3A_403 = math.exp %select_n3A_402 : vector<16xf32>
      %jit3A_404 = arith.constant 0.000000e+00 : f32
      %broadcast_in_dim3A_405 = vector.broadcast %jit3A_404 : f32 to vector<16xf32>
      %select_n3A_406 = arith.select %lt3A_392, %exp3A_403, %broadcast_in_dim3A_405 : vector<16xi1>, vector<16xf32>
      %swap3A_407 = arith.constant 48 : index
      %swap3A_408 = tpu.vector_load %arg14[%swap3A_407] {strides = array<i32>} : memref<144xf32, #tpu.memory_space<vmem>>, vector<16xf32>,
      tpu.vector_store %arg14[%swap3A_407], %select_n3A_406 {strides = array<i32>} : memref<144xf32, #tpu.memory_space<vmem>>, vector<16xf32>,
      %get3A_409 = arith.constant 64 : index
      %get3A_410 = tpu.vector_load %arg10[%get3A_409] {strides = array<i32>} : memref<128xi32, #tpu.memory_space<vmem>>, vector<16xi32>,
      %get3A_411 = arith.constant 64 : index
      %get3A_412 = tpu.vector_load %arg11[%get3A_411] {strides = array<i32>} : memref<128xi32, #tpu.memory_space<vmem>>, vector<16xi32>,
      %add3A_413 = arith.constant 64 : i32
      %add3A_414 = arith.addi %mul3A_307, %add3A_413 : i32
      %add3A_415 = vector.broadcast %add3A_414 : i32 to vector<16xi32>
      %add3A_416 = arith.addi %add3A_415, %iota3A : vector<16xi32>
      %lt3A_417 = arith.constant 330000 : i32
      %lt3A_418 = vector.broadcast %lt3A_417 : i32 to vector<16xi32>
      %lt3A_419 = arith.cmpi slt, %add3A_416, %lt3A_418 : vector<16xi32>
      %gather3A_420 = tpu.vector_load_idx %arg8[%get3A_410] : memref<10000xf32, #tpu.memory_space<vmem>>[vector<16xi32>], vector<16xf32>,
      %gather3A_421 = tpu.vector_load_idx %arg9[%get3A_412] : memref<10000xf32, #tpu.memory_space<vmem>>[vector<16xi32>], vector<16xf32>,
      %add3A_422 = arith.addf %gather3A_420, %gather3A_421 : vector<16xf32>
      %gt3A_423 = arith.constant 0.000000e+00 : f32
      %gt3A_424 = vector.broadcast %gt3A_423 : f32 to vector<16xf32>
      %gt3A_425 = arith.cmpf ogt, %add3A_422, %gt3A_424 : vector<16xf32>
      %mul3A_426 = arith.constant 2.000000e-01 : f32
      %mul3A_427 = vector.broadcast %mul3A_426 : f32 to vector<16xf32>
      %mul3A_428 = arith.mulf %mul3A_427, %add3A_422 : vector<16xf32>
      %select_n3A_429 = arith.select %gt3A_425, %add3A_422, %mul3A_428 : vector<16xi1>, vector<16xf32>
      %exp3A_430 = math.exp %select_n3A_429 : vector<16xf32>
      %jit3A_431 = arith.constant 0.000000e+00 : f32
      %broadcast_in_dim3A_432 = vector.broadcast %jit3A_431 : f32 to vector<16xf32>
      %select_n3A_433 = arith.select %lt3A_419, %exp3A_430, %broadcast_in_dim3A_432 : vector<16xi1>, vector<16xf32>
      %swap3A_434 = arith.constant 64 : index
      %swap3A_435 = tpu.vector_load %arg14[%swap3A_434] {strides = array<i32>} : memref<144xf32, #tpu.memory_space<vmem>>, vector<16xf32>,
      tpu.vector_store %arg14[%swap3A_434], %select_n3A_433 {strides = array<i32>} : memref<144xf32, #tpu.memory_space<vmem>>, vector<16xf32>,
      %get3A_436 = arith.constant 80 : index
      %get3A_437 = tpu.vector_load %arg10[%get3A_436] {strides = array<i32>} : memref<128xi32, #tpu.memory_space<vmem>>, vector<16xi32>,
      %get3A_438 = arith.constant 80 : index
      %get3A_439 = tpu.vector_load %arg11[%get3A_438] {strides = array<i32>} : memref<128xi32, #tpu.memory_space<vmem>>, vector<16xi32>,
      %add3A_440 = arith.constant 80 : i32
      %add3A_441 = arith.addi %mul3A_307, %add3A_440 : i32
      %add3A_442 = vector.broadcast %add3A_441 : i32 to vector<16xi32>
      %add3A_443 = arith.addi %add3A_442, %iota3A : vector<16xi32>
      %lt3A_444 = arith.constant 330000 : i32
      %lt3A_445 = vector.broadcast %lt3A_444 : i32 to vector<16xi32>
      %lt3A_446 = arith.cmpi slt, %add3A_443, %lt3A_445 : vector<16xi32>
      %gather3A_447 = tpu.vector_load_idx %arg8[%get3A_437] : memref<10000xf32, #tpu.memory_space<vmem>>[vector<16xi32>], vector<16xf32>,
      %gather3A_448 = tpu.vector_load_idx %arg9[%get3A_439] : memref<10000xf32, #tpu.memory_space<vmem>>[vector<16xi32>], vector<16xf32>,
      %add3A_449 = arith.addf %gather3A_447, %gather3A_448 : vector<16xf32>
      %gt3A_450 = arith.constant 0.000000e+00 : f32
      %gt3A_451 = vector.broadcast %gt3A_450 : f32 to vector<16xf32>
      %gt3A_452 = arith.cmpf ogt, %add3A_449, %gt3A_451 : vector<16xf32>
      %mul3A_453 = arith.constant 2.000000e-01 : f32
      %mul3A_454 = vector.broadcast %mul3A_453 : f32 to vector<16xf32>
      %mul3A_455 = arith.mulf %mul3A_454, %add3A_449 : vector<16xf32>
      %select_n3A_456 = arith.select %gt3A_452, %add3A_449, %mul3A_455 : vector<16xi1>, vector<16xf32>
      %exp3A_457 = math.exp %select_n3A_456 : vector<16xf32>
      %jit3A_458 = arith.constant 0.000000e+00 : f32
      %broadcast_in_dim3A_459 = vector.broadcast %jit3A_458 : f32 to vector<16xf32>
      %select_n3A_460 = arith.select %lt3A_446, %exp3A_457, %broadcast_in_dim3A_459 : vector<16xi1>, vector<16xf32>
      %swap3A_461 = arith.constant 80 : index
      %swap3A_462 = tpu.vector_load %arg14[%swap3A_461] {strides = array<i32>} : memref<144xf32, #tpu.memory_space<vmem>>, vector<16xf32>,
      tpu.vector_store %arg14[%swap3A_461], %select_n3A_460 {strides = array<i32>} : memref<144xf32, #tpu.memory_space<vmem>>, vector<16xf32>,
      %get3A_463 = arith.constant 96 : index
      %get3A_464 = tpu.vector_load %arg10[%get3A_463] {strides = array<i32>} : memref<128xi32, #tpu.memory_space<vmem>>, vector<16xi32>,
      %get3A_465 = arith.constant 96 : index
      %get3A_466 = tpu.vector_load %arg11[%get3A_465] {strides = array<i32>} : memref<128xi32, #tpu.memory_space<vmem>>, vector<16xi32>,
      %add3A_467 = arith.constant 96 : i32
      %add3A_468 = arith.addi %mul3A_307, %add3A_467 : i32
      %add3A_469 = vector.broadcast %add3A_468 : i32 to vector<16xi32>
      %add3A_470 = arith.addi %add3A_469, %iota3A : vector<16xi32>
      %lt3A_471 = arith.constant 330000 : i32
      %lt3A_472 = vector.broadcast %lt3A_471 : i32 to vector<16xi32>
      %lt3A_473 = arith.cmpi slt, %add3A_470, %lt3A_472 : vector<16xi32>
      %gather3A_474 = tpu.vector_load_idx %arg8[%get3A_464] : memref<10000xf32, #tpu.memory_space<vmem>>[vector<16xi32>], vector<16xf32>,
      %gather3A_475 = tpu.vector_load_idx %arg9[%get3A_466] : memref<10000xf32, #tpu.memory_space<vmem>>[vector<16xi32>], vector<16xf32>,
      %add3A_476 = arith.addf %gather3A_474, %gather3A_475 : vector<16xf32>
      %gt3A_477 = arith.constant 0.000000e+00 : f32
      %gt3A_478 = vector.broadcast %gt3A_477 : f32 to vector<16xf32>
      %gt3A_479 = arith.cmpf ogt, %add3A_476, %gt3A_478 : vector<16xf32>
      %mul3A_480 = arith.constant 2.000000e-01 : f32
      %mul3A_481 = vector.broadcast %mul3A_480 : f32 to vector<16xf32>
      %mul3A_482 = arith.mulf %mul3A_481, %add3A_476 : vector<16xf32>
      %select_n3A_483 = arith.select %gt3A_479, %add3A_476, %mul3A_482 : vector<16xi1>, vector<16xf32>
      %exp3A_484 = math.exp %select_n3A_483 : vector<16xf32>
      %jit3A_485 = arith.constant 0.000000e+00 : f32
      %broadcast_in_dim3A_486 = vector.broadcast %jit3A_485 : f32 to vector<16xf32>
      %select_n3A_487 = arith.select %lt3A_473, %exp3A_484, %broadcast_in_dim3A_486 : vector<16xi1>, vector<16xf32>
      %swap3A_488 = arith.constant 96 : index
      %swap3A_489 = tpu.vector_load %arg14[%swap3A_488] {strides = array<i32>} : memref<144xf32, #tpu.memory_space<vmem>>, vector<16xf32>,
      tpu.vector_store %arg14[%swap3A_488], %select_n3A_487 {strides = array<i32>} : memref<144xf32, #tpu.memory_space<vmem>>, vector<16xf32>,
      %get3A_490 = arith.constant 112 : index
      %get3A_491 = tpu.vector_load %arg10[%get3A_490] {strides = array<i32>} : memref<128xi32, #tpu.memory_space<vmem>>, vector<16xi32>,
      %get3A_492 = arith.constant 112 : index
      %get3A_493 = tpu.vector_load %arg11[%get3A_492] {strides = array<i32>} : memref<128xi32, #tpu.memory_space<vmem>>, vector<16xi32>,
      %add3A_494 = arith.constant 112 : i32
      %add3A_495 = arith.addi %mul3A_307, %add3A_494 : i32
      %add3A_496 = vector.broadcast %add3A_495 : i32 to vector<16xi32>
      %add3A_497 = arith.addi %add3A_496, %iota3A : vector<16xi32>
      %lt3A_498 = arith.constant 330000 : i32
      %lt3A_499 = vector.broadcast %lt3A_498 : i32 to vector<16xi32>
      %lt3A_500 = arith.cmpi slt, %add3A_497, %lt3A_499 : vector<16xi32>
      %gather3A_501 = tpu.vector_load_idx %arg8[%get3A_491] : memref<10000xf32, #tpu.memory_space<vmem>>[vector<16xi32>], vector<16xf32>,
      %gather3A_502 = tpu.vector_load_idx %arg9[%get3A_493] : memref<10000xf32, #tpu.memory_space<vmem>>[vector<16xi32>], vector<16xf32>,
      %add3A_503 = arith.addf %gather3A_501, %gather3A_502 : vector<16xf32>
      %gt3A_504 = arith.constant 0.000000e+00 : f32
      %gt3A_505 = vector.broadcast %gt3A_504 : f32 to vector<16xf32>
      %gt3A_506 = arith.cmpf ogt, %add3A_503, %gt3A_505 : vector<16xf32>
      %mul3A_507 = arith.constant 2.000000e-01 : f32
      %mul3A_508 = vector.broadcast %mul3A_507 : f32 to vector<16xf32>
      %mul3A_509 = arith.mulf %mul3A_508, %add3A_503 : vector<16xf32>
      %select_n3A_510 = arith.select %gt3A_506, %add3A_503, %mul3A_509 : vector<16xi1>, vector<16xf32>
      %exp3A_511 = math.exp %select_n3A_510 : vector<16xf32>
      %jit3A_512 = arith.constant 0.000000e+00 : f32
      %broadcast_in_dim3A_513 = vector.broadcast %jit3A_512 : f32 to vector<16xf32>
      %select_n3A_514 = arith.select %lt3A_500, %exp3A_511, %broadcast_in_dim3A_513 : vector<16xi1>, vector<16xf32>
      %swap3A_515 = arith.constant 112 : index
      %swap3A_516 = tpu.vector_load %arg14[%swap3A_515] {strides = array<i32>} : memref<144xf32, #tpu.memory_space<vmem>>, vector<16xf32>,
      tpu.vector_store %arg14[%swap3A_515], %select_n3A_514 {strides = array<i32>} : memref<144xf32, #tpu.memory_space<vmem>>, vector<16xf32>,
      %scan3A_517 = arith.constant 0 : i32
      %scan3A_518 = arith.constant 0 : i32
      %scan3A_519 = arith.constant 128 : i32
      %scan3A_520 = arith.addi %scan3A_518, %scan3A_519 : i32
      %scan3A_521 = arith.constant 4 : i32
      scf.for %scan3A_523 = %scan3A_518 to %scan3A_520 step %scan3A_521  : i32 {
        %get3A_524 = arith.index_cast %scan3A_523 : i32 to index
        %get3A_525 = tpu.vector_load %arg14[%get3A_524] {strides = array<i32>} : memref<144xf32, #tpu.memory_space<vmem>>, vector<16xf32>,
        %slice3A = vector.extract_strided_slice %get3A_525 {offsets = [0], sizes = [1], strides = [1]} : vector<16xf32> to vector<1xf32>
        %squeeze3A = vector.extract %slice3A[0] : f32 from vector<1xf32>
        %get3A_526 = arith.index_cast %scan3A_523 : i32 to index
        %get3A_527 = arith.constant 0 : index
        %get3A_528 = tpu.vector_load %arg12[%get3A_526, %get3A_527] {strides = array<i32>} : memref<128x64xf32, #tpu.memory_space<vmem>>, vector<16xf32>,
        %mul3A_529 = vector.broadcast %squeeze3A : f32 to vector<16xf32>
        %mul3A_530 = arith.mulf %get3A_528, %mul3A_529 : vector<16xf32>
        %swap3A_531 = arith.index_cast %scan3A_523 : i32 to index
        %swap3A_532 = arith.constant 0 : index
        %swap3A_533 = tpu.vector_load %arg13[%swap3A_531, %swap3A_532] {strides = array<i32>} : memref<128x64xf32, #tpu.memory_space<vmem>>, vector<16xf32>,
        tpu.vector_store %arg13[%swap3A_531, %swap3A_532], %mul3A_530 {strides = array<i32>} : memref<128x64xf32, #tpu.memory_space<vmem>>, vector<16xf32>,
        %get3A_534 = arith.index_cast %scan3A_523 : i32 to index
        %get3A_535 = arith.constant 16 : index
        %get3A_536 = tpu.vector_load %arg12[%get3A_534, %get3A_535] {strides = array<i32>} : memref<128x64xf32, #tpu.memory_space<vmem>>, vector<16xf32>,
        %mul3A_537 = vector.broadcast %squeeze3A : f32 to vector<16xf32>
        %mul3A_538 = arith.mulf %get3A_536, %mul3A_537 : vector<16xf32>
        %swap3A_539 = arith.index_cast %scan3A_523 : i32 to index
        %swap3A_540 = arith.constant 16 : index
        %swap3A_541 = tpu.vector_load %arg13[%swap3A_539, %swap3A_540] {strides = array<i32>} : memref<128x64xf32, #tpu.memory_space<vmem>>, vector<16xf32>,
        tpu.vector_store %arg13[%swap3A_539, %swap3A_540], %mul3A_538 {strides = array<i32>} : memref<128x64xf32, #tpu.memory_space<vmem>>, vector<16xf32>,
        %get3A_542 = arith.index_cast %scan3A_523 : i32 to index
        %get3A_543 = arith.constant 32 : index
        %get3A_544 = tpu.vector_load %arg12[%get3A_542, %get3A_543] {strides = array<i32>} : memref<128x64xf32, #tpu.memory_space<vmem>>, vector<16xf32>,
        %mul3A_545 = vector.broadcast %squeeze3A : f32 to vector<16xf32>
        %mul3A_546 = arith.mulf %get3A_544, %mul3A_545 : vector<16xf32>
        %swap3A_547 = arith.index_cast %scan3A_523 : i32 to index
        %swap3A_548 = arith.constant 32 : index
        %swap3A_549 = tpu.vector_load %arg13[%swap3A_547, %swap3A_548] {strides = array<i32>} : memref<128x64xf32, #tpu.memory_space<vmem>>, vector<16xf32>,
        tpu.vector_store %arg13[%swap3A_547, %swap3A_548], %mul3A_546 {strides = array<i32>} : memref<128x64xf32, #tpu.memory_space<vmem>>, vector<16xf32>,
        %get3A_550 = arith.index_cast %scan3A_523 : i32 to index
        %get3A_551 = arith.constant 48 : index
        %get3A_552 = tpu.vector_load %arg12[%get3A_550, %get3A_551] {strides = array<i32>} : memref<128x64xf32, #tpu.memory_space<vmem>>, vector<16xf32>,
        %mul3A_553 = vector.broadcast %squeeze3A : f32 to vector<16xf32>
        %mul3A_554 = arith.mulf %get3A_552, %mul3A_553 : vector<16xf32>
        %swap3A_555 = arith.index_cast %scan3A_523 : i32 to index
        %swap3A_556 = arith.constant 48 : index
        %swap3A_557 = tpu.vector_load %arg13[%swap3A_555, %swap3A_556] {strides = array<i32>} : memref<128x64xf32, #tpu.memory_space<vmem>>, vector<16xf32>,
        tpu.vector_store %arg13[%swap3A_555, %swap3A_556], %mul3A_554 {strides = array<i32>} : memref<128x64xf32, #tpu.memory_space<vmem>>, vector<16xf32>,
        %scan3A_558 = arith.constant 1 : i32
        %scan3A_559 = arith.addi %scan3A_523, %scan3A_558 : i32
        %get3A_560 = arith.index_cast %scan3A_559 : i32 to index
        %get3A_561 = tpu.vector_load %arg14[%get3A_560] {strides = array<i32>} : memref<144xf32, #tpu.memory_space<vmem>>, vector<16xf32>,
        %slice3A_562 = vector.extract_strided_slice %get3A_561 {offsets = [0], sizes = [1], strides = [1]} : vector<16xf32> to vector<1xf32>
        %squeeze3A_563 = vector.extract %slice3A_562[0] : f32 from vector<1xf32>
        %get3A_564 = arith.index_cast %scan3A_559 : i32 to index
        %get3A_565 = arith.constant 0 : index
        %get3A_566 = tpu.vector_load %arg12[%get3A_564, %get3A_565] {strides = array<i32>} : memref<128x64xf32, #tpu.memory_space<vmem>>, vector<16xf32>,
        %mul3A_567 = vector.broadcast %squeeze3A_563 : f32 to vector<16xf32>
        %mul3A_568 = arith.mulf %get3A_566, %mul3A_567 : vector<16xf32>
        %swap3A_569 = arith.index_cast %scan3A_559 : i32 to index
        %swap3A_570 = arith.constant 0 : index
        %swap3A_571 = tpu.vector_load %arg13[%swap3A_569, %swap3A_570] {strides = array<i32>} : memref<128x64xf32, #tpu.memory_space<vmem>>, vector<16xf32>,
        tpu.vector_store %arg13[%swap3A_569, %swap3A_570], %mul3A_568 {strides = array<i32>} : memref<128x64xf32, #tpu.memory_space<vmem>>, vector<16xf32>,
        %get3A_572 = arith.index_cast %scan3A_559 : i32 to index
        %get3A_573 = arith.constant 16 : index
        %get3A_574 = tpu.vector_load %arg12[%get3A_572, %get3A_573] {strides = array<i32>} : memref<128x64xf32, #tpu.memory_space<vmem>>, vector<16xf32>,
        %mul3A_575 = vector.broadcast %squeeze3A_563 : f32 to vector<16xf32>
        %mul3A_576 = arith.mulf %get3A_574, %mul3A_575 : vector<16xf32>
        %swap3A_577 = arith.index_cast %scan3A_559 : i32 to index
        %swap3A_578 = arith.constant 16 : index
        %swap3A_579 = tpu.vector_load %arg13[%swap3A_577, %swap3A_578] {strides = array<i32>} : memref<128x64xf32, #tpu.memory_space<vmem>>, vector<16xf32>,
        tpu.vector_store %arg13[%swap3A_577, %swap3A_578], %mul3A_576 {strides = array<i32>} : memref<128x64xf32, #tpu.memory_space<vmem>>, vector<16xf32>,
        %get3A_580 = arith.index_cast %scan3A_559 : i32 to index
        %get3A_581 = arith.constant 32 : index
        %get3A_582 = tpu.vector_load %arg12[%get3A_580, %get3A_581] {strides = array<i32>} : memref<128x64xf32, #tpu.memory_space<vmem>>, vector<16xf32>,
        %mul3A_583 = vector.broadcast %squeeze3A_563 : f32 to vector<16xf32>
        %mul3A_584 = arith.mulf %get3A_582, %mul3A_583 : vector<16xf32>
        %swap3A_585 = arith.index_cast %scan3A_559 : i32 to index
        %swap3A_586 = arith.constant 32 : index
        %swap3A_587 = tpu.vector_load %arg13[%swap3A_585, %swap3A_586] {strides = array<i32>} : memref<128x64xf32, #tpu.memory_space<vmem>>, vector<16xf32>,
        tpu.vector_store %arg13[%swap3A_585, %swap3A_586], %mul3A_584 {strides = array<i32>} : memref<128x64xf32, #tpu.memory_space<vmem>>, vector<16xf32>,
        %get3A_588 = arith.index_cast %scan3A_559 : i32 to index
        %get3A_589 = arith.constant 48 : index
        %get3A_590 = tpu.vector_load %arg12[%get3A_588, %get3A_589] {strides = array<i32>} : memref<128x64xf32, #tpu.memory_space<vmem>>, vector<16xf32>,
        %mul3A_591 = vector.broadcast %squeeze3A_563 : f32 to vector<16xf32>
        %mul3A_592 = arith.mulf %get3A_590, %mul3A_591 : vector<16xf32>
        %swap3A_593 = arith.index_cast %scan3A_559 : i32 to index
        %swap3A_594 = arith.constant 48 : index
        %swap3A_595 = tpu.vector_load %arg13[%swap3A_593, %swap3A_594] {strides = array<i32>} : memref<128x64xf32, #tpu.memory_space<vmem>>, vector<16xf32>,
        tpu.vector_store %arg13[%swap3A_593, %swap3A_594], %mul3A_592 {strides = array<i32>} : memref<128x64xf32, #tpu.memory_space<vmem>>, vector<16xf32>,
        %scan3A_596 = arith.constant 2 : i32
        %scan3A_597 = arith.addi %scan3A_523, %scan3A_596 : i32
        %get3A_598 = arith.index_cast %scan3A_597 : i32 to index
        %get3A_599 = tpu.vector_load %arg14[%get3A_598] {strides = array<i32>} : memref<144xf32, #tpu.memory_space<vmem>>, vector<16xf32>,
        %slice3A_600 = vector.extract_strided_slice %get3A_599 {offsets = [0], sizes = [1], strides = [1]} : vector<16xf32> to vector<1xf32>
        %squeeze3A_601 = vector.extract %slice3A_600[0] : f32 from vector<1xf32>
        %get3A_602 = arith.index_cast %scan3A_597 : i32 to index
        %get3A_603 = arith.constant 0 : index
        %get3A_604 = tpu.vector_load %arg12[%get3A_602, %get3A_603] {strides = array<i32>} : memref<128x64xf32, #tpu.memory_space<vmem>>, vector<16xf32>,
        %mul3A_605 = vector.broadcast %squeeze3A_601 : f32 to vector<16xf32>
        %mul3A_606 = arith.mulf %get3A_604, %mul3A_605 : vector<16xf32>
        %swap3A_607 = arith.index_cast %scan3A_597 : i32 to index
        %swap3A_608 = arith.constant 0 : index
        %swap3A_609 = tpu.vector_load %arg13[%swap3A_607, %swap3A_608] {strides = array<i32>} : memref<128x64xf32, #tpu.memory_space<vmem>>, vector<16xf32>,
        tpu.vector_store %arg13[%swap3A_607, %swap3A_608], %mul3A_606 {strides = array<i32>} : memref<128x64xf32, #tpu.memory_space<vmem>>, vector<16xf32>,
        %get3A_610 = arith.index_cast %scan3A_597 : i32 to index
        %get3A_611 = arith.constant 16 : index
        %get3A_612 = tpu.vector_load %arg12[%get3A_610, %get3A_611] {strides = array<i32>} : memref<128x64xf32, #tpu.memory_space<vmem>>, vector<16xf32>,
        %mul3A_613 = vector.broadcast %squeeze3A_601 : f32 to vector<16xf32>
        %mul3A_614 = arith.mulf %get3A_612, %mul3A_613 : vector<16xf32>
        %swap3A_615 = arith.index_cast %scan3A_597 : i32 to index
        %swap3A_616 = arith.constant 16 : index
        %swap3A_617 = tpu.vector_load %arg13[%swap3A_615, %swap3A_616] {strides = array<i32>} : memref<128x64xf32, #tpu.memory_space<vmem>>, vector<16xf32>,
        tpu.vector_store %arg13[%swap3A_615, %swap3A_616], %mul3A_614 {strides = array<i32>} : memref<128x64xf32, #tpu.memory_space<vmem>>, vector<16xf32>,
        %get3A_618 = arith.index_cast %scan3A_597 : i32 to index
        %get3A_619 = arith.constant 32 : index
        %get3A_620 = tpu.vector_load %arg12[%get3A_618, %get3A_619] {strides = array<i32>} : memref<128x64xf32, #tpu.memory_space<vmem>>, vector<16xf32>,
        %mul3A_621 = vector.broadcast %squeeze3A_601 : f32 to vector<16xf32>
        %mul3A_622 = arith.mulf %get3A_620, %mul3A_621 : vector<16xf32>
        %swap3A_623 = arith.index_cast %scan3A_597 : i32 to index
        %swap3A_624 = arith.constant 32 : index
        %swap3A_625 = tpu.vector_load %arg13[%swap3A_623, %swap3A_624] {strides = array<i32>} : memref<128x64xf32, #tpu.memory_space<vmem>>, vector<16xf32>,
        tpu.vector_store %arg13[%swap3A_623, %swap3A_624], %mul3A_622 {strides = array<i32>} : memref<128x64xf32, #tpu.memory_space<vmem>>, vector<16xf32>,
        %get3A_626 = arith.index_cast %scan3A_597 : i32 to index
        %get3A_627 = arith.constant 48 : index
        %get3A_628 = tpu.vector_load %arg12[%get3A_626, %get3A_627] {strides = array<i32>} : memref<128x64xf32, #tpu.memory_space<vmem>>, vector<16xf32>,
        %mul3A_629 = vector.broadcast %squeeze3A_601 : f32 to vector<16xf32>
        %mul3A_630 = arith.mulf %get3A_628, %mul3A_629 : vector<16xf32>
        %swap3A_631 = arith.index_cast %scan3A_597 : i32 to index
        %swap3A_632 = arith.constant 48 : index
        %swap3A_633 = tpu.vector_load %arg13[%swap3A_631, %swap3A_632] {strides = array<i32>} : memref<128x64xf32, #tpu.memory_space<vmem>>, vector<16xf32>,
        tpu.vector_store %arg13[%swap3A_631, %swap3A_632], %mul3A_630 {strides = array<i32>} : memref<128x64xf32, #tpu.memory_space<vmem>>, vector<16xf32>,
        %scan3A_634 = arith.constant 3 : i32
        %scan3A_635 = arith.addi %scan3A_523, %scan3A_634 : i32
        %get3A_636 = arith.index_cast %scan3A_635 : i32 to index
        %get3A_637 = tpu.vector_load %arg14[%get3A_636] {strides = array<i32>} : memref<144xf32, #tpu.memory_space<vmem>>, vector<16xf32>,
        %slice3A_638 = vector.extract_strided_slice %get3A_637 {offsets = [0], sizes = [1], strides = [1]} : vector<16xf32> to vector<1xf32>
        %squeeze3A_639 = vector.extract %slice3A_638[0] : f32 from vector<1xf32>
        %get3A_640 = arith.index_cast %scan3A_635 : i32 to index
        %get3A_641 = arith.constant 0 : index
        %get3A_642 = tpu.vector_load %arg12[%get3A_640, %get3A_641] {strides = array<i32>} : memref<128x64xf32, #tpu.memory_space<vmem>>, vector<16xf32>,
        %mul3A_643 = vector.broadcast %squeeze3A_639 : f32 to vector<16xf32>
        %mul3A_644 = arith.mulf %get3A_642, %mul3A_643 : vector<16xf32>
        %swap3A_645 = arith.index_cast %scan3A_635 : i32 to index
        %swap3A_646 = arith.constant 0 : index
        %swap3A_647 = tpu.vector_load %arg13[%swap3A_645, %swap3A_646] {strides = array<i32>} : memref<128x64xf32, #tpu.memory_space<vmem>>, vector<16xf32>,
        tpu.vector_store %arg13[%swap3A_645, %swap3A_646], %mul3A_644 {strides = array<i32>} : memref<128x64xf32, #tpu.memory_space<vmem>>, vector<16xf32>,
        %get3A_648 = arith.index_cast %scan3A_635 : i32 to index
        %get3A_649 = arith.constant 16 : index
        %get3A_650 = tpu.vector_load %arg12[%get3A_648, %get3A_649] {strides = array<i32>} : memref<128x64xf32, #tpu.memory_space<vmem>>, vector<16xf32>,
        %mul3A_651 = vector.broadcast %squeeze3A_639 : f32 to vector<16xf32>
        %mul3A_652 = arith.mulf %get3A_650, %mul3A_651 : vector<16xf32>
        %swap3A_653 = arith.index_cast %scan3A_635 : i32 to index
        %swap3A_654 = arith.constant 16 : index
        %swap3A_655 = tpu.vector_load %arg13[%swap3A_653, %swap3A_654] {strides = array<i32>} : memref<128x64xf32, #tpu.memory_space<vmem>>, vector<16xf32>,
        tpu.vector_store %arg13[%swap3A_653, %swap3A_654], %mul3A_652 {strides = array<i32>} : memref<128x64xf32, #tpu.memory_space<vmem>>, vector<16xf32>,
        %get3A_656 = arith.index_cast %scan3A_635 : i32 to index
        %get3A_657 = arith.constant 32 : index
        %get3A_658 = tpu.vector_load %arg12[%get3A_656, %get3A_657] {strides = array<i32>} : memref<128x64xf32, #tpu.memory_space<vmem>>, vector<16xf32>,
        %mul3A_659 = vector.broadcast %squeeze3A_639 : f32 to vector<16xf32>
        %mul3A_660 = arith.mulf %get3A_658, %mul3A_659 : vector<16xf32>
        %swap3A_661 = arith.index_cast %scan3A_635 : i32 to index
        %swap3A_662 = arith.constant 32 : index
        %swap3A_663 = tpu.vector_load %arg13[%swap3A_661, %swap3A_662] {strides = array<i32>} : memref<128x64xf32, #tpu.memory_space<vmem>>, vector<16xf32>,
        tpu.vector_store %arg13[%swap3A_661, %swap3A_662], %mul3A_660 {strides = array<i32>} : memref<128x64xf32, #tpu.memory_space<vmem>>, vector<16xf32>,
        %get3A_664 = arith.index_cast %scan3A_635 : i32 to index
        %get3A_665 = arith.constant 48 : index
        %get3A_666 = tpu.vector_load %arg12[%get3A_664, %get3A_665] {strides = array<i32>} : memref<128x64xf32, #tpu.memory_space<vmem>>, vector<16xf32>,
        %mul3A_667 = vector.broadcast %squeeze3A_639 : f32 to vector<16xf32>
        %mul3A_668 = arith.mulf %get3A_666, %mul3A_667 : vector<16xf32>
        %swap3A_669 = arith.index_cast %scan3A_635 : i32 to index
        %swap3A_670 = arith.constant 48 : index
        %swap3A_671 = tpu.vector_load %arg13[%swap3A_669, %swap3A_670] {strides = array<i32>} : memref<128x64xf32, #tpu.memory_space<vmem>>, vector<16xf32>,
        tpu.vector_store %arg13[%swap3A_669, %swap3A_670], %mul3A_668 {strides = array<i32>} : memref<128x64xf32, #tpu.memory_space<vmem>>, vector<16xf32>,
      }
      %scan3A_522 = arith.constant 128 : i32
      "tpu.region"() ({
        %run_scoped3A_523 = tpu.sem_alloc : memref<!tpu.dma_semaphore, #tpu.memory_space<semaphore_mem>>
        %dma_start3A_524 = arith.constant 0 : i32
        %dma_start3A_525 = arith.constant 0 : i32
        %dma_start3A_526 = tpu.memref_slice %arg17[%dma_start3A_524, %dma_start3A_525] : memref<10240x64xf32, #tpu.memory_space<vmem_shared>> -> memref<10240x64xf32, #tpu.memory_space<vmem_shared>>
        tpu.enqueue_indirect_dma source(%arg13 : memref<128x64xf32, #tpu.memory_space<vmem>>) target(%dma_start3A_526 : memref<10240x64xf32, #tpu.memory_space<vmem_shared>>) offsets(%arg11 : memref<128xi32, #tpu.memory_space<vmem>>) semaphore(%run_scoped3A_523 : memref<!tpu.dma_semaphore, #tpu.memory_space<semaphore_mem>>) {add = true}
        %dma_wait3A_527 = arith.constant 0 : i32
        %dma_wait3A_528 = arith.constant 0 : i32
        %dma_wait3A_529 = tpu.memref_slice %arg17[%dma_wait3A_527, %dma_wait3A_528] : memref<10240x64xf32, #tpu.memory_space<vmem_shared>> -> memref<10240x64xf32, #tpu.memory_space<vmem_shared>>
        tpu.wait_indirect_dma semaphore(%run_scoped3A_523 : memref<!tpu.dma_semaphore, #tpu.memory_space<semaphore_mem>>) src(%arg13 : memref<128x64xf32, #tpu.memory_space<vmem>>) dst(%dma_wait3A_529 : memref<10240x64xf32, #tpu.memory_space<vmem_shared>>)
        tpu.yield
      }) : () -> ()
      "tpu.region"() ({
        %run_scoped3A_523 = tpu.sem_alloc : memref<!tpu.dma_semaphore, #tpu.memory_space<semaphore_mem>>
        %dma_start3A_524 = arith.constant 0 : i32
        %dma_start3A_525 = tpu.memref_slice %arg14[%dma_start3A_524] : memref<144xf32, #tpu.memory_space<vmem>> -> memref<128xf32, #tpu.memory_space<vmem>>
        %dma_start3A_526 = arith.constant 0 : i32
        %dma_start3A_527 = tpu.memref_slice %arg18[%dma_start3A_526] : memref<10240xf32, #tpu.memory_space<vmem_shared>> -> memref<10240xf32, #tpu.memory_space<vmem_shared>>
        tpu.enqueue_indirect_dma source(%dma_start3A_525 : memref<128xf32, #tpu.memory_space<vmem>>) target(%dma_start3A_527 : memref<10240xf32, #tpu.memory_space<vmem_shared>>) offsets(%arg11 : memref<128xi32, #tpu.memory_space<vmem>>) semaphore(%run_scoped3A_523 : memref<!tpu.dma_semaphore, #tpu.memory_space<semaphore_mem>>) {add = true}
        %dma_wait3A_528 = arith.constant 0 : i32
        %dma_wait3A_529 = tpu.memref_slice %arg14[%dma_wait3A_528] : memref<144xf32, #tpu.memory_space<vmem>> -> memref<128xf32, #tpu.memory_space<vmem>>
        %dma_wait3A_530 = arith.constant 0 : i32
        %dma_wait3A_531 = tpu.memref_slice %arg18[%dma_wait3A_530] : memref<10240xf32, #tpu.memory_space<vmem_shared>> -> memref<10240xf32, #tpu.memory_space<vmem_shared>>
        tpu.wait_indirect_dma semaphore(%run_scoped3A_523 : memref<!tpu.dma_semaphore, #tpu.memory_space<semaphore_mem>>) src(%dma_wait3A_529 : memref<128xf32, #tpu.memory_space<vmem>>) dst(%dma_wait3A_531 : memref<10240xf32, #tpu.memory_space<vmem_shared>>)
        tpu.yield
      }) : () -> ()
    }
    %scan3A_296 = arith.constant 81 : i32
    %barrier3A_297 = arith.constant 0 : index
    tpu.barrier barrier_id(%barrier3A_297)
    "tpu.region"() ({
      %run_scoped3A_298 = tpu.sem_alloc : memref<!tpu.dma_semaphore, #tpu.memory_space<semaphore_mem>>
      %dma_start3A = arith.constant 0 : i32
      %dma_start3A_299 = tpu.memref_slice %arg6[%arg0, %mul3A_275, %dma_start3A] : memref<2x10240x64xf32, #tpu.memory_space<hbm>> -> memref<1x640x64xf32, #tpu.memory_space<hbm>>
      %dma_start3A_300 = tpu.memref_squeeze %dma_start3A_299 : memref<1x640x64xf32, #tpu.memory_space<hbm>> -> memref<640x64xf32, #tpu.memory_space<hbm>>
      %dma_start3A_301 = arith.constant 0 : i32
      %dma_start3A_302 = tpu.memref_slice %arg17[%mul3A_275, %dma_start3A_301] : memref<10240x64xf32, #tpu.memory_space<vmem_shared>> -> memref<640x64xf32, #tpu.memory_space<vmem_shared>>
      tpu.enqueue_dma source(%dma_start3A_302 : memref<640x64xf32, #tpu.memory_space<vmem_shared>>) target(%dma_start3A_300 : memref<640x64xf32, #tpu.memory_space<hbm>>) target_semaphore(%run_scoped3A_298 : memref<!tpu.dma_semaphore, #tpu.memory_space<semaphore_mem>>)
      %dma_wait3A = arith.constant 0 : i32
      %dma_wait3A_303 = tpu.memref_slice %arg6[%arg0, %mul3A_275, %dma_wait3A] : memref<2x10240x64xf32, #tpu.memory_space<hbm>> -> memref<1x640x64xf32, #tpu.memory_space<hbm>>
      %dma_wait3A_304 = tpu.memref_squeeze %dma_wait3A_303 : memref<1x640x64xf32, #tpu.memory_space<hbm>> -> memref<640x64xf32, #tpu.memory_space<hbm>>
      %dma_wait3A_305 = arith.constant 0 : i32
      %dma_wait3A_306 = tpu.memref_slice %arg17[%mul3A_275, %dma_wait3A_305] : memref<10240x64xf32, #tpu.memory_space<vmem_shared>> -> memref<640x64xf32, #tpu.memory_space<vmem_shared>>
      tpu.wait_dma2 semaphore(%run_scoped3A_298 : memref<!tpu.dma_semaphore, #tpu.memory_space<semaphore_mem>>) src(%dma_wait3A_306 : memref<640x64xf32, #tpu.memory_space<vmem_shared>>) dst(%dma_wait3A_304 : memref<640x64xf32, #tpu.memory_space<hbm>>)
      tpu.yield
    }) : () -> ()
    "tpu.region"() ({
      %run_scoped3A_298 = tpu.sem_alloc : memref<!tpu.dma_semaphore, #tpu.memory_space<semaphore_mem>>
      %dma_start3A = tpu.memref_slice %arg7[%arg0, %mul3A_275] : memref<2x10240xf32, #tpu.memory_space<hbm>> -> memref<1x640xf32, #tpu.memory_space<hbm>>
      %dma_start3A_299 = tpu.memref_squeeze %dma_start3A : memref<1x640xf32, #tpu.memory_space<hbm>> -> memref<640xf32, #tpu.memory_space<hbm>>
      %dma_start3A_300 = tpu.memref_slice %arg18[%mul3A_275] : memref<10240xf32, #tpu.memory_space<vmem_shared>> -> memref<640xf32, #tpu.memory_space<vmem_shared>>
      tpu.enqueue_dma source(%dma_start3A_300 : memref<640xf32, #tpu.memory_space<vmem_shared>>) target(%dma_start3A_299 : memref<640xf32, #tpu.memory_space<hbm>>) target_semaphore(%run_scoped3A_298 : memref<!tpu.dma_semaphore, #tpu.memory_space<semaphore_mem>>)
      %dma_wait3A = tpu.memref_slice %arg7[%arg0, %mul3A_275] : memref<2x10240xf32, #tpu.memory_space<hbm>> -> memref<1x640xf32, #tpu.memory_space<hbm>>
      %dma_wait3A_301 = tpu.memref_squeeze %dma_wait3A : memref<1x640xf32, #tpu.memory_space<hbm>> -> memref<640xf32, #tpu.memory_space<hbm>>
      %dma_wait3A_302 = tpu.memref_slice %arg18[%mul3A_275] : memref<10240xf32, #tpu.memory_space<vmem_shared>> -> memref<640xf32, #tpu.memory_space<vmem_shared>>
      tpu.wait_dma2 semaphore(%run_scoped3A_298 : memref<!tpu.dma_semaphore, #tpu.memory_space<semaphore_mem>>) src(%dma_wait3A_302 : memref<640xf32, #tpu.memory_space<vmem_shared>>) dst(%dma_wait3A_301 : memref<640xf32, #tpu.memory_space<hbm>>)
      tpu.yield
    }) : () -> ()
    return
  }
}

#map = affine_map<(d0, d1) -> (0, 0)>
#map1 = affine_map<(d0, d1) -> (0, 0, 0)>
module attributes {stable_mosaic.version = 14 : i64} {
  func.func @sc_pass(%arg0: i32, %arg1: i32, %arg2: memref<2592x128xi32, #tpu.memory_space<hbm>>, %arg3: memref<2592x128xi32, #tpu.memory_space<hbm>>, %arg4: memref<2x10000xf32, #tpu.memory_space<hbm>>, %arg5: memref<10000x64xf32, #tpu.memory_space<hbm>>, %arg6: memref<2x10240x64xf32, #tpu.memory_space<hbm>>, %arg7: memref<2x10240xf32, #tpu.memory_space<hbm>>, %arg8: memref<10000xf32, #tpu.memory_space<vmem>>, %arg9: memref<10000xf32, #tpu.memory_space<vmem>>, %arg10: memref<128xi32, #tpu.memory_space<vmem>>, %arg11: memref<128xi32, #tpu.memory_space<vmem>>, %arg12: memref<128x64xf32, #tpu.memory_space<vmem>>, %arg13: memref<128x64xf32, #tpu.memory_space<vmem>>, %arg14: memref<144xf32, #tpu.memory_space<vmem>>, %arg15: memref<16x64xf32, #tpu.memory_space<vmem>>, %arg16: memref<128xf32, #tpu.memory_space<vmem>>, %arg17: memref<10240x64xf32, #tpu.memory_space<vmem_shared>>, %arg18: memref<10240xf32, #tpu.memory_space<vmem_shared>>, %arg19: memref<!tpu.dma_semaphore, #tpu.memory_space<semaphore_mem>>) attributes {dimension_semantics = [#tpu.dimension_semantics<core_parallel>, #tpu.dimension_semantics<subcore_parallel>], iteration_bounds = array<i64: 2, 16>, scalar_prefetch = 0 : i64, scratch_operands = 12 : i64, tpu.core_type = #tpu.core_type<sc_vector_subcore>, window_params = [{transform_indices = #map}, {transform_indices = #map}, {transform_indices = #map}, {transform_indices = #map}, {transform_indices = #map1}, {transform_indices = #map}]} {
    %mul3A = arith.constant 2 : i32
    %mul3A_0 = arith.muli %arg1, %mul3A : i32
    %add3A = arith.addi %mul3A_0, %arg0 : i32
    %run_scoped3A = arith.constant 0 : i32
    "tpu.region"() ({
      %run_scoped3A_298 = tpu.sem_alloc : memref<!tpu.dma_semaphore, #tpu.memory_space<semaphore_mem>>
      %dma_start3A = arith.constant 0 : i32
      %dma_start3A_299 = tpu.memref_slice %arg4[%run_scoped3A, %dma_start3A] : memref<2x10000xf32, #tpu.memory_space<hbm>> -> memref<1x10000xf32, #tpu.memory_space<hbm>>
      %dma_start3A_300 = tpu.memref_squeeze %dma_start3A_299 : memref<1x10000xf32, #tpu.memory_space<hbm>> -> memref<10000xf32, #tpu.memory_space<hbm>>
      %dma_start3A_301 = arith.constant 0 : i32
      %dma_start3A_302 = tpu.memref_slice %arg4[%run_scoped3A, %dma_start3A_301] : memref<2x10000xf32, #tpu.memory_space<hbm>> -> memref<1x10000xf32, #tpu.memory_space<hbm>>
      %dma_start3A_303 = tpu.memref_squeeze %dma_start3A_302 : memref<1x10000xf32, #tpu.memory_space<hbm>> -> memref<10000xf32, #tpu.memory_space<hbm>>
      tpu.enqueue_dma source(%dma_start3A_303 : memref<10000xf32, #tpu.memory_space<hbm>>) target(%arg8 : memref<10000xf32, #tpu.memory_space<vmem>>) target_semaphore(%run_scoped3A_298 : memref<!tpu.dma_semaphore, #tpu.memory_space<semaphore_mem>>)
      %dma_wait3A = arith.constant 0 : i32
      %dma_wait3A_304 = tpu.memref_slice %arg4[%run_scoped3A, %dma_wait3A] : memref<2x10000xf32, #tpu.memory_space<hbm>> -> memref<1x10000xf32, #tpu.memory_space<hbm>>
      %dma_wait3A_305 = tpu.memref_squeeze %dma_wait3A_304 : memref<1x10000xf32, #tpu.memory_space<hbm>> -> memref<10000xf32, #tpu.memory_space<hbm>>
      %dma_wait3A_306 = arith.constant 0 : i32
      %dma_wait3A_307 = tpu.memref_slice %arg4[%run_scoped3A, %dma_wait3A_306] : memref<2x10000xf32, #tpu.memory_space<hbm>> -> memref<1x10000xf32, #tpu.memory_space<hbm>>
      %dma_wait3A_308 = tpu.memref_squeeze %dma_wait3A_307 : memref<1x10000xf32, #tpu.memory_space<hbm>> -> memref<10000xf32, #tpu.memory_space<hbm>>
      tpu.wait_dma2 semaphore(%run_scoped3A_298 : memref<!tpu.dma_semaphore, #tpu.memory_space<semaphore_mem>>) src(%dma_wait3A_308 : memref<10000xf32, #tpu.memory_space<hbm>>) dst(%arg8 : memref<10000xf32, #tpu.memory_space<vmem>>)
      tpu.yield
    }) : () -> ()
    %run_scoped3A_1 = arith.constant 1 : i32
    "tpu.region"() ({
      %run_scoped3A_298 = tpu.sem_alloc : memref<!tpu.dma_semaphore, #tpu.memory_space<semaphore_mem>>
      %dma_start3A = arith.constant 0 : i32
      %dma_start3A_299 = tpu.memref_slice %arg4[%run_scoped3A_1, %dma_start3A] : memref<2x10000xf32, #tpu.memory_space<hbm>> -> memref<1x10000xf32, #tpu.memory_space<hbm>>
      %dma_start3A_300 = tpu.memref_squeeze %dma_start3A_299 : memref<1x10000xf32, #tpu.memory_space<hbm>> -> memref<10000xf32, #tpu.memory_space<hbm>>
      %dma_start3A_301 = arith.constant 0 : i32
      %dma_start3A_302 = tpu.memref_slice %arg4[%run_scoped3A_1, %dma_start3A_301] : memref<2x10000xf32, #tpu.memory_space<hbm>> -> memref<1x10000xf32, #tpu.memory_space<hbm>>
      %dma_start3A_303 = tpu.memref_squeeze %dma_start3A_302 : memref<1x10000xf32, #tpu.memory_space<hbm>> -> memref<10000xf32, #tpu.memory_space<hbm>>
      tpu.enqueue_dma source(%dma_start3A_303 : memref<10000xf32, #tpu.memory_space<hbm>>) target(%arg9 : memref<10000xf32, #tpu.memory_space<vmem>>) target_semaphore(%run_scoped3A_298 : memref<!tpu.dma_semaphore, #tpu.memory_space<semaphore_mem>>)
      %dma_wait3A = arith.constant 0 : i32
      %dma_wait3A_304 = tpu.memref_slice %arg4[%run_scoped3A_1, %dma_wait3A] : memref<2x10000xf32, #tpu.memory_space<hbm>> -> memref<1x10000xf32, #tpu.memory_space<hbm>>
      %dma_wait3A_305 = tpu.memref_squeeze %dma_wait3A_304 : memref<1x10000xf32, #tpu.memory_space<hbm>> -> memref<10000xf32, #tpu.memory_space<hbm>>
      %dma_wait3A_306 = arith.constant 0 : i32
      %dma_wait3A_307 = tpu.memref_slice %arg4[%run_scoped3A_1, %dma_wait3A_306] : memref<2x10000xf32, #tpu.memory_space<hbm>> -> memref<1x10000xf32, #tpu.memory_space<hbm>>
      %dma_wait3A_308 = tpu.memref_squeeze %dma_wait3A_307 : memref<1x10000xf32, #tpu.memory_space<hbm>> -> memref<10000xf32, #tpu.memory_space<hbm>>
      tpu.wait_dma2 semaphore(%run_scoped3A_298 : memref<!tpu.dma_semaphore, #tpu.memory_space<semaphore_mem>>) src(%dma_wait3A_308 : memref<10000xf32, #tpu.memory_space<hbm>>) dst(%arg9 : memref<10000xf32, #tpu.memory_space<vmem>>)
      tpu.yield
    }) : () -> ()
    %broadcast_in_dim3A = arith.constant 0.000000e+00 : f32
    %broadcast_in_dim3A_2 = vector.broadcast %broadcast_in_dim3A : f32 to vector<16xf32>
    %swap3A = arith.constant 0 : i32
    %swap3A_3 = arith.index_cast %swap3A : i32 to index
    %swap3A_4 = arith.constant 0 : index
    %swap3A_5 = tpu.vector_load %arg15[%swap3A_3, %swap3A_4] {strides = array<i32>} : memref<16x64xf32, #tpu.memory_space<vmem>>, vector<16xf32>,
    tpu.vector_store %arg15[%swap3A_3, %swap3A_4], %broadcast_in_dim3A_2 {strides = array<i32>} : memref<16x64xf32, #tpu.memory_space<vmem>>, vector<16xf32>,
    %swap3A_6 = arith.constant 0 : i32
    %swap3A_7 = arith.index_cast %swap3A_6 : i32 to index
    %swap3A_8 = arith.constant 16 : index
    %swap3A_9 = tpu.vector_load %arg15[%swap3A_7, %swap3A_8] {strides = array<i32>} : memref<16x64xf32, #tpu.memory_space<vmem>>, vector<16xf32>,
    tpu.vector_store %arg15[%swap3A_7, %swap3A_8], %broadcast_in_dim3A_2 {strides = array<i32>} : memref<16x64xf32, #tpu.memory_space<vmem>>, vector<16xf32>,
    %swap3A_10 = arith.constant 0 : i32
    %swap3A_11 = arith.index_cast %swap3A_10 : i32 to index
    %swap3A_12 = arith.constant 32 : index
    %swap3A_13 = tpu.vector_load %arg15[%swap3A_11, %swap3A_12] {strides = array<i32>} : memref<16x64xf32, #tpu.memory_space<vmem>>, vector<16xf32>,
    tpu.vector_store %arg15[%swap3A_11, %swap3A_12], %broadcast_in_dim3A_2 {strides = array<i32>} : memref<16x64xf32, #tpu.memory_space<vmem>>, vector<16xf32>,
    %swap3A_14 = arith.constant 0 : i32
    %swap3A_15 = arith.index_cast %swap3A_14 : i32 to index
    %swap3A_16 = arith.constant 48 : index
    %swap3A_17 = tpu.vector_load %arg15[%swap3A_15, %swap3A_16] {strides = array<i32>} : memref<16x64xf32, #tpu.memory_space<vmem>>, vector<16xf32>,
    tpu.vector_store %arg15[%swap3A_15, %swap3A_16], %broadcast_in_dim3A_2 {strides = array<i32>} : memref<16x64xf32, #tpu.memory_space<vmem>>, vector<16xf32>,
    %swap3A_18 = arith.constant 1 : i32
    %swap3A_19 = arith.index_cast %swap3A_18 : i32 to index
    %swap3A_20 = arith.constant 0 : index
    %swap3A_21 = tpu.vector_load %arg15[%swap3A_19, %swap3A_20] {strides = array<i32>} : memref<16x64xf32, #tpu.memory_space<vmem>>, vector<16xf32>,
    tpu.vector_store %arg15[%swap3A_19, %swap3A_20], %broadcast_in_dim3A_2 {strides = array<i32>} : memref<16x64xf32, #tpu.memory_space<vmem>>, vector<16xf32>,
    %swap3A_22 = arith.constant 1 : i32
    %swap3A_23 = arith.index_cast %swap3A_22 : i32 to index
    %swap3A_24 = arith.constant 16 : index
    %swap3A_25 = tpu.vector_load %arg15[%swap3A_23, %swap3A_24] {strides = array<i32>} : memref<16x64xf32, #tpu.memory_space<vmem>>, vector<16xf32>,
    tpu.vector_store %arg15[%swap3A_23, %swap3A_24], %broadcast_in_dim3A_2 {strides = array<i32>} : memref<16x64xf32, #tpu.memory_space<vmem>>, vector<16xf32>,
    %swap3A_26 = arith.constant 1 : i32
    %swap3A_27 = arith.index_cast %swap3A_26 : i32 to index
    %swap3A_28 = arith.constant 32 : index
    %swap3A_29 = tpu.vector_load %arg15[%swap3A_27, %swap3A_28] {strides = array<i32>} : memref<16x64xf32, #tpu.memory_space<vmem>>, vector<16xf32>,
    tpu.vector_store %arg15[%swap3A_27, %swap3A_28], %broadcast_in_dim3A_2 {strides = array<i32>} : memref<16x64xf32, #tpu.memory_space<vmem>>, vector<16xf32>,
    %swap3A_30 = arith.constant 1 : i32
    %swap3A_31 = arith.index_cast %swap3A_30 : i32 to index
    %swap3A_32 = arith.constant 48 : index
    %swap3A_33 = tpu.vector_load %arg15[%swap3A_31, %swap3A_32] {strides = array<i32>} : memref<16x64xf32, #tpu.memory_space<vmem>>, vector<16xf32>,
    tpu.vector_store %arg15[%swap3A_31, %swap3A_32], %broadcast_in_dim3A_2 {strides = array<i32>} : memref<16x64xf32, #tpu.memory_space<vmem>>, vector<16xf32>,
    %swap3A_34 = arith.constant 2 : i32
    %swap3A_35 = arith.index_cast %swap3A_34 : i32 to index
    %swap3A_36 = arith.constant 0 : index
    %swap3A_37 = tpu.vector_load %arg15[%swap3A_35, %swap3A_36] {strides = array<i32>} : memref<16x64xf32, #tpu.memory_space<vmem>>, vector<16xf32>,
    tpu.vector_store %arg15[%swap3A_35, %swap3A_36], %broadcast_in_dim3A_2 {strides = array<i32>} : memref<16x64xf32, #tpu.memory_space<vmem>>, vector<16xf32>,
    %swap3A_38 = arith.constant 2 : i32
    %swap3A_39 = arith.index_cast %swap3A_38 : i32 to index
    %swap3A_40 = arith.constant 16 : index
    %swap3A_41 = tpu.vector_load %arg15[%swap3A_39, %swap3A_40] {strides = array<i32>} : memref<16x64xf32, #tpu.memory_space<vmem>>, vector<16xf32>,
    tpu.vector_store %arg15[%swap3A_39, %swap3A_40], %broadcast_in_dim3A_2 {strides = array<i32>} : memref<16x64xf32, #tpu.memory_space<vmem>>, vector<16xf32>,
    %swap3A_42 = arith.constant 2 : i32
    %swap3A_43 = arith.index_cast %swap3A_42 : i32 to index
    %swap3A_44 = arith.constant 32 : index
    %swap3A_45 = tpu.vector_load %arg15[%swap3A_43, %swap3A_44] {strides = array<i32>} : memref<16x64xf32, #tpu.memory_space<vmem>>, vector<16xf32>,
    tpu.vector_store %arg15[%swap3A_43, %swap3A_44], %broadcast_in_dim3A_2 {strides = array<i32>} : memref<16x64xf32, #tpu.memory_space<vmem>>, vector<16xf32>,
    %swap3A_46 = arith.constant 2 : i32
    %swap3A_47 = arith.index_cast %swap3A_46 : i32 to index
    %swap3A_48 = arith.constant 48 : index
    %swap3A_49 = tpu.vector_load %arg15[%swap3A_47, %swap3A_48] {strides = array<i32>} : memref<16x64xf32, #tpu.memory_space<vmem>>, vector<16xf32>,
    tpu.vector_store %arg15[%swap3A_47, %swap3A_48], %broadcast_in_dim3A_2 {strides = array<i32>} : memref<16x64xf32, #tpu.memory_space<vmem>>, vector<16xf32>,
    %swap3A_50 = arith.constant 3 : i32
    %swap3A_51 = arith.index_cast %swap3A_50 : i32 to index
    %swap3A_52 = arith.constant 0 : index
    %swap3A_53 = tpu.vector_load %arg15[%swap3A_51, %swap3A_52] {strides = array<i32>} : memref<16x64xf32, #tpu.memory_space<vmem>>, vector<16xf32>,
    tpu.vector_store %arg15[%swap3A_51, %swap3A_52], %broadcast_in_dim3A_2 {strides = array<i32>} : memref<16x64xf32, #tpu.memory_space<vmem>>, vector<16xf32>,
    %swap3A_54 = arith.constant 3 : i32
    %swap3A_55 = arith.index_cast %swap3A_54 : i32 to index
    %swap3A_56 = arith.constant 16 : index
    %swap3A_57 = tpu.vector_load %arg15[%swap3A_55, %swap3A_56] {strides = array<i32>} : memref<16x64xf32, #tpu.memory_space<vmem>>, vector<16xf32>,
    tpu.vector_store %arg15[%swap3A_55, %swap3A_56], %broadcast_in_dim3A_2 {strides = array<i32>} : memref<16x64xf32, #tpu.memory_space<vmem>>, vector<16xf32>,
    %swap3A_58 = arith.constant 3 : i32
    %swap3A_59 = arith.index_cast %swap3A_58 : i32 to index
    %swap3A_60 = arith.constant 32 : index
    %swap3A_61 = tpu.vector_load %arg15[%swap3A_59, %swap3A_60] {strides = array<i32>} : memref<16x64xf32, #tpu.memory_space<vmem>>, vector<16xf32>,
    tpu.vector_store %arg15[%swap3A_59, %swap3A_60], %broadcast_in_dim3A_2 {strides = array<i32>} : memref<16x64xf32, #tpu.memory_space<vmem>>, vector<16xf32>,
    %swap3A_62 = arith.constant 3 : i32
    %swap3A_63 = arith.index_cast %swap3A_62 : i32 to index
    %swap3A_64 = arith.constant 48 : index
    %swap3A_65 = tpu.vector_load %arg15[%swap3A_63, %swap3A_64] {strides = array<i32>} : memref<16x64xf32, #tpu.memory_space<vmem>>, vector<16xf32>,
    tpu.vector_store %arg15[%swap3A_63, %swap3A_64], %broadcast_in_dim3A_2 {strides = array<i32>} : memref<16x64xf32, #tpu.memory_space<vmem>>, vector<16xf32>,
    %swap3A_66 = arith.constant 4 : i32
    %swap3A_67 = arith.index_cast %swap3A_66 : i32 to index
    %swap3A_68 = arith.constant 0 : index
    %swap3A_69 = tpu.vector_load %arg15[%swap3A_67, %swap3A_68] {strides = array<i32>} : memref<16x64xf32, #tpu.memory_space<vmem>>, vector<16xf32>,
    tpu.vector_store %arg15[%swap3A_67, %swap3A_68], %broadcast_in_dim3A_2 {strides = array<i32>} : memref<16x64xf32, #tpu.memory_space<vmem>>, vector<16xf32>,
    %swap3A_70 = arith.constant 4 : i32
    %swap3A_71 = arith.index_cast %swap3A_70 : i32 to index
    %swap3A_72 = arith.constant 16 : index
    %swap3A_73 = tpu.vector_load %arg15[%swap3A_71, %swap3A_72] {strides = array<i32>} : memref<16x64xf32, #tpu.memory_space<vmem>>, vector<16xf32>,
    tpu.vector_store %arg15[%swap3A_71, %swap3A_72], %broadcast_in_dim3A_2 {strides = array<i32>} : memref<16x64xf32, #tpu.memory_space<vmem>>, vector<16xf32>,
    %swap3A_74 = arith.constant 4 : i32
    %swap3A_75 = arith.index_cast %swap3A_74 : i32 to index
    %swap3A_76 = arith.constant 32 : index
    %swap3A_77 = tpu.vector_load %arg15[%swap3A_75, %swap3A_76] {strides = array<i32>} : memref<16x64xf32, #tpu.memory_space<vmem>>, vector<16xf32>,
    tpu.vector_store %arg15[%swap3A_75, %swap3A_76], %broadcast_in_dim3A_2 {strides = array<i32>} : memref<16x64xf32, #tpu.memory_space<vmem>>, vector<16xf32>,
    %swap3A_78 = arith.constant 4 : i32
    %swap3A_79 = arith.index_cast %swap3A_78 : i32 to index
    %swap3A_80 = arith.constant 48 : index
    %swap3A_81 = tpu.vector_load %arg15[%swap3A_79, %swap3A_80] {strides = array<i32>} : memref<16x64xf32, #tpu.memory_space<vmem>>, vector<16xf32>,
    tpu.vector_store %arg15[%swap3A_79, %swap3A_80], %broadcast_in_dim3A_2 {strides = array<i32>} : memref<16x64xf32, #tpu.memory_space<vmem>>, vector<16xf32>,
    %swap3A_82 = arith.constant 5 : i32
    %swap3A_83 = arith.index_cast %swap3A_82 : i32 to index
    %swap3A_84 = arith.constant 0 : index
    %swap3A_85 = tpu.vector_load %arg15[%swap3A_83, %swap3A_84] {strides = array<i32>} : memref<16x64xf32, #tpu.memory_space<vmem>>, vector<16xf32>,
    tpu.vector_store %arg15[%swap3A_83, %swap3A_84], %broadcast_in_dim3A_2 {strides = array<i32>} : memref<16x64xf32, #tpu.memory_space<vmem>>, vector<16xf32>,
    %swap3A_86 = arith.constant 5 : i32
    %swap3A_87 = arith.index_cast %swap3A_86 : i32 to index
    %swap3A_88 = arith.constant 16 : index
    %swap3A_89 = tpu.vector_load %arg15[%swap3A_87, %swap3A_88] {strides = array<i32>} : memref<16x64xf32, #tpu.memory_space<vmem>>, vector<16xf32>,
    tpu.vector_store %arg15[%swap3A_87, %swap3A_88], %broadcast_in_dim3A_2 {strides = array<i32>} : memref<16x64xf32, #tpu.memory_space<vmem>>, vector<16xf32>,
    %swap3A_90 = arith.constant 5 : i32
    %swap3A_91 = arith.index_cast %swap3A_90 : i32 to index
    %swap3A_92 = arith.constant 32 : index
    %swap3A_93 = tpu.vector_load %arg15[%swap3A_91, %swap3A_92] {strides = array<i32>} : memref<16x64xf32, #tpu.memory_space<vmem>>, vector<16xf32>,
    tpu.vector_store %arg15[%swap3A_91, %swap3A_92], %broadcast_in_dim3A_2 {strides = array<i32>} : memref<16x64xf32, #tpu.memory_space<vmem>>, vector<16xf32>,
    %swap3A_94 = arith.constant 5 : i32
    %swap3A_95 = arith.index_cast %swap3A_94 : i32 to index
    %swap3A_96 = arith.constant 48 : index
    %swap3A_97 = tpu.vector_load %arg15[%swap3A_95, %swap3A_96] {strides = array<i32>} : memref<16x64xf32, #tpu.memory_space<vmem>>, vector<16xf32>,
    tpu.vector_store %arg15[%swap3A_95, %swap3A_96], %broadcast_in_dim3A_2 {strides = array<i32>} : memref<16x64xf32, #tpu.memory_space<vmem>>, vector<16xf32>,
    %swap3A_98 = arith.constant 6 : i32
    %swap3A_99 = arith.index_cast %swap3A_98 : i32 to index
    %swap3A_100 = arith.constant 0 : index
    %swap3A_101 = tpu.vector_load %arg15[%swap3A_99, %swap3A_100] {strides = array<i32>} : memref<16x64xf32, #tpu.memory_space<vmem>>, vector<16xf32>,
    tpu.vector_store %arg15[%swap3A_99, %swap3A_100], %broadcast_in_dim3A_2 {strides = array<i32>} : memref<16x64xf32, #tpu.memory_space<vmem>>, vector<16xf32>,
    %swap3A_102 = arith.constant 6 : i32
    %swap3A_103 = arith.index_cast %swap3A_102 : i32 to index
    %swap3A_104 = arith.constant 16 : index
    %swap3A_105 = tpu.vector_load %arg15[%swap3A_103, %swap3A_104] {strides = array<i32>} : memref<16x64xf32, #tpu.memory_space<vmem>>, vector<16xf32>,
    tpu.vector_store %arg15[%swap3A_103, %swap3A_104], %broadcast_in_dim3A_2 {strides = array<i32>} : memref<16x64xf32, #tpu.memory_space<vmem>>, vector<16xf32>,
    %swap3A_106 = arith.constant 6 : i32
    %swap3A_107 = arith.index_cast %swap3A_106 : i32 to index
    %swap3A_108 = arith.constant 32 : index
    %swap3A_109 = tpu.vector_load %arg15[%swap3A_107, %swap3A_108] {strides = array<i32>} : memref<16x64xf32, #tpu.memory_space<vmem>>, vector<16xf32>,
    tpu.vector_store %arg15[%swap3A_107, %swap3A_108], %broadcast_in_dim3A_2 {strides = array<i32>} : memref<16x64xf32, #tpu.memory_space<vmem>>, vector<16xf32>,
    %swap3A_110 = arith.constant 6 : i32
    %swap3A_111 = arith.index_cast %swap3A_110 : i32 to index
    %swap3A_112 = arith.constant 48 : index
    %swap3A_113 = tpu.vector_load %arg15[%swap3A_111, %swap3A_112] {strides = array<i32>} : memref<16x64xf32, #tpu.memory_space<vmem>>, vector<16xf32>,
    tpu.vector_store %arg15[%swap3A_111, %swap3A_112], %broadcast_in_dim3A_2 {strides = array<i32>} : memref<16x64xf32, #tpu.memory_space<vmem>>, vector<16xf32>,
    %swap3A_114 = arith.constant 7 : i32
    %swap3A_115 = arith.index_cast %swap3A_114 : i32 to index
    %swap3A_116 = arith.constant 0 : index
    %swap3A_117 = tpu.vector_load %arg15[%swap3A_115, %swap3A_116] {strides = array<i32>} : memref<16x64xf32, #tpu.memory_space<vmem>>, vector<16xf32>,
    tpu.vector_store %arg15[%swap3A_115, %swap3A_116], %broadcast_in_dim3A_2 {strides = array<i32>} : memref<16x64xf32, #tpu.memory_space<vmem>>, vector<16xf32>,
    %swap3A_118 = arith.constant 7 : i32
    %swap3A_119 = arith.index_cast %swap3A_118 : i32 to index
    %swap3A_120 = arith.constant 16 : index
    %swap3A_121 = tpu.vector_load %arg15[%swap3A_119, %swap3A_120] {strides = array<i32>} : memref<16x64xf32, #tpu.memory_space<vmem>>, vector<16xf32>,
    tpu.vector_store %arg15[%swap3A_119, %swap3A_120], %broadcast_in_dim3A_2 {strides = array<i32>} : memref<16x64xf32, #tpu.memory_space<vmem>>, vector<16xf32>,
    %swap3A_122 = arith.constant 7 : i32
    %swap3A_123 = arith.index_cast %swap3A_122 : i32 to index
    %swap3A_124 = arith.constant 32 : index
    %swap3A_125 = tpu.vector_load %arg15[%swap3A_123, %swap3A_124] {strides = array<i32>} : memref<16x64xf32, #tpu.memory_space<vmem>>, vector<16xf32>,
    tpu.vector_store %arg15[%swap3A_123, %swap3A_124], %broadcast_in_dim3A_2 {strides = array<i32>} : memref<16x64xf32, #tpu.memory_space<vmem>>, vector<16xf32>,
    %swap3A_126 = arith.constant 7 : i32
    %swap3A_127 = arith.index_cast %swap3A_126 : i32 to index
    %swap3A_128 = arith.constant 48 : index
    %swap3A_129 = tpu.vector_load %arg15[%swap3A_127, %swap3A_128] {strides = array<i32>} : memref<16x64xf32, #tpu.memory_space<vmem>>, vector<16xf32>,
    tpu.vector_store %arg15[%swap3A_127, %swap3A_128], %broadcast_in_dim3A_2 {strides = array<i32>} : memref<16x64xf32, #tpu.memory_space<vmem>>, vector<16xf32>,
    %swap3A_130 = arith.constant 8 : i32
    %swap3A_131 = arith.index_cast %swap3A_130 : i32 to index
    %swap3A_132 = arith.constant 0 : index
    %swap3A_133 = tpu.vector_load %arg15[%swap3A_131, %swap3A_132] {strides = array<i32>} : memref<16x64xf32, #tpu.memory_space<vmem>>, vector<16xf32>,
    tpu.vector_store %arg15[%swap3A_131, %swap3A_132], %broadcast_in_dim3A_2 {strides = array<i32>} : memref<16x64xf32, #tpu.memory_space<vmem>>, vector<16xf32>,
    %swap3A_134 = arith.constant 8 : i32
    %swap3A_135 = arith.index_cast %swap3A_134 : i32 to index
    %swap3A_136 = arith.constant 16 : index
    %swap3A_137 = tpu.vector_load %arg15[%swap3A_135, %swap3A_136] {strides = array<i32>} : memref<16x64xf32, #tpu.memory_space<vmem>>, vector<16xf32>,
    tpu.vector_store %arg15[%swap3A_135, %swap3A_136], %broadcast_in_dim3A_2 {strides = array<i32>} : memref<16x64xf32, #tpu.memory_space<vmem>>, vector<16xf32>,
    %swap3A_138 = arith.constant 8 : i32
    %swap3A_139 = arith.index_cast %swap3A_138 : i32 to index
    %swap3A_140 = arith.constant 32 : index
    %swap3A_141 = tpu.vector_load %arg15[%swap3A_139, %swap3A_140] {strides = array<i32>} : memref<16x64xf32, #tpu.memory_space<vmem>>, vector<16xf32>,
    tpu.vector_store %arg15[%swap3A_139, %swap3A_140], %broadcast_in_dim3A_2 {strides = array<i32>} : memref<16x64xf32, #tpu.memory_space<vmem>>, vector<16xf32>,
    %swap3A_142 = arith.constant 8 : i32
    %swap3A_143 = arith.index_cast %swap3A_142 : i32 to index
    %swap3A_144 = arith.constant 48 : index
    %swap3A_145 = tpu.vector_load %arg15[%swap3A_143, %swap3A_144] {strides = array<i32>} : memref<16x64xf32, #tpu.memory_space<vmem>>, vector<16xf32>,
    tpu.vector_store %arg15[%swap3A_143, %swap3A_144], %broadcast_in_dim3A_2 {strides = array<i32>} : memref<16x64xf32, #tpu.memory_space<vmem>>, vector<16xf32>,
    %swap3A_146 = arith.constant 9 : i32
    %swap3A_147 = arith.index_cast %swap3A_146 : i32 to index
    %swap3A_148 = arith.constant 0 : index
    %swap3A_149 = tpu.vector_load %arg15[%swap3A_147, %swap3A_148] {strides = array<i32>} : memref<16x64xf32, #tpu.memory_space<vmem>>, vector<16xf32>,
    tpu.vector_store %arg15[%swap3A_147, %swap3A_148], %broadcast_in_dim3A_2 {strides = array<i32>} : memref<16x64xf32, #tpu.memory_space<vmem>>, vector<16xf32>,
    %swap3A_150 = arith.constant 9 : i32
    %swap3A_151 = arith.index_cast %swap3A_150 : i32 to index
    %swap3A_152 = arith.constant 16 : index
    %swap3A_153 = tpu.vector_load %arg15[%swap3A_151, %swap3A_152] {strides = array<i32>} : memref<16x64xf32, #tpu.memory_space<vmem>>, vector<16xf32>,
    tpu.vector_store %arg15[%swap3A_151, %swap3A_152], %broadcast_in_dim3A_2 {strides = array<i32>} : memref<16x64xf32, #tpu.memory_space<vmem>>, vector<16xf32>,
    %swap3A_154 = arith.constant 9 : i32
    %swap3A_155 = arith.index_cast %swap3A_154 : i32 to index
    %swap3A_156 = arith.constant 32 : index
    %swap3A_157 = tpu.vector_load %arg15[%swap3A_155, %swap3A_156] {strides = array<i32>} : memref<16x64xf32, #tpu.memory_space<vmem>>, vector<16xf32>,
    tpu.vector_store %arg15[%swap3A_155, %swap3A_156], %broadcast_in_dim3A_2 {strides = array<i32>} : memref<16x64xf32, #tpu.memory_space<vmem>>, vector<16xf32>,
    %swap3A_158 = arith.constant 9 : i32
    %swap3A_159 = arith.index_cast %swap3A_158 : i32 to index
    %swap3A_160 = arith.constant 48 : index
    %swap3A_161 = tpu.vector_load %arg15[%swap3A_159, %swap3A_160] {strides = array<i32>} : memref<16x64xf32, #tpu.memory_space<vmem>>, vector<16xf32>,
    tpu.vector_store %arg15[%swap3A_159, %swap3A_160], %broadcast_in_dim3A_2 {strides = array<i32>} : memref<16x64xf32, #tpu.memory_space<vmem>>, vector<16xf32>,
    %swap3A_162 = arith.constant 10 : i32
    %swap3A_163 = arith.index_cast %swap3A_162 : i32 to index
    %swap3A_164 = arith.constant 0 : index
    %swap3A_165 = tpu.vector_load %arg15[%swap3A_163, %swap3A_164] {strides = array<i32>} : memref<16x64xf32, #tpu.memory_space<vmem>>, vector<16xf32>,
    tpu.vector_store %arg15[%swap3A_163, %swap3A_164], %broadcast_in_dim3A_2 {strides = array<i32>} : memref<16x64xf32, #tpu.memory_space<vmem>>, vector<16xf32>,
    %swap3A_166 = arith.constant 10 : i32
    %swap3A_167 = arith.index_cast %swap3A_166 : i32 to index
    %swap3A_168 = arith.constant 16 : index
    %swap3A_169 = tpu.vector_load %arg15[%swap3A_167, %swap3A_168] {strides = array<i32>} : memref<16x64xf32, #tpu.memory_space<vmem>>, vector<16xf32>,
    tpu.vector_store %arg15[%swap3A_167, %swap3A_168], %broadcast_in_dim3A_2 {strides = array<i32>} : memref<16x64xf32, #tpu.memory_space<vmem>>, vector<16xf32>,
    %swap3A_170 = arith.constant 10 : i32
    %swap3A_171 = arith.index_cast %swap3A_170 : i32 to index
    %swap3A_172 = arith.constant 32 : index
    %swap3A_173 = tpu.vector_load %arg15[%swap3A_171, %swap3A_172] {strides = array<i32>} : memref<16x64xf32, #tpu.memory_space<vmem>>, vector<16xf32>,
    tpu.vector_store %arg15[%swap3A_171, %swap3A_172], %broadcast_in_dim3A_2 {strides = array<i32>} : memref<16x64xf32, #tpu.memory_space<vmem>>, vector<16xf32>,
    %swap3A_174 = arith.constant 10 : i32
    %swap3A_175 = arith.index_cast %swap3A_174 : i32 to index
    %swap3A_176 = arith.constant 48 : index
    %swap3A_177 = tpu.vector_load %arg15[%swap3A_175, %swap3A_176] {strides = array<i32>} : memref<16x64xf32, #tpu.memory_space<vmem>>, vector<16xf32>,
    tpu.vector_store %arg15[%swap3A_175, %swap3A_176], %broadcast_in_dim3A_2 {strides = array<i32>} : memref<16x64xf32, #tpu.memory_space<vmem>>, vector<16xf32>,
    %swap3A_178 = arith.constant 11 : i32
    %swap3A_179 = arith.index_cast %swap3A_178 : i32 to index
    %swap3A_180 = arith.constant 0 : index
    %swap3A_181 = tpu.vector_load %arg15[%swap3A_179, %swap3A_180] {strides = array<i32>} : memref<16x64xf32, #tpu.memory_space<vmem>>, vector<16xf32>,
    tpu.vector_store %arg15[%swap3A_179, %swap3A_180], %broadcast_in_dim3A_2 {strides = array<i32>} : memref<16x64xf32, #tpu.memory_space<vmem>>, vector<16xf32>,
    %swap3A_182 = arith.constant 11 : i32
    %swap3A_183 = arith.index_cast %swap3A_182 : i32 to index
    %swap3A_184 = arith.constant 16 : index
    %swap3A_185 = tpu.vector_load %arg15[%swap3A_183, %swap3A_184] {strides = array<i32>} : memref<16x64xf32, #tpu.memory_space<vmem>>, vector<16xf32>,
    tpu.vector_store %arg15[%swap3A_183, %swap3A_184], %broadcast_in_dim3A_2 {strides = array<i32>} : memref<16x64xf32, #tpu.memory_space<vmem>>, vector<16xf32>,
    %swap3A_186 = arith.constant 11 : i32
    %swap3A_187 = arith.index_cast %swap3A_186 : i32 to index
    %swap3A_188 = arith.constant 32 : index
    %swap3A_189 = tpu.vector_load %arg15[%swap3A_187, %swap3A_188] {strides = array<i32>} : memref<16x64xf32, #tpu.memory_space<vmem>>, vector<16xf32>,
    tpu.vector_store %arg15[%swap3A_187, %swap3A_188], %broadcast_in_dim3A_2 {strides = array<i32>} : memref<16x64xf32, #tpu.memory_space<vmem>>, vector<16xf32>,
    %swap3A_190 = arith.constant 11 : i32
    %swap3A_191 = arith.index_cast %swap3A_190 : i32 to index
    %swap3A_192 = arith.constant 48 : index
    %swap3A_193 = tpu.vector_load %arg15[%swap3A_191, %swap3A_192] {strides = array<i32>} : memref<16x64xf32, #tpu.memory_space<vmem>>, vector<16xf32>,
    tpu.vector_store %arg15[%swap3A_191, %swap3A_192], %broadcast_in_dim3A_2 {strides = array<i32>} : memref<16x64xf32, #tpu.memory_space<vmem>>, vector<16xf32>,
    %swap3A_194 = arith.constant 12 : i32
    %swap3A_195 = arith.index_cast %swap3A_194 : i32 to index
    %swap3A_196 = arith.constant 0 : index
    %swap3A_197 = tpu.vector_load %arg15[%swap3A_195, %swap3A_196] {strides = array<i32>} : memref<16x64xf32, #tpu.memory_space<vmem>>, vector<16xf32>,
    tpu.vector_store %arg15[%swap3A_195, %swap3A_196], %broadcast_in_dim3A_2 {strides = array<i32>} : memref<16x64xf32, #tpu.memory_space<vmem>>, vector<16xf32>,
    %swap3A_198 = arith.constant 12 : i32
    %swap3A_199 = arith.index_cast %swap3A_198 : i32 to index
    %swap3A_200 = arith.constant 16 : index
    %swap3A_201 = tpu.vector_load %arg15[%swap3A_199, %swap3A_200] {strides = array<i32>} : memref<16x64xf32, #tpu.memory_space<vmem>>, vector<16xf32>,
    tpu.vector_store %arg15[%swap3A_199, %swap3A_200], %broadcast_in_dim3A_2 {strides = array<i32>} : memref<16x64xf32, #tpu.memory_space<vmem>>, vector<16xf32>,
    %swap3A_202 = arith.constant 12 : i32
    %swap3A_203 = arith.index_cast %swap3A_202 : i32 to index
    %swap3A_204 = arith.constant 32 : index
    %swap3A_205 = tpu.vector_load %arg15[%swap3A_203, %swap3A_204] {strides = array<i32>} : memref<16x64xf32, #tpu.memory_space<vmem>>, vector<16xf32>,
    tpu.vector_store %arg15[%swap3A_203, %swap3A_204], %broadcast_in_dim3A_2 {strides = array<i32>} : memref<16x64xf32, #tpu.memory_space<vmem>>, vector<16xf32>,
    %swap3A_206 = arith.constant 12 : i32
    %swap3A_207 = arith.index_cast %swap3A_206 : i32 to index
    %swap3A_208 = arith.constant 48 : index
    %swap3A_209 = tpu.vector_load %arg15[%swap3A_207, %swap3A_208] {strides = array<i32>} : memref<16x64xf32, #tpu.memory_space<vmem>>, vector<16xf32>,
    tpu.vector_store %arg15[%swap3A_207, %swap3A_208], %broadcast_in_dim3A_2 {strides = array<i32>} : memref<16x64xf32, #tpu.memory_space<vmem>>, vector<16xf32>,
    %swap3A_210 = arith.constant 13 : i32
    %swap3A_211 = arith.index_cast %swap3A_210 : i32 to index
    %swap3A_212 = arith.constant 0 : index
    %swap3A_213 = tpu.vector_load %arg15[%swap3A_211, %swap3A_212] {strides = array<i32>} : memref<16x64xf32, #tpu.memory_space<vmem>>, vector<16xf32>,
    tpu.vector_store %arg15[%swap3A_211, %swap3A_212], %broadcast_in_dim3A_2 {strides = array<i32>} : memref<16x64xf32, #tpu.memory_space<vmem>>, vector<16xf32>,
    %swap3A_214 = arith.constant 13 : i32
    %swap3A_215 = arith.index_cast %swap3A_214 : i32 to index
    %swap3A_216 = arith.constant 16 : index
    %swap3A_217 = tpu.vector_load %arg15[%swap3A_215, %swap3A_216] {strides = array<i32>} : memref<16x64xf32, #tpu.memory_space<vmem>>, vector<16xf32>,
    tpu.vector_store %arg15[%swap3A_215, %swap3A_216], %broadcast_in_dim3A_2 {strides = array<i32>} : memref<16x64xf32, #tpu.memory_space<vmem>>, vector<16xf32>,
    %swap3A_218 = arith.constant 13 : i32
    %swap3A_219 = arith.index_cast %swap3A_218 : i32 to index
    %swap3A_220 = arith.constant 32 : index
    %swap3A_221 = tpu.vector_load %arg15[%swap3A_219, %swap3A_220] {strides = array<i32>} : memref<16x64xf32, #tpu.memory_space<vmem>>, vector<16xf32>,
    tpu.vector_store %arg15[%swap3A_219, %swap3A_220], %broadcast_in_dim3A_2 {strides = array<i32>} : memref<16x64xf32, #tpu.memory_space<vmem>>, vector<16xf32>,
    %swap3A_222 = arith.constant 13 : i32
    %swap3A_223 = arith.index_cast %swap3A_222 : i32 to index
    %swap3A_224 = arith.constant 48 : index
    %swap3A_225 = tpu.vector_load %arg15[%swap3A_223, %swap3A_224] {strides = array<i32>} : memref<16x64xf32, #tpu.memory_space<vmem>>, vector<16xf32>,
    tpu.vector_store %arg15[%swap3A_223, %swap3A_224], %broadcast_in_dim3A_2 {strides = array<i32>} : memref<16x64xf32, #tpu.memory_space<vmem>>, vector<16xf32>,
    %swap3A_226 = arith.constant 14 : i32
    %swap3A_227 = arith.index_cast %swap3A_226 : i32 to index
    %swap3A_228 = arith.constant 0 : index
    %swap3A_229 = tpu.vector_load %arg15[%swap3A_227, %swap3A_228] {strides = array<i32>} : memref<16x64xf32, #tpu.memory_space<vmem>>, vector<16xf32>,
    tpu.vector_store %arg15[%swap3A_227, %swap3A_228], %broadcast_in_dim3A_2 {strides = array<i32>} : memref<16x64xf32, #tpu.memory_space<vmem>>, vector<16xf32>,
    %swap3A_230 = arith.constant 14 : i32
    %swap3A_231 = arith.index_cast %swap3A_230 : i32 to index
    %swap3A_232 = arith.constant 16 : index
    %swap3A_233 = tpu.vector_load %arg15[%swap3A_231, %swap3A_232] {strides = array<i32>} : memref<16x64xf32, #tpu.memory_space<vmem>>, vector<16xf32>,
    tpu.vector_store %arg15[%swap3A_231, %swap3A_232], %broadcast_in_dim3A_2 {strides = array<i32>} : memref<16x64xf32, #tpu.memory_space<vmem>>, vector<16xf32>,
    %swap3A_234 = arith.constant 14 : i32
    %swap3A_235 = arith.index_cast %swap3A_234 : i32 to index
    %swap3A_236 = arith.constant 32 : index
    %swap3A_237 = tpu.vector_load %arg15[%swap3A_235, %swap3A_236] {strides = array<i32>} : memref<16x64xf32, #tpu.memory_space<vmem>>, vector<16xf32>,
    tpu.vector_store %arg15[%swap3A_235, %swap3A_236], %broadcast_in_dim3A_2 {strides = array<i32>} : memref<16x64xf32, #tpu.memory_space<vmem>>, vector<16xf32>,
    %swap3A_238 = arith.constant 14 : i32
    %swap3A_239 = arith.index_cast %swap3A_238 : i32 to index
    %swap3A_240 = arith.constant 48 : index
    %swap3A_241 = tpu.vector_load %arg15[%swap3A_239, %swap3A_240] {strides = array<i32>} : memref<16x64xf32, #tpu.memory_space<vmem>>, vector<16xf32>,
    tpu.vector_store %arg15[%swap3A_239, %swap3A_240], %broadcast_in_dim3A_2 {strides = array<i32>} : memref<16x64xf32, #tpu.memory_space<vmem>>, vector<16xf32>,
    %swap3A_242 = arith.constant 15 : i32
    %swap3A_243 = arith.index_cast %swap3A_242 : i32 to index
    %swap3A_244 = arith.constant 0 : index
    %swap3A_245 = tpu.vector_load %arg15[%swap3A_243, %swap3A_244] {strides = array<i32>} : memref<16x64xf32, #tpu.memory_space<vmem>>, vector<16xf32>,
    tpu.vector_store %arg15[%swap3A_243, %swap3A_244], %broadcast_in_dim3A_2 {strides = array<i32>} : memref<16x64xf32, #tpu.memory_space<vmem>>, vector<16xf32>,
    %swap3A_246 = arith.constant 15 : i32
    %swap3A_247 = arith.index_cast %swap3A_246 : i32 to index
    %swap3A_248 = arith.constant 16 : index
    %swap3A_249 = tpu.vector_load %arg15[%swap3A_247, %swap3A_248] {strides = array<i32>} : memref<16x64xf32, #tpu.memory_space<vmem>>, vector<16xf32>,
    tpu.vector_store %arg15[%swap3A_247, %swap3A_248], %broadcast_in_dim3A_2 {strides = array<i32>} : memref<16x64xf32, #tpu.memory_space<vmem>>, vector<16xf32>,
    %swap3A_250 = arith.constant 15 : i32
    %swap3A_251 = arith.index_cast %swap3A_250 : i32 to index
    %swap3A_252 = arith.constant 32 : index
    %swap3A_253 = tpu.vector_load %arg15[%swap3A_251, %swap3A_252] {strides = array<i32>} : memref<16x64xf32, #tpu.memory_space<vmem>>, vector<16xf32>,
    tpu.vector_store %arg15[%swap3A_251, %swap3A_252], %broadcast_in_dim3A_2 {strides = array<i32>} : memref<16x64xf32, #tpu.memory_space<vmem>>, vector<16xf32>,
    %swap3A_254 = arith.constant 15 : i32
    %swap3A_255 = arith.index_cast %swap3A_254 : i32 to index
    %swap3A_256 = arith.constant 48 : index
    %swap3A_257 = tpu.vector_load %arg15[%swap3A_255, %swap3A_256] {strides = array<i32>} : memref<16x64xf32, #tpu.memory_space<vmem>>, vector<16xf32>,
    tpu.vector_store %arg15[%swap3A_255, %swap3A_256], %broadcast_in_dim3A_2 {strides = array<i32>} : memref<16x64xf32, #tpu.memory_space<vmem>>, vector<16xf32>,
    %swap3A_258 = arith.constant 0 : index
    %swap3A_259 = tpu.vector_load %arg16[%swap3A_258] {strides = array<i32>} : memref<128xf32, #tpu.memory_space<vmem>>, vector<16xf32>,
    tpu.vector_store %arg16[%swap3A_258], %broadcast_in_dim3A_2 {strides = array<i32>} : memref<128xf32, #tpu.memory_space<vmem>>, vector<16xf32>,
    %swap3A_260 = arith.constant 16 : index
    %swap3A_261 = tpu.vector_load %arg16[%swap3A_260] {strides = array<i32>} : memref<128xf32, #tpu.memory_space<vmem>>, vector<16xf32>,
    tpu.vector_store %arg16[%swap3A_260], %broadcast_in_dim3A_2 {strides = array<i32>} : memref<128xf32, #tpu.memory_space<vmem>>, vector<16xf32>,
    %swap3A_262 = arith.constant 32 : index
    %swap3A_263 = tpu.vector_load %arg16[%swap3A_262] {strides = array<i32>} : memref<128xf32, #tpu.memory_space<vmem>>, vector<16xf32>,
    tpu.vector_store %arg16[%swap3A_262], %broadcast_in_dim3A_2 {strides = array<i32>} : memref<128xf32, #tpu.memory_space<vmem>>, vector<16xf32>,
    %swap3A_264 = arith.constant 48 : index
    %swap3A_265 = tpu.vector_load %arg16[%swap3A_264] {strides = array<i32>} : memref<128xf32, #tpu.memory_space<vmem>>, vector<16xf32>,
    tpu.vector_store %arg16[%swap3A_264], %broadcast_in_dim3A_2 {strides = array<i32>} : memref<128xf32, #tpu.memory_space<vmem>>, vector<16xf32>,
    %swap3A_266 = arith.constant 64 : index
    %swap3A_267 = tpu.vector_load %arg16[%swap3A_266] {strides = array<i32>} : memref<128xf32, #tpu.memory_space<vmem>>, vector<16xf32>,
    tpu.vector_store %arg16[%swap3A_266], %broadcast_in_dim3A_2 {strides = array<i32>} : memref<128xf32, #tpu.memory_space<vmem>>, vector<16xf32>,
    %swap3A_268 = arith.constant 80 : index
    %swap3A_269 = tpu.vector_load %arg16[%swap3A_268] {strides = array<i32>} : memref<128xf32, #tpu.memory_space<vmem>>, vector<16xf32>,
    tpu.vector_store %arg16[%swap3A_268], %broadcast_in_dim3A_2 {strides = array<i32>} : memref<128xf32, #tpu.memory_space<vmem>>, vector<16xf32>,
    %swap3A_270 = arith.constant 96 : index
    %swap3A_271 = tpu.vector_load %arg16[%swap3A_270] {strides = array<i32>} : memref<128xf32, #tpu.memory_space<vmem>>, vector<16xf32>,
    tpu.vector_store %arg16[%swap3A_270], %broadcast_in_dim3A_2 {strides = array<i32>} : memref<128xf32, #tpu.memory_space<vmem>>, vector<16xf32>,
    %swap3A_272 = arith.constant 112 : index
    %swap3A_273 = tpu.vector_load %arg16[%swap3A_272] {strides = array<i32>} : memref<128xf32, #tpu.memory_space<vmem>>, vector<16xf32>,
    tpu.vector_store %arg16[%swap3A_272], %broadcast_in_dim3A_2 {strides = array<i32>} : memref<128xf32, #tpu.memory_space<vmem>>, vector<16xf32>,
    %mul3A_274 = arith.constant 640 : i32
    %mul3A_275 = arith.muli %arg1, %mul3A_274 : i32
    %scan3A = arith.constant 0 : i32
    %scan3A_276 = arith.constant 0 : i32
    %scan3A_277 = arith.constant 40 : i32
    %scan3A_278 = arith.addi %scan3A_276, %scan3A_277 : i32
    %scan3A_279 = arith.constant 1 : i32
    scf.for %scan3A_298 = %scan3A_276 to %scan3A_278 step %scan3A_279  : i32 {
      %mul3A_299 = arith.constant 16 : i32
      %mul3A_300 = arith.muli %scan3A_298, %mul3A_299 : i32
      %add3A_301 = arith.addi %mul3A_275, %mul3A_300 : i32
      "tpu.region"() ({
        %run_scoped3A_302 = tpu.sem_alloc : memref<!tpu.dma_semaphore, #tpu.memory_space<semaphore_mem>>
        %dma_start3A = arith.constant 0 : i32
        %dma_start3A_303 = tpu.memref_slice %arg17[%add3A_301, %dma_start3A] : memref<10240x64xf32, #tpu.memory_space<vmem_shared>> -> memref<16x64xf32, #tpu.memory_space<vmem_shared>>
        %dma_start3A_304 = arith.constant 0 : i32
        %dma_start3A_305 = tpu.memref_slice %arg17[%add3A_301, %dma_start3A_304] : memref<10240x64xf32, #tpu.memory_space<vmem_shared>> -> memref<16x64xf32, #tpu.memory_space<vmem_shared>>
        tpu.enqueue_dma source(%arg15 : memref<16x64xf32, #tpu.memory_space<vmem>>) target(%dma_start3A_305 : memref<16x64xf32, #tpu.memory_space<vmem_shared>>) target_semaphore(%run_scoped3A_302 : memref<!tpu.dma_semaphore, #tpu.memory_space<semaphore_mem>>)
        %dma_wait3A = arith.constant 0 : i32
        %dma_wait3A_306 = tpu.memref_slice %arg17[%add3A_301, %dma_wait3A] : memref<10240x64xf32, #tpu.memory_space<vmem_shared>> -> memref<16x64xf32, #tpu.memory_space<vmem_shared>>
        %dma_wait3A_307 = arith.constant 0 : i32
        %dma_wait3A_308 = tpu.memref_slice %arg17[%add3A_301, %dma_wait3A_307] : memref<10240x64xf32, #tpu.memory_space<vmem_shared>> -> memref<16x64xf32, #tpu.memory_space<vmem_shared>>
        tpu.wait_dma2 semaphore(%run_scoped3A_302 : memref<!tpu.dma_semaphore, #tpu.memory_space<semaphore_mem>>) src(%arg15 : memref<16x64xf32, #tpu.memory_space<vmem>>) dst(%dma_wait3A_308 : memref<16x64xf32, #tpu.memory_space<vmem_shared>>)
        tpu.yield
      }) : () -> ()
    }
    %scan3A_280 = arith.constant 40 : i32
    %add3A_281 = arith.constant 0 : i32
    %add3A_282 = arith.addi %mul3A_275, %add3A_281 : i32
    "tpu.region"() ({
      %run_scoped3A_298 = tpu.sem_alloc : memref<!tpu.dma_semaphore, #tpu.memory_space<semaphore_mem>>
      %dma_start3A = tpu.memref_slice %arg18[%add3A_282] : memref<10240xf32, #tpu.memory_space<vmem_shared>> -> memref<128xf32, #tpu.memory_space<vmem_shared>>
      %dma_start3A_299 = tpu.memref_slice %arg18[%add3A_282] : memref<10240xf32, #tpu.memory_space<vmem_shared>> -> memref<128xf32, #tpu.memory_space<vmem_shared>>
      tpu.enqueue_dma source(%arg16 : memref<128xf32, #tpu.memory_space<vmem>>) target(%dma_start3A_299 : memref<128xf32, #tpu.memory_space<vmem_shared>>) target_semaphore(%run_scoped3A_298 : memref<!tpu.dma_semaphore, #tpu.memory_space<semaphore_mem>>)
      %dma_wait3A = tpu.memref_slice %arg18[%add3A_282] : memref<10240xf32, #tpu.memory_space<vmem_shared>> -> memref<128xf32, #tpu.memory_space<vmem_shared>>
      %dma_wait3A_300 = tpu.memref_slice %arg18[%add3A_282] : memref<10240xf32, #tpu.memory_space<vmem_shared>> -> memref<128xf32, #tpu.memory_space<vmem_shared>>
      tpu.wait_dma2 semaphore(%run_scoped3A_298 : memref<!tpu.dma_semaphore, #tpu.memory_space<semaphore_mem>>) src(%arg16 : memref<128xf32, #tpu.memory_space<vmem>>) dst(%dma_wait3A_300 : memref<128xf32, #tpu.memory_space<vmem_shared>>)
      tpu.yield
    }) : () -> ()
    %add3A_283 = arith.constant 128 : i32
    %add3A_284 = arith.addi %mul3A_275, %add3A_283 : i32
    "tpu.region"() ({
      %run_scoped3A_298 = tpu.sem_alloc : memref<!tpu.dma_semaphore, #tpu.memory_space<semaphore_mem>>
      %dma_start3A = tpu.memref_slice %arg18[%add3A_284] : memref<10240xf32, #tpu.memory_space<vmem_shared>> -> memref<128xf32, #tpu.memory_space<vmem_shared>>
      %dma_start3A_299 = tpu.memref_slice %arg18[%add3A_284] : memref<10240xf32, #tpu.memory_space<vmem_shared>> -> memref<128xf32, #tpu.memory_space<vmem_shared>>
      tpu.enqueue_dma source(%arg16 : memref<128xf32, #tpu.memory_space<vmem>>) target(%dma_start3A_299 : memref<128xf32, #tpu.memory_space<vmem_shared>>) target_semaphore(%run_scoped3A_298 : memref<!tpu.dma_semaphore, #tpu.memory_space<semaphore_mem>>)
      %dma_wait3A = tpu.memref_slice %arg18[%add3A_284] : memref<10240xf32, #tpu.memory_space<vmem_shared>> -> memref<128xf32, #tpu.memory_space<vmem_shared>>
      %dma_wait3A_300 = tpu.memref_slice %arg18[%add3A_284] : memref<10240xf32, #tpu.memory_space<vmem_shared>> -> memref<128xf32, #tpu.memory_space<vmem_shared>>
      tpu.wait_dma2 semaphore(%run_scoped3A_298 : memref<!tpu.dma_semaphore, #tpu.memory_space<semaphore_mem>>) src(%arg16 : memref<128xf32, #tpu.memory_space<vmem>>) dst(%dma_wait3A_300 : memref<128xf32, #tpu.memory_space<vmem_shared>>)
      tpu.yield
    }) : () -> ()
    %add3A_285 = arith.constant 256 : i32
    %add3A_286 = arith.addi %mul3A_275, %add3A_285 : i32
    "tpu.region"() ({
      %run_scoped3A_298 = tpu.sem_alloc : memref<!tpu.dma_semaphore, #tpu.memory_space<semaphore_mem>>
      %dma_start3A = tpu.memref_slice %arg18[%add3A_286] : memref<10240xf32, #tpu.memory_space<vmem_shared>> -> memref<128xf32, #tpu.memory_space<vmem_shared>>
      %dma_start3A_299 = tpu.memref_slice %arg18[%add3A_286] : memref<10240xf32, #tpu.memory_space<vmem_shared>> -> memref<128xf32, #tpu.memory_space<vmem_shared>>
      tpu.enqueue_dma source(%arg16 : memref<128xf32, #tpu.memory_space<vmem>>) target(%dma_start3A_299 : memref<128xf32, #tpu.memory_space<vmem_shared>>) target_semaphore(%run_scoped3A_298 : memref<!tpu.dma_semaphore, #tpu.memory_space<semaphore_mem>>)
      %dma_wait3A = tpu.memref_slice %arg18[%add3A_286] : memref<10240xf32, #tpu.memory_space<vmem_shared>> -> memref<128xf32, #tpu.memory_space<vmem_shared>>
      %dma_wait3A_300 = tpu.memref_slice %arg18[%add3A_286] : memref<10240xf32, #tpu.memory_space<vmem_shared>> -> memref<128xf32, #tpu.memory_space<vmem_shared>>
      tpu.wait_dma2 semaphore(%run_scoped3A_298 : memref<!tpu.dma_semaphore, #tpu.memory_space<semaphore_mem>>) src(%arg16 : memref<128xf32, #tpu.memory_space<vmem>>) dst(%dma_wait3A_300 : memref<128xf32, #tpu.memory_space<vmem_shared>>)
      tpu.yield
    }) : () -> ()
    %add3A_287 = arith.constant 384 : i32
    %add3A_288 = arith.addi %mul3A_275, %add3A_287 : i32
    "tpu.region"() ({
      %run_scoped3A_298 = tpu.sem_alloc : memref<!tpu.dma_semaphore, #tpu.memory_space<semaphore_mem>>
      %dma_start3A = tpu.memref_slice %arg18[%add3A_288] : memref<10240xf32, #tpu.memory_space<vmem_shared>> -> memref<128xf32, #tpu.memory_space<vmem_shared>>
      %dma_start3A_299 = tpu.memref_slice %arg18[%add3A_288] : memref<10240xf32, #tpu.memory_space<vmem_shared>> -> memref<128xf32, #tpu.memory_space<vmem_shared>>
      tpu.enqueue_dma source(%arg16 : memref<128xf32, #tpu.memory_space<vmem>>) target(%dma_start3A_299 : memref<128xf32, #tpu.memory_space<vmem_shared>>) target_semaphore(%run_scoped3A_298 : memref<!tpu.dma_semaphore, #tpu.memory_space<semaphore_mem>>)
      %dma_wait3A = tpu.memref_slice %arg18[%add3A_288] : memref<10240xf32, #tpu.memory_space<vmem_shared>> -> memref<128xf32, #tpu.memory_space<vmem_shared>>
      %dma_wait3A_300 = tpu.memref_slice %arg18[%add3A_288] : memref<10240xf32, #tpu.memory_space<vmem_shared>> -> memref<128xf32, #tpu.memory_space<vmem_shared>>
      tpu.wait_dma2 semaphore(%run_scoped3A_298 : memref<!tpu.dma_semaphore, #tpu.memory_space<semaphore_mem>>) src(%arg16 : memref<128xf32, #tpu.memory_space<vmem>>) dst(%dma_wait3A_300 : memref<128xf32, #tpu.memory_space<vmem_shared>>)
      tpu.yield
    }) : () -> ()
    %add3A_289 = arith.constant 512 : i32
    %add3A_290 = arith.addi %mul3A_275, %add3A_289 : i32
    "tpu.region"() ({
      %run_scoped3A_298 = tpu.sem_alloc : memref<!tpu.dma_semaphore, #tpu.memory_space<semaphore_mem>>
      %dma_start3A = tpu.memref_slice %arg18[%add3A_290] : memref<10240xf32, #tpu.memory_space<vmem_shared>> -> memref<128xf32, #tpu.memory_space<vmem_shared>>
      %dma_start3A_299 = tpu.memref_slice %arg18[%add3A_290] : memref<10240xf32, #tpu.memory_space<vmem_shared>> -> memref<128xf32, #tpu.memory_space<vmem_shared>>
      tpu.enqueue_dma source(%arg16 : memref<128xf32, #tpu.memory_space<vmem>>) target(%dma_start3A_299 : memref<128xf32, #tpu.memory_space<vmem_shared>>) target_semaphore(%run_scoped3A_298 : memref<!tpu.dma_semaphore, #tpu.memory_space<semaphore_mem>>)
      %dma_wait3A = tpu.memref_slice %arg18[%add3A_290] : memref<10240xf32, #tpu.memory_space<vmem_shared>> -> memref<128xf32, #tpu.memory_space<vmem_shared>>
      %dma_wait3A_300 = tpu.memref_slice %arg18[%add3A_290] : memref<10240xf32, #tpu.memory_space<vmem_shared>> -> memref<128xf32, #tpu.memory_space<vmem_shared>>
      tpu.wait_dma2 semaphore(%run_scoped3A_298 : memref<!tpu.dma_semaphore, #tpu.memory_space<semaphore_mem>>) src(%arg16 : memref<128xf32, #tpu.memory_space<vmem>>) dst(%dma_wait3A_300 : memref<128xf32, #tpu.memory_space<vmem_shared>>)
      tpu.yield
    }) : () -> ()
    %barrier3A = arith.constant 0 : index
    tpu.barrier barrier_id(%barrier3A)
    %iota3A = tpu.iota {dimensions = array<i32: 0>} : vector<16xi32>
    %scan3A_291 = arith.constant 0 : i32
    %scan3A_292 = arith.constant 0 : i32
    %scan3A_293 = arith.constant 81 : i32
    %scan3A_294 = arith.addi %scan3A_292, %scan3A_293 : i32
    %scan3A_295 = arith.constant 1 : i32
    scf.for %scan3A_298 = %scan3A_292 to %scan3A_294 step %scan3A_295  : i32 {
      %mul3A_299 = arith.constant 81 : i32
      %mul3A_300 = arith.muli %add3A, %mul3A_299 : i32
      %add3A_301 = arith.addi %mul3A_300, %scan3A_298 : i32
      "tpu.region"() ({
        %run_scoped3A_523 = tpu.sem_alloc : memref<!tpu.dma_semaphore, #tpu.memory_space<semaphore_mem>>
        %dma_start3A_524 = arith.constant 0 : i32
        %dma_start3A_525 = tpu.memref_slice %arg2[%add3A_301, %dma_start3A_524] : memref<2592x128xi32, #tpu.memory_space<hbm>> -> memref<1x128xi32, #tpu.memory_space<hbm>>
        %dma_start3A_526 = tpu.memref_squeeze %dma_start3A_525 : memref<1x128xi32, #tpu.memory_space<hbm>> -> memref<128xi32, #tpu.memory_space<hbm>>
        %dma_start3A_527 = arith.constant 0 : i32
        %dma_start3A_528 = tpu.memref_slice %arg2[%add3A_301, %dma_start3A_527] : memref<2592x128xi32, #tpu.memory_space<hbm>> -> memref<1x128xi32, #tpu.memory_space<hbm>>
        %dma_start3A_529 = tpu.memref_squeeze %dma_start3A_528 : memref<1x128xi32, #tpu.memory_space<hbm>> -> memref<128xi32, #tpu.memory_space<hbm>>
        tpu.enqueue_dma source(%dma_start3A_529 : memref<128xi32, #tpu.memory_space<hbm>>) target(%arg10 : memref<128xi32, #tpu.memory_space<vmem>>) target_semaphore(%run_scoped3A_523 : memref<!tpu.dma_semaphore, #tpu.memory_space<semaphore_mem>>)
        %dma_wait3A_530 = arith.constant 0 : i32
        %dma_wait3A_531 = tpu.memref_slice %arg2[%add3A_301, %dma_wait3A_530] : memref<2592x128xi32, #tpu.memory_space<hbm>> -> memref<1x128xi32, #tpu.memory_space<hbm>>
        %dma_wait3A_532 = tpu.memref_squeeze %dma_wait3A_531 : memref<1x128xi32, #tpu.memory_space<hbm>> -> memref<128xi32, #tpu.memory_space<hbm>>
        %dma_wait3A_533 = arith.constant 0 : i32
        %dma_wait3A_534 = tpu.memref_slice %arg2[%add3A_301, %dma_wait3A_533] : memref<2592x128xi32, #tpu.memory_space<hbm>> -> memref<1x128xi32, #tpu.memory_space<hbm>>
        %dma_wait3A_535 = tpu.memref_squeeze %dma_wait3A_534 : memref<1x128xi32, #tpu.memory_space<hbm>> -> memref<128xi32, #tpu.memory_space<hbm>>
        tpu.wait_dma2 semaphore(%run_scoped3A_523 : memref<!tpu.dma_semaphore, #tpu.memory_space<semaphore_mem>>) src(%dma_wait3A_535 : memref<128xi32, #tpu.memory_space<hbm>>) dst(%arg10 : memref<128xi32, #tpu.memory_space<vmem>>)
        tpu.yield
      }) : () -> ()
      "tpu.region"() ({
        %run_scoped3A_523 = tpu.sem_alloc : memref<!tpu.dma_semaphore, #tpu.memory_space<semaphore_mem>>
        %dma_start3A_524 = arith.constant 0 : i32
        %dma_start3A_525 = tpu.memref_slice %arg3[%add3A_301, %dma_start3A_524] : memref<2592x128xi32, #tpu.memory_space<hbm>> -> memref<1x128xi32, #tpu.memory_space<hbm>>
        %dma_start3A_526 = tpu.memref_squeeze %dma_start3A_525 : memref<1x128xi32, #tpu.memory_space<hbm>> -> memref<128xi32, #tpu.memory_space<hbm>>
        %dma_start3A_527 = arith.constant 0 : i32
        %dma_start3A_528 = tpu.memref_slice %arg3[%add3A_301, %dma_start3A_527] : memref<2592x128xi32, #tpu.memory_space<hbm>> -> memref<1x128xi32, #tpu.memory_space<hbm>>
        %dma_start3A_529 = tpu.memref_squeeze %dma_start3A_528 : memref<1x128xi32, #tpu.memory_space<hbm>> -> memref<128xi32, #tpu.memory_space<hbm>>
        tpu.enqueue_dma source(%dma_start3A_529 : memref<128xi32, #tpu.memory_space<hbm>>) target(%arg11 : memref<128xi32, #tpu.memory_space<vmem>>) target_semaphore(%run_scoped3A_523 : memref<!tpu.dma_semaphore, #tpu.memory_space<semaphore_mem>>)
        %dma_wait3A_530 = arith.constant 0 : i32
        %dma_wait3A_531 = tpu.memref_slice %arg3[%add3A_301, %dma_wait3A_530] : memref<2592x128xi32, #tpu.memory_space<hbm>> -> memref<1x128xi32, #tpu.memory_space<hbm>>
        %dma_wait3A_532 = tpu.memref_squeeze %dma_wait3A_531 : memref<1x128xi32, #tpu.memory_space<hbm>> -> memref<128xi32, #tpu.memory_space<hbm>>
        %dma_wait3A_533 = arith.constant 0 : i32
        %dma_wait3A_534 = tpu.memref_slice %arg3[%add3A_301, %dma_wait3A_533] : memref<2592x128xi32, #tpu.memory_space<hbm>> -> memref<1x128xi32, #tpu.memory_space<hbm>>
        %dma_wait3A_535 = tpu.memref_squeeze %dma_wait3A_534 : memref<1x128xi32, #tpu.memory_space<hbm>> -> memref<128xi32, #tpu.memory_space<hbm>>
        tpu.wait_dma2 semaphore(%run_scoped3A_523 : memref<!tpu.dma_semaphore, #tpu.memory_space<semaphore_mem>>) src(%dma_wait3A_535 : memref<128xi32, #tpu.memory_space<hbm>>) dst(%arg11 : memref<128xi32, #tpu.memory_space<vmem>>)
        tpu.yield
      }) : () -> ()
      %dma_start3A = arith.constant 0 : i32
      %dma_start3A_302 = arith.constant 0 : i32
      %dma_start3A_303 = tpu.memref_slice %arg5[%dma_start3A, %dma_start3A_302] : memref<10000x64xf32, #tpu.memory_space<hbm>> -> memref<10000x64xf32, #tpu.memory_space<hbm>>
      tpu.enqueue_indirect_dma source(%dma_start3A_303 : memref<10000x64xf32, #tpu.memory_space<hbm>>) target(%arg12 : memref<128x64xf32, #tpu.memory_space<vmem>>) offsets(%arg10 : memref<128xi32, #tpu.memory_space<vmem>>) semaphore(%arg19 : memref<!tpu.dma_semaphore, #tpu.memory_space<semaphore_mem>>)
      %dma_wait3A = arith.constant 0 : i32
      %dma_wait3A_304 = arith.constant 0 : i32
      %dma_wait3A_305 = tpu.memref_slice %arg5[%dma_wait3A, %dma_wait3A_304] : memref<10000x64xf32, #tpu.memory_space<hbm>> -> memref<10000x64xf32, #tpu.memory_space<hbm>>
      tpu.wait_indirect_dma semaphore(%arg19 : memref<!tpu.dma_semaphore, #tpu.memory_space<semaphore_mem>>) src(%dma_wait3A_305 : memref<10000x64xf32, #tpu.memory_space<hbm>>) dst(%arg12 : memref<128x64xf32, #tpu.memory_space<vmem>>)
      %mul3A_306 = arith.constant 128 : i32
      %mul3A_307 = arith.muli %add3A_301, %mul3A_306 : i32
      %get3A = arith.constant 0 : index
      %get3A_308 = tpu.vector_load %arg10[%get3A] {strides = array<i32>} : memref<128xi32, #tpu.memory_space<vmem>>, vector<16xi32>,
      %get3A_309 = arith.constant 0 : index
      %get3A_310 = tpu.vector_load %arg11[%get3A_309] {strides = array<i32>} : memref<128xi32, #tpu.memory_space<vmem>>, vector<16xi32>,
      %add3A_311 = arith.constant 0 : i32
      %add3A_312 = arith.addi %mul3A_307, %add3A_311 : i32
      %add3A_313 = vector.broadcast %add3A_312 : i32 to vector<16xi32>
      %add3A_314 = arith.addi %add3A_313, %iota3A : vector<16xi32>
      %lt3A = arith.constant 330000 : i32
      %lt3A_315 = vector.broadcast %lt3A : i32 to vector<16xi32>
      %lt3A_316 = arith.cmpi slt, %add3A_314, %lt3A_315 : vector<16xi32>
      %gather3A = tpu.vector_load_idx %arg8[%get3A_308] : memref<10000xf32, #tpu.memory_space<vmem>>[vector<16xi32>], vector<16xf32>,
      %gather3A_317 = tpu.vector_load_idx %arg9[%get3A_310] : memref<10000xf32, #tpu.memory_space<vmem>>[vector<16xi32>], vector<16xf32>,
      %add3A_318 = arith.addf %gather3A, %gather3A_317 : vector<16xf32>
      %gt3A = arith.constant 0.000000e+00 : f32
      %gt3A_319 = vector.broadcast %gt3A : f32 to vector<16xf32>
      %gt3A_320 = arith.cmpf ogt, %add3A_318, %gt3A_319 : vector<16xf32>
      %mul3A_321 = arith.constant 2.000000e-01 : f32
      %mul3A_322 = vector.broadcast %mul3A_321 : f32 to vector<16xf32>
      %mul3A_323 = arith.mulf %mul3A_322, %add3A_318 : vector<16xf32>
      %select_n3A = arith.select %gt3A_320, %add3A_318, %mul3A_323 : vector<16xi1>, vector<16xf32>
      %exp3A = math.exp %select_n3A : vector<16xf32>
      %jit3A = arith.constant 0.000000e+00 : f32
      %broadcast_in_dim3A_324 = vector.broadcast %jit3A : f32 to vector<16xf32>
      %select_n3A_325 = arith.select %lt3A_316, %exp3A, %broadcast_in_dim3A_324 : vector<16xi1>, vector<16xf32>
      %swap3A_326 = arith.constant 0 : index
      %swap3A_327 = tpu.vector_load %arg14[%swap3A_326] {strides = array<i32>} : memref<144xf32, #tpu.memory_space<vmem>>, vector<16xf32>,
      tpu.vector_store %arg14[%swap3A_326], %select_n3A_325 {strides = array<i32>} : memref<144xf32, #tpu.memory_space<vmem>>, vector<16xf32>,
      %get3A_328 = arith.constant 16 : index
      %get3A_329 = tpu.vector_load %arg10[%get3A_328] {strides = array<i32>} : memref<128xi32, #tpu.memory_space<vmem>>, vector<16xi32>,
      %get3A_330 = arith.constant 16 : index
      %get3A_331 = tpu.vector_load %arg11[%get3A_330] {strides = array<i32>} : memref<128xi32, #tpu.memory_space<vmem>>, vector<16xi32>,
      %add3A_332 = arith.constant 16 : i32
      %add3A_333 = arith.addi %mul3A_307, %add3A_332 : i32
      %add3A_334 = vector.broadcast %add3A_333 : i32 to vector<16xi32>
      %add3A_335 = arith.addi %add3A_334, %iota3A : vector<16xi32>
      %lt3A_336 = arith.constant 330000 : i32
      %lt3A_337 = vector.broadcast %lt3A_336 : i32 to vector<16xi32>
      %lt3A_338 = arith.cmpi slt, %add3A_335, %lt3A_337 : vector<16xi32>
      %gather3A_339 = tpu.vector_load_idx %arg8[%get3A_329] : memref<10000xf32, #tpu.memory_space<vmem>>[vector<16xi32>], vector<16xf32>,
      %gather3A_340 = tpu.vector_load_idx %arg9[%get3A_331] : memref<10000xf32, #tpu.memory_space<vmem>>[vector<16xi32>], vector<16xf32>,
      %add3A_341 = arith.addf %gather3A_339, %gather3A_340 : vector<16xf32>
      %gt3A_342 = arith.constant 0.000000e+00 : f32
      %gt3A_343 = vector.broadcast %gt3A_342 : f32 to vector<16xf32>
      %gt3A_344 = arith.cmpf ogt, %add3A_341, %gt3A_343 : vector<16xf32>
      %mul3A_345 = arith.constant 2.000000e-01 : f32
      %mul3A_346 = vector.broadcast %mul3A_345 : f32 to vector<16xf32>
      %mul3A_347 = arith.mulf %mul3A_346, %add3A_341 : vector<16xf32>
      %select_n3A_348 = arith.select %gt3A_344, %add3A_341, %mul3A_347 : vector<16xi1>, vector<16xf32>
      %exp3A_349 = math.exp %select_n3A_348 : vector<16xf32>
      %jit3A_350 = arith.constant 0.000000e+00 : f32
      %broadcast_in_dim3A_351 = vector.broadcast %jit3A_350 : f32 to vector<16xf32>
      %select_n3A_352 = arith.select %lt3A_338, %exp3A_349, %broadcast_in_dim3A_351 : vector<16xi1>, vector<16xf32>
      %swap3A_353 = arith.constant 16 : index
      %swap3A_354 = tpu.vector_load %arg14[%swap3A_353] {strides = array<i32>} : memref<144xf32, #tpu.memory_space<vmem>>, vector<16xf32>,
      tpu.vector_store %arg14[%swap3A_353], %select_n3A_352 {strides = array<i32>} : memref<144xf32, #tpu.memory_space<vmem>>, vector<16xf32>,
      %get3A_355 = arith.constant 32 : index
      %get3A_356 = tpu.vector_load %arg10[%get3A_355] {strides = array<i32>} : memref<128xi32, #tpu.memory_space<vmem>>, vector<16xi32>,
      %get3A_357 = arith.constant 32 : index
      %get3A_358 = tpu.vector_load %arg11[%get3A_357] {strides = array<i32>} : memref<128xi32, #tpu.memory_space<vmem>>, vector<16xi32>,
      %add3A_359 = arith.constant 32 : i32
      %add3A_360 = arith.addi %mul3A_307, %add3A_359 : i32
      %add3A_361 = vector.broadcast %add3A_360 : i32 to vector<16xi32>
      %add3A_362 = arith.addi %add3A_361, %iota3A : vector<16xi32>
      %lt3A_363 = arith.constant 330000 : i32
      %lt3A_364 = vector.broadcast %lt3A_363 : i32 to vector<16xi32>
      %lt3A_365 = arith.cmpi slt, %add3A_362, %lt3A_364 : vector<16xi32>
      %gather3A_366 = tpu.vector_load_idx %arg8[%get3A_356] : memref<10000xf32, #tpu.memory_space<vmem>>[vector<16xi32>], vector<16xf32>,
      %gather3A_367 = tpu.vector_load_idx %arg9[%get3A_358] : memref<10000xf32, #tpu.memory_space<vmem>>[vector<16xi32>], vector<16xf32>,
      %add3A_368 = arith.addf %gather3A_366, %gather3A_367 : vector<16xf32>
      %gt3A_369 = arith.constant 0.000000e+00 : f32
      %gt3A_370 = vector.broadcast %gt3A_369 : f32 to vector<16xf32>
      %gt3A_371 = arith.cmpf ogt, %add3A_368, %gt3A_370 : vector<16xf32>
      %mul3A_372 = arith.constant 2.000000e-01 : f32
      %mul3A_373 = vector.broadcast %mul3A_372 : f32 to vector<16xf32>
      %mul3A_374 = arith.mulf %mul3A_373, %add3A_368 : vector<16xf32>
      %select_n3A_375 = arith.select %gt3A_371, %add3A_368, %mul3A_374 : vector<16xi1>, vector<16xf32>
      %exp3A_376 = math.exp %select_n3A_375 : vector<16xf32>
      %jit3A_377 = arith.constant 0.000000e+00 : f32
      %broadcast_in_dim3A_378 = vector.broadcast %jit3A_377 : f32 to vector<16xf32>
      %select_n3A_379 = arith.select %lt3A_365, %exp3A_376, %broadcast_in_dim3A_378 : vector<16xi1>, vector<16xf32>
      %swap3A_380 = arith.constant 32 : index
      %swap3A_381 = tpu.vector_load %arg14[%swap3A_380] {strides = array<i32>} : memref<144xf32, #tpu.memory_space<vmem>>, vector<16xf32>,
      tpu.vector_store %arg14[%swap3A_380], %select_n3A_379 {strides = array<i32>} : memref<144xf32, #tpu.memory_space<vmem>>, vector<16xf32>,
      %get3A_382 = arith.constant 48 : index
      %get3A_383 = tpu.vector_load %arg10[%get3A_382] {strides = array<i32>} : memref<128xi32, #tpu.memory_space<vmem>>, vector<16xi32>,
      %get3A_384 = arith.constant 48 : index
      %get3A_385 = tpu.vector_load %arg11[%get3A_384] {strides = array<i32>} : memref<128xi32, #tpu.memory_space<vmem>>, vector<16xi32>,
      %add3A_386 = arith.constant 48 : i32
      %add3A_387 = arith.addi %mul3A_307, %add3A_386 : i32
      %add3A_388 = vector.broadcast %add3A_387 : i32 to vector<16xi32>
      %add3A_389 = arith.addi %add3A_388, %iota3A : vector<16xi32>
      %lt3A_390 = arith.constant 330000 : i32
      %lt3A_391 = vector.broadcast %lt3A_390 : i32 to vector<16xi32>
      %lt3A_392 = arith.cmpi slt, %add3A_389, %lt3A_391 : vector<16xi32>
      %gather3A_393 = tpu.vector_load_idx %arg8[%get3A_383] : memref<10000xf32, #tpu.memory_space<vmem>>[vector<16xi32>], vector<16xf32>,
      %gather3A_394 = tpu.vector_load_idx %arg9[%get3A_385] : memref<10000xf32, #tpu.memory_space<vmem>>[vector<16xi32>], vector<16xf32>,
      %add3A_395 = arith.addf %gather3A_393, %gather3A_394 : vector<16xf32>
      %gt3A_396 = arith.constant 0.000000e+00 : f32
      %gt3A_397 = vector.broadcast %gt3A_396 : f32 to vector<16xf32>
      %gt3A_398 = arith.cmpf ogt, %add3A_395, %gt3A_397 : vector<16xf32>
      %mul3A_399 = arith.constant 2.000000e-01 : f32
      %mul3A_400 = vector.broadcast %mul3A_399 : f32 to vector<16xf32>
      %mul3A_401 = arith.mulf %mul3A_400, %add3A_395 : vector<16xf32>
      %select_n3A_402 = arith.select %gt3A_398, %add3A_395, %mul3A_401 : vector<16xi1>, vector<16xf32>
      %exp3A_403 = math.exp %select_n3A_402 : vector<16xf32>
      %jit3A_404 = arith.constant 0.000000e+00 : f32
      %broadcast_in_dim3A_405 = vector.broadcast %jit3A_404 : f32 to vector<16xf32>
      %select_n3A_406 = arith.select %lt3A_392, %exp3A_403, %broadcast_in_dim3A_405 : vector<16xi1>, vector<16xf32>
      %swap3A_407 = arith.constant 48 : index
      %swap3A_408 = tpu.vector_load %arg14[%swap3A_407] {strides = array<i32>} : memref<144xf32, #tpu.memory_space<vmem>>, vector<16xf32>,
      tpu.vector_store %arg14[%swap3A_407], %select_n3A_406 {strides = array<i32>} : memref<144xf32, #tpu.memory_space<vmem>>, vector<16xf32>,
      %get3A_409 = arith.constant 64 : index
      %get3A_410 = tpu.vector_load %arg10[%get3A_409] {strides = array<i32>} : memref<128xi32, #tpu.memory_space<vmem>>, vector<16xi32>,
      %get3A_411 = arith.constant 64 : index
      %get3A_412 = tpu.vector_load %arg11[%get3A_411] {strides = array<i32>} : memref<128xi32, #tpu.memory_space<vmem>>, vector<16xi32>,
      %add3A_413 = arith.constant 64 : i32
      %add3A_414 = arith.addi %mul3A_307, %add3A_413 : i32
      %add3A_415 = vector.broadcast %add3A_414 : i32 to vector<16xi32>
      %add3A_416 = arith.addi %add3A_415, %iota3A : vector<16xi32>
      %lt3A_417 = arith.constant 330000 : i32
      %lt3A_418 = vector.broadcast %lt3A_417 : i32 to vector<16xi32>
      %lt3A_419 = arith.cmpi slt, %add3A_416, %lt3A_418 : vector<16xi32>
      %gather3A_420 = tpu.vector_load_idx %arg8[%get3A_410] : memref<10000xf32, #tpu.memory_space<vmem>>[vector<16xi32>], vector<16xf32>,
      %gather3A_421 = tpu.vector_load_idx %arg9[%get3A_412] : memref<10000xf32, #tpu.memory_space<vmem>>[vector<16xi32>], vector<16xf32>,
      %add3A_422 = arith.addf %gather3A_420, %gather3A_421 : vector<16xf32>
      %gt3A_423 = arith.constant 0.000000e+00 : f32
      %gt3A_424 = vector.broadcast %gt3A_423 : f32 to vector<16xf32>
      %gt3A_425 = arith.cmpf ogt, %add3A_422, %gt3A_424 : vector<16xf32>
      %mul3A_426 = arith.constant 2.000000e-01 : f32
      %mul3A_427 = vector.broadcast %mul3A_426 : f32 to vector<16xf32>
      %mul3A_428 = arith.mulf %mul3A_427, %add3A_422 : vector<16xf32>
      %select_n3A_429 = arith.select %gt3A_425, %add3A_422, %mul3A_428 : vector<16xi1>, vector<16xf32>
      %exp3A_430 = math.exp %select_n3A_429 : vector<16xf32>
      %jit3A_431 = arith.constant 0.000000e+00 : f32
      %broadcast_in_dim3A_432 = vector.broadcast %jit3A_431 : f32 to vector<16xf32>
      %select_n3A_433 = arith.select %lt3A_419, %exp3A_430, %broadcast_in_dim3A_432 : vector<16xi1>, vector<16xf32>
      %swap3A_434 = arith.constant 64 : index
      %swap3A_435 = tpu.vector_load %arg14[%swap3A_434] {strides = array<i32>} : memref<144xf32, #tpu.memory_space<vmem>>, vector<16xf32>,
      tpu.vector_store %arg14[%swap3A_434], %select_n3A_433 {strides = array<i32>} : memref<144xf32, #tpu.memory_space<vmem>>, vector<16xf32>,
      %get3A_436 = arith.constant 80 : index
      %get3A_437 = tpu.vector_load %arg10[%get3A_436] {strides = array<i32>} : memref<128xi32, #tpu.memory_space<vmem>>, vector<16xi32>,
      %get3A_438 = arith.constant 80 : index
      %get3A_439 = tpu.vector_load %arg11[%get3A_438] {strides = array<i32>} : memref<128xi32, #tpu.memory_space<vmem>>, vector<16xi32>,
      %add3A_440 = arith.constant 80 : i32
      %add3A_441 = arith.addi %mul3A_307, %add3A_440 : i32
      %add3A_442 = vector.broadcast %add3A_441 : i32 to vector<16xi32>
      %add3A_443 = arith.addi %add3A_442, %iota3A : vector<16xi32>
      %lt3A_444 = arith.constant 330000 : i32
      %lt3A_445 = vector.broadcast %lt3A_444 : i32 to vector<16xi32>
      %lt3A_446 = arith.cmpi slt, %add3A_443, %lt3A_445 : vector<16xi32>
      %gather3A_447 = tpu.vector_load_idx %arg8[%get3A_437] : memref<10000xf32, #tpu.memory_space<vmem>>[vector<16xi32>], vector<16xf32>,
      %gather3A_448 = tpu.vector_load_idx %arg9[%get3A_439] : memref<10000xf32, #tpu.memory_space<vmem>>[vector<16xi32>], vector<16xf32>,
      %add3A_449 = arith.addf %gather3A_447, %gather3A_448 : vector<16xf32>
      %gt3A_450 = arith.constant 0.000000e+00 : f32
      %gt3A_451 = vector.broadcast %gt3A_450 : f32 to vector<16xf32>
      %gt3A_452 = arith.cmpf ogt, %add3A_449, %gt3A_451 : vector<16xf32>
      %mul3A_453 = arith.constant 2.000000e-01 : f32
      %mul3A_454 = vector.broadcast %mul3A_453 : f32 to vector<16xf32>
      %mul3A_455 = arith.mulf %mul3A_454, %add3A_449 : vector<16xf32>
      %select_n3A_456 = arith.select %gt3A_452, %add3A_449, %mul3A_455 : vector<16xi1>, vector<16xf32>
      %exp3A_457 = math.exp %select_n3A_456 : vector<16xf32>
      %jit3A_458 = arith.constant 0.000000e+00 : f32
      %broadcast_in_dim3A_459 = vector.broadcast %jit3A_458 : f32 to vector<16xf32>
      %select_n3A_460 = arith.select %lt3A_446, %exp3A_457, %broadcast_in_dim3A_459 : vector<16xi1>, vector<16xf32>
      %swap3A_461 = arith.constant 80 : index
      %swap3A_462 = tpu.vector_load %arg14[%swap3A_461] {strides = array<i32>} : memref<144xf32, #tpu.memory_space<vmem>>, vector<16xf32>,
      tpu.vector_store %arg14[%swap3A_461], %select_n3A_460 {strides = array<i32>} : memref<144xf32, #tpu.memory_space<vmem>>, vector<16xf32>,
      %get3A_463 = arith.constant 96 : index
      %get3A_464 = tpu.vector_load %arg10[%get3A_463] {strides = array<i32>} : memref<128xi32, #tpu.memory_space<vmem>>, vector<16xi32>,
      %get3A_465 = arith.constant 96 : index
      %get3A_466 = tpu.vector_load %arg11[%get3A_465] {strides = array<i32>} : memref<128xi32, #tpu.memory_space<vmem>>, vector<16xi32>,
      %add3A_467 = arith.constant 96 : i32
      %add3A_468 = arith.addi %mul3A_307, %add3A_467 : i32
      %add3A_469 = vector.broadcast %add3A_468 : i32 to vector<16xi32>
      %add3A_470 = arith.addi %add3A_469, %iota3A : vector<16xi32>
      %lt3A_471 = arith.constant 330000 : i32
      %lt3A_472 = vector.broadcast %lt3A_471 : i32 to vector<16xi32>
      %lt3A_473 = arith.cmpi slt, %add3A_470, %lt3A_472 : vector<16xi32>
      %gather3A_474 = tpu.vector_load_idx %arg8[%get3A_464] : memref<10000xf32, #tpu.memory_space<vmem>>[vector<16xi32>], vector<16xf32>,
      %gather3A_475 = tpu.vector_load_idx %arg9[%get3A_466] : memref<10000xf32, #tpu.memory_space<vmem>>[vector<16xi32>], vector<16xf32>,
      %add3A_476 = arith.addf %gather3A_474, %gather3A_475 : vector<16xf32>
      %gt3A_477 = arith.constant 0.000000e+00 : f32
      %gt3A_478 = vector.broadcast %gt3A_477 : f32 to vector<16xf32>
      %gt3A_479 = arith.cmpf ogt, %add3A_476, %gt3A_478 : vector<16xf32>
      %mul3A_480 = arith.constant 2.000000e-01 : f32
      %mul3A_481 = vector.broadcast %mul3A_480 : f32 to vector<16xf32>
      %mul3A_482 = arith.mulf %mul3A_481, %add3A_476 : vector<16xf32>
      %select_n3A_483 = arith.select %gt3A_479, %add3A_476, %mul3A_482 : vector<16xi1>, vector<16xf32>
      %exp3A_484 = math.exp %select_n3A_483 : vector<16xf32>
      %jit3A_485 = arith.constant 0.000000e+00 : f32
      %broadcast_in_dim3A_486 = vector.broadcast %jit3A_485 : f32 to vector<16xf32>
      %select_n3A_487 = arith.select %lt3A_473, %exp3A_484, %broadcast_in_dim3A_486 : vector<16xi1>, vector<16xf32>
      %swap3A_488 = arith.constant 96 : index
      %swap3A_489 = tpu.vector_load %arg14[%swap3A_488] {strides = array<i32>} : memref<144xf32, #tpu.memory_space<vmem>>, vector<16xf32>,
      tpu.vector_store %arg14[%swap3A_488], %select_n3A_487 {strides = array<i32>} : memref<144xf32, #tpu.memory_space<vmem>>, vector<16xf32>,
      %get3A_490 = arith.constant 112 : index
      %get3A_491 = tpu.vector_load %arg10[%get3A_490] {strides = array<i32>} : memref<128xi32, #tpu.memory_space<vmem>>, vector<16xi32>,
      %get3A_492 = arith.constant 112 : index
      %get3A_493 = tpu.vector_load %arg11[%get3A_492] {strides = array<i32>} : memref<128xi32, #tpu.memory_space<vmem>>, vector<16xi32>,
      %add3A_494 = arith.constant 112 : i32
      %add3A_495 = arith.addi %mul3A_307, %add3A_494 : i32
      %add3A_496 = vector.broadcast %add3A_495 : i32 to vector<16xi32>
      %add3A_497 = arith.addi %add3A_496, %iota3A : vector<16xi32>
      %lt3A_498 = arith.constant 330000 : i32
      %lt3A_499 = vector.broadcast %lt3A_498 : i32 to vector<16xi32>
      %lt3A_500 = arith.cmpi slt, %add3A_497, %lt3A_499 : vector<16xi32>
      %gather3A_501 = tpu.vector_load_idx %arg8[%get3A_491] : memref<10000xf32, #tpu.memory_space<vmem>>[vector<16xi32>], vector<16xf32>,
      %gather3A_502 = tpu.vector_load_idx %arg9[%get3A_493] : memref<10000xf32, #tpu.memory_space<vmem>>[vector<16xi32>], vector<16xf32>,
      %add3A_503 = arith.addf %gather3A_501, %gather3A_502 : vector<16xf32>
      %gt3A_504 = arith.constant 0.000000e+00 : f32
      %gt3A_505 = vector.broadcast %gt3A_504 : f32 to vector<16xf32>
      %gt3A_506 = arith.cmpf ogt, %add3A_503, %gt3A_505 : vector<16xf32>
      %mul3A_507 = arith.constant 2.000000e-01 : f32
      %mul3A_508 = vector.broadcast %mul3A_507 : f32 to vector<16xf32>
      %mul3A_509 = arith.mulf %mul3A_508, %add3A_503 : vector<16xf32>
      %select_n3A_510 = arith.select %gt3A_506, %add3A_503, %mul3A_509 : vector<16xi1>, vector<16xf32>
      %exp3A_511 = math.exp %select_n3A_510 : vector<16xf32>
      %jit3A_512 = arith.constant 0.000000e+00 : f32
      %broadcast_in_dim3A_513 = vector.broadcast %jit3A_512 : f32 to vector<16xf32>
      %select_n3A_514 = arith.select %lt3A_500, %exp3A_511, %broadcast_in_dim3A_513 : vector<16xi1>, vector<16xf32>
      %swap3A_515 = arith.constant 112 : index
      %swap3A_516 = tpu.vector_load %arg14[%swap3A_515] {strides = array<i32>} : memref<144xf32, #tpu.memory_space<vmem>>, vector<16xf32>,
      tpu.vector_store %arg14[%swap3A_515], %select_n3A_514 {strides = array<i32>} : memref<144xf32, #tpu.memory_space<vmem>>, vector<16xf32>,
      %scan3A_517 = arith.constant 0 : i32
      %scan3A_518 = arith.constant 0 : i32
      %scan3A_519 = arith.constant 128 : i32
      %scan3A_520 = arith.addi %scan3A_518, %scan3A_519 : i32
      %scan3A_521 = arith.constant 4 : i32
      scf.for %scan3A_523 = %scan3A_518 to %scan3A_520 step %scan3A_521  : i32 {
        %get3A_524 = arith.index_cast %scan3A_523 : i32 to index
        %get3A_525 = tpu.vector_load %arg14[%get3A_524] {strides = array<i32>} : memref<144xf32, #tpu.memory_space<vmem>>, vector<16xf32>,
        %slice3A = vector.extract_strided_slice %get3A_525 {offsets = [0], sizes = [1], strides = [1]} : vector<16xf32> to vector<1xf32>
        %squeeze3A = vector.extract %slice3A[0] : f32 from vector<1xf32>
        %get3A_526 = arith.index_cast %scan3A_523 : i32 to index
        %get3A_527 = arith.constant 0 : index
        %get3A_528 = tpu.vector_load %arg12[%get3A_526, %get3A_527] {strides = array<i32>} : memref<128x64xf32, #tpu.memory_space<vmem>>, vector<16xf32>,
        %mul3A_529 = vector.broadcast %squeeze3A : f32 to vector<16xf32>
        %mul3A_530 = arith.mulf %get3A_528, %mul3A_529 : vector<16xf32>
        %swap3A_531 = arith.index_cast %scan3A_523 : i32 to index
        %swap3A_532 = arith.constant 0 : index
        %swap3A_533 = tpu.vector_load %arg13[%swap3A_531, %swap3A_532] {strides = array<i32>} : memref<128x64xf32, #tpu.memory_space<vmem>>, vector<16xf32>,
        tpu.vector_store %arg13[%swap3A_531, %swap3A_532], %mul3A_530 {strides = array<i32>} : memref<128x64xf32, #tpu.memory_space<vmem>>, vector<16xf32>,
        %get3A_534 = arith.index_cast %scan3A_523 : i32 to index
        %get3A_535 = arith.constant 16 : index
        %get3A_536 = tpu.vector_load %arg12[%get3A_534, %get3A_535] {strides = array<i32>} : memref<128x64xf32, #tpu.memory_space<vmem>>, vector<16xf32>,
        %mul3A_537 = vector.broadcast %squeeze3A : f32 to vector<16xf32>
        %mul3A_538 = arith.mulf %get3A_536, %mul3A_537 : vector<16xf32>
        %swap3A_539 = arith.index_cast %scan3A_523 : i32 to index
        %swap3A_540 = arith.constant 16 : index
        %swap3A_541 = tpu.vector_load %arg13[%swap3A_539, %swap3A_540] {strides = array<i32>} : memref<128x64xf32, #tpu.memory_space<vmem>>, vector<16xf32>,
        tpu.vector_store %arg13[%swap3A_539, %swap3A_540], %mul3A_538 {strides = array<i32>} : memref<128x64xf32, #tpu.memory_space<vmem>>, vector<16xf32>,
        %get3A_542 = arith.index_cast %scan3A_523 : i32 to index
        %get3A_543 = arith.constant 32 : index
        %get3A_544 = tpu.vector_load %arg12[%get3A_542, %get3A_543] {strides = array<i32>} : memref<128x64xf32, #tpu.memory_space<vmem>>, vector<16xf32>,
        %mul3A_545 = vector.broadcast %squeeze3A : f32 to vector<16xf32>
        %mul3A_546 = arith.mulf %get3A_544, %mul3A_545 : vector<16xf32>
        %swap3A_547 = arith.index_cast %scan3A_523 : i32 to index
        %swap3A_548 = arith.constant 32 : index
        %swap3A_549 = tpu.vector_load %arg13[%swap3A_547, %swap3A_548] {strides = array<i32>} : memref<128x64xf32, #tpu.memory_space<vmem>>, vector<16xf32>,
        tpu.vector_store %arg13[%swap3A_547, %swap3A_548], %mul3A_546 {strides = array<i32>} : memref<128x64xf32, #tpu.memory_space<vmem>>, vector<16xf32>,
        %get3A_550 = arith.index_cast %scan3A_523 : i32 to index
        %get3A_551 = arith.constant 48 : index
        %get3A_552 = tpu.vector_load %arg12[%get3A_550, %get3A_551] {strides = array<i32>} : memref<128x64xf32, #tpu.memory_space<vmem>>, vector<16xf32>,
        %mul3A_553 = vector.broadcast %squeeze3A : f32 to vector<16xf32>
        %mul3A_554 = arith.mulf %get3A_552, %mul3A_553 : vector<16xf32>
        %swap3A_555 = arith.index_cast %scan3A_523 : i32 to index
        %swap3A_556 = arith.constant 48 : index
        %swap3A_557 = tpu.vector_load %arg13[%swap3A_555, %swap3A_556] {strides = array<i32>} : memref<128x64xf32, #tpu.memory_space<vmem>>, vector<16xf32>,
        tpu.vector_store %arg13[%swap3A_555, %swap3A_556], %mul3A_554 {strides = array<i32>} : memref<128x64xf32, #tpu.memory_space<vmem>>, vector<16xf32>,
        %scan3A_558 = arith.constant 1 : i32
        %scan3A_559 = arith.addi %scan3A_523, %scan3A_558 : i32
        %get3A_560 = arith.index_cast %scan3A_559 : i32 to index
        %get3A_561 = tpu.vector_load %arg14[%get3A_560] {strides = array<i32>} : memref<144xf32, #tpu.memory_space<vmem>>, vector<16xf32>,
        %slice3A_562 = vector.extract_strided_slice %get3A_561 {offsets = [0], sizes = [1], strides = [1]} : vector<16xf32> to vector<1xf32>
        %squeeze3A_563 = vector.extract %slice3A_562[0] : f32 from vector<1xf32>
        %get3A_564 = arith.index_cast %scan3A_559 : i32 to index
        %get3A_565 = arith.constant 0 : index
        %get3A_566 = tpu.vector_load %arg12[%get3A_564, %get3A_565] {strides = array<i32>} : memref<128x64xf32, #tpu.memory_space<vmem>>, vector<16xf32>,
        %mul3A_567 = vector.broadcast %squeeze3A_563 : f32 to vector<16xf32>
        %mul3A_568 = arith.mulf %get3A_566, %mul3A_567 : vector<16xf32>
        %swap3A_569 = arith.index_cast %scan3A_559 : i32 to index
        %swap3A_570 = arith.constant 0 : index
        %swap3A_571 = tpu.vector_load %arg13[%swap3A_569, %swap3A_570] {strides = array<i32>} : memref<128x64xf32, #tpu.memory_space<vmem>>, vector<16xf32>,
        tpu.vector_store %arg13[%swap3A_569, %swap3A_570], %mul3A_568 {strides = array<i32>} : memref<128x64xf32, #tpu.memory_space<vmem>>, vector<16xf32>,
        %get3A_572 = arith.index_cast %scan3A_559 : i32 to index
        %get3A_573 = arith.constant 16 : index
        %get3A_574 = tpu.vector_load %arg12[%get3A_572, %get3A_573] {strides = array<i32>} : memref<128x64xf32, #tpu.memory_space<vmem>>, vector<16xf32>,
        %mul3A_575 = vector.broadcast %squeeze3A_563 : f32 to vector<16xf32>
        %mul3A_576 = arith.mulf %get3A_574, %mul3A_575 : vector<16xf32>
        %swap3A_577 = arith.index_cast %scan3A_559 : i32 to index
        %swap3A_578 = arith.constant 16 : index
        %swap3A_579 = tpu.vector_load %arg13[%swap3A_577, %swap3A_578] {strides = array<i32>} : memref<128x64xf32, #tpu.memory_space<vmem>>, vector<16xf32>,
        tpu.vector_store %arg13[%swap3A_577, %swap3A_578], %mul3A_576 {strides = array<i32>} : memref<128x64xf32, #tpu.memory_space<vmem>>, vector<16xf32>,
        %get3A_580 = arith.index_cast %scan3A_559 : i32 to index
        %get3A_581 = arith.constant 32 : index
        %get3A_582 = tpu.vector_load %arg12[%get3A_580, %get3A_581] {strides = array<i32>} : memref<128x64xf32, #tpu.memory_space<vmem>>, vector<16xf32>,
        %mul3A_583 = vector.broadcast %squeeze3A_563 : f32 to vector<16xf32>
        %mul3A_584 = arith.mulf %get3A_582, %mul3A_583 : vector<16xf32>
        %swap3A_585 = arith.index_cast %scan3A_559 : i32 to index
        %swap3A_586 = arith.constant 32 : index
        %swap3A_587 = tpu.vector_load %arg13[%swap3A_585, %swap3A_586] {strides = array<i32>} : memref<128x64xf32, #tpu.memory_space<vmem>>, vector<16xf32>,
        tpu.vector_store %arg13[%swap3A_585, %swap3A_586], %mul3A_584 {strides = array<i32>} : memref<128x64xf32, #tpu.memory_space<vmem>>, vector<16xf32>,
        %get3A_588 = arith.index_cast %scan3A_559 : i32 to index
        %get3A_589 = arith.constant 48 : index
        %get3A_590 = tpu.vector_load %arg12[%get3A_588, %get3A_589] {strides = array<i32>} : memref<128x64xf32, #tpu.memory_space<vmem>>, vector<16xf32>,
        %mul3A_591 = vector.broadcast %squeeze3A_563 : f32 to vector<16xf32>
        %mul3A_592 = arith.mulf %get3A_590, %mul3A_591 : vector<16xf32>
        %swap3A_593 = arith.index_cast %scan3A_559 : i32 to index
        %swap3A_594 = arith.constant 48 : index
        %swap3A_595 = tpu.vector_load %arg13[%swap3A_593, %swap3A_594] {strides = array<i32>} : memref<128x64xf32, #tpu.memory_space<vmem>>, vector<16xf32>,
        tpu.vector_store %arg13[%swap3A_593, %swap3A_594], %mul3A_592 {strides = array<i32>} : memref<128x64xf32, #tpu.memory_space<vmem>>, vector<16xf32>,
        %scan3A_596 = arith.constant 2 : i32
        %scan3A_597 = arith.addi %scan3A_523, %scan3A_596 : i32
        %get3A_598 = arith.index_cast %scan3A_597 : i32 to index
        %get3A_599 = tpu.vector_load %arg14[%get3A_598] {strides = array<i32>} : memref<144xf32, #tpu.memory_space<vmem>>, vector<16xf32>,
        %slice3A_600 = vector.extract_strided_slice %get3A_599 {offsets = [0], sizes = [1], strides = [1]} : vector<16xf32> to vector<1xf32>
        %squeeze3A_601 = vector.extract %slice3A_600[0] : f32 from vector<1xf32>
        %get3A_602 = arith.index_cast %scan3A_597 : i32 to index
        %get3A_603 = arith.constant 0 : index
        %get3A_604 = tpu.vector_load %arg12[%get3A_602, %get3A_603] {strides = array<i32>} : memref<128x64xf32, #tpu.memory_space<vmem>>, vector<16xf32>,
        %mul3A_605 = vector.broadcast %squeeze3A_601 : f32 to vector<16xf32>
        %mul3A_606 = arith.mulf %get3A_604, %mul3A_605 : vector<16xf32>
        %swap3A_607 = arith.index_cast %scan3A_597 : i32 to index
        %swap3A_608 = arith.constant 0 : index
        %swap3A_609 = tpu.vector_load %arg13[%swap3A_607, %swap3A_608] {strides = array<i32>} : memref<128x64xf32, #tpu.memory_space<vmem>>, vector<16xf32>,
        tpu.vector_store %arg13[%swap3A_607, %swap3A_608], %mul3A_606 {strides = array<i32>} : memref<128x64xf32, #tpu.memory_space<vmem>>, vector<16xf32>,
        %get3A_610 = arith.index_cast %scan3A_597 : i32 to index
        %get3A_611 = arith.constant 16 : index
        %get3A_612 = tpu.vector_load %arg12[%get3A_610, %get3A_611] {strides = array<i32>} : memref<128x64xf32, #tpu.memory_space<vmem>>, vector<16xf32>,
        %mul3A_613 = vector.broadcast %squeeze3A_601 : f32 to vector<16xf32>
        %mul3A_614 = arith.mulf %get3A_612, %mul3A_613 : vector<16xf32>
        %swap3A_615 = arith.index_cast %scan3A_597 : i32 to index
        %swap3A_616 = arith.constant 16 : index
        %swap3A_617 = tpu.vector_load %arg13[%swap3A_615, %swap3A_616] {strides = array<i32>} : memref<128x64xf32, #tpu.memory_space<vmem>>, vector<16xf32>,
        tpu.vector_store %arg13[%swap3A_615, %swap3A_616], %mul3A_614 {strides = array<i32>} : memref<128x64xf32, #tpu.memory_space<vmem>>, vector<16xf32>,
        %get3A_618 = arith.index_cast %scan3A_597 : i32 to index
        %get3A_619 = arith.constant 32 : index
        %get3A_620 = tpu.vector_load %arg12[%get3A_618, %get3A_619] {strides = array<i32>} : memref<128x64xf32, #tpu.memory_space<vmem>>, vector<16xf32>,
        %mul3A_621 = vector.broadcast %squeeze3A_601 : f32 to vector<16xf32>
        %mul3A_622 = arith.mulf %get3A_620, %mul3A_621 : vector<16xf32>
        %swap3A_623 = arith.index_cast %scan3A_597 : i32 to index
        %swap3A_624 = arith.constant 32 : index
        %swap3A_625 = tpu.vector_load %arg13[%swap3A_623, %swap3A_624] {strides = array<i32>} : memref<128x64xf32, #tpu.memory_space<vmem>>, vector<16xf32>,
        tpu.vector_store %arg13[%swap3A_623, %swap3A_624], %mul3A_622 {strides = array<i32>} : memref<128x64xf32, #tpu.memory_space<vmem>>, vector<16xf32>,
        %get3A_626 = arith.index_cast %scan3A_597 : i32 to index
        %get3A_627 = arith.constant 48 : index
        %get3A_628 = tpu.vector_load %arg12[%get3A_626, %get3A_627] {strides = array<i32>} : memref<128x64xf32, #tpu.memory_space<vmem>>, vector<16xf32>,
        %mul3A_629 = vector.broadcast %squeeze3A_601 : f32 to vector<16xf32>
        %mul3A_630 = arith.mulf %get3A_628, %mul3A_629 : vector<16xf32>
        %swap3A_631 = arith.index_cast %scan3A_597 : i32 to index
        %swap3A_632 = arith.constant 48 : index
        %swap3A_633 = tpu.vector_load %arg13[%swap3A_631, %swap3A_632] {strides = array<i32>} : memref<128x64xf32, #tpu.memory_space<vmem>>, vector<16xf32>,
        tpu.vector_store %arg13[%swap3A_631, %swap3A_632], %mul3A_630 {strides = array<i32>} : memref<128x64xf32, #tpu.memory_space<vmem>>, vector<16xf32>,
        %scan3A_634 = arith.constant 3 : i32
        %scan3A_635 = arith.addi %scan3A_523, %scan3A_634 : i32
        %get3A_636 = arith.index_cast %scan3A_635 : i32 to index
        %get3A_637 = tpu.vector_load %arg14[%get3A_636] {strides = array<i32>} : memref<144xf32, #tpu.memory_space<vmem>>, vector<16xf32>,
        %slice3A_638 = vector.extract_strided_slice %get3A_637 {offsets = [0], sizes = [1], strides = [1]} : vector<16xf32> to vector<1xf32>
        %squeeze3A_639 = vector.extract %slice3A_638[0] : f32 from vector<1xf32>
        %get3A_640 = arith.index_cast %scan3A_635 : i32 to index
        %get3A_641 = arith.constant 0 : index
        %get3A_642 = tpu.vector_load %arg12[%get3A_640, %get3A_641] {strides = array<i32>} : memref<128x64xf32, #tpu.memory_space<vmem>>, vector<16xf32>,
        %mul3A_643 = vector.broadcast %squeeze3A_639 : f32 to vector<16xf32>
        %mul3A_644 = arith.mulf %get3A_642, %mul3A_643 : vector<16xf32>
        %swap3A_645 = arith.index_cast %scan3A_635 : i32 to index
        %swap3A_646 = arith.constant 0 : index
        %swap3A_647 = tpu.vector_load %arg13[%swap3A_645, %swap3A_646] {strides = array<i32>} : memref<128x64xf32, #tpu.memory_space<vmem>>, vector<16xf32>,
        tpu.vector_store %arg13[%swap3A_645, %swap3A_646], %mul3A_644 {strides = array<i32>} : memref<128x64xf32, #tpu.memory_space<vmem>>, vector<16xf32>,
        %get3A_648 = arith.index_cast %scan3A_635 : i32 to index
        %get3A_649 = arith.constant 16 : index
        %get3A_650 = tpu.vector_load %arg12[%get3A_648, %get3A_649] {strides = array<i32>} : memref<128x64xf32, #tpu.memory_space<vmem>>, vector<16xf32>,
        %mul3A_651 = vector.broadcast %squeeze3A_639 : f32 to vector<16xf32>
        %mul3A_652 = arith.mulf %get3A_650, %mul3A_651 : vector<16xf32>
        %swap3A_653 = arith.index_cast %scan3A_635 : i32 to index
        %swap3A_654 = arith.constant 16 : index
        %swap3A_655 = tpu.vector_load %arg13[%swap3A_653, %swap3A_654] {strides = array<i32>} : memref<128x64xf32, #tpu.memory_space<vmem>>, vector<16xf32>,
        tpu.vector_store %arg13[%swap3A_653, %swap3A_654], %mul3A_652 {strides = array<i32>} : memref<128x64xf32, #tpu.memory_space<vmem>>, vector<16xf32>,
        %get3A_656 = arith.index_cast %scan3A_635 : i32 to index
        %get3A_657 = arith.constant 32 : index
        %get3A_658 = tpu.vector_load %arg12[%get3A_656, %get3A_657] {strides = array<i32>} : memref<128x64xf32, #tpu.memory_space<vmem>>, vector<16xf32>,
        %mul3A_659 = vector.broadcast %squeeze3A_639 : f32 to vector<16xf32>
        %mul3A_660 = arith.mulf %get3A_658, %mul3A_659 : vector<16xf32>
        %swap3A_661 = arith.index_cast %scan3A_635 : i32 to index
        %swap3A_662 = arith.constant 32 : index
        %swap3A_663 = tpu.vector_load %arg13[%swap3A_661, %swap3A_662] {strides = array<i32>} : memref<128x64xf32, #tpu.memory_space<vmem>>, vector<16xf32>,
        tpu.vector_store %arg13[%swap3A_661, %swap3A_662], %mul3A_660 {strides = array<i32>} : memref<128x64xf32, #tpu.memory_space<vmem>>, vector<16xf32>,
        %get3A_664 = arith.index_cast %scan3A_635 : i32 to index
        %get3A_665 = arith.constant 48 : index
        %get3A_666 = tpu.vector_load %arg12[%get3A_664, %get3A_665] {strides = array<i32>} : memref<128x64xf32, #tpu.memory_space<vmem>>, vector<16xf32>,
        %mul3A_667 = vector.broadcast %squeeze3A_639 : f32 to vector<16xf32>
        %mul3A_668 = arith.mulf %get3A_666, %mul3A_667 : vector<16xf32>
        %swap3A_669 = arith.index_cast %scan3A_635 : i32 to index
        %swap3A_670 = arith.constant 48 : index
        %swap3A_671 = tpu.vector_load %arg13[%swap3A_669, %swap3A_670] {strides = array<i32>} : memref<128x64xf32, #tpu.memory_space<vmem>>, vector<16xf32>,
        tpu.vector_store %arg13[%swap3A_669, %swap3A_670], %mul3A_668 {strides = array<i32>} : memref<128x64xf32, #tpu.memory_space<vmem>>, vector<16xf32>,
      }
      %scan3A_522 = arith.constant 128 : i32
      "tpu.region"() ({
        %run_scoped3A_523 = tpu.sem_alloc : memref<!tpu.dma_semaphore, #tpu.memory_space<semaphore_mem>>
        %dma_start3A_524 = arith.constant 0 : i32
        %dma_start3A_525 = arith.constant 0 : i32
        %dma_start3A_526 = tpu.memref_slice %arg17[%dma_start3A_524, %dma_start3A_525] : memref<10240x64xf32, #tpu.memory_space<vmem_shared>> -> memref<10240x64xf32, #tpu.memory_space<vmem_shared>>
        tpu.enqueue_indirect_dma source(%arg13 : memref<128x64xf32, #tpu.memory_space<vmem>>) target(%dma_start3A_526 : memref<10240x64xf32, #tpu.memory_space<vmem_shared>>) offsets(%arg11 : memref<128xi32, #tpu.memory_space<vmem>>) semaphore(%run_scoped3A_523 : memref<!tpu.dma_semaphore, #tpu.memory_space<semaphore_mem>>) {add = true}
        %dma_wait3A_527 = arith.constant 0 : i32
        %dma_wait3A_528 = arith.constant 0 : i32
        %dma_wait3A_529 = tpu.memref_slice %arg17[%dma_wait3A_527, %dma_wait3A_528] : memref<10240x64xf32, #tpu.memory_space<vmem_shared>> -> memref<10240x64xf32, #tpu.memory_space<vmem_shared>>
        tpu.wait_indirect_dma semaphore(%run_scoped3A_523 : memref<!tpu.dma_semaphore, #tpu.memory_space<semaphore_mem>>) src(%arg13 : memref<128x64xf32, #tpu.memory_space<vmem>>) dst(%dma_wait3A_529 : memref<10240x64xf32, #tpu.memory_space<vmem_shared>>)
        tpu.yield
      }) : () -> ()
      "tpu.region"() ({
        %run_scoped3A_523 = tpu.sem_alloc : memref<!tpu.dma_semaphore, #tpu.memory_space<semaphore_mem>>
        %dma_start3A_524 = arith.constant 0 : i32
        %dma_start3A_525 = tpu.memref_slice %arg14[%dma_start3A_524] : memref<144xf32, #tpu.memory_space<vmem>> -> memref<128xf32, #tpu.memory_space<vmem>>
        %dma_start3A_526 = arith.constant 0 : i32
        %dma_start3A_527 = tpu.memref_slice %arg18[%dma_start3A_526] : memref<10240xf32, #tpu.memory_space<vmem_shared>> -> memref<10240xf32, #tpu.memory_space<vmem_shared>>
        tpu.enqueue_indirect_dma source(%dma_start3A_525 : memref<128xf32, #tpu.memory_space<vmem>>) target(%dma_start3A_527 : memref<10240xf32, #tpu.memory_space<vmem_shared>>) offsets(%arg11 : memref<128xi32, #tpu.memory_space<vmem>>) semaphore(%run_scoped3A_523 : memref<!tpu.dma_semaphore, #tpu.memory_space<semaphore_mem>>) {add = true}
        %dma_wait3A_528 = arith.constant 0 : i32
        %dma_wait3A_529 = tpu.memref_slice %arg14[%dma_wait3A_528] : memref<144xf32, #tpu.memory_space<vmem>> -> memref<128xf32, #tpu.memory_space<vmem>>
        %dma_wait3A_530 = arith.constant 0 : i32
        %dma_wait3A_531 = tpu.memref_slice %arg18[%dma_wait3A_530] : memref<10240xf32, #tpu.memory_space<vmem_shared>> -> memref<10240xf32, #tpu.memory_space<vmem_shared>>
        tpu.wait_indirect_dma semaphore(%run_scoped3A_523 : memref<!tpu.dma_semaphore, #tpu.memory_space<semaphore_mem>>) src(%dma_wait3A_529 : memref<128xf32, #tpu.memory_space<vmem>>) dst(%dma_wait3A_531 : memref<10240xf32, #tpu.memory_space<vmem_shared>>)
        tpu.yield
      }) : () -> ()
    }
    %scan3A_296 = arith.constant 81 : i32
    %barrier3A_297 = arith.constant 0 : index
    tpu.barrier barrier_id(%barrier3A_297)
    "tpu.region"() ({
      %run_scoped3A_298 = tpu.sem_alloc : memref<!tpu.dma_semaphore, #tpu.memory_space<semaphore_mem>>
      %dma_start3A = arith.constant 0 : i32
      %dma_start3A_299 = tpu.memref_slice %arg6[%arg0, %mul3A_275, %dma_start3A] : memref<2x10240x64xf32, #tpu.memory_space<hbm>> -> memref<1x640x64xf32, #tpu.memory_space<hbm>>
      %dma_start3A_300 = tpu.memref_squeeze %dma_start3A_299 : memref<1x640x64xf32, #tpu.memory_space<hbm>> -> memref<640x64xf32, #tpu.memory_space<hbm>>
      %dma_start3A_301 = arith.constant 0 : i32
      %dma_start3A_302 = tpu.memref_slice %arg17[%mul3A_275, %dma_start3A_301] : memref<10240x64xf32, #tpu.memory_space<vmem_shared>> -> memref<640x64xf32, #tpu.memory_space<vmem_shared>>
      tpu.enqueue_dma source(%dma_start3A_302 : memref<640x64xf32, #tpu.memory_space<vmem_shared>>) target(%dma_start3A_300 : memref<640x64xf32, #tpu.memory_space<hbm>>) target_semaphore(%run_scoped3A_298 : memref<!tpu.dma_semaphore, #tpu.memory_space<semaphore_mem>>)
      %dma_wait3A = arith.constant 0 : i32
      %dma_wait3A_303 = tpu.memref_slice %arg6[%arg0, %mul3A_275, %dma_wait3A] : memref<2x10240x64xf32, #tpu.memory_space<hbm>> -> memref<1x640x64xf32, #tpu.memory_space<hbm>>
      %dma_wait3A_304 = tpu.memref_squeeze %dma_wait3A_303 : memref<1x640x64xf32, #tpu.memory_space<hbm>> -> memref<640x64xf32, #tpu.memory_space<hbm>>
      %dma_wait3A_305 = arith.constant 0 : i32
      %dma_wait3A_306 = tpu.memref_slice %arg17[%mul3A_275, %dma_wait3A_305] : memref<10240x64xf32, #tpu.memory_space<vmem_shared>> -> memref<640x64xf32, #tpu.memory_space<vmem_shared>>
      tpu.wait_dma2 semaphore(%run_scoped3A_298 : memref<!tpu.dma_semaphore, #tpu.memory_space<semaphore_mem>>) src(%dma_wait3A_306 : memref<640x64xf32, #tpu.memory_space<vmem_shared>>) dst(%dma_wait3A_304 : memref<640x64xf32, #tpu.memory_space<hbm>>)
      tpu.yield
    }) : () -> ()
    "tpu.region"() ({
      %run_scoped3A_298 = tpu.sem_alloc : memref<!tpu.dma_semaphore, #tpu.memory_space<semaphore_mem>>
      %dma_start3A = tpu.memref_slice %arg7[%arg0, %mul3A_275] : memref<2x10240xf32, #tpu.memory_space<hbm>> -> memref<1x640xf32, #tpu.memory_space<hbm>>
      %dma_start3A_299 = tpu.memref_squeeze %dma_start3A : memref<1x640xf32, #tpu.memory_space<hbm>> -> memref<640xf32, #tpu.memory_space<hbm>>
      %dma_start3A_300 = tpu.memref_slice %arg18[%mul3A_275] : memref<10240xf32, #tpu.memory_space<vmem_shared>> -> memref<640xf32, #tpu.memory_space<vmem_shared>>
      tpu.enqueue_dma source(%dma_start3A_300 : memref<640xf32, #tpu.memory_space<vmem_shared>>) target(%dma_start3A_299 : memref<640xf32, #tpu.memory_space<hbm>>) target_semaphore(%run_scoped3A_298 : memref<!tpu.dma_semaphore, #tpu.memory_space<semaphore_mem>>)
      %dma_wait3A = tpu.memref_slice %arg7[%arg0, %mul3A_275] : memref<2x10240xf32, #tpu.memory_space<hbm>> -> memref<1x640xf32, #tpu.memory_space<hbm>>
      %dma_wait3A_301 = tpu.memref_squeeze %dma_wait3A : memref<1x640xf32, #tpu.memory_space<hbm>> -> memref<640xf32, #tpu.memory_space<hbm>>
      %dma_wait3A_302 = tpu.memref_slice %arg18[%mul3A_275] : memref<10240xf32, #tpu.memory_space<vmem_shared>> -> memref<640xf32, #tpu.memory_space<vmem_shared>>
      tpu.wait_dma2 semaphore(%run_scoped3A_298 : memref<!tpu.dma_semaphore, #tpu.memory_space<semaphore_mem>>) src(%dma_wait3A_302 : memref<640xf32, #tpu.memory_space<vmem_shared>>) dst(%dma_wait3A_301 : memref<640xf32, #tpu.memory_space<hbm>>)
      tpu.yield
    }) : () -> ()
    return
  }
}

module attributes {stable_mosaic.version = 14 : i64} {
  func.func @_tc_prep_body(%arg0: memref<10000x128xf32, #tpu.memory_space<vmem>>, %arg1: memref<128x64xf32, #tpu.memory_space<vmem>>, %arg2: memref<2x64xf32, #tpu.memory_space<vmem>>, %arg3: memref<10000x64xf32, #tpu.memory_space<vmem>>, %arg4: memref<2x10000xf32, #tpu.memory_space<vmem>>) attributes {dimension_semantics = [], scalar_prefetch = 0 : i64, scratch_operands = 0 : i64, tpu.core_type = #tpu.core_type<tc>} {
    %get3A = arith.constant 0 : index
    %get3A_0 = arith.constant 0 : index
    %get3A_1 = vector.load %arg0[%get3A, %get3A_0] : memref<10000x128xf32, #tpu.memory_space<vmem>>, vector<10000x128xf32>
    %get3A_2 = arith.constant 0 : index
    %get3A_3 = arith.constant 0 : index
    %get3A_4 = vector.load %arg1[%get3A_2, %get3A_3] : memref<128x64xf32, #tpu.memory_space<vmem>>, vector<128x64xf32>
    %dot_general3A = arith.constant dense<0.000000e+00> : vector<10000x64xf32>
    %dot_general3A_5 = tpu.matmul %get3A_1, %get3A_4, %dot_general3A {dimension_numbers = #tpu.dot_dimension_numbers<[1], [0], [0], [1], [0, 0, 1, 1], [], []>, transpose_lhs_hint = false} : vector<10000x128xf32>, vector<128x64xf32>, vector<10000x64xf32> -> vector<10000x64xf32>
    %swap3A = arith.constant 0 : index
    %swap3A_6 = arith.constant 0 : index
    %swap3A_7 = vector.load %arg3[%swap3A, %swap3A_6] : memref<10000x64xf32, #tpu.memory_space<vmem>>, vector<10000x64xf32>
    tpu.vector_store %arg3[%swap3A, %swap3A_6], %dot_general3A_5 {strides = array<i32>} : memref<10000x64xf32, #tpu.memory_space<vmem>>, vector<10000x64xf32>,
    %get3A_8 = arith.constant 0 : index
    %get3A_9 = arith.constant 0 : index
    %get3A_10 = vector.load %arg2[%get3A_8, %get3A_9] : memref<2x64xf32, #tpu.memory_space<vmem>>, vector<1x64xf32>
    %get3A_11 = vector.shape_cast %get3A_10 : vector<1x64xf32> to vector<64xf32>
    %dot_general3A_12 = arith.constant dense<0.000000e+00> : vector<10000xf32>
    %dot_general3A_13 = tpu.matmul %dot_general3A_5, %get3A_11, %dot_general3A_12 {dimension_numbers = #tpu.dot_dimension_numbers<[1], [0], [0], [], [0, 0], [], []>, transpose_lhs_hint = false} : vector<10000x64xf32>, vector<64xf32>, vector<10000xf32> -> vector<10000xf32>
    %swap3A_14 = arith.constant 0 : index
    %swap3A_15 = arith.constant 0 : index
    %swap3A_16 = vector.load %arg4[%swap3A_14, %swap3A_15] : memref<2x10000xf32, #tpu.memory_space<vmem>>, vector<1x10000xf32>
    %swap3A_17 = vector.shape_cast %swap3A_16 : vector<1x10000xf32> to vector<10000xf32>
    %swap3A_18 = vector.shape_cast %dot_general3A_13 : vector<10000xf32> to vector<1x10000xf32>
    tpu.vector_store %arg4[%swap3A_14, %swap3A_15], %swap3A_18 {strides = array<i32>} : memref<2x10000xf32, #tpu.memory_space<vmem>>, vector<1x10000xf32>,
    %get3A_19 = arith.constant 1 : index
    %get3A_20 = arith.constant 0 : index
    %get3A_21 = vector.load %arg2[%get3A_19, %get3A_20] : memref<2x64xf32, #tpu.memory_space<vmem>>, vector<1x64xf32>
    %get3A_22 = vector.shape_cast %get3A_21 : vector<1x64xf32> to vector<64xf32>
    %dot_general3A_23 = arith.constant dense<0.000000e+00> : vector<10000xf32>
    %dot_general3A_24 = tpu.matmul %dot_general3A_5, %get3A_22, %dot_general3A_23 {dimension_numbers = #tpu.dot_dimension_numbers<[1], [0], [0], [], [0, 0], [], []>, transpose_lhs_hint = false} : vector<10000x64xf32>, vector<64xf32>, vector<10000xf32> -> vector<10000xf32>
    %swap3A_25 = arith.constant 1 : index
    %swap3A_26 = arith.constant 0 : index
    %swap3A_27 = vector.load %arg4[%swap3A_25, %swap3A_26] : memref<2x10000xf32, #tpu.memory_space<vmem>>, vector<1x10000xf32>
    %swap3A_28 = vector.shape_cast %swap3A_27 : vector<1x10000xf32> to vector<10000xf32>
    %swap3A_29 = vector.shape_cast %dot_general3A_24 : vector<10000xf32> to vector<1x10000xf32>
    tpu.vector_store %arg4[%swap3A_25, %swap3A_26], %swap3A_29 {strides = array<i32>} : memref<2x10000xf32, #tpu.memory_space<vmem>>, vector<1x10000xf32>,
    return
  }
}

module attributes {stable_mosaic.version = 14 : i64} {
  func.func @_tc_mid_body(%arg0: memref<2x10240x64xf32, #tpu.memory_space<vmem>>, %arg1: memref<2x10240xf32, #tpu.memory_space<vmem>>, %arg2: memref<1x64xf32, #tpu.memory_space<vmem>>, %arg3: memref<64x128xf32, #tpu.memory_space<vmem>>, %arg4: memref<2x128xf32, #tpu.memory_space<vmem>>, %arg5: memref<64x128xf32, #tpu.memory_space<vmem>>, %arg6: memref<2x128xf32, #tpu.memory_space<vmem>>, %arg7: memref<10000x64xf32, #tpu.memory_space<vmem>>, %arg8: memref<4x10000xf32, #tpu.memory_space<vmem>>) attributes {dimension_semantics = [], scalar_prefetch = 0 : i64, scratch_operands = 0 : i64, tpu.core_type = #tpu.core_type<tc>} {
    %get3A = arith.constant 0 : index
    %get3A_0 = arith.constant 0 : index
    %get3A_1 = arith.constant 0 : index
    %get3A_2 = vector.load %arg0[%get3A, %get3A_0, %get3A_1] : memref<2x10240x64xf32, #tpu.memory_space<vmem>>, vector<1x10000x64xf32>
    %get3A_3 = vector.shape_cast %get3A_2 : vector<1x10000x64xf32> to vector<10000x64xf32>
    %get3A_4 = arith.constant 1 : index
    %get3A_5 = arith.constant 0 : index
    %get3A_6 = arith.constant 0 : index
    %get3A_7 = vector.load %arg0[%get3A_4, %get3A_5, %get3A_6] : memref<2x10240x64xf32, #tpu.memory_space<vmem>>, vector<1x10000x64xf32>
    %get3A_8 = vector.shape_cast %get3A_7 : vector<1x10000x64xf32> to vector<10000x64xf32>
    %add3A = arith.addf %get3A_3, %get3A_8 : vector<10000x64xf32>
    %get3A_9 = arith.constant 0 : index
    %get3A_10 = arith.constant 0 : index
    %get3A_11 = vector.load %arg1[%get3A_9, %get3A_10] : memref<2x10240xf32, #tpu.memory_space<vmem>>, vector<1x10000xf32>
    %get3A_12 = vector.shape_cast %get3A_11 : vector<1x10000xf32> to vector<10000xf32>
    %get3A_13 = arith.constant 1 : index
    %get3A_14 = arith.constant 0 : index
    %get3A_15 = vector.load %arg1[%get3A_13, %get3A_14] : memref<2x10240xf32, #tpu.memory_space<vmem>>, vector<1x10000xf32>
    %get3A_16 = vector.shape_cast %get3A_15 : vector<1x10000xf32> to vector<10000xf32>
    %add3A_17 = arith.addf %get3A_12, %get3A_16 : vector<10000xf32>
    %broadcast_in_dim3A = vector.shape_cast %add3A_17 : vector<10000xf32> to vector<10000x1xf32>
    %add3A_18 = arith.constant 1.000000e-16 : f32
    %add3A_19 = vector.broadcast %add3A_18 : f32 to vector<10000x1xf32>
    %add3A_20 = arith.addf %broadcast_in_dim3A, %add3A_19 : vector<10000x1xf32>
    %div3A = vector.broadcast %add3A_20 : vector<10000x1xf32> to vector<10000x64xf32>
    %div3A_21 = arith.divf %add3A, %div3A : vector<10000x64xf32>
    %get3A_22 = arith.constant 0 : index
    %get3A_23 = arith.constant 0 : index
    %get3A_24 = vector.load %arg2[%get3A_22, %get3A_23] : memref<1x64xf32, #tpu.memory_space<vmem>>, vector<1x64xf32>
    %get3A_25 = vector.shape_cast %get3A_24 : vector<1x64xf32> to vector<64xf32>
    %broadcast_in_dim3A_26 = vector.shape_cast %get3A_25 : vector<64xf32> to vector<1x64xf32>
    %add3A_27 = vector.broadcast %broadcast_in_dim3A_26 : vector<1x64xf32> to vector<10000x64xf32>
    %add3A_28 = arith.addf %div3A_21, %add3A_27 : vector<10000x64xf32>
    %swap3A = arith.constant 0 : index
    %swap3A_29 = arith.constant 0 : index
    %swap3A_30 = vector.load %arg7[%swap3A, %swap3A_29] : memref<10000x64xf32, #tpu.memory_space<vmem>>, vector<10000x64xf32>
    tpu.vector_store %arg7[%swap3A, %swap3A_29], %add3A_28 {strides = array<i32>} : memref<10000x64xf32, #tpu.memory_space<vmem>>, vector<10000x64xf32>,
    %get3A_31 = arith.constant 0 : index
    %get3A_32 = arith.constant 0 : index
    %get3A_33 = vector.load %arg3[%get3A_31, %get3A_32] : memref<64x128xf32, #tpu.memory_space<vmem>>, vector<64x128xf32>
    %get3A_34 = arith.constant 0 : index
    %get3A_35 = arith.constant 0 : index
    %get3A_36 = vector.load %arg4[%get3A_34, %get3A_35] : memref<2x128xf32, #tpu.memory_space<vmem>>, vector<1x128xf32>
    %get3A_37 = vector.shape_cast %get3A_36 : vector<1x128xf32> to vector<128xf32>
    %dot_general3A = arith.constant dense<0.000000e+00> : vector<64xf32>
    %dot_general3A_38 = tpu.matmul %get3A_33, %get3A_37, %dot_general3A {dimension_numbers = #tpu.dot_dimension_numbers<[1], [0], [0], [], [0, 0], [], []>, transpose_lhs_hint = false} : vector<64x128xf32>, vector<128xf32>, vector<64xf32> -> vector<64xf32>
    %dot_general3A_39 = arith.constant dense<0.000000e+00> : vector<10000xf32>
    %dot_general3A_40 = tpu.matmul %add3A_28, %dot_general3A_38, %dot_general3A_39 {dimension_numbers = #tpu.dot_dimension_numbers<[1], [0], [0], [], [0, 0], [], []>, transpose_lhs_hint = false} : vector<10000x64xf32>, vector<64xf32>, vector<10000xf32> -> vector<10000xf32>
    %swap3A_41 = arith.constant 0 : index
    %swap3A_42 = arith.constant 0 : index
    %swap3A_43 = vector.load %arg8[%swap3A_41, %swap3A_42] : memref<4x10000xf32, #tpu.memory_space<vmem>>, vector<1x10000xf32>
    %swap3A_44 = vector.shape_cast %swap3A_43 : vector<1x10000xf32> to vector<10000xf32>
    %swap3A_45 = vector.shape_cast %dot_general3A_40 : vector<10000xf32> to vector<1x10000xf32>
    tpu.vector_store %arg8[%swap3A_41, %swap3A_42], %swap3A_45 {strides = array<i32>} : memref<4x10000xf32, #tpu.memory_space<vmem>>, vector<1x10000xf32>,
    %get3A_46 = arith.constant 0 : index
    %get3A_47 = arith.constant 0 : index
    %get3A_48 = vector.load %arg3[%get3A_46, %get3A_47] : memref<64x128xf32, #tpu.memory_space<vmem>>, vector<64x128xf32>
    %get3A_49 = arith.constant 1 : index
    %get3A_50 = arith.constant 0 : index
    %get3A_51 = vector.load %arg4[%get3A_49, %get3A_50] : memref<2x128xf32, #tpu.memory_space<vmem>>, vector<1x128xf32>
    %get3A_52 = vector.shape_cast %get3A_51 : vector<1x128xf32> to vector<128xf32>
    %dot_general3A_53 = arith.constant dense<0.000000e+00> : vector<64xf32>
    %dot_general3A_54 = tpu.matmul %get3A_48, %get3A_52, %dot_general3A_53 {dimension_numbers = #tpu.dot_dimension_numbers<[1], [0], [0], [], [0, 0], [], []>, transpose_lhs_hint = false} : vector<64x128xf32>, vector<128xf32>, vector<64xf32> -> vector<64xf32>
    %dot_general3A_55 = arith.constant dense<0.000000e+00> : vector<10000xf32>
    %dot_general3A_56 = tpu.matmul %add3A_28, %dot_general3A_54, %dot_general3A_55 {dimension_numbers = #tpu.dot_dimension_numbers<[1], [0], [0], [], [0, 0], [], []>, transpose_lhs_hint = false} : vector<10000x64xf32>, vector<64xf32>, vector<10000xf32> -> vector<10000xf32>
    %swap3A_57 = arith.constant 1 : index
    %swap3A_58 = arith.constant 0 : index
    %swap3A_59 = vector.load %arg8[%swap3A_57, %swap3A_58] : memref<4x10000xf32, #tpu.memory_space<vmem>>, vector<1x10000xf32>
    %swap3A_60 = vector.shape_cast %swap3A_59 : vector<1x10000xf32> to vector<10000xf32>
    %swap3A_61 = vector.shape_cast %dot_general3A_56 : vector<10000xf32> to vector<1x10000xf32>
    tpu.vector_store %arg8[%swap3A_57, %swap3A_58], %swap3A_61 {strides = array<i32>} : memref<4x10000xf32, #tpu.memory_space<vmem>>, vector<1x10000xf32>,
    %get3A_62 = arith.constant 0 : index
    %get3A_63 = arith.constant 0 : index
    %get3A_64 = vector.load %arg5[%get3A_62, %get3A_63] : memref<64x128xf32, #tpu.memory_space<vmem>>, vector<64x128xf32>
    %get3A_65 = arith.constant 0 : index
    %get3A_66 = arith.constant 0 : index
    %get3A_67 = vector.load %arg6[%get3A_65, %get3A_66] : memref<2x128xf32, #tpu.memory_space<vmem>>, vector<1x128xf32>
    %get3A_68 = vector.shape_cast %get3A_67 : vector<1x128xf32> to vector<128xf32>
    %dot_general3A_69 = arith.constant dense<0.000000e+00> : vector<64xf32>
    %dot_general3A_70 = tpu.matmul %get3A_64, %get3A_68, %dot_general3A_69 {dimension_numbers = #tpu.dot_dimension_numbers<[1], [0], [0], [], [0, 0], [], []>, transpose_lhs_hint = false} : vector<64x128xf32>, vector<128xf32>, vector<64xf32> -> vector<64xf32>
    %dot_general3A_71 = arith.constant dense<0.000000e+00> : vector<10000xf32>
    %dot_general3A_72 = tpu.matmul %add3A_28, %dot_general3A_70, %dot_general3A_71 {dimension_numbers = #tpu.dot_dimension_numbers<[1], [0], [0], [], [0, 0], [], []>, transpose_lhs_hint = false} : vector<10000x64xf32>, vector<64xf32>, vector<10000xf32> -> vector<10000xf32>
    %swap3A_73 = arith.constant 2 : index
    %swap3A_74 = arith.constant 0 : index
    %swap3A_75 = vector.load %arg8[%swap3A_73, %swap3A_74] : memref<4x10000xf32, #tpu.memory_space<vmem>>, vector<1x10000xf32>
    %swap3A_76 = vector.shape_cast %swap3A_75 : vector<1x10000xf32> to vector<10000xf32>
    %swap3A_77 = vector.shape_cast %dot_general3A_72 : vector<10000xf32> to vector<1x10000xf32>
    tpu.vector_store %arg8[%swap3A_73, %swap3A_74], %swap3A_77 {strides = array<i32>} : memref<4x10000xf32, #tpu.memory_space<vmem>>, vector<1x10000xf32>,
    %get3A_78 = arith.constant 0 : index
    %get3A_79 = arith.constant 0 : index
    %get3A_80 = vector.load %arg5[%get3A_78, %get3A_79] : memref<64x128xf32, #tpu.memory_space<vmem>>, vector<64x128xf32>
    %get3A_81 = arith.constant 1 : index
    %get3A_82 = arith.constant 0 : index
    %get3A_83 = vector.load %arg6[%get3A_81, %get3A_82] : memref<2x128xf32, #tpu.memory_space<vmem>>, vector<1x128xf32>
    %get3A_84 = vector.shape_cast %get3A_83 : vector<1x128xf32> to vector<128xf32>
    %dot_general3A_85 = arith.constant dense<0.000000e+00> : vector<64xf32>
    %dot_general3A_86 = tpu.matmul %get3A_80, %get3A_84, %dot_general3A_85 {dimension_numbers = #tpu.dot_dimension_numbers<[1], [0], [0], [], [0, 0], [], []>, transpose_lhs_hint = false} : vector<64x128xf32>, vector<128xf32>, vector<64xf32> -> vector<64xf32>
    %dot_general3A_87 = arith.constant dense<0.000000e+00> : vector<10000xf32>
    %dot_general3A_88 = tpu.matmul %add3A_28, %dot_general3A_86, %dot_general3A_87 {dimension_numbers = #tpu.dot_dimension_numbers<[1], [0], [0], [], [0, 0], [], []>, transpose_lhs_hint = false} : vector<10000x64xf32>, vector<64xf32>, vector<10000xf32> -> vector<10000xf32>
    %swap3A_89 = arith.constant 3 : index
    %swap3A_90 = arith.constant 0 : index
    %swap3A_91 = vector.load %arg8[%swap3A_89, %swap3A_90] : memref<4x10000xf32, #tpu.memory_space<vmem>>, vector<1x10000xf32>
    %swap3A_92 = vector.shape_cast %swap3A_91 : vector<1x10000xf32> to vector<10000xf32>
    %swap3A_93 = vector.shape_cast %dot_general3A_88 : vector<10000xf32> to vector<1x10000xf32>
    tpu.vector_store %arg8[%swap3A_89, %swap3A_90], %swap3A_93 {strides = array<i32>} : memref<4x10000xf32, #tpu.memory_space<vmem>>, vector<1x10000xf32>,
    return
  }
}

module attributes {stable_mosaic.version = 14 : i64} {
  func.func @_tc_fin_body(%arg0: memref<2x10240x64xf32, #tpu.memory_space<vmem>>, %arg1: memref<2x10240xf32, #tpu.memory_space<vmem>>, %arg2: memref<2x10240x64xf32, #tpu.memory_space<vmem>>, %arg3: memref<2x10240xf32, #tpu.memory_space<vmem>>, %arg4: memref<64x128xf32, #tpu.memory_space<vmem>>, %arg5: memref<1x128xf32, #tpu.memory_space<vmem>>, %arg6: memref<64x128xf32, #tpu.memory_space<vmem>>, %arg7: memref<1x128xf32, #tpu.memory_space<vmem>>, %arg8: memref<10000x128xf32, #tpu.memory_space<vmem>>, %arg9: memref<10000x128xf32, #tpu.memory_space<vmem>>) attributes {dimension_semantics = [], scalar_prefetch = 0 : i64, scratch_operands = 0 : i64, tpu.core_type = #tpu.core_type<tc>} {
    %get3A = arith.constant 0 : index
    %get3A_0 = arith.constant 0 : index
    %get3A_1 = arith.constant 0 : index
    %get3A_2 = vector.load %arg0[%get3A, %get3A_0, %get3A_1] : memref<2x10240x64xf32, #tpu.memory_space<vmem>>, vector<1x10000x64xf32>
    %get3A_3 = vector.shape_cast %get3A_2 : vector<1x10000x64xf32> to vector<10000x64xf32>
    %get3A_4 = arith.constant 1 : index
    %get3A_5 = arith.constant 0 : index
    %get3A_6 = arith.constant 0 : index
    %get3A_7 = vector.load %arg0[%get3A_4, %get3A_5, %get3A_6] : memref<2x10240x64xf32, #tpu.memory_space<vmem>>, vector<1x10000x64xf32>
    %get3A_8 = vector.shape_cast %get3A_7 : vector<1x10000x64xf32> to vector<10000x64xf32>
    %add3A = arith.addf %get3A_3, %get3A_8 : vector<10000x64xf32>
    %get3A_9 = arith.constant 0 : index
    %get3A_10 = arith.constant 0 : index
    %get3A_11 = vector.load %arg1[%get3A_9, %get3A_10] : memref<2x10240xf32, #tpu.memory_space<vmem>>, vector<1x10000xf32>
    %get3A_12 = vector.shape_cast %get3A_11 : vector<1x10000xf32> to vector<10000xf32>
    %get3A_13 = arith.constant 1 : index
    %get3A_14 = arith.constant 0 : index
    %get3A_15 = vector.load %arg1[%get3A_13, %get3A_14] : memref<2x10240xf32, #tpu.memory_space<vmem>>, vector<1x10000xf32>
    %get3A_16 = vector.shape_cast %get3A_15 : vector<1x10000xf32> to vector<10000xf32>
    %add3A_17 = arith.addf %get3A_12, %get3A_16 : vector<10000xf32>
    %broadcast_in_dim3A = vector.shape_cast %add3A_17 : vector<10000xf32> to vector<10000x1xf32>
    %add3A_18 = arith.constant 1.000000e-16 : f32
    %add3A_19 = vector.broadcast %add3A_18 : f32 to vector<10000x1xf32>
    %add3A_20 = arith.addf %broadcast_in_dim3A, %add3A_19 : vector<10000x1xf32>
    %div3A = vector.broadcast %add3A_20 : vector<10000x1xf32> to vector<10000x64xf32>
    %div3A_21 = arith.divf %add3A, %div3A : vector<10000x64xf32>
    %get3A_22 = arith.constant 0 : index
    %get3A_23 = arith.constant 0 : index
    %get3A_24 = vector.load %arg4[%get3A_22, %get3A_23] : memref<64x128xf32, #tpu.memory_space<vmem>>, vector<64x128xf32>
    %dot_general3A = arith.constant dense<0.000000e+00> : vector<10000x128xf32>
    %dot_general3A_25 = tpu.matmul %div3A_21, %get3A_24, %dot_general3A {dimension_numbers = #tpu.dot_dimension_numbers<[1], [0], [0], [1], [0, 0, 1, 1], [], []>, transpose_lhs_hint = false} : vector<10000x64xf32>, vector<64x128xf32>, vector<10000x128xf32> -> vector<10000x128xf32>
    %get3A_26 = arith.constant 0 : index
    %get3A_27 = arith.constant 0 : index
    %get3A_28 = vector.load %arg5[%get3A_26, %get3A_27] : memref<1x128xf32, #tpu.memory_space<vmem>>, vector<1x128xf32>
    %get3A_29 = vector.shape_cast %get3A_28 : vector<1x128xf32> to vector<128xf32>
    %broadcast_in_dim3A_30 = vector.shape_cast %get3A_29 : vector<128xf32> to vector<1x128xf32>
    %add3A_31 = vector.broadcast %broadcast_in_dim3A_30 : vector<1x128xf32> to vector<10000x128xf32>
    %add3A_32 = arith.addf %dot_general3A_25, %add3A_31 : vector<10000x128xf32>
    %swap3A = arith.constant 0 : index
    %swap3A_33 = arith.constant 0 : index
    %swap3A_34 = vector.load %arg8[%swap3A, %swap3A_33] : memref<10000x128xf32, #tpu.memory_space<vmem>>, vector<10000x128xf32>
    tpu.vector_store %arg8[%swap3A, %swap3A_33], %add3A_32 {strides = array<i32>} : memref<10000x128xf32, #tpu.memory_space<vmem>>, vector<10000x128xf32>,
    %get3A_35 = arith.constant 0 : index
    %get3A_36 = arith.constant 0 : index
    %get3A_37 = arith.constant 0 : index
    %get3A_38 = vector.load %arg2[%get3A_35, %get3A_36, %get3A_37] : memref<2x10240x64xf32, #tpu.memory_space<vmem>>, vector<1x10000x64xf32>
    %get3A_39 = vector.shape_cast %get3A_38 : vector<1x10000x64xf32> to vector<10000x64xf32>
    %get3A_40 = arith.constant 1 : index
    %get3A_41 = arith.constant 0 : index
    %get3A_42 = arith.constant 0 : index
    %get3A_43 = vector.load %arg2[%get3A_40, %get3A_41, %get3A_42] : memref<2x10240x64xf32, #tpu.memory_space<vmem>>, vector<1x10000x64xf32>
    %get3A_44 = vector.shape_cast %get3A_43 : vector<1x10000x64xf32> to vector<10000x64xf32>
    %add3A_45 = arith.addf %get3A_39, %get3A_44 : vector<10000x64xf32>
    %get3A_46 = arith.constant 0 : index
    %get3A_47 = arith.constant 0 : index
    %get3A_48 = vector.load %arg3[%get3A_46, %get3A_47] : memref<2x10240xf32, #tpu.memory_space<vmem>>, vector<1x10000xf32>
    %get3A_49 = vector.shape_cast %get3A_48 : vector<1x10000xf32> to vector<10000xf32>
    %get3A_50 = arith.constant 1 : index
    %get3A_51 = arith.constant 0 : index
    %get3A_52 = vector.load %arg3[%get3A_50, %get3A_51] : memref<2x10240xf32, #tpu.memory_space<vmem>>, vector<1x10000xf32>
    %get3A_53 = vector.shape_cast %get3A_52 : vector<1x10000xf32> to vector<10000xf32>
    %add3A_54 = arith.addf %get3A_49, %get3A_53 : vector<10000xf32>
    %broadcast_in_dim3A_55 = vector.shape_cast %add3A_54 : vector<10000xf32> to vector<10000x1xf32>
    %add3A_56 = arith.constant 1.000000e-16 : f32
    %add3A_57 = vector.broadcast %add3A_56 : f32 to vector<10000x1xf32>
    %add3A_58 = arith.addf %broadcast_in_dim3A_55, %add3A_57 : vector<10000x1xf32>
    %div3A_59 = vector.broadcast %add3A_58 : vector<10000x1xf32> to vector<10000x64xf32>
    %div3A_60 = arith.divf %add3A_45, %div3A_59 : vector<10000x64xf32>
    %get3A_61 = arith.constant 0 : index
    %get3A_62 = arith.constant 0 : index
    %get3A_63 = vector.load %arg6[%get3A_61, %get3A_62] : memref<64x128xf32, #tpu.memory_space<vmem>>, vector<64x128xf32>
    %dot_general3A_64 = arith.constant dense<0.000000e+00> : vector<10000x128xf32>
    %dot_general3A_65 = tpu.matmul %div3A_60, %get3A_63, %dot_general3A_64 {dimension_numbers = #tpu.dot_dimension_numbers<[1], [0], [0], [1], [0, 0, 1, 1], [], []>, transpose_lhs_hint = false} : vector<10000x64xf32>, vector<64x128xf32>, vector<10000x128xf32> -> vector<10000x128xf32>
    %get3A_66 = arith.constant 0 : index
    %get3A_67 = arith.constant 0 : index
    %get3A_68 = vector.load %arg7[%get3A_66, %get3A_67] : memref<1x128xf32, #tpu.memory_space<vmem>>, vector<1x128xf32>
    %get3A_69 = vector.shape_cast %get3A_68 : vector<1x128xf32> to vector<128xf32>
    %broadcast_in_dim3A_70 = vector.shape_cast %get3A_69 : vector<128xf32> to vector<1x128xf32>
    %add3A_71 = vector.broadcast %broadcast_in_dim3A_70 : vector<1x128xf32> to vector<10000x128xf32>
    %add3A_72 = arith.addf %dot_general3A_65, %add3A_71 : vector<10000x128xf32>
    %swap3A_73 = arith.constant 0 : index
    %swap3A_74 = arith.constant 0 : index
    %swap3A_75 = vector.load %arg9[%swap3A_73, %swap3A_74] : memref<10000x128xf32, #tpu.memory_space<vmem>>, vector<10000x128xf32>
    tpu.vector_store %arg9[%swap3A_73, %swap3A_74], %add3A_72 {strides = array<i32>} : memref<10000x128xf32, #tpu.memory_space<vmem>>, vector<10000x128xf32>,
    return
  }
}

module attributes {stable_mosaic.version = 14 : i64} {
  func.func @_tc_mm_body(%arg0: i32, %arg1: memref<400x128xf32, #tpu.memory_space<vmem>>, %arg2: memref<10000x128xf32, #tpu.memory_space<vmem>>, %arg3: memref<400x10000xf32, #tpu.memory_space<vmem>>) attributes {dimension_semantics = [#tpu.dimension_semantics<arbitrary>], iteration_bounds = array<i64: 25>, scalar_prefetch = 0 : i64, scratch_operands = 0 : i64, tpu.core_type = #tpu.core_type<tc>, window_params = [{transform_indices = @transform_0, window_bounds = array<i64: 400, 128>}, {pipeline_mode = #tpu.pipeline_mode<synchronous>, transform_indices = @transform_1, window_bounds = array<i64: 10000, 128>}, {transform_indices = @transform_2, window_bounds = array<i64: 400, 10000>}]} {
    %get3A = arith.constant 0 : index
    %get3A_0 = arith.constant 0 : index
    %get3A_1 = vector.load %arg1[%get3A, %get3A_0] : memref<400x128xf32, #tpu.memory_space<vmem>>, vector<400x128xf32>
    %get3A_2 = arith.constant 0 : index
    %get3A_3 = arith.constant 0 : index
    %get3A_4 = vector.load %arg2[%get3A_2, %get3A_3] : memref<10000x128xf32, #tpu.memory_space<vmem>>, vector<10000x128xf32>
    %dot_general3A = arith.constant dense<0.000000e+00> : vector<400x10000xf32>
    %dot_general3A_5 = tpu.matmul %get3A_1, %get3A_4, %dot_general3A {dimension_numbers = #tpu.dot_dimension_numbers<[1], [1], [0], [0], [0, 0, 1, 0], [], []>, transpose_lhs_hint = false} : vector<400x128xf32>, vector<10000x128xf32>, vector<400x10000xf32> -> vector<400x10000xf32>
    %swap3A = arith.constant 0 : index
    %swap3A_6 = arith.constant 0 : index
    %swap3A_7 = vector.load %arg3[%swap3A, %swap3A_6] : memref<400x10000xf32, #tpu.memory_space<vmem>>, vector<400x10000xf32>
    tpu.vector_store %arg3[%swap3A, %swap3A_6], %dot_general3A_5 {strides = array<i32>} : memref<400x10000xf32, #tpu.memory_space<vmem>>, vector<400x10000xf32>,
    return
  }
  func.func @transform_0(%arg0: i32) -> (i32, i32) {
    %c0_i32 = arith.constant 0 : i32
    %c0_i32_0 = arith.constant 0 : i32
    return %arg0, %c0_i32 : i32, i32
  }
  func.func @transform_1(%arg0: i32) -> (i32, i32) {
    %c0_i32 = arith.constant 0 : i32
    %c0_i32_0 = arith.constant 0 : i32
    %c0_i32_1 = arith.constant 0 : i32
    return %c0_i32, %c0_i32_0 : i32, i32
  }
  func.func @transform_2(%arg0: i32) -> (i32, i32) {
    %c0_i32 = arith.constant 0 : i32
    %c0_i32_0 = arith.constant 0 : i32
    return %arg0, %c0_i32 : i32, i32
  }
}

</mosaic_0001>

<sc_bundles>
// kernel: kernel.12.cloned.1.call-start
scs
__scs_entry_jumppad:
0x0: {  	(pc) =	sbr.rel $0x88, $3  }
0x1: {  	(tag) =	ssettag $0x0;
	lr =	simm.s32 $0x1  }
0x2: {  	[smem:$0x3F93] =	sst lr;
	_ =	strace $0xD0000000  }
0x3: {  	_ = 	snop  }
0x4: {  	_ = 	snop  }
0x5: {  	_ = 	snop  }
0x6: {  	_ = 	snop  }
0x7: {  	_ = 	snop  }
__scs_overlays_trampoline_lowered:
0x8: {  	[smem:$0x3FA2] =	sst s0  }
0x9: {  	[smem:$0x3FA3] =	sst s1  }
0xa: {  	[smem:$0x3FA4] =	sst s2  }
0xb: {  	[smem:$0x3FA5] =	sst s3  }
0xc: {  	[smem:$0x3FA6] =	sst s4  }
0xd: {  	[smem:$0x3FA7] =	sst s5  }
0xe: {  	[smem:$0x3FA8] =	sst s6  }
0xf: {  	[smem:$0x3FA9] =	sst s7  }
0x10: {  	[smem:$0x3FAA] =	sst s8  }
0x11: {  	[smem:$0x3FAB] =	sst s9;
	s0 =	simm.s32 @!p0 $0x0  }
0x12: {  	s1 =	sld [smem:$0x3F91];
	s0 =	simm.s32 @p0 $0x1  }
0x13: {  	[smem:$0x3FAC] =	sst s0;
	s0 =	simm.s32 @!p1 $0x0  }
0x14: {  	s2 =	sld [smem:$0x3F90];
	s0 =	simm.s32 @p1 $0x1  }
0x15: {  	[smem:$0x3FAD] =	sst s0;
	s0 =	simm.s32 @!p2 $0x0  }
0x16: {  	s3 =	sld [smem:$0x3FDB];
	s0 =	simm.s32 @p2 $0x1  }
0x17: {  	s4 =	simm.s32 $0x1BF5;
	[smem:$0x3FAF] =	sst s0  }
0x18: {  	s0 =	sld [smem:$0x3F92];
	_ =	swait.ge [sflag:s4], $0x0  }
0x19: {  	s7 =	sld [smem:$0x3F93]  }
0x1a: {  	s8 =	sadd.s32 $0xFFFFE003, lr  }
0x1b: {  	s9 =	sadd.s32 $0xFFFFFEF7, lr;
	s5 =	simm.s32 $0xFFFFFFFF;
	p2 =	slt.u32 s8, $0xFFFFF086  }
0x1c: {  	p1 =	slt.u32 s9, $0xF7A;
	s5 =	simm.s32 @!p2 $0x0  }
0x1d: {  	s5 =	simm.s32 @p1 $0x1;
	p0 =	seq.s32 s7, s2  }
0x1e: {  	s7 =	smul.u32 @!p0 $0xF7A, s2;
	p2 =	seq.s32 @!p0 s5, $0x0  }
0x1f: {  	s9 =	smul.u32 $0xF7A, s1;
	s8 =	simm.s32 @!p0 $0x1BF5;
	p2 =	por !p2, p0  }
0x20: {  	[sflag:s8] =	ssyncset.s32 @!p0 $0xFFFFF086;
	s6 =	sadd.s32 @!p0 s3, s7;
	s7 =	simm.s32 @!p0 $0x108  }
0x21: {  	s3 =	sadd.s32 s3, s9;
	s6 =	sadd.s32 @!p0 $0x88, s6;
	s7 =	simm.s32 @p2 $0x1082  }
0x22: {  	[simem:s7], [sflag:s8] =	dma.local @!p0 [hbm:s6], $0xF7A  }
0x23: {  	s9 =	sor.u32 $0xD0000000, s2;
	s6 =	simm.s32 $0x108;
	_ =	swait.ge @!p0 [sflag:s8], $0x0  }
0x24: {  	s3 =	sadd.s32 $0x88, s3;
	s6 =	simm.s32 @!p1 $0x1082;
	[sflag:s4] =	ssyncset.s32 $0xFFFFF086  }
0x25: {  	[simem:s6], [sflag:s4] =	dma.local [hbm:s3], $0xF7A  }
0x26: {  	[smem:$0x3F93] =	sst s1;
	(tag) =	ssettag s2;
	_ =	strace s9  }
0x27: {  	s1 =	sld [smem:$0x3FA3]  }
0x28: {  	s2 =	sld [smem:$0x3FA4]  }
0x29: {  	s4 =	sld [smem:$0x3FA6]  }
0x2a: {  	p0 =	seq.s32 s5, $0x0;
	s5 =	sld [smem:$0x3FA7]  }
0x2b: {  	s6 =	sld [smem:$0x3FA8]  }
0x2c: {  	s7 =	sld [smem:$0x3FA9]  }
0x2d: {  	s3 =	simm.s32 $0x108;
	s8 =	sld [smem:$0x3FAA]  }
0x2e: {  	s3 =	simm.s32 @!p0 $0x1082;
	s9 =	sld [smem:$0x3FAB]  }
0x2f: {  	lr =	sadd.s32 s0, s3;
	s0 =	sld [smem:$0x3FA2]  }
0x30: {  	s3 =	sld [smem:$0x3FA5]  }
0x31: {  	[smem:$0x3FAE] =	sst s10  }
0x32: {  	s10 =	sld [smem:$0x3FAC];
	_ =	sdelay $0x3  }
0x33: {  	p0 =	seq.s32 s10, $0x1;
	s10 =	sld [smem:$0x3FAE];
	_ =	sdelay $0x3  }
0x34: {  	[smem:$0x3FAE] =	sst s10  }
0x35: {  	s10 =	sld [smem:$0x3FAD];
	_ =	sdelay $0x3  }
0x36: {  	p1 =	seq.s32 s10, $0x1;
	s10 =	sld [smem:$0x3FAE];
	_ =	sdelay $0x3  }
0x37: {  	[smem:$0x3FAE] =	sst s10  }
0x38: {  	s10 =	sld [smem:$0x3FAF]  }
0x39: {  	_ = 	snop;
	(pc) =	sbr.ind lr, $3  }
0x3a: {  	_ = 	snop  }
0x3b: {  	_ = 	snop  }
0x3c: {  	p2 =	seq.s32 s10, $0x1;
	s10 =	sld [smem:$0x3FAE]  }
0x3d: {  	_ =	shalt  }
0x3e: {  	_ =	shalt  }
0x3f: {  	_ =	shalt  }
0x40: {  	_ =	shalt  }
0x41: {  	_ =	shalt  }
0x42: {  	_ =	shalt  }
0x43: {  	_ =	shalt  }
0x44: {  	_ =	shalt  }
0x45: {  	_ =	shalt  }
0x46: {  	_ =	shalt  }
0x47: {  	_ =	shalt  }
0x48: {  	_ =	shalt  }
0x49: {  	_ =	shalt  }
0x4a: {  	_ =	shalt  }
0x4b: {  	_ =	shalt  }
0x4c: {  	_ =	shalt  }
0x4d: {  	_ =	shalt  }
0x4e: {  	_ =	shalt  }
0x4f: {  	_ =	shalt  }
0x50: {  	_ =	shalt  }
0x51: {  	_ =	shalt  }
0x52: {  	_ =	shalt  }
0x53: {  	_ =	shalt  }
0x54: {  	_ =	shalt  }
0x55: {  	_ =	shalt  }
0x56: {  	_ =	shalt  }
0x57: {  	_ =	shalt  }
0x58: {  	_ =	shalt  }
0x59: {  	_ =	shalt  }
0x5a: {  	_ =	shalt  }
0x5b: {  	_ =	shalt  }
0x5c: {  	_ =	shalt  }
0x5d: {  	_ =	shalt  }
0x5e: {  	_ =	shalt  }
0x5f: {  	_ =	shalt  }
0x60: {  	_ =	shalt  }
0x61: {  	_ =	shalt  }
0x62: {  	_ =	shalt  }
0x63: {  	_ =	shalt  }
0x64: {  	_ =	shalt  }
0x65: {  	_ =	shalt  }
0x66: {  	_ =	shalt  }
0x67: {  	_ =	shalt  }
0x68: {  	_ =	shalt  }
0x69: {  	_ =	shalt  }
0x6a: {  	_ =	shalt  }
0x6b: {  	_ =	shalt  }
0x6c: {  	_ =	shalt  }
0x6d: {  	_ =	shalt  }
0x6e: {  	_ =	shalt  }
0x6f: {  	_ =	shalt  }
0x70: {  	_ =	shalt  }
0x71: {  	_ =	shalt  }
0x72: {  	_ =	shalt  }
0x73: {  	_ =	shalt  }
0x74: {  	_ =	shalt  }
0x75: {  	_ =	shalt  }
0x76: {  	_ =	shalt  }
0x77: {  	_ =	shalt  }
0x78: {  	_ =	shalt  }
0x79: {  	_ =	shalt  }
0x7a: {  	_ =	shalt  }
0x7b: {  	_ =	shalt  }
0x7c: {  	_ =	shalt  }
0x7d: {  	_ =	shalt  }
0x7e: {  	_ =	shalt  }
0x7f: {  	_ =	shalt  }
0x80: {  	_ =	shalt  }
0x81: {  	_ =	shalt  }
0x82: {  	_ =	shalt  }
0x83: {  	_ =	shalt  }
0x84: {  	_ =	shalt  }
0x85: {  	_ =	shalt  }
0x86: {  	_ =	shalt  }
0x87: {  	_ =	shalt  }
.Lfunc_end0:
.L_simem_size_0:
called_computation.1_lowered:
.L_overlay_start_0:
0x88: {  	s2 =	sld [smem:$0x3FD9]  }
0x89: {  	s3 =	sld [smem:$0x3FFE];
	_ =	sdelay $0x1  }
0x8a: {  	s1 =	srdreg.scid  }
0x8b: {  	s0 =	sand.u32 $0x1, s1  }
0x8c: {  	s15 =	sshll.u32 s0, $0xA;
	s2 =	sadd.s32 s3, s2  }
0x8d: {  	s2 =	sadd.s32 s2, s15  }
0x8e: {  	[smem:$0x3FBA] =	sst s2  }
0x8f: {  	_ = 	snop  }
0x90: {  	s2 =	sld [smem:$0x3FD0];
	_ =	sdelay $0x2  }
0x91: {  	s16 =	simm.s32 $0xB;
	s4 =	simm.s32 $0x10  }
0x92: {  	[smem:s4], [sflag:s16] =	dma.local [hbm:s2], $0x1  }
0x93: {  	_ =	swait.eq [sflag:s16], $0x1  }
0x94: {  	[sflag:s16] =	ssyncset.done $0x0  }
0x95: {  	[sflag:s16] =	ssyncadd.s32 $0xFFFFFFFF  }
0x96: {  	s17 =	sld [smem:$0x10];
	(tm) =	ssettm $0x1  }
0x97: {  	s18 =	sld [smem:$0x3FFB];
	_ =	sdelay $0x3  }
0x98: {  	_ =	strace s18  }
0x99: {  	s2 =	sld [smem:$0x3FFC];
	_ =	sdelay $0x3  }
0x9a: {  	_ =	strace s2  }
0x9b: {  	s2 =	sld [smem:$0x3FFD];
	_ =	sdelay $0x3  }
0x9c: {  	_ =	strace s2  }
0x9d: {  	_ =	strace $0x8FFFFFFF  }
0x9e: {  	s19 =	sld [smem:$0x3FDB];
	_ =	sdelay $0x1  }
0x9f: {  	s20 =	simm.s32 $_scs_section_size  }
0xa0: {  	s5 =	simm.s32 $_size__tile_overlayer_lowered;
	s6 =	simm.s32 $_tile_overlayer_lowered  }
0xa1: {  	s7 =	simm.s32 $0x1BFF;
	s21 =	sshll.u32 s6, $0x1;
	s4 =	sadd.s32 s20, s19  }
0xa2: {  	s22 =	simm.s32 $0x0;
	s5 =	sshll.u32 s5, $0x1;
	s6 =	sadd.s32 s21, s4  }
0xa3: {  	[timem:s22], [sflag:s7] =	dma.local [hbm:s6], s5  }
0xa4: {  	_ =	swait.ge [sflag:s7], s5  }
0xa5: {  	s5 =	ssub.s32 $0x0, s5;
	[sflag:s7] =	ssyncset.done $0x0  }
0xa6: {  	[sflag:s7] =	ssyncadd.s32 s5;
	_ =	sdelay $0x1  }
0xa7: {  	s23 =	simm.s32 $0x1B8B  }
0xa8: {  	_ =	swait.ge [sflag:s23], $0x1  }
0xa9: {  	[sflag:s23] =	ssyncset.done $0x0  }
0xaa: {  	[sflag:s23] =	ssyncadd.s32 $0xFFFFFFFF  }
0xab: {  	s5 =	sld [smem:$0x0]  }
0xac: {  	s6 =	sand.u32 $0xFFFFFFFE, s1  }
0xad: {  	p0 =	sne.s32 s1, s6  }
0xae: {  	s6 =	sshll.u32 @p0 s6, $0xE  }
0xaf: {  	s6 =	sadd.s32 @p0 $0x11B8D, s6;
	s7 =	sshll.u32 @p0 s5, $0x11  }
0xb0: {  	s6 =	sor.u32 @p0 s7, s6  }
0xb1: {  	[sflag:s6] =	ssyncadd.remote.s32 @p0 $0x1;
	_ =	sdelay $0x1  }
0xb2: {  	s6 =	simm.s32 @p0 $0x1B8D  }
0xb3: {  	_ =	swait.eq @p0 [sflag:s6], $0x1  }
0xb4: {  	[sflag:s6] =	ssyncadd.s32 @p0 $0xFFFFFFFF  }
0xb5: {  	s7 =	sshll.u32 @!p0 s1, $0xE  }
0xb6: {  	s7 =	sor.u32 @!p0 $0x4000, s7;
	s6 =	simm.s32 @!p0 $0x1B8D  }
0xb7: {  	s5 =	sshll.u32 @!p0 s5, $0x11;
	s7 =	sadd.s32 @!p0 $0x11B8D, s7;
	_ =	swait.eq @!p0 [sflag:s6], $0x1  }
0xb8: {  	s5 =	sor.u32 @!p0 s5, s7;
	[sflag:s6] =	ssyncadd.s32 @!p0 $0xFFFFFFFF  }
0xb9: {  	s25 =	simm.s32 $0x1B8E;
	s24 =	sld [smem:$0x3FFE];
	[sflag:s5] =	ssyncadd.remote.s32 @!p0 $0x1  }
0xba: {  	s26 =	simm.s32 $execute0_lowered;
	[smem:$0x3FD2] =	sst s25  }
0xbb: {  	s6 =	sshll.u32 s26, $0x1;
	_ =	strace $0x8000004C;
	[dreg:$0x1] =	wrdreg $0xFFFFFFFF  }
0xbc: {  	s28 =	simm.s32 $_size_execute0_lowered;
	s4 =	sadd.s32 s4, s6;
	[dreg:$0x0] =	wrdreg $0x0  }
0xbd: {  	s6 =	sshll.u32 s28, $0x1;
	[dreg:$0x2] =	wrdreg s4  }
0xbe: {  	[dreg:$0x3] =	wrdreg s6  }
0xbf: {  	[dreg:$0x4] =	wrdreg $0xC0  }
0xc0: {  	_ =	task [dreg:s22], $0x5FFFF  }
0xc1: {  	[dreg:$0x1] =	wrdreg $0xFFFFFFFF  }
0xc2: {  	[dreg:$0x0] =	wrdreg $0x60  }
0xc3: {  	[dreg:$0x2] =	wrdreg s24  }
0xc4: {  	[dreg:$0x3] =	wrdreg s17  }
0xc5: {  	[dreg:$0x4] =	wrdreg $0x94300  }
0xc6: {  	[dreg:$0x5] =	wrdreg $0x134300  }
0xc7: {  	[dreg:$0x6] =	wrdreg $0x9  }
0xc8: {  	_ =	task.clear_ibuf [dreg:s22], $0x7FFFF;
	_ =	strace $0x9000004C  }
0xc9: {  	s29 =	simm.s32 $0x9;
	_ =	strace $0x8000004E  }
0xca: {  	_ =	swait.ge [sflag:s29], $0x1  }
0xcb: {  	[sflag:s29] =	ssyncadd.s32 $0xFFFFFFFF  }
0xcc: {  	_ =	strace $0x9000004E  }
0xcd: {  	_ =	sfence  }
0xce: {  	s30 =	sld [smem:$0x0];
	_ =	sdelay $0x2  }
0xcf: {  	s31 =	sshll.u32 s1, $0xD;
	s1 =	sshrl.u32 s1, $0x2  }
0xd0: {  	s4 =	sand.u32 $0x4000, s31;
	s1 =	sadd.s32 s1, s30  }
0xd1: {  	s0 =	sor.u32 s4, s0;
	s1 =	sshll.u32 s1, $0x11  }
0xd2: {  	s0 =	sor.u32 s1, s0  }
0xd3: {  	s0 =	sadd.s32 $0x8F2B, s0  }
0xd4: {  	[sflag:s0] =	ssyncadd.remote.s32 $0x1  }
0xd5: {  	_ =	sfence.sel $0xFFFF  }
0xd6: {  	[dreg:$0x0] =	wrdreg $0xFFFFFFFF;
	(pc) =	sbr.abs _section_cstart, $3  }
0xd7: {  	[dreg:$0x1] =	wrdreg $0xFFFFFFFF  }
0xd8: {  	_ =	task.clear_ibuf [dreg:s22], $0x2FFFF;
	_ =	strace $0x9FFFFFFF  }
0xd9: {  	(tm) =	ssettm $0x7FFFFFFF  }
tec
execute0_lowered:
.L_overlay_start_1:
0x0: {  	(tag) =	ssettag $0x1  }
0x1: {  	s0 =	rddreg [dreg:$0x0]  }
0x2: {  	s1 =	rddreg [dreg:$0x1]  }
0x3: {  	s2 =	rddreg [dreg:$0x2]  }
0x4: {  	s3 =	rddreg [dreg:$0x3];
	s4 =	srdreg.scid;
	s5 =	simm.s32 $0x0  }
0x5: {  	s15 =	stileid.u32;
	s28 =	simm.s32 $0x80;
	s29 =	simm.s32 $0x4F20  }
0x6: {  	s30 =	simm.s32 $0x1;
	s31 =	simm.s32 $0x6F20;
	s8 =	smul.u32 $0xA000, s15  }
0x7: {  	s4 =	sand.u32 $0x1, s4;
	[smem:$0x7FF] =	sst s5;
	s9 =	smul.u32 $0x280, s15  }
0x8: {  	s6 =	sadd.s32 $0xD400, s0;
	s12 =	sadd.s32 $0x40000, s0;
	s14 =	smul.u32 $0x28000, s15  }
0x9: {  	s21 =	sshll.u32 s15, $0x1;
	s7 =	smul.u32 $0xA0000, s4;
	_ =	strace $0x8000004D  }
0xa: {  	s11 =	smul.u32 $0x2800, s4;
	[dreg:$0x5] =	wrdreg s12;
	s20 =	ssub.s32 $0x2, s4  }
0xb: {  	s4 =	sor.u32 s4, s21;
	s21 =	simm.s32 $0x2710;
	s13 =	sshrl.u32 s20, $0x1  }
0xc: {  	s22 =	sshrl.u32 s14, $0x2;
	s16 =	smul.u32 $0x51, s4;
	s26 =	sadd.s32 s8, s2  }
0xd: {  	s4 =	simm.s32 $0x0;
	s10 =	sadd.s32 s8, s7;
	s7 =	sadd.s32 $0x3200, s0  }
0xe: {  	s11 =	sadd.s32 s9, s11;
	s12 =	ssub.s32 s20, s13;
	s9 =	sadd.s32 s9, s3  }
0xf: {  	s20 =	simm.s32 $0x2;
	s10 =	sshrl.u32 s10, $0x3;
	s11 =	sshrl.u32 s11, $0x3  }
0x10: {  	s23 =	sadd.s32 $0x80, s9;
	s24 =	sadd.s32 $0x100, s9;
	s25 =	sadd.s32 $0x180, s9  }
0x11: {  	s15 =	sadd.s32 $0x200, s9;
	s19 =	smax.u32 s12, $0x1;
	[dreg:$0x7] =	wrdreg s23  }
0x12: {  	s10 =	sadd.s32 s10, s0;
	s18 =	sadd.s32 s11, s0;
	[dreg:$0x8] =	wrdreg s24  }
0x13: {  	s0 =	sadd.s32 $0x404E2, s0;
	s11 =	sadd.s32 s22, s2;
	[dreg:$0x9] =	wrdreg s25  }
0x14: {  	s22 =	simm.s32 $0x8FB0;
	s23 =	simm.s32 $0x93B0;
	s24 =	simm.s32 $0x4E20  }
0x15: {  	s25 =	sshrl.u32 s26, $0x3;
	s26 =	simm.s32 $0x4EA0;
	[dreg:$0x6] =	wrdreg s0  }
0x16: {  	v0 =	vimm.f32 $0.0e+00;
	s17 =	sadd.s32 $0x41400, s10;
	s18 =	sadd.s32 $0x40A00, s18;
	s0 =	simm.s32 $0x8F20  }
.LBB2_1:
0x17: {  	s8 =	rddreg [dreg:$0x5]  }
0x18: {  	[tilespmem:s5], [sflag:$0x2] =	stream.linear.gather [hbm4b:s8+s5], $0x2710, $0x38;
	[tilespmem:$0x136B0] =	vst v63  }
0x19: {  	_ =	swait.ge [sflag:s20], $0x2710  }
0x1a: {  	[sflag:s20] =	ssyncset.done $0x0  }
0x1b: {  	s13 =	rddreg [dreg:$0x6];
	[sflag:s20] =	ssyncadd.s32 $0xFFFFD8F0  }
0x1c: {  	[tilespmem:s21], [sflag:$0x2] =	stream.linear.gather [hbm4b:s13+s5], $0x2710, $0x38;
	[tilespmem:$0x136B0] =	vst v63  }
0x1d: {  	_ =	swait.ge [sflag:s20], $0x2710  }
0x1e: {  	[sflag:s20] =	ssyncset.done $0x0  }
0x1f: {  	[sflag:s20] =	ssyncadd.s32 $0xFFFFD8F0  }
0x20: {  	[tilespmem:$0x8FB0] =	vst v0  }
0x21: {  	[tilespmem:$0x8FC0] =	vst v0  }
0x22: {  	[tilespmem:$0x8FD0] =	vst v0  }
0x23: {  	[tilespmem:$0x8FE0] =	vst v0  }
0x24: {  	[tilespmem:$0x8FF0] =	vst v0  }
0x25: {  	[tilespmem:$0x9000] =	vst v0  }
0x26: {  	[tilespmem:$0x9010] =	vst v0  }
0x27: {  	[tilespmem:$0x9020] =	vst v0  }
0x28: {  	[tilespmem:$0x9030] =	vst v0  }
0x29: {  	[tilespmem:$0x9040] =	vst v0  }
0x2a: {  	[tilespmem:$0x9050] =	vst v0  }
0x2b: {  	[tilespmem:$0x9060] =	vst v0  }
0x2c: {  	[tilespmem:$0x9070] =	vst v0  }
0x2d: {  	[tilespmem:$0x9080] =	vst v0  }
0x2e: {  	[tilespmem:$0x9090] =	vst v0  }
0x2f: {  	[tilespmem:$0x90A0] =	vst v0  }
0x30: {  	[tilespmem:$0x90B0] =	vst v0  }
0x31: {  	[tilespmem:$0x90C0] =	vst v0  }
0x32: {  	[tilespmem:$0x90D0] =	vst v0  }
0x33: {  	[tilespmem:$0x90E0] =	vst v0  }
0x34: {  	[tilespmem:$0x90F0] =	vst v0  }
0x35: {  	[tilespmem:$0x9100] =	vst v0  }
0x36: {  	[tilespmem:$0x9110] =	vst v0  }
0x37: {  	[tilespmem:$0x9120] =	vst v0  }
0x38: {  	[tilespmem:$0x9130] =	vst v0  }
0x39: {  	[tilespmem:$0x9140] =	vst v0  }
0x3a: {  	[tilespmem:$0x9150] =	vst v0  }
0x3b: {  	[tilespmem:$0x9160] =	vst v0  }
0x3c: {  	[tilespmem:$0x9170] =	vst v0  }
0x3d: {  	[tilespmem:$0x9180] =	vst v0  }
0x3e: {  	[tilespmem:$0x9190] =	vst v0  }
0x3f: {  	[tilespmem:$0x91A0] =	vst v0  }
0x40: {  	[tilespmem:$0x91B0] =	vst v0  }
0x41: {  	[tilespmem:$0x91C0] =	vst v0  }
0x42: {  	[tilespmem:$0x91D0] =	vst v0  }
0x43: {  	[tilespmem:$0x91E0] =	vst v0  }
0x44: {  	[tilespmem:$0x91F0] =	vst v0  }
0x45: {  	[tilespmem:$0x9200] =	vst v0  }
0x46: {  	[tilespmem:$0x9210] =	vst v0  }
0x47: {  	[tilespmem:$0x9220] =	vst v0  }
0x48: {  	[tilespmem:$0x9230] =	vst v0  }
0x49: {  	[tilespmem:$0x9240] =	vst v0  }
0x4a: {  	[tilespmem:$0x9250] =	vst v0  }
0x4b: {  	[tilespmem:$0x9260] =	vst v0  }
0x4c: {  	[tilespmem:$0x9270] =	vst v0  }
0x4d: {  	[tilespmem:$0x9280] =	vst v0  }
0x4e: {  	[tilespmem:$0x9290] =	vst v0  }
0x4f: {  	[tilespmem:$0x92A0] =	vst v0  }
0x50: {  	[tilespmem:$0x92B0] =	vst v0  }
0x51: {  	[tilespmem:$0x92C0] =	vst v0  }
0x52: {  	[tilespmem:$0x92D0] =	vst v0  }
0x53: {  	[tilespmem:$0x92E0] =	vst v0  }
0x54: {  	[tilespmem:$0x92F0] =	vst v0  }
0x55: {  	[tilespmem:$0x9300] =	vst v0  }
0x56: {  	[tilespmem:$0x9310] =	vst v0  }
0x57: {  	[tilespmem:$0x9320] =	vst v0  }
0x58: {  	[tilespmem:$0x9330] =	vst v0  }
0x59: {  	[tilespmem:$0x9340] =	vst v0  }
0x5a: {  	[tilespmem:$0x9350] =	vst v0  }
0x5b: {  	[tilespmem:$0x9360] =	vst v0  }
0x5c: {  	[tilespmem:$0x9370] =	vst v0  }
0x5d: {  	[tilespmem:$0x9380] =	vst v0  }
0x5e: {  	[tilespmem:$0x9390] =	vst v0  }
0x5f: {  	[tilespmem:$0x93A0] =	vst v0  }
0x60: {  	[tilespmem:$0x93B0] =	vst v0  }
0x61: {  	[tilespmem:$0x93C0] =	vst v0  }
0x62: {  	[tilespmem:$0x93D0] =	vst v0  }
0x63: {  	[tilespmem:$0x93E0] =	vst v0  }
0x64: {  	[tilespmem:$0x93F0] =	vst v0  }
0x65: {  	[tilespmem:$0x9400] =	vst v0  }
0x66: {  	[tilespmem:$0x9410] =	vst v0  }
0x67: {  	s14 =	sadd.s32 $0x0, s11;
	[tilespmem:$0x9420] =	vst v0  }
0x68: {  	[spmem:s14] =	stream.linear.scatter [tilespmem:s22], [sflag:$0x2], $0x400, $0x38;
	[tilespmem:$0x136B0] =	vst v63  }
0x69: {  	s8 =	simm.s32 $0x1000;
	_ =	swait.ge [sflag:s20], $0x400  }
.LBB2_2:
0x6a: {  	s10 =	sshra.s32 s8, $0x2;
	[sflag:s20] =	ssyncset.done $0x0;
	p0 =	sne.s32 s8, $0x27000  }
.Ltmp0:
0x6b: {  	s10 =	sadd.s32 s10, s11;
	[sflag:s20] =	ssyncadd.s32 $0xFFFFFC00;
	(pc) =	sbr.rel @p0 .LBB2_2-.Ltmp0, $3  }
0x6c: {  	[spmem:s10] =	stream.linear.scatter [tilespmem:s22], [sflag:$0x2], $0x400, $0x38;
	[tilespmem:$0x136B0] =	vst v63  }
0x6d: {  	s8 =	sadd.s32 $0x1000, s8;
	_ =	sdelay $0x1  }
0x6e: {  	_ =	swait.ge [sflag:s20], $0x400  }
0x6f: {  	[sflag:s20] =	ssyncset.done $0x0  }
0x70: {  	[sflag:s20] =	ssyncadd.s32 $0xFFFFFC00  }
0x71: {  	[spmem:s9] =	stream.linear.scatter [tilespmem:s23], [sflag:$0x2], $0x80, $0x38;
	[tilespmem:$0x136B0] =	vst v63  }
0x72: {  	_ =	swait.ge [sflag:s20], $0x80  }
0x73: {  	[sflag:s20] =	ssyncset.done $0x0  }
0x74: {  	s8 =	rddreg [dreg:$0x7];
	[sflag:s20] =	ssyncadd.s32 $0xFFFFFF80  }
0x75: {  	[spmem:s8] =	stream.linear.scatter [tilespmem:s23], [sflag:$0x2], $0x80, $0x38;
	[tilespmem:$0x136B0] =	vst v63  }
0x76: {  	_ =	swait.ge [sflag:s20], $0x80  }
0x77: {  	[sflag:s20] =	ssyncset.done $0x0  }
0x78: {  	s13 =	rddreg [dreg:$0x8];
	[sflag:s20] =	ssyncadd.s32 $0xFFFFFF80  }
0x79: {  	[spmem:s13] =	stream.linear.scatter [tilespmem:s23], [sflag:$0x2], $0x80, $0x38;
	[tilespmem:$0x136B0] =	vst v63  }
0x7a: {  	_ =	swait.ge [sflag:s20], $0x80  }
0x7b: {  	[sflag:s20] =	ssyncset.done $0x0  }
0x7c: {  	s14 =	rddreg [dreg:$0x9];
	[sflag:s20] =	ssyncadd.s32 $0xFFFFFF80  }
0x7d: {  	[spmem:s14] =	stream.linear.scatter [tilespmem:s23], [sflag:$0x2], $0x80, $0x38;
	[tilespmem:$0x136B0] =	vst v63  }
0x7e: {  	_ =	swait.ge [sflag:s20], $0x80  }
0x7f: {  	[sflag:s20] =	ssyncset.done $0x0  }
0x80: {  	[sflag:s20] =	ssyncadd.s32 $0xFFFFFF80  }
0x81: {  	[spmem:s15] =	stream.linear.scatter [tilespmem:s23], [sflag:$0x2], $0x80, $0x38;
	[tilespmem:$0x136B0] =	vst v63  }
0x82: {  	_ =	swait.ge [sflag:s20], $0x80  }
0x83: {  	[sflag:s20] =	ssyncset.done $0x0  }
0x84: {  	[sflag:s20] =	ssyncadd.s32 $0xFFFFFF80  }
0x85: {  	s8 =	simm.s32 $0x0;
	[bflag:$0x0] =	sbarrier.arrive $0xFFFF  }
.LBB2_4:
0x86: {  	s10 =	sadd.s32 s16, s8  }
0x87: {  	s12 =	sshll.u32 s10, $0x4  }
0x88: {  	s13 =	sadd.s32 s6, s12  }
0x89: {  	[tilespmem:s24], [sflag:$0x2] =	stream.linear.gather [hbm4b:s13+s5], $0x80, $0x38;
	[tilespmem:$0x136B0] =	vst v63  }
0x8a: {  	_ =	swait.ge [sflag:s20], $0x80  }
0x8b: {  	[sflag:s20] =	ssyncset.done $0x0  }
0x8c: {  	s12 =	sadd.s32 s7, s12;
	[sflag:s20] =	ssyncadd.s32 $0xFFFFFF80  }
0x8d: {  	[tilespmem:s26], [sflag:$0x2] =	stream.linear.gather [hbm4b:s12+s5], $0x80, $0x38;
	[tilespmem:$0x136B0] =	vst v63  }
0x8e: {  	_ =	swait.ge [sflag:s20], $0x80  }
0x8f: {  	[sflag:s20] =	ssyncset.done $0x0  }
0x90: {  	[sflag:s20] =	ssyncadd.s32 $0xFFFFFF80  }
0x91: {  	[tilespmem:s29], [sflag:$0x1] =	stream.indirect.gather [hbm4b:s1+s28], $0x40, s24, s28, $0xb8;
	[tilespmem:$0x136B0] =	vst v63  }
0x92: {  	_ =	swait.ge [sflag:s30], $0x2000  }
0x93: {  	[sflag:s30] =	ssyncset.done $0x0  }
0x94: {  	[sflag:s30] =	ssyncadd.s32 $0xFFFFE000  }
0x95: {  	v1 =	vld [tilespmem:$0x4E20]  }
0x96: {  	v2 =	vld [tilespmem:$0x4EA0];
	_ =	sdelay $0x6  }
0x97: {  	v1 =	vld.idx.msk [tilespmem:v1+s5+$0x0], $0xffff  }
0x98: {  	v2 =	vld.idx.msk [tilespmem:v2+s21+$0x0], $0xffff;
	_ =	sdelay $0x4  }
0x99: {  	v1 =	vadd.f32 v2, v1;
	_ =	sdelay $0x1  }
0x9a: {  	v2 =	vmul.f32 $2.000000030e-01, v1  }
0x9b: {  	vm0 =	vgt.f32 v1, $0.0e+00  }
0x9c: {  	v1 =	vsel vm0, v1, v2  }
0x9d: {  	v1 =	vmul.f32 $1.442695020e+00, v1;
	_ =	sdelay $0x1  }
0x9e: {  	(erf) = vpow2.f32 v1;
	_ =	sdelay $0x3  }
0x9f: {  	v1 =	vld [tilespmem:$0x4E30]  }
0xa0: {  	v2 =	vld [tilespmem:$0x4EB0];
	_ =	sdelay $0x2  }
0xa1: {  	s10 =	sshll.u32 s10, $0x7  }
0xa2: {  	p0 =	slt.u32 s10, $0x50910;
	v3 =	vpop (erf)  }
0xa3: {  	v3 =	vpsel !p0, $0x0, v3  }
0xa4: {  	[tilespmem:$0x8F20] =	vst v3  }
0xa5: {  	v1 =	vld.idx.msk [tilespmem:v1+s5+$0x0], $0xffff  }
0xa6: {  	v2 =	vld.idx.msk [tilespmem:v2+s21+$0x0], $0xffff;
	_ =	sdelay $0x4  }
0xa7: {  	v1 =	vadd.f32 v2, v1;
	_ =	sdelay $0x1  }
0xa8: {  	v2 =	vmul.f32 $2.000000030e-01, v1  }
0xa9: {  	vm9 =	vgt.f32 v1, $0.0e+00  }
0xaa: {  	v1 =	vsel vm9, v1, v2  }
0xab: {  	v1 =	vmul.f32 $1.442695020e+00, v1;
	_ =	sdelay $0x1  }
0xac: {  	(erf) = vpow2.f32 v1;
	_ =	sdelay $0x3  }
0xad: {  	v1 =	vld [tilespmem:$0x4E40]  }
0xae: {  	v2 =	vld [tilespmem:$0x4EC0];
	_ =	sdelay $0x2  }
0xaf: {  	s14 =	sor.u32 $0x10, s10  }
0xb0: {  	p6 =	slt.u32 s14, $0x50910;
	v3 =	vpop (erf)  }
0xb1: {  	v3 =	vpsel !p6, $0x0, v3  }
0xb2: {  	[tilespmem:$0x8F30] =	vst v3  }
0xb3: {  	v1 =	vld.idx.msk [tilespmem:v1+s5+$0x0], $0xffff  }
0xb4: {  	v2 =	vld.idx.msk [tilespmem:v2+s21+$0x0], $0xffff;
	_ =	sdelay $0x4  }
0xb5: {  	v1 =	vadd.f32 v2, v1;
	_ =	sdelay $0x1  }
0xb6: {  	v2 =	vmul.f32 $2.000000030e-01, v1  }
0xb7: {  	vm10 =	vgt.f32 v1, $0.0e+00  }
0xb8: {  	v1 =	vsel vm10, v1, v2  }
0xb9: {  	v1 =	vmul.f32 $1.442695020e+00, v1;
	_ =	sdelay $0x1  }
0xba: {  	(erf) = vpow2.f32 v1;
	_ =	sdelay $0x3  }
0xbb: {  	v1 =	vld [tilespmem:$0x4E50]  }
0xbc: {  	v2 =	vld [tilespmem:$0x4ED0];
	_ =	sdelay $0x2  }
0xbd: {  	s13 =	sor.u32 $0x20, s10  }
0xbe: {  	p1 =	slt.u32 s13, $0x50910;
	v3 =	vpop (erf)  }
0xbf: {  	v3 =	vpsel !p1, $0x0, v3  }
0xc0: {  	[tilespmem:$0x8F40] =	vst v3  }
0xc1: {  	v1 =	vld.idx.msk [tilespmem:v1+s5+$0x0], $0xffff  }
0xc2: {  	v2 =	vld.idx.msk [tilespmem:v2+s21+$0x0], $0xffff;
	_ =	sdelay $0x4  }
0xc3: {  	v1 =	vadd.f32 v2, v1;
	_ =	sdelay $0x1  }
0xc4: {  	v2 =	vmul.f32 $2.000000030e-01, v1  }
0xc5: {  	vm11 =	vgt.f32 v1, $0.0e+00  }
0xc6: {  	v1 =	vsel vm11, v1, v2  }
0xc7: {  	v1 =	vmul.f32 $1.442695020e+00, v1;
	_ =	sdelay $0x1  }
0xc8: {  	(erf) = vpow2.f32 v1;
	_ =	sdelay $0x3  }
0xc9: {  	v1 =	vld [tilespmem:$0x4E60]  }
0xca: {  	v2 =	vld [tilespmem:$0x4EE0];
	_ =	sdelay $0x2  }
0xcb: {  	s14 =	sor.u32 $0x30, s10  }
0xcc: {  	p2 =	slt.u32 s14, $0x50910;
	v3 =	vpop (erf)  }
0xcd: {  	v3 =	vpsel !p2, $0x0, v3  }
0xce: {  	[tilespmem:$0x8F50] =	vst v3  }
0xcf: {  	v1 =	vld.idx.msk [tilespmem:v1+s5+$0x0], $0xffff  }
0xd0: {  	v2 =	vld.idx.msk [tilespmem:v2+s21+$0x0], $0xffff;
	_ =	sdelay $0x4  }
0xd1: {  	v1 =	vadd.f32 v2, v1;
	_ =	sdelay $0x1  }
0xd2: {  	v2 =	vmul.f32 $2.000000030e-01, v1  }
0xd3: {  	vm12 =	vgt.f32 v1, $0.0e+00  }
0xd4: {  	v1 =	vsel vm12, v1, v2  }
0xd5: {  	v1 =	vmul.f32 $1.442695020e+00, v1;
	_ =	sdelay $0x1  }
0xd6: {  	(erf) = vpow2.f32 v1;
	_ =	sdelay $0x3  }
0xd7: {  	v1 =	vld [tilespmem:$0x4E70]  }
0xd8: {  	v2 =	vld [tilespmem:$0x4EF0];
	_ =	sdelay $0x2  }
0xd9: {  	s13 =	sor.u32 $0x40, s10  }
0xda: {  	p3 =	slt.u32 s13, $0x50910;
	v3 =	vpop (erf)  }
0xdb: {  	v3 =	vpsel !p3, $0x0, v3  }
0xdc: {  	[tilespmem:$0x8F60] =	vst v3  }
0xdd: {  	v1 =	vld.idx.msk [tilespmem:v1+s5+$0x0], $0xffff  }
0xde: {  	v2 =	vld.idx.msk [tilespmem:v2+s21+$0x0], $0xffff;
	_ =	sdelay $0x4  }
0xdf: {  	v1 =	vadd.f32 v2, v1;
	_ =	sdelay $0x1  }
0xe0: {  	v2 =	vmul.f32 $2.000000030e-01, v1  }
0xe1: {  	vm13 =	vgt.f32 v1, $0.0e+00  }
0xe2: {  	v1 =	vsel vm13, v1, v2  }
0xe3: {  	v1 =	vmul.f32 $1.442695020e+00, v1;
	_ =	sdelay $0x1  }
0xe4: {  	(erf) = vpow2.f32 v1;
	_ =	sdelay $0x3  }
0xe5: {  	v1 =	vld [tilespmem:$0x4E80]  }
0xe6: {  	v2 =	vld [tilespmem:$0x4F00];
	_ =	sdelay $0x2  }
0xe7: {  	s14 =	sor.u32 $0x50, s10  }
0xe8: {  	p4 =	slt.u32 s14, $0x50910;
	v3 =	vpop (erf)  }
0xe9: {  	v3 =	vpsel !p4, $0x0, v3  }
0xea: {  	[tilespmem:$0x8F70] =	vst v3  }
0xeb: {  	v1 =	vld.idx.msk [tilespmem:v1+s5+$0x0], $0xffff  }
0xec: {  	v2 =	vld.idx.msk [tilespmem:v2+s21+$0x0], $0xffff;
	_ =	sdelay $0x4  }
0xed: {  	v1 =	vadd.f32 v2, v1;
	_ =	sdelay $0x1  }
0xee: {  	v2 =	vmul.f32 $2.000000030e-01, v1  }
0xef: {  	vm14 =	vgt.f32 v1, $0.0e+00  }
0xf0: {  	v1 =	vsel vm14, v1, v2  }
0xf1: {  	v1 =	vmul.f32 $1.442695020e+00, v1;
	_ =	sdelay $0x1  }
0xf2: {  	(erf) = vpow2.f32 v1;
	_ =	sdelay $0x3  }
0xf3: {  	v1 =	vld [tilespmem:$0x4E90]  }
0xf4: {  	v2 =	vld [tilespmem:$0x4F10];
	_ =	sdelay $0x2  }
0xf5: {  	s13 =	sor.u32 $0x60, s10  }
0xf6: {  	p5 =	slt.u32 s13, $0x50910;
	v3 =	vpop (erf)  }
0xf7: {  	v3 =	vpsel !p5, $0x0, v3  }
0xf8: {  	[tilespmem:$0x8F80] =	vst v3  }
0xf9: {  	v1 =	vld.idx.msk [tilespmem:v1+s5+$0x0], $0xffff  }
0xfa: {  	v2 =	vld.idx.msk [tilespmem:v2+s21+$0x0], $0xffff;
	_ =	sdelay $0x4  }
0xfb: {  	v1 =	vadd.f32 v2, v1;
	_ =	sdelay $0x1  }
0xfc: {  	v2 =	vmul.f32 $2.000000030e-01, v1  }
0xfd: {  	vm15 =	vgt.f32 v1, $0.0e+00  }
0xfe: {  	v1 =	vsel vm15, v1, v2  }
0xff: {  	v1 =	vmul.f32 $1.442695020e+00, v1;
	_ =	sdelay $0x1  }
0x100: {  	(erf) = vpow2.f32 v1;
	_ =	sdelay $0x7  }
0x101: {  	s10 =	sor.u32 $0x70, s10  }
0x102: {  	p6 =	slt.u32 s10, $0x50910;
	v1 =	vpop (erf)  }
0x103: {  	v1 =	vpsel !p6, $0x0, v1  }
0x104: {  	s10 =	simm.s32 $0x8F22;
	[tilespmem:$0x8F90] =	vst v1  }
0x105: {  	s14 =	simm.s32 $0x4FA0;
	v1 =	vld.msk [tilespmem:s10+$0xFFFFFFFE ss:$0x0], $0xffff  }
0x106: {  	v2 =	vld [tilespmem:s14+$0xFFFFFF80];
	_ =	sdelay $0x4  }
0x107: {  	v2 =	vmul.f32 v1, v2  }
0x108: {  	s12 =	simm.s32 $0x6FA0  }
0x109: {  	[tilespmem:s12+$0xFFFFFF80] =	vst v2  }
0x10a: {  	v2 =	vld [tilespmem:s14+$0xFFFFFF90];
	_ =	sdelay $0x4  }
0x10b: {  	v2 =	vmul.f32 v2, v1;
	_ =	sdelay $0x1  }
0x10c: {  	[tilespmem:s12+$0xFFFFFF90] =	vst v2  }
0x10d: {  	v2 =	vld [tilespmem:s14+$0xFFFFFFA0];
	_ =	sdelay $0x4  }
0x10e: {  	v2 =	vmul.f32 v2, v1;
	_ =	sdelay $0x1  }
0x10f: {  	[tilespmem:s12+$0xFFFFFFA0] =	vst v2  }
0x110: {  	v2 =	vld [tilespmem:s14+$0xFFFFFFB0];
	_ =	sdelay $0x4  }
0x111: {  	v1 =	vmul.f32 v2, v1;
	_ =	sdelay $0x1  }
0x112: {  	[tilespmem:s12+$0xFFFFFFB0] =	vst v1  }
0x113: {  	v1 =	vld.msk [tilespmem:s10+$0xFFFFFFFF ss:$0x0], $0xffff  }
0x114: {  	v2 =	vld [tilespmem:s14+$0xFFFFFFC0];
	_ =	sdelay $0x4  }
0x115: {  	v2 =	vmul.f32 v1, v2;
	_ =	sdelay $0x1  }
0x116: {  	[tilespmem:s12+$0xFFFFFFC0] =	vst v2  }
0x117: {  	v2 =	vld [tilespmem:s14+$0xFFFFFFD0];
	_ =	sdelay $0x4  }
0x118: {  	v2 =	vmul.f32 v2, v1;
	_ =	sdelay $0x1  }
0x119: {  	[tilespmem:s12+$0xFFFFFFD0] =	vst v2  }
0x11a: {  	v2 =	vld [tilespmem:s14+$0xFFFFFFE0];
	_ =	sdelay $0x4  }
0x11b: {  	v2 =	vmul.f32 v2, v1;
	_ =	sdelay $0x1  }
0x11c: {  	[tilespmem:s12+$0xFFFFFFE0] =	vst v2  }
0x11d: {  	v2 =	vld [tilespmem:s14+$0xFFFFFFF0];
	_ =	sdelay $0x4  }
0x11e: {  	v1 =	vmul.f32 v2, v1;
	_ =	sdelay $0x1  }
0x11f: {  	[tilespmem:s12+$0xFFFFFFF0] =	vst v1  }
0x120: {  	v1 =	vld.msk [tilespmem:s10+$0x0 ss:$0x0], $0xffff  }
0x121: {  	v2 =	vld [tilespmem:s14+$0x0];
	_ =	sdelay $0x4  }
0x122: {  	v2 =	vmul.f32 v1, v2;
	_ =	sdelay $0x1  }
0x123: {  	[tilespmem:s12+$0x0] =	vst v2  }
0x124: {  	v2 =	vld [tilespmem:s14+$0x10];
	_ =	sdelay $0x4  }
0x125: {  	v2 =	vmul.f32 v2, v1;
	_ =	sdelay $0x1  }
0x126: {  	[tilespmem:s12+$0x10] =	vst v2  }
0x127: {  	v2 =	vld [tilespmem:s14+$0x20];
	_ =	sdelay $0x4  }
0x128: {  	v2 =	vmul.f32 v2, v1;
	_ =	sdelay $0x1  }
0x129: {  	[tilespmem:s12+$0x20] =	vst v2  }
0x12a: {  	v2 =	vld [tilespmem:s14+$0x30];
	_ =	sdelay $0x4  }
0x12b: {  	v1 =	vmul.f32 v2, v1;
	_ =	sdelay $0x1  }
0x12c: {  	[tilespmem:s12+$0x30] =	vst v1  }
0x12d: {  	v1 =	vld.msk [tilespmem:s10+$0x1 ss:$0x0], $0xffff  }
0x12e: {  	v2 =	vld [tilespmem:s14+$0x40];
	_ =	sdelay $0x4  }
0x12f: {  	v2 =	vmul.f32 v1, v2;
	_ =	sdelay $0x1  }
0x130: {  	[tilespmem:s12+$0x40] =	vst v2  }
0x131: {  	v2 =	vld [tilespmem:s14+$0x50];
	_ =	sdelay $0x4  }
0x132: {  	v2 =	vmul.f32 v2, v1;
	_ =	sdelay $0x1  }
0x133: {  	[tilespmem:s12+$0x50] =	vst v2  }
0x134: {  	v2 =	vld [tilespmem:s14+$0x60];
	_ =	sdelay $0x4  }
0x135: {  	v2 =	vmul.f32 v2, v1;
	_ =	sdelay $0x1  }
0x136: {  	[tilespmem:s12+$0x60] =	vst v2  }
0x137: {  	v2 =	vld [tilespmem:s14+$0x70];
	_ =	sdelay $0x4  }
0x138: {  	v1 =	vmul.f32 v2, v1  }
0x139: {  	s13 =	simm.s32 $0x0;
	s14 =	simm.s32 $0x50A0  }
.LBB2_5:
0x13a: {  	s13 =	sadd.s32 $0x4, s13;
	[tilespmem:s12+$0x70] =	vst v1;
	s10 =	sadd.s32 $0x4, s10;
	s12 =	sadd.s32 $0x100, s12  }
0x13b: {  	v1 =	vld.msk [tilespmem:s10+$0xFFFFFFFE ss:$0x0], $0xffff;
	p0 =	slt.u32 s13, $0x7C  }
0x13c: {  	v2 =	vld [tilespmem:s14+$0xFFFFFF80];
	_ =	sdelay $0x4  }
0x13d: {  	v2 =	vmul.f32 v1, v2;
	_ =	sdelay $0x1  }
0x13e: {  	[tilespmem:s12+$0xFFFFFF80] =	vst v2  }
0x13f: {  	v2 =	vld [tilespmem:s14+$0xFFFFFF90];
	_ =	sdelay $0x4  }
0x140: {  	v2 =	vmul.f32 v2, v1;
	_ =	sdelay $0x1  }
0x141: {  	[tilespmem:s12+$0xFFFFFF90] =	vst v2  }
0x142: {  	v2 =	vld [tilespmem:s14+$0xFFFFFFA0];
	_ =	sdelay $0x4  }
0x143: {  	v2 =	vmul.f32 v2, v1;
	_ =	sdelay $0x1  }
0x144: {  	[tilespmem:s12+$0xFFFFFFA0] =	vst v2  }
0x145: {  	v2 =	vld [tilespmem:s14+$0xFFFFFFB0];
	_ =	sdelay $0x4  }
0x146: {  	v1 =	vmul.f32 v2, v1;
	_ =	sdelay $0x1  }
0x147: {  	[tilespmem:s12+$0xFFFFFFB0] =	vst v1  }
0x148: {  	v1 =	vld.msk [tilespmem:s10+$0xFFFFFFFF ss:$0x0], $0xffff  }
0x149: {  	v2 =	vld [tilespmem:s14+$0xFFFFFFC0];
	_ =	sdelay $0x4  }
0x14a: {  	v2 =	vmul.f32 v1, v2;
	_ =	sdelay $0x1  }
0x14b: {  	[tilespmem:s12+$0xFFFFFFC0] =	vst v2  }
0x14c: {  	v2 =	vld [tilespmem:s14+$0xFFFFFFD0];
	_ =	sdelay $0x4  }
0x14d: {  	v2 =	vmul.f32 v2, v1;
	_ =	sdelay $0x1  }
0x14e: {  	[tilespmem:s12+$0xFFFFFFD0] =	vst v2  }
0x14f: {  	v2 =	vld [tilespmem:s14+$0xFFFFFFE0];
	_ =	sdelay $0x4  }
0x150: {  	v2 =	vmul.f32 v2, v1;
	_ =	sdelay $0x1  }
0x151: {  	[tilespmem:s12+$0xFFFFFFE0] =	vst v2  }
0x152: {  	v2 =	vld [tilespmem:s14+$0xFFFFFFF0];
	_ =	sdelay $0x4  }
0x153: {  	v1 =	vmul.f32 v2, v1;
	_ =	sdelay $0x1  }
0x154: {  	[tilespmem:s12+$0xFFFFFFF0] =	vst v1  }
0x155: {  	v1 =	vld.msk [tilespmem:s10+$0x0 ss:$0x0], $0xffff  }
0x156: {  	v2 =	vld [tilespmem:s14+$0x0];
	_ =	sdelay $0x4  }
0x157: {  	v2 =	vmul.f32 v1, v2;
	_ =	sdelay $0x1  }
0x158: {  	[tilespmem:s12+$0x0] =	vst v2  }
0x159: {  	v2 =	vld [tilespmem:s14+$0x10];
	_ =	sdelay $0x4  }
0x15a: {  	v2 =	vmul.f32 v2, v1;
	_ =	sdelay $0x1  }
0x15b: {  	[tilespmem:s12+$0x10] =	vst v2  }
0x15c: {  	v2 =	vld [tilespmem:s14+$0x20];
	_ =	sdelay $0x4  }
0x15d: {  	v2 =	vmul.f32 v2, v1;
	_ =	sdelay $0x1  }
0x15e: {  	[tilespmem:s12+$0x20] =	vst v2  }
0x15f: {  	v2 =	vld [tilespmem:s14+$0x30];
	_ =	sdelay $0x4  }
0x160: {  	v1 =	vmul.f32 v2, v1;
	_ =	sdelay $0x1  }
0x161: {  	[tilespmem:s12+$0x30] =	vst v1  }
0x162: {  	v1 =	vld.msk [tilespmem:s10+$0x1 ss:$0x0], $0xffff  }
0x163: {  	v2 =	vld [tilespmem:s14+$0x40];
	_ =	sdelay $0x4  }
0x164: {  	v2 =	vmul.f32 v1, v2;
	_ =	sdelay $0x1  }
0x165: {  	[tilespmem:s12+$0x40] =	vst v2  }
0x166: {  	v2 =	vld [tilespmem:s14+$0x50];
	_ =	sdelay $0x4  }
0x167: {  	v2 =	vmul.f32 v2, v1;
	_ =	sdelay $0x1  }
0x168: {  	[tilespmem:s12+$0x50] =	vst v2  }
0x169: {  	v2 =	vld [tilespmem:s14+$0x60];
	_ =	sdelay $0x4  }
0x16a: {  	v2 =	vmul.f32 v2, v1;
	_ =	sdelay $0x1  }
0x16b: {  	[tilespmem:s12+$0x60] =	vst v2  }
0x16c: {  	v2 =	vld [tilespmem:s14+$0x70];
	_ =	sdelay $0x1  }
.Ltmp1:
0x16d: {  	(pc) =	sbr.rel @p0 .LBB2_5-.Ltmp1, $3  }
0x16e: {  	_ =	sdelay $0x1  }
0x16f: {  	v1 =	vmul.f32 v2, v1  }
0x170: {  	s14 =	sadd.s32 $0x100, s14  }
0x171: {  	[tilespmem:s12+$0x70] =	vst v1  }
0x172: {  	[spmem:s2] =	stream.indirect.scatter.add.f32 [tilespmem:s31], [sflag:$0x2], $0x40, s26, s28, $0xb8;
	[tilespmem:$0x136B0] =	vst v63  }
0x173: {  	s8 =	sadd.s32 $0x1, s8;
	_ =	swait.ge [sflag:s20], $0x2000  }
0x174: {  	p0 =	sne.s32 s8, $0x51;
	[sflag:s20] =	ssyncset.done $0x0  }
.Ltmp2:
0x175: {  	[sflag:s20] =	ssyncadd.s32 $0xFFFFE000;
	(pc) =	sbr.rel @p0 .LBB2_4-.Ltmp2, $4  }
0x176: {  	[spmem:s3] =	stream.indirect.scatter.add.f32 [tilespmem:s0], [sflag:$0x2], $0x1, s26, s28, $0xb8;
	[tilespmem:$0x136B0] =	vst v63  }
0x177: {  	_ =	swait.ge [sflag:s20], $0x80  }
0x178: {  	[sflag:s20] =	ssyncset.done $0x0  }
0x179: {  	[sflag:s20] =	ssyncadd.s32 $0xFFFFFF80  }
0x17a: {  	s8 =	stileid.u32  }
0x17b: {  	s8 =	sshll.u32 s8, $0x6  }
0x17c: {  	[bflag:$0x0] =	sbarrier.arrive $0xFFFF;
	s8 =	sor.u32 $0x1C02, s8  }
0x17d: {  	[hbm:s17], [sflag:s8] =	dma.local [spmem:s25], $0x1400  }
0x17e: {  	s4 =	sadd.s32 $0x1, s4;
	_ =	swait.ge [sflag:s20], $0x1400  }
0x17f: {  	p0 =	sne.s32 s4, s19;
	[sflag:s20] =	ssyncset.done $0x0  }
.Ltmp3:
0x180: {  	s10 =	sshrl.u32 s9, $0x3;
	[sflag:s20] =	ssyncadd.s32 $0xFFFFEC00;
	(pc) =	sbr.rel @p0 .LBB2_1-.Ltmp3, $4  }
0x181: {  	[hbm:s18], [sflag:s8] =	dma.local [spmem:s10], $0x50  }
0x182: {  	_ =	swait.ge [sflag:s20], $0x50  }
0x183: {  	[sflag:s20] =	ssyncset.done $0x0  }
0x184: {  	[sflag:s20] =	ssyncadd.s32 $0xFFFFFFB0  }
0x185: {  	_ =	sfence.sel $0x180000  }
0x186: {  	[bflag:$0x0] =	sbarrier.arrive $0xFFFF  }
0x187: {  	_ =	strace $0x9000004D  }
0x188: {  	s0 =	stileid.u32;
	[bflag:$0x2] =	sbarrier.arrive $0xFFFF  }
0x189: {  	p0 =	sne.s32 s0, $0x0;
	s0 =	rddreg [dreg:$0x4]  }
0x18a: {  	s0 =	sadd.s32 @!p0 $0x100000, s0  }
0x18b: {  	[sflag:s0] =	ssyncadd.tile.s32 @!p0 $0x1;
	_ =	shalt  }
.Lfunc_end2:
_tile_overlayer_lowered:
.L_overlay_start_2:
0x18c: {  	(tag) =	ssettag $0x2  }
0x18d: {  	s0 =	rddreg [dreg:$0x0];
	s2 =	stileid.u32  }
0x18e: {  	s1 =	rddreg [dreg:$0x1];
	p0 =	sne.s32 s2, $0x0  }
0x18f: {  	s3 =	rddreg [dreg:$0x2];
	[bflag:$0x3] =	sbarrier.arrive $0xFFFF;
	s2 =	simm.s32 @!p0 $0x1C02  }
0x190: {  	[timem:s3], [sflag:s2] =	dma.local @!p0 [hbm:s0], s1  }
0x191: {  	s0 =	simm.s32 @!p0 $0x2  }
0x192: {  	_ =	swait.ge @!p0 [sflag:s0], s1  }
0x193: {  	s1 =	ssub.s32 @!p0 $0x0, s1;
	[sflag:s0] =	ssyncset.done @!p0 $0x0  }
0x194: {  	[sflag:s0] =	ssyncadd.s32 @!p0 s1  }
0x195: {  	[bflag:$0x3] =	sbarrier.arrive $0xFFFF  }
0x196: {  	_ =	shalt  }

// kernel: kernel.15.cloned.1.call-start
scs
__scs_entry_jumppad:
0x0: {  	(pc) =	sbr.rel $0x88, $3  }
0x1: {  	(tag) =	ssettag $0x0;
	lr =	simm.s32 $0x1  }
0x2: {  	[smem:$0x3F93] =	sst lr;
	_ =	strace $0xD0000000  }
0x3: {  	_ = 	snop  }
0x4: {  	_ = 	snop  }
0x5: {  	_ = 	snop  }
0x6: {  	_ = 	snop  }
0x7: {  	_ = 	snop  }
__scs_overlays_trampoline_lowered:
0x8: {  	[smem:$0x3FA2] =	sst s0  }
0x9: {  	[smem:$0x3FA3] =	sst s1  }
0xa: {  	[smem:$0x3FA4] =	sst s2  }
0xb: {  	[smem:$0x3FA5] =	sst s3  }
0xc: {  	[smem:$0x3FA6] =	sst s4  }
0xd: {  	[smem:$0x3FA7] =	sst s5  }
0xe: {  	[smem:$0x3FA8] =	sst s6  }
0xf: {  	[smem:$0x3FA9] =	sst s7  }
0x10: {  	[smem:$0x3FAA] =	sst s8  }
0x11: {  	[smem:$0x3FAB] =	sst s9;
	s0 =	simm.s32 @!p0 $0x0  }
0x12: {  	s1 =	sld [smem:$0x3F91];
	s0 =	simm.s32 @p0 $0x1  }
0x13: {  	[smem:$0x3FAC] =	sst s0;
	s0 =	simm.s32 @!p1 $0x0  }
0x14: {  	s2 =	sld [smem:$0x3F90];
	s0 =	simm.s32 @p1 $0x1  }
0x15: {  	[smem:$0x3FAD] =	sst s0;
	s0 =	simm.s32 @!p2 $0x0  }
0x16: {  	s3 =	sld [smem:$0x3FDB];
	s0 =	simm.s32 @p2 $0x1  }
0x17: {  	s4 =	simm.s32 $0x1BF5;
	[smem:$0x3FAF] =	sst s0  }
0x18: {  	s0 =	sld [smem:$0x3F92];
	_ =	swait.ge [sflag:s4], $0x0  }
0x19: {  	s7 =	sld [smem:$0x3F93]  }
0x1a: {  	s8 =	sadd.s32 $0xFFFFE003, lr  }
0x1b: {  	s9 =	sadd.s32 $0xFFFFFEF7, lr;
	s5 =	simm.s32 $0xFFFFFFFF;
	p2 =	slt.u32 s8, $0xFFFFF086  }
0x1c: {  	p1 =	slt.u32 s9, $0xF7A;
	s5 =	simm.s32 @!p2 $0x0  }
0x1d: {  	s5 =	simm.s32 @p1 $0x1;
	p0 =	seq.s32 s7, s2  }
0x1e: {  	s7 =	smul.u32 @!p0 $0xF7A, s2;
	p2 =	seq.s32 @!p0 s5, $0x0  }
0x1f: {  	s9 =	smul.u32 $0xF7A, s1;
	s8 =	simm.s32 @!p0 $0x1BF5;
	p2 =	por !p2, p0  }
0x20: {  	[sflag:s8] =	ssyncset.s32 @!p0 $0xFFFFF086;
	s6 =	sadd.s32 @!p0 s3, s7;
	s7 =	simm.s32 @!p0 $0x108  }
0x21: {  	s3 =	sadd.s32 s3, s9;
	s6 =	sadd.s32 @!p0 $0x88, s6;
	s7 =	simm.s32 @p2 $0x1082  }
0x22: {  	[simem:s7], [sflag:s8] =	dma.local @!p0 [hbm:s6], $0xF7A  }
0x23: {  	s9 =	sor.u32 $0xD0000000, s2;
	s6 =	simm.s32 $0x108;
	_ =	swait.ge @!p0 [sflag:s8], $0x0  }
0x24: {  	s3 =	sadd.s32 $0x88, s3;
	s6 =	simm.s32 @!p1 $0x1082;
	[sflag:s4] =	ssyncset.s32 $0xFFFFF086  }
0x25: {  	[simem:s6], [sflag:s4] =	dma.local [hbm:s3], $0xF7A  }
0x26: {  	[smem:$0x3F93] =	sst s1;
	(tag) =	ssettag s2;
	_ =	strace s9  }
0x27: {  	s1 =	sld [smem:$0x3FA3]  }
0x28: {  	s2 =	sld [smem:$0x3FA4]  }
0x29: {  	s4 =	sld [smem:$0x3FA6]  }
0x2a: {  	p0 =	seq.s32 s5, $0x0;
	s5 =	sld [smem:$0x3FA7]  }
0x2b: {  	s6 =	sld [smem:$0x3FA8]  }
0x2c: {  	s7 =	sld [smem:$0x3FA9]  }
0x2d: {  	s3 =	simm.s32 $0x108;
	s8 =	sld [smem:$0x3FAA]  }
0x2e: {  	s3 =	simm.s32 @!p0 $0x1082;
	s9 =	sld [smem:$0x3FAB]  }
0x2f: {  	lr =	sadd.s32 s0, s3;
	s0 =	sld [smem:$0x3FA2]  }
0x30: {  	s3 =	sld [smem:$0x3FA5]  }
0x31: {  	[smem:$0x3FAE] =	sst s10  }
0x32: {  	s10 =	sld [smem:$0x3FAC];
	_ =	sdelay $0x3  }
0x33: {  	p0 =	seq.s32 s10, $0x1;
	s10 =	sld [smem:$0x3FAE];
	_ =	sdelay $0x3  }
0x34: {  	[smem:$0x3FAE] =	sst s10  }
0x35: {  	s10 =	sld [smem:$0x3FAD];
	_ =	sdelay $0x3  }
0x36: {  	p1 =	seq.s32 s10, $0x1;
	s10 =	sld [smem:$0x3FAE];
	_ =	sdelay $0x3  }
0x37: {  	[smem:$0x3FAE] =	sst s10  }
0x38: {  	s10 =	sld [smem:$0x3FAF]  }
0x39: {  	_ = 	snop;
	(pc) =	sbr.ind lr, $3  }
0x3a: {  	_ = 	snop  }
0x3b: {  	_ = 	snop  }
0x3c: {  	p2 =	seq.s32 s10, $0x1;
	s10 =	sld [smem:$0x3FAE]  }
0x3d: {  	_ =	shalt  }
0x3e: {  	_ =	shalt  }
0x3f: {  	_ =	shalt  }
0x40: {  	_ =	shalt  }
0x41: {  	_ =	shalt  }
0x42: {  	_ =	shalt  }
0x43: {  	_ =	shalt  }
0x44: {  	_ =	shalt  }
0x45: {  	_ =	shalt  }
0x46: {  	_ =	shalt  }
0x47: {  	_ =	shalt  }
0x48: {  	_ =	shalt  }
0x49: {  	_ =	shalt  }
0x4a: {  	_ =	shalt  }
0x4b: {  	_ =	shalt  }
0x4c: {  	_ =	shalt  }
0x4d: {  	_ =	shalt  }
0x4e: {  	_ =	shalt  }
0x4f: {  	_ =	shalt  }
0x50: {  	_ =	shalt  }
0x51: {  	_ =	shalt  }
0x52: {  	_ =	shalt  }
0x53: {  	_ =	shalt  }
0x54: {  	_ =	shalt  }
0x55: {  	_ =	shalt  }
0x56: {  	_ =	shalt  }
0x57: {  	_ =	shalt  }
0x58: {  	_ =	shalt  }
0x59: {  	_ =	shalt  }
0x5a: {  	_ =	shalt  }
0x5b: {  	_ =	shalt  }
0x5c: {  	_ =	shalt  }
0x5d: {  	_ =	shalt  }
0x5e: {  	_ =	shalt  }
0x5f: {  	_ =	shalt  }
0x60: {  	_ =	shalt  }
0x61: {  	_ =	shalt  }
0x62: {  	_ =	shalt  }
0x63: {  	_ =	shalt  }
0x64: {  	_ =	shalt  }
0x65: {  	_ =	shalt  }
0x66: {  	_ =	shalt  }
0x67: {  	_ =	shalt  }
0x68: {  	_ =	shalt  }
0x69: {  	_ =	shalt  }
0x6a: {  	_ =	shalt  }
0x6b: {  	_ =	shalt  }
0x6c: {  	_ =	shalt  }
0x6d: {  	_ =	shalt  }
0x6e: {  	_ =	shalt  }
0x6f: {  	_ =	shalt  }
0x70: {  	_ =	shalt  }
0x71: {  	_ =	shalt  }
0x72: {  	_ =	shalt  }
0x73: {  	_ =	shalt  }
0x74: {  	_ =	shalt  }
0x75: {  	_ =	shalt  }
0x76: {  	_ =	shalt  }
0x77: {  	_ =	shalt  }
0x78: {  	_ =	shalt  }
0x79: {  	_ =	shalt  }
0x7a: {  	_ =	shalt  }
0x7b: {  	_ =	shalt  }
0x7c: {  	_ =	shalt  }
0x7d: {  	_ =	shalt  }
0x7e: {  	_ =	shalt  }
0x7f: {  	_ =	shalt  }
0x80: {  	_ =	shalt  }
0x81: {  	_ =	shalt  }
0x82: {  	_ =	shalt  }
0x83: {  	_ =	shalt  }
0x84: {  	_ =	shalt  }
0x85: {  	_ =	shalt  }
0x86: {  	_ =	shalt  }
0x87: {  	_ =	shalt  }
.Lfunc_end0:
.L_simem_size_0:
called_computation.2_lowered:
.L_overlay_start_0:
0x88: {  	s2 =	sld [smem:$0x3FD9]  }
0x89: {  	s3 =	sld [smem:$0x3FFE];
	_ =	sdelay $0x1  }
0x8a: {  	s1 =	srdreg.scid  }
0x8b: {  	s0 =	sand.u32 $0x1, s1  }
0x8c: {  	s14 =	sshll.u32 s0, $0xA;
	s2 =	sadd.s32 s3, s2  }
0x8d: {  	s2 =	sadd.s32 s2, s14  }
0x8e: {  	[smem:$0x3FBA] =	sst s2  }
0x8f: {  	_ = 	snop  }
0x90: {  	s2 =	sld [smem:$0x3FD0];
	_ =	sdelay $0x2  }
0x91: {  	s15 =	simm.s32 $0xB;
	s4 =	simm.s32 $0x10  }
0x92: {  	[smem:s4], [sflag:s15] =	dma.local [hbm:s2], $0x1  }
0x93: {  	_ =	swait.eq [sflag:s15], $0x1  }
0x94: {  	[sflag:s15] =	ssyncset.done $0x0  }
0x95: {  	s16 =	sld [smem:$0x10];
	[sflag:s15] =	ssyncadd.s32 $0xFFFFFFFF  }
0x96: {  	s17 =	sld [smem:$0x11];
	(tm) =	ssettm $0x1  }
0x97: {  	s18 =	sld [smem:$0x3FFB];
	_ =	sdelay $0x3  }
0x98: {  	_ =	strace s18  }
0x99: {  	s4 =	sld [smem:$0x3FFC];
	_ =	sdelay $0x3  }
0x9a: {  	_ =	strace s4  }
0x9b: {  	s4 =	sld [smem:$0x3FFD];
	_ =	sdelay $0x3  }
0x9c: {  	_ =	strace s4  }
0x9d: {  	_ =	strace $0x8FFFFFFF  }
0x9e: {  	s19 =	sld [smem:$0x3FDB];
	_ =	sdelay $0x1  }
0x9f: {  	s5 =	simm.s32 $_scs_section_size  }
0xa0: {  	s6 =	simm.s32 $_size__tile_overlayer_lowered;
	s7 =	simm.s32 $_tile_overlayer_lowered  }
0xa1: {  	s22 =	simm.s32 $0x1BFF;
	s21 =	sshll.u32 s7, $0x1;
	s4 =	sadd.s32 s5, s19  }
0xa2: {  	s8 =	simm.s32 $0x0;
	s20 =	sshll.u32 s6, $0x1;
	s6 =	sadd.s32 s21, s4  }
0xa3: {  	[timem:s8], [sflag:s22] =	dma.local [hbm:s6], s20  }
0xa4: {  	_ =	swait.ge [sflag:s22], s20  }
0xa5: {  	s5 =	ssub.s32 $0x0, s20;
	[sflag:s22] =	ssyncset.done $0x0  }
0xa6: {  	[sflag:s22] =	ssyncadd.s32 s5;
	_ =	sdelay $0x1  }
0xa7: {  	s23 =	simm.s32 $0x1B8B  }
0xa8: {  	_ =	swait.ge [sflag:s23], $0x1  }
0xa9: {  	[sflag:s23] =	ssyncset.done $0x0  }
0xaa: {  	s25 =	simm.s32 $0x1B8E;
	s24 =	sld [smem:$0x3FFE];
	[sflag:s23] =	ssyncadd.s32 $0xFFFFFFFF  }
0xab: {  	s26 =	simm.s32 $execute0_lowered;
	[smem:$0x3FD2] =	sst s25  }
0xac: {  	s6 =	sshll.u32 s26, $0x1;
	_ =	strace $0x80000049;
	[dreg:$0x1] =	wrdreg $0xFFFFFFFF  }
0xad: {  	s28 =	simm.s32 $_size_execute0_lowered;
	s4 =	sadd.s32 s4, s6;
	[dreg:$0x0] =	wrdreg $0x0  }
0xae: {  	s6 =	sshll.u32 s28, $0x1;
	[dreg:$0x2] =	wrdreg s4  }
0xaf: {  	[dreg:$0x3] =	wrdreg s6  }
0xb0: {  	[dreg:$0x4] =	wrdreg $0xC0  }
0xb1: {  	_ =	task [dreg:s8], $0x5FFFF  }
0xb2: {  	[dreg:$0x1] =	wrdreg $0xFFFFFFFF  }
0xb3: {  	[dreg:$0x0] =	wrdreg $0x60  }
0xb4: {  	[dreg:$0x2] =	wrdreg s24  }
0xb5: {  	[dreg:$0x3] =	wrdreg s17  }
0xb6: {  	[dreg:$0x4] =	wrdreg s16  }
0xb7: {  	[dreg:$0x5] =	wrdreg $0x94300  }
0xb8: {  	[dreg:$0x6] =	wrdreg $0x134300  }
0xb9: {  	[dreg:$0x7] =	wrdreg $0xA  }
0xba: {  	_ =	task.clear_ibuf [dreg:s8], $0x8FFFF;
	_ =	strace $0x90000049  }
0xbb: {  	s29 =	simm.s32 $0xA;
	_ =	strace $0x8000004B  }
0xbc: {  	_ =	swait.ge [sflag:s29], $0x1  }
0xbd: {  	[sflag:s29] =	ssyncadd.s32 $0xFFFFFFFF  }
0xbe: {  	_ =	strace $0x9000004B  }
0xbf: {  	_ =	sfence  }
0xc0: {  	s30 =	sld [smem:$0x0];
	_ =	sdelay $0x2  }
0xc1: {  	s31 =	sshll.u32 s1, $0xD;
	s1 =	sshrl.u32 s1, $0x2  }
0xc2: {  	s3 =	sand.u32 $0x4000, s31;
	s1 =	sadd.s32 s1, s30  }
0xc3: {  	s0 =	sor.u32 s3, s0;
	s1 =	sshll.u32 s1, $0x11  }
0xc4: {  	s0 =	sor.u32 s1, s0  }
0xc5: {  	s0 =	sadd.s32 $0x8F2B, s0  }
0xc6: {  	[sflag:s0] =	ssyncadd.remote.s32 $0x1  }
0xc7: {  	_ =	sfence.sel $0xFFFF  }
0xc8: {  	[dreg:$0x0] =	wrdreg $0xFFFFFFFF;
	(pc) =	sbr.abs _section_cstart, $3  }
0xc9: {  	[dreg:$0x1] =	wrdreg $0xFFFFFFFF  }
0xca: {  	_ =	task.clear_ibuf [dreg:s8], $0x2FFFF;
	_ =	strace $0x9FFFFFFF  }
0xcb: {  	(tm) =	ssettm $0x7FFFFFFF  }
tec
execute0_lowered:
.L_overlay_start_1:
0x0: {  	(tag) =	ssettag $0x1  }
0x1: {  	s0 =	rddreg [dreg:$0x0]  }
0x2: {  	s15 =	rddreg [dreg:$0x1]  }
0x3: {  	s1 =	rddreg [dreg:$0x2]  }
0x4: {  	s4 =	rddreg [dreg:$0x3];
	s2 =	srdreg.scid  }
0x5: {  	s5 =	rddreg [dreg:$0x4];
	s16 =	stileid.u32;
	s6 =	simm.s32 $0x0  }
0x6: {  	s28 =	simm.s32 $0x80;
	s29 =	simm.s32 $0x4F20;
	s30 =	simm.s32 $0x1  }
0x7: {  	s31 =	simm.s32 $0x6F20;
	s2 =	sand.u32 $0x1, s2;
	s10 =	smul.u32 $0xA000, s16  }
0x8: {  	[smem:$0x7FF] =	sst s6;
	s9 =	smul.u32 $0x280, s16;
	s7 =	sadd.s32 $0xD400, s0  }
0x9: {  	s8 =	sadd.s32 $0x3200, s0;
	s14 =	smul.u32 $0x28000, s16;
	s20 =	sshll.u32 s16, $0x1  }
0xa: {  	s22 =	sadd.s32 $0x4E2, s15;
	s3 =	smul.u32 $0xA0000, s2;
	_ =	strace $0x8000004A  }
0xb: {  	s11 =	smul.u32 $0x2800, s2;
	s12 =	ssub.s32 $0x2, s2;
	s2 =	sor.u32 s2, s20  }
0xc: {  	[dreg:$0x6] =	wrdreg s22;
	s20 =	simm.s32 $0x2;
	s22 =	simm.s32 $0x8FB0  }
0xd: {  	s13 =	sshrl.u32 s12, $0x1;
	s21 =	sshrl.u32 s14, $0x2;
	s16 =	smul.u32 $0x51, s2  }
0xe: {  	s26 =	sadd.s32 s10, s4;
	s2 =	simm.s32 $0x8F20;
	s3 =	sadd.s32 s10, s3  }
0xf: {  	s11 =	sadd.s32 s9, s11;
	s12 =	ssub.s32 s12, s13;
	s9 =	sadd.s32 s9, s5  }
0x10: {  	s3 =	sshrl.u32 s3, $0x3;
	s11 =	sshrl.u32 s11, $0x3;
	s23 =	sadd.s32 $0x80, s9  }
0x11: {  	s24 =	sadd.s32 $0x100, s9;
	s25 =	sadd.s32 $0x180, s9;
	s15 =	sadd.s32 $0x200, s9  }
0x12: {  	s19 =	smax.u32 s12, $0x1;
	s3 =	sadd.s32 s3, s0;
	[dreg:$0x7] =	wrdreg s23  }
0x13: {  	s0 =	sadd.s32 s11, s0;
	s11 =	sadd.s32 s21, s4;
	[dreg:$0x8] =	wrdreg s24  }
0x14: {  	[dreg:$0x9] =	wrdreg s25;
	s21 =	simm.s32 $0x2710;
	s23 =	simm.s32 $0x93B0  }
0x15: {  	s24 =	simm.s32 $0x4E20;
	s25 =	sshrl.u32 s26, $0x3;
	s26 =	simm.s32 $0x4EA0  }
0x16: {  	v0 =	vimm.f32 $0.0e+00;
	s17 =	sadd.s32 $0x18000, s3;
	s18 =	sadd.s32 $0x17600, s0;
	s0 =	simm.s32 $0x0  }
.LBB2_1:
0x17: {  	s3 =	rddreg [dreg:$0x1]  }
0x18: {  	[tilespmem:s6], [sflag:$0x2] =	stream.linear.gather [hbm4b:s3+s6], $0x2710, $0x38;
	[tilespmem:$0x136B0] =	vst v63  }
0x19: {  	_ =	swait.ge [sflag:s20], $0x2710  }
0x1a: {  	[sflag:s20] =	ssyncset.done $0x0  }
0x1b: {  	s13 =	rddreg [dreg:$0x6];
	[sflag:s20] =	ssyncadd.s32 $0xFFFFD8F0  }
0x1c: {  	[tilespmem:s21], [sflag:$0x2] =	stream.linear.gather [hbm4b:s13+s6], $0x2710, $0x38;
	[tilespmem:$0x136B0] =	vst v63  }
0x1d: {  	_ =	swait.ge [sflag:s20], $0x2710  }
0x1e: {  	[sflag:s20] =	ssyncset.done $0x0  }
0x1f: {  	[sflag:s20] =	ssyncadd.s32 $0xFFFFD8F0  }
0x20: {  	[tilespmem:$0x8FB0] =	vst v0  }
0x21: {  	[tilespmem:$0x8FC0] =	vst v0  }
0x22: {  	[tilespmem:$0x8FD0] =	vst v0  }
0x23: {  	[tilespmem:$0x8FE0] =	vst v0  }
0x24: {  	[tilespmem:$0x8FF0] =	vst v0  }
0x25: {  	[tilespmem:$0x9000] =	vst v0  }
0x26: {  	[tilespmem:$0x9010] =	vst v0  }
0x27: {  	[tilespmem:$0x9020] =	vst v0  }
0x28: {  	[tilespmem:$0x9030] =	vst v0  }
0x29: {  	[tilespmem:$0x9040] =	vst v0  }
0x2a: {  	[tilespmem:$0x9050] =	vst v0  }
0x2b: {  	[tilespmem:$0x9060] =	vst v0  }
0x2c: {  	[tilespmem:$0x9070] =	vst v0  }
0x2d: {  	[tilespmem:$0x9080] =	vst v0  }
0x2e: {  	[tilespmem:$0x9090] =	vst v0  }
0x2f: {  	[tilespmem:$0x90A0] =	vst v0  }
0x30: {  	[tilespmem:$0x90B0] =	vst v0  }
0x31: {  	[tilespmem:$0x90C0] =	vst v0  }
0x32: {  	[tilespmem:$0x90D0] =	vst v0  }
0x33: {  	[tilespmem:$0x90E0] =	vst v0  }
0x34: {  	[tilespmem:$0x90F0] =	vst v0  }
0x35: {  	[tilespmem:$0x9100] =	vst v0  }
0x36: {  	[tilespmem:$0x9110] =	vst v0  }
0x37: {  	[tilespmem:$0x9120] =	vst v0  }
0x38: {  	[tilespmem:$0x9130] =	vst v0  }
0x39: {  	[tilespmem:$0x9140] =	vst v0  }
0x3a: {  	[tilespmem:$0x9150] =	vst v0  }
0x3b: {  	[tilespmem:$0x9160] =	vst v0  }
0x3c: {  	[tilespmem:$0x9170] =	vst v0  }
0x3d: {  	[tilespmem:$0x9180] =	vst v0  }
0x3e: {  	[tilespmem:$0x9190] =	vst v0  }
0x3f: {  	[tilespmem:$0x91A0] =	vst v0  }
0x40: {  	[tilespmem:$0x91B0] =	vst v0  }
0x41: {  	[tilespmem:$0x91C0] =	vst v0  }
0x42: {  	[tilespmem:$0x91D0] =	vst v0  }
0x43: {  	[tilespmem:$0x91E0] =	vst v0  }
0x44: {  	[tilespmem:$0x91F0] =	vst v0  }
0x45: {  	[tilespmem:$0x9200] =	vst v0  }
0x46: {  	[tilespmem:$0x9210] =	vst v0  }
0x47: {  	[tilespmem:$0x9220] =	vst v0  }
0x48: {  	[tilespmem:$0x9230] =	vst v0  }
0x49: {  	[tilespmem:$0x9240] =	vst v0  }
0x4a: {  	[tilespmem:$0x9250] =	vst v0  }
0x4b: {  	[tilespmem:$0x9260] =	vst v0  }
0x4c: {  	[tilespmem:$0x9270] =	vst v0  }
0x4d: {  	[tilespmem:$0x9280] =	vst v0  }
0x4e: {  	[tilespmem:$0x9290] =	vst v0  }
0x4f: {  	[tilespmem:$0x92A0] =	vst v0  }
0x50: {  	[tilespmem:$0x92B0] =	vst v0  }
0x51: {  	[tilespmem:$0x92C0] =	vst v0  }
0x52: {  	[tilespmem:$0x92D0] =	vst v0  }
0x53: {  	[tilespmem:$0x92E0] =	vst v0  }
0x54: {  	[tilespmem:$0x92F0] =	vst v0  }
0x55: {  	[tilespmem:$0x9300] =	vst v0  }
0x56: {  	[tilespmem:$0x9310] =	vst v0  }
0x57: {  	[tilespmem:$0x9320] =	vst v0  }
0x58: {  	[tilespmem:$0x9330] =	vst v0  }
0x59: {  	[tilespmem:$0x9340] =	vst v0  }
0x5a: {  	[tilespmem:$0x9350] =	vst v0  }
0x5b: {  	[tilespmem:$0x9360] =	vst v0  }
0x5c: {  	[tilespmem:$0x9370] =	vst v0  }
0x5d: {  	[tilespmem:$0x9380] =	vst v0  }
0x5e: {  	[tilespmem:$0x9390] =	vst v0  }
0x5f: {  	[tilespmem:$0x93A0] =	vst v0  }
0x60: {  	[tilespmem:$0x93B0] =	vst v0  }
0x61: {  	[tilespmem:$0x93C0] =	vst v0  }
0x62: {  	[tilespmem:$0x93D0] =	vst v0  }
0x63: {  	[tilespmem:$0x93E0] =	vst v0  }
0x64: {  	[tilespmem:$0x93F0] =	vst v0  }
0x65: {  	[tilespmem:$0x9400] =	vst v0  }
0x66: {  	[tilespmem:$0x9410] =	vst v0  }
0x67: {  	s14 =	sadd.s32 $0x0, s11;
	[tilespmem:$0x9420] =	vst v0  }
0x68: {  	[spmem:s14] =	stream.linear.scatter [tilespmem:s22], [sflag:$0x2], $0x400, $0x38;
	[tilespmem:$0x136B0] =	vst v63  }
0x69: {  	s3 =	simm.s32 $0x1000;
	_ =	swait.ge [sflag:s20], $0x400  }
.LBB2_2:
0x6a: {  	s10 =	sshra.s32 s3, $0x2;
	[sflag:s20] =	ssyncset.done $0x0;
	p0 =	sne.s32 s3, $0x27000  }
.Ltmp0:
0x6b: {  	s10 =	sadd.s32 s10, s11;
	[sflag:s20] =	ssyncadd.s32 $0xFFFFFC00;
	(pc) =	sbr.rel @p0 .LBB2_2-.Ltmp0, $3  }
0x6c: {  	[spmem:s10] =	stream.linear.scatter [tilespmem:s22], [sflag:$0x2], $0x400, $0x38;
	[tilespmem:$0x136B0] =	vst v63  }
0x6d: {  	s3 =	sadd.s32 $0x1000, s3;
	_ =	sdelay $0x1  }
0x6e: {  	_ =	swait.ge [sflag:s20], $0x400  }
0x6f: {  	[sflag:s20] =	ssyncset.done $0x0  }
0x70: {  	[sflag:s20] =	ssyncadd.s32 $0xFFFFFC00  }
0x71: {  	[spmem:s9] =	stream.linear.scatter [tilespmem:s23], [sflag:$0x2], $0x80, $0x38;
	[tilespmem:$0x136B0] =	vst v63  }
0x72: {  	_ =	swait.ge [sflag:s20], $0x80  }
0x73: {  	[sflag:s20] =	ssyncset.done $0x0  }
0x74: {  	s3 =	rddreg [dreg:$0x7];
	[sflag:s20] =	ssyncadd.s32 $0xFFFFFF80  }
0x75: {  	[spmem:s3] =	stream.linear.scatter [tilespmem:s23], [sflag:$0x2], $0x80, $0x38;
	[tilespmem:$0x136B0] =	vst v63  }
0x76: {  	_ =	swait.ge [sflag:s20], $0x80  }
0x77: {  	[sflag:s20] =	ssyncset.done $0x0  }
0x78: {  	s13 =	rddreg [dreg:$0x8];
	[sflag:s20] =	ssyncadd.s32 $0xFFFFFF80  }
0x79: {  	[spmem:s13] =	stream.linear.scatter [tilespmem:s23], [sflag:$0x2], $0x80, $0x38;
	[tilespmem:$0x136B0] =	vst v63  }
0x7a: {  	_ =	swait.ge [sflag:s20], $0x80  }
0x7b: {  	[sflag:s20] =	ssyncset.done $0x0  }
0x7c: {  	s14 =	rddreg [dreg:$0x9];
	[sflag:s20] =	ssyncadd.s32 $0xFFFFFF80  }
0x7d: {  	[spmem:s14] =	stream.linear.scatter [tilespmem:s23], [sflag:$0x2], $0x80, $0x38;
	[tilespmem:$0x136B0] =	vst v63  }
0x7e: {  	_ =	swait.ge [sflag:s20], $0x80  }
0x7f: {  	[sflag:s20] =	ssyncset.done $0x0  }
0x80: {  	[sflag:s20] =	ssyncadd.s32 $0xFFFFFF80  }
0x81: {  	[spmem:s15] =	stream.linear.scatter [tilespmem:s23], [sflag:$0x2], $0x80, $0x38;
	[tilespmem:$0x136B0] =	vst v63  }
0x82: {  	_ =	swait.ge [sflag:s20], $0x80  }
0x83: {  	[sflag:s20] =	ssyncset.done $0x0  }
0x84: {  	[sflag:s20] =	ssyncadd.s32 $0xFFFFFF80  }
0x85: {  	s3 =	simm.s32 $0x0;
	[bflag:$0x0] =	sbarrier.arrive $0xFFFF  }
.LBB2_4:
0x86: {  	s10 =	sadd.s32 s16, s3  }
0x87: {  	s12 =	sshll.u32 s10, $0x4  }
0x88: {  	s13 =	sadd.s32 s7, s12  }
0x89: {  	[tilespmem:s24], [sflag:$0x2] =	stream.linear.gather [hbm4b:s13+s6], $0x80, $0x38;
	[tilespmem:$0x136B0] =	vst v63  }
0x8a: {  	_ =	swait.ge [sflag:s20], $0x80  }
0x8b: {  	[sflag:s20] =	ssyncset.done $0x0  }
0x8c: {  	s12 =	sadd.s32 s8, s12;
	[sflag:s20] =	ssyncadd.s32 $0xFFFFFF80  }
0x8d: {  	[tilespmem:s26], [sflag:$0x2] =	stream.linear.gather [hbm4b:s12+s6], $0x80, $0x38;
	[tilespmem:$0x136B0] =	vst v63  }
0x8e: {  	_ =	swait.ge [sflag:s20], $0x80  }
0x8f: {  	[sflag:s20] =	ssyncset.done $0x0  }
0x90: {  	[sflag:s20] =	ssyncadd.s32 $0xFFFFFF80  }
0x91: {  	[tilespmem:s29], [sflag:$0x1] =	stream.indirect.gather [hbm4b:s1+s28], $0x40, s24, s28, $0xb8;
	[tilespmem:$0x136B0] =	vst v63  }
0x92: {  	_ =	swait.ge [sflag:s30], $0x2000  }
0x93: {  	[sflag:s30] =	ssyncset.done $0x0  }
0x94: {  	[sflag:s30] =	ssyncadd.s32 $0xFFFFE000  }
0x95: {  	v1 =	vld [tilespmem:$0x4E20]  }
0x96: {  	v2 =	vld [tilespmem:$0x4EA0];
	_ =	sdelay $0x6  }
0x97: {  	v1 =	vld.idx.msk [tilespmem:v1+s6+$0x0], $0xffff  }
0x98: {  	v2 =	vld.idx.msk [tilespmem:v2+s21+$0x0], $0xffff;
	_ =	sdelay $0x4  }
0x99: {  	v1 =	vadd.f32 v2, v1;
	_ =	sdelay $0x1  }
0x9a: {  	v2 =	vmul.f32 $2.000000030e-01, v1  }
0x9b: {  	vm0 =	vgt.f32 v1, $0.0e+00  }
0x9c: {  	v1 =	vsel vm0, v1, v2  }
0x9d: {  	v1 =	vmul.f32 $1.442695020e+00, v1;
	_ =	sdelay $0x1  }
0x9e: {  	(erf) = vpow2.f32 v1;
	_ =	sdelay $0x3  }
0x9f: {  	v1 =	vld [tilespmem:$0x4E30]  }
0xa0: {  	v2 =	vld [tilespmem:$0x4EB0];
	_ =	sdelay $0x2  }
0xa1: {  	s10 =	sshll.u32 s10, $0x7  }
0xa2: {  	p0 =	slt.u32 s10, $0x50910;
	v3 =	vpop (erf)  }
0xa3: {  	v3 =	vpsel !p0, $0x0, v3  }
0xa4: {  	[tilespmem:$0x8F20] =	vst v3  }
0xa5: {  	v1 =	vld.idx.msk [tilespmem:v1+s6+$0x0], $0xffff  }
0xa6: {  	v2 =	vld.idx.msk [tilespmem:v2+s21+$0x0], $0xffff;
	_ =	sdelay $0x4  }
0xa7: {  	v1 =	vadd.f32 v2, v1;
	_ =	sdelay $0x1  }
0xa8: {  	v2 =	vmul.f32 $2.000000030e-01, v1  }
0xa9: {  	vm9 =	vgt.f32 v1, $0.0e+00  }
0xaa: {  	v1 =	vsel vm9, v1, v2  }
0xab: {  	v1 =	vmul.f32 $1.442695020e+00, v1;
	_ =	sdelay $0x1  }
0xac: {  	(erf) = vpow2.f32 v1;
	_ =	sdelay $0x3  }
0xad: {  	v1 =	vld [tilespmem:$0x4E40]  }
0xae: {  	v2 =	vld [tilespmem:$0x4EC0];
	_ =	sdelay $0x2  }
0xaf: {  	s14 =	sor.u32 $0x10, s10  }
0xb0: {  	p6 =	slt.u32 s14, $0x50910;
	v3 =	vpop (erf)  }
0xb1: {  	v3 =	vpsel !p6, $0x0, v3  }
0xb2: {  	[tilespmem:$0x8F30] =	vst v3  }
0xb3: {  	v1 =	vld.idx.msk [tilespmem:v1+s6+$0x0], $0xffff  }
0xb4: {  	v2 =	vld.idx.msk [tilespmem:v2+s21+$0x0], $0xffff;
	_ =	sdelay $0x4  }
0xb5: {  	v1 =	vadd.f32 v2, v1;
	_ =	sdelay $0x1  }
0xb6: {  	v2 =	vmul.f32 $2.000000030e-01, v1  }
0xb7: {  	vm10 =	vgt.f32 v1, $0.0e+00  }
0xb8: {  	v1 =	vsel vm10, v1, v2  }
0xb9: {  	v1 =	vmul.f32 $1.442695020e+00, v1;
	_ =	sdelay $0x1  }
0xba: {  	(erf) = vpow2.f32 v1;
	_ =	sdelay $0x3  }
0xbb: {  	v1 =	vld [tilespmem:$0x4E50]  }
0xbc: {  	v2 =	vld [tilespmem:$0x4ED0];
	_ =	sdelay $0x2  }
0xbd: {  	s13 =	sor.u32 $0x20, s10  }
0xbe: {  	p1 =	slt.u32 s13, $0x50910;
	v3 =	vpop (erf)  }
0xbf: {  	v3 =	vpsel !p1, $0x0, v3  }
0xc0: {  	[tilespmem:$0x8F40] =	vst v3  }
0xc1: {  	v1 =	vld.idx.msk [tilespmem:v1+s6+$0x0], $0xffff  }
0xc2: {  	v2 =	vld.idx.msk [tilespmem:v2+s21+$0x0], $0xffff;
	_ =	sdelay $0x4  }
0xc3: {  	v1 =	vadd.f32 v2, v1;
	_ =	sdelay $0x1  }
0xc4: {  	v2 =	vmul.f32 $2.000000030e-01, v1  }
0xc5: {  	vm11 =	vgt.f32 v1, $0.0e+00  }
0xc6: {  	v1 =	vsel vm11, v1, v2  }
0xc7: {  	v1 =	vmul.f32 $1.442695020e+00, v1;
	_ =	sdelay $0x1  }
0xc8: {  	(erf) = vpow2.f32 v1;
	_ =	sdelay $0x3  }
0xc9: {  	v1 =	vld [tilespmem:$0x4E60]  }
0xca: {  	v2 =	vld [tilespmem:$0x4EE0];
	_ =	sdelay $0x2  }
0xcb: {  	s14 =	sor.u32 $0x30, s10  }
0xcc: {  	p2 =	slt.u32 s14, $0x50910;
	v3 =	vpop (erf)  }
0xcd: {  	v3 =	vpsel !p2, $0x0, v3  }
0xce: {  	[tilespmem:$0x8F50] =	vst v3  }
0xcf: {  	v1 =	vld.idx.msk [tilespmem:v1+s6+$0x0], $0xffff  }
0xd0: {  	v2 =	vld.idx.msk [tilespmem:v2+s21+$0x0], $0xffff;
	_ =	sdelay $0x4  }
0xd1: {  	v1 =	vadd.f32 v2, v1;
	_ =	sdelay $0x1  }
0xd2: {  	v2 =	vmul.f32 $2.000000030e-01, v1  }
0xd3: {  	vm12 =	vgt.f32 v1, $0.0e+00  }
0xd4: {  	v1 =	vsel vm12, v1, v2  }
0xd5: {  	v1 =	vmul.f32 $1.442695020e+00, v1;
	_ =	sdelay $0x1  }
0xd6: {  	(erf) = vpow2.f32 v1;
	_ =	sdelay $0x3  }
0xd7: {  	v1 =	vld [tilespmem:$0x4E70]  }
0xd8: {  	v2 =	vld [tilespmem:$0x4EF0];
	_ =	sdelay $0x2  }
0xd9: {  	s13 =	sor.u32 $0x40, s10  }
0xda: {  	p3 =	slt.u32 s13, $0x50910;
	v3 =	vpop (erf)  }
0xdb: {  	v3 =	vpsel !p3, $0x0, v3  }
0xdc: {  	[tilespmem:$0x8F60] =	vst v3  }
0xdd: {  	v1 =	vld.idx.msk [tilespmem:v1+s6+$0x0], $0xffff  }
0xde: {  	v2 =	vld.idx.msk [tilespmem:v2+s21+$0x0], $0xffff;
	_ =	sdelay $0x4  }
0xdf: {  	v1 =	vadd.f32 v2, v1;
	_ =	sdelay $0x1  }
0xe0: {  	v2 =	vmul.f32 $2.000000030e-01, v1  }
0xe1: {  	vm13 =	vgt.f32 v1, $0.0e+00  }
0xe2: {  	v1 =	vsel vm13, v1, v2  }
0xe3: {  	v1 =	vmul.f32 $1.442695020e+00, v1;
	_ =	sdelay $0x1  }
0xe4: {  	(erf) = vpow2.f32 v1;
	_ =	sdelay $0x3  }
0xe5: {  	v1 =	vld [tilespmem:$0x4E80]  }
0xe6: {  	v2 =	vld [tilespmem:$0x4F00];
	_ =	sdelay $0x2  }
0xe7: {  	s14 =	sor.u32 $0x50, s10  }
0xe8: {  	p4 =	slt.u32 s14, $0x50910;
	v3 =	vpop (erf)  }
0xe9: {  	v3 =	vpsel !p4, $0x0, v3  }
0xea: {  	[tilespmem:$0x8F70] =	vst v3  }
0xeb: {  	v1 =	vld.idx.msk [tilespmem:v1+s6+$0x0], $0xffff  }
0xec: {  	v2 =	vld.idx.msk [tilespmem:v2+s21+$0x0], $0xffff;
	_ =	sdelay $0x4  }
0xed: {  	v1 =	vadd.f32 v2, v1;
	_ =	sdelay $0x1  }
0xee: {  	v2 =	vmul.f32 $2.000000030e-01, v1  }
0xef: {  	vm14 =	vgt.f32 v1, $0.0e+00  }
0xf0: {  	v1 =	vsel vm14, v1, v2  }
0xf1: {  	v1 =	vmul.f32 $1.442695020e+00, v1;
	_ =	sdelay $0x1  }
0xf2: {  	(erf) = vpow2.f32 v1;
	_ =	sdelay $0x3  }
0xf3: {  	v1 =	vld [tilespmem:$0x4E90]  }
0xf4: {  	v2 =	vld [tilespmem:$0x4F10];
	_ =	sdelay $0x2  }
0xf5: {  	s13 =	sor.u32 $0x60, s10  }
0xf6: {  	p5 =	slt.u32 s13, $0x50910;
	v3 =	vpop (erf)  }
0xf7: {  	v3 =	vpsel !p5, $0x0, v3  }
0xf8: {  	[tilespmem:$0x8F80] =	vst v3  }
0xf9: {  	v1 =	vld.idx.msk [tilespmem:v1+s6+$0x0], $0xffff  }
0xfa: {  	v2 =	vld.idx.msk [tilespmem:v2+s21+$0x0], $0xffff;
	_ =	sdelay $0x4  }
0xfb: {  	v1 =	vadd.f32 v2, v1;
	_ =	sdelay $0x1  }
0xfc: {  	v2 =	vmul.f32 $2.000000030e-01, v1  }
0xfd: {  	vm15 =	vgt.f32 v1, $0.0e+00  }
0xfe: {  	v1 =	vsel vm15, v1, v2  }
0xff: {  	v1 =	vmul.f32 $1.442695020e+00, v1;
	_ =	sdelay $0x1  }
0x100: {  	(erf) = vpow2.f32 v1;
	_ =	sdelay $0x7  }
0x101: {  	s10 =	sor.u32 $0x70, s10  }
0x102: {  	p6 =	slt.u32 s10, $0x50910;
	v1 =	vpop (erf)  }
0x103: {  	v1 =	vpsel !p6, $0x0, v1  }
0x104: {  	s10 =	simm.s32 $0x8F22;
	[tilespmem:$0x8F90] =	vst v1  }
0x105: {  	s14 =	simm.s32 $0x4FA0;
	v1 =	vld.msk [tilespmem:s10+$0xFFFFFFFE ss:$0x0], $0xffff  }
0x106: {  	v2 =	vld [tilespmem:s14+$0xFFFFFF80];
	_ =	sdelay $0x4  }
0x107: {  	v2 =	vmul.f32 v1, v2  }
0x108: {  	s12 =	simm.s32 $0x6FA0  }
0x109: {  	[tilespmem:s12+$0xFFFFFF80] =	vst v2  }
0x10a: {  	v2 =	vld [tilespmem:s14+$0xFFFFFF90];
	_ =	sdelay $0x4  }
0x10b: {  	v2 =	vmul.f32 v2, v1;
	_ =	sdelay $0x1  }
0x10c: {  	[tilespmem:s12+$0xFFFFFF90] =	vst v2  }
0x10d: {  	v2 =	vld [tilespmem:s14+$0xFFFFFFA0];
	_ =	sdelay $0x4  }
0x10e: {  	v2 =	vmul.f32 v2, v1;
	_ =	sdelay $0x1  }
0x10f: {  	[tilespmem:s12+$0xFFFFFFA0] =	vst v2  }
0x110: {  	v2 =	vld [tilespmem:s14+$0xFFFFFFB0];
	_ =	sdelay $0x4  }
0x111: {  	v1 =	vmul.f32 v2, v1;
	_ =	sdelay $0x1  }
0x112: {  	[tilespmem:s12+$0xFFFFFFB0] =	vst v1  }
0x113: {  	v1 =	vld.msk [tilespmem:s10+$0xFFFFFFFF ss:$0x0], $0xffff  }
0x114: {  	v2 =	vld [tilespmem:s14+$0xFFFFFFC0];
	_ =	sdelay $0x4  }
0x115: {  	v2 =	vmul.f32 v1, v2;
	_ =	sdelay $0x1  }
0x116: {  	[tilespmem:s12+$0xFFFFFFC0] =	vst v2  }
0x117: {  	v2 =	vld [tilespmem:s14+$0xFFFFFFD0];
	_ =	sdelay $0x4  }
0x118: {  	v2 =	vmul.f32 v2, v1;
	_ =	sdelay $0x1  }
0x119: {  	[tilespmem:s12+$0xFFFFFFD0] =	vst v2  }
0x11a: {  	v2 =	vld [tilespmem:s14+$0xFFFFFFE0];
	_ =	sdelay $0x4  }
0x11b: {  	v2 =	vmul.f32 v2, v1;
	_ =	sdelay $0x1  }
0x11c: {  	[tilespmem:s12+$0xFFFFFFE0] =	vst v2  }
0x11d: {  	v2 =	vld [tilespmem:s14+$0xFFFFFFF0];
	_ =	sdelay $0x4  }
0x11e: {  	v1 =	vmul.f32 v2, v1;
	_ =	sdelay $0x1  }
0x11f: {  	[tilespmem:s12+$0xFFFFFFF0] =	vst v1  }
0x120: {  	v1 =	vld.msk [tilespmem:s10+$0x0 ss:$0x0], $0xffff  }
0x121: {  	v2 =	vld [tilespmem:s14+$0x0];
	_ =	sdelay $0x4  }
0x122: {  	v2 =	vmul.f32 v1, v2;
	_ =	sdelay $0x1  }
0x123: {  	[tilespmem:s12+$0x0] =	vst v2  }
0x124: {  	v2 =	vld [tilespmem:s14+$0x10];
	_ =	sdelay $0x4  }
0x125: {  	v2 =	vmul.f32 v2, v1;
	_ =	sdelay $0x1  }
0x126: {  	[tilespmem:s12+$0x10] =	vst v2  }
0x127: {  	v2 =	vld [tilespmem:s14+$0x20];
	_ =	sdelay $0x4  }
0x128: {  	v2 =	vmul.f32 v2, v1;
	_ =	sdelay $0x1  }
0x129: {  	[tilespmem:s12+$0x20] =	vst v2  }
0x12a: {  	v2 =	vld [tilespmem:s14+$0x30];
	_ =	sdelay $0x4  }
0x12b: {  	v1 =	vmul.f32 v2, v1;
	_ =	sdelay $0x1  }
0x12c: {  	[tilespmem:s12+$0x30] =	vst v1  }
0x12d: {  	v1 =	vld.msk [tilespmem:s10+$0x1 ss:$0x0], $0xffff  }
0x12e: {  	v2 =	vld [tilespmem:s14+$0x40];
	_ =	sdelay $0x4  }
0x12f: {  	v2 =	vmul.f32 v1, v2;
	_ =	sdelay $0x1  }
0x130: {  	[tilespmem:s12+$0x40] =	vst v2  }
0x131: {  	v2 =	vld [tilespmem:s14+$0x50];
	_ =	sdelay $0x4  }
0x132: {  	v2 =	vmul.f32 v2, v1;
	_ =	sdelay $0x1  }
0x133: {  	[tilespmem:s12+$0x50] =	vst v2  }
0x134: {  	v2 =	vld [tilespmem:s14+$0x60];
	_ =	sdelay $0x4  }
0x135: {  	v2 =	vmul.f32 v2, v1;
	_ =	sdelay $0x1  }
0x136: {  	[tilespmem:s12+$0x60] =	vst v2  }
0x137: {  	v2 =	vld [tilespmem:s14+$0x70];
	_ =	sdelay $0x4  }
0x138: {  	v1 =	vmul.f32 v2, v1  }
0x139: {  	s13 =	simm.s32 $0x0;
	s14 =	simm.s32 $0x50A0  }
.LBB2_5:
0x13a: {  	s13 =	sadd.s32 $0x4, s13;
	[tilespmem:s12+$0x70] =	vst v1;
	s10 =	sadd.s32 $0x4, s10;
	s12 =	sadd.s32 $0x100, s12  }
0x13b: {  	v1 =	vld.msk [tilespmem:s10+$0xFFFFFFFE ss:$0x0], $0xffff;
	p0 =	slt.u32 s13, $0x7C  }
0x13c: {  	v2 =	vld [tilespmem:s14+$0xFFFFFF80];
	_ =	sdelay $0x4  }
0x13d: {  	v2 =	vmul.f32 v1, v2;
	_ =	sdelay $0x1  }
0x13e: {  	[tilespmem:s12+$0xFFFFFF80] =	vst v2  }
0x13f: {  	v2 =	vld [tilespmem:s14+$0xFFFFFF90];
	_ =	sdelay $0x4  }
0x140: {  	v2 =	vmul.f32 v2, v1;
	_ =	sdelay $0x1  }
0x141: {  	[tilespmem:s12+$0xFFFFFF90] =	vst v2  }
0x142: {  	v2 =	vld [tilespmem:s14+$0xFFFFFFA0];
	_ =	sdelay $0x4  }
0x143: {  	v2 =	vmul.f32 v2, v1;
	_ =	sdelay $0x1  }
0x144: {  	[tilespmem:s12+$0xFFFFFFA0] =	vst v2  }
0x145: {  	v2 =	vld [tilespmem:s14+$0xFFFFFFB0];
	_ =	sdelay $0x4  }
0x146: {  	v1 =	vmul.f32 v2, v1;
	_ =	sdelay $0x1  }
0x147: {  	[tilespmem:s12+$0xFFFFFFB0] =	vst v1  }
0x148: {  	v1 =	vld.msk [tilespmem:s10+$0xFFFFFFFF ss:$0x0], $0xffff  }
0x149: {  	v2 =	vld [tilespmem:s14+$0xFFFFFFC0];
	_ =	sdelay $0x4  }
0x14a: {  	v2 =	vmul.f32 v1, v2;
	_ =	sdelay $0x1  }
0x14b: {  	[tilespmem:s12+$0xFFFFFFC0] =	vst v2  }
0x14c: {  	v2 =	vld [tilespmem:s14+$0xFFFFFFD0];
	_ =	sdelay $0x4  }
0x14d: {  	v2 =	vmul.f32 v2, v1;
	_ =	sdelay $0x1  }
0x14e: {  	[tilespmem:s12+$0xFFFFFFD0] =	vst v2  }
0x14f: {  	v2 =	vld [tilespmem:s14+$0xFFFFFFE0];
	_ =	sdelay $0x4  }
0x150: {  	v2 =	vmul.f32 v2, v1;
	_ =	sdelay $0x1  }
0x151: {  	[tilespmem:s12+$0xFFFFFFE0] =	vst v2  }
0x152: {  	v2 =	vld [tilespmem:s14+$0xFFFFFFF0];
	_ =	sdelay $0x4  }
0x153: {  	v1 =	vmul.f32 v2, v1;
	_ =	sdelay $0x1  }
0x154: {  	[tilespmem:s12+$0xFFFFFFF0] =	vst v1  }
0x155: {  	v1 =	vld.msk [tilespmem:s10+$0x0 ss:$0x0], $0xffff  }
0x156: {  	v2 =	vld [tilespmem:s14+$0x0];
	_ =	sdelay $0x4  }
0x157: {  	v2 =	vmul.f32 v1, v2;
	_ =	sdelay $0x1  }
0x158: {  	[tilespmem:s12+$0x0] =	vst v2  }
0x159: {  	v2 =	vld [tilespmem:s14+$0x10];
	_ =	sdelay $0x4  }
0x15a: {  	v2 =	vmul.f32 v2, v1;
	_ =	sdelay $0x1  }
0x15b: {  	[tilespmem:s12+$0x10] =	vst v2  }
0x15c: {  	v2 =	vld [tilespmem:s14+$0x20];
	_ =	sdelay $0x4  }
0x15d: {  	v2 =	vmul.f32 v2, v1;
	_ =	sdelay $0x1  }
0x15e: {  	[tilespmem:s12+$0x20] =	vst v2  }
0x15f: {  	v2 =	vld [tilespmem:s14+$0x30];
	_ =	sdelay $0x4  }
0x160: {  	v1 =	vmul.f32 v2, v1;
	_ =	sdelay $0x1  }
0x161: {  	[tilespmem:s12+$0x30] =	vst v1  }
0x162: {  	v1 =	vld.msk [tilespmem:s10+$0x1 ss:$0x0], $0xffff  }
0x163: {  	v2 =	vld [tilespmem:s14+$0x40];
	_ =	sdelay $0x4  }
0x164: {  	v2 =	vmul.f32 v1, v2;
	_ =	sdelay $0x1  }
0x165: {  	[tilespmem:s12+$0x40] =	vst v2  }
0x166: {  	v2 =	vld [tilespmem:s14+$0x50];
	_ =	sdelay $0x4  }
0x167: {  	v2 =	vmul.f32 v2, v1;
	_ =	sdelay $0x1  }
0x168: {  	[tilespmem:s12+$0x50] =	vst v2  }
0x169: {  	v2 =	vld [tilespmem:s14+$0x60];
	_ =	sdelay $0x4  }
0x16a: {  	v2 =	vmul.f32 v2, v1;
	_ =	sdelay $0x1  }
0x16b: {  	[tilespmem:s12+$0x60] =	vst v2  }
0x16c: {  	v2 =	vld [tilespmem:s14+$0x70];
	_ =	sdelay $0x1  }
.Ltmp1:
0x16d: {  	(pc) =	sbr.rel @p0 .LBB2_5-.Ltmp1, $3  }
0x16e: {  	_ =	sdelay $0x1  }
0x16f: {  	v1 =	vmul.f32 v2, v1  }
0x170: {  	s14 =	sadd.s32 $0x100, s14  }
0x171: {  	[tilespmem:s12+$0x70] =	vst v1  }
0x172: {  	[spmem:s4] =	stream.indirect.scatter.add.f32 [tilespmem:s31], [sflag:$0x2], $0x40, s26, s28, $0xb8;
	[tilespmem:$0x136B0] =	vst v63  }
0x173: {  	s3 =	sadd.s32 $0x1, s3;
	_ =	swait.ge [sflag:s20], $0x2000  }
0x174: {  	p0 =	sne.s32 s3, $0x51;
	[sflag:s20] =	ssyncset.done $0x0  }
.Ltmp2:
0x175: {  	[sflag:s20] =	ssyncadd.s32 $0xFFFFE000;
	(pc) =	sbr.rel @p0 .LBB2_4-.Ltmp2, $4  }
0x176: {  	[spmem:s5] =	stream.indirect.scatter.add.f32 [tilespmem:s2], [sflag:$0x2], $0x1, s26, s28, $0xb8;
	[tilespmem:$0x136B0] =	vst v63  }
0x177: {  	_ =	swait.ge [sflag:s20], $0x80  }
0x178: {  	[sflag:s20] =	ssyncset.done $0x0  }
0x179: {  	[sflag:s20] =	ssyncadd.s32 $0xFFFFFF80  }
0x17a: {  	s3 =	stileid.u32  }
0x17b: {  	s3 =	sshll.u32 s3, $0x6  }
0x17c: {  	[bflag:$0x0] =	sbarrier.arrive $0xFFFF;
	s3 =	sor.u32 $0x1C02, s3  }
0x17d: {  	[hbm:s17], [sflag:s3] =	dma.local [spmem:s25], $0x1400  }
0x17e: {  	s0 =	sadd.s32 $0x1, s0;
	_ =	swait.ge [sflag:s20], $0x1400  }
0x17f: {  	p0 =	sne.s32 s0, s19;
	[sflag:s20] =	ssyncset.done $0x0  }
.Ltmp3:
0x180: {  	s10 =	sshrl.u32 s9, $0x3;
	[sflag:s20] =	ssyncadd.s32 $0xFFFFEC00;
	(pc) =	sbr.rel @p0 .LBB2_1-.Ltmp3, $4  }
0x181: {  	[hbm:s18], [sflag:s3] =	dma.local [spmem:s10], $0x50  }
0x182: {  	_ =	swait.ge [sflag:s20], $0x50  }
0x183: {  	[sflag:s20] =	ssyncset.done $0x0  }
0x184: {  	[sflag:s20] =	ssyncadd.s32 $0xFFFFFFB0  }
0x185: {  	_ =	sfence.sel $0x180000  }
0x186: {  	[bflag:$0x0] =	sbarrier.arrive $0xFFFF  }
0x187: {  	_ =	strace $0x9000004A  }
0x188: {  	s0 =	stileid.u32;
	[bflag:$0x2] =	sbarrier.arrive $0xFFFF  }
0x189: {  	p0 =	sne.s32 s0, $0x0;
	s0 =	rddreg [dreg:$0x5]  }
0x18a: {  	s0 =	sadd.s32 @!p0 $0x100000, s0  }
0x18b: {  	[sflag:s0] =	ssyncadd.tile.s32 @!p0 $0x1;
	_ =	shalt  }
.Lfunc_end2:
_tile_overlayer_lowered:
.L_overlay_start_2:
0x18c: {  	(tag) =	ssettag $0x2  }
0x18d: {  	s0 =	rddreg [dreg:$0x0];
	s2 =	stileid.u32  }
0x18e: {  	s1 =	rddreg [dreg:$0x1];
	p0 =	sne.s32 s2, $0x0  }
0x18f: {  	s3 =	rddreg [dreg:$0x2];
	[bflag:$0x3] =	sbarrier.arrive $0xFFFF;
	s2 =	simm.s32 @!p0 $0x1C02  }
0x190: {  	[timem:s3], [sflag:s2] =	dma.local @!p0 [hbm:s0], s1  }
0x191: {  	s0 =	simm.s32 @!p0 $0x2  }
0x192: {  	_ =	swait.ge @!p0 [sflag:s0], s1  }
0x193: {  	s1 =	ssub.s32 @!p0 $0x0, s1;
	[sflag:s0] =	ssyncset.done @!p0 $0x0  }
0x194: {  	[sflag:s0] =	ssyncadd.s32 @!p0 s1  }
0x195: {  	[bflag:$0x3] =	sbarrier.arrive $0xFFFF  }
0x196: {  	_ =	shalt  }

// kernel: kernel.9.cloned.1.call-start
scs
__scs_entry_jumppad:
0x0: {  	(pc) =	sbr.rel $0x88, $3  }
0x1: {  	(tag) =	ssettag $0x0;
	lr =	simm.s32 $0x1  }
0x2: {  	[smem:$0x3F93] =	sst lr;
	_ =	strace $0xD0000000  }
0x3: {  	_ = 	snop  }
0x4: {  	_ = 	snop  }
0x5: {  	_ = 	snop  }
0x6: {  	_ = 	snop  }
0x7: {  	_ = 	snop  }
__scs_overlays_trampoline_lowered:
0x8: {  	[smem:$0x3FA2] =	sst s0  }
0x9: {  	[smem:$0x3FA3] =	sst s1  }
0xa: {  	[smem:$0x3FA4] =	sst s2  }
0xb: {  	[smem:$0x3FA5] =	sst s3  }
0xc: {  	[smem:$0x3FA6] =	sst s4  }
0xd: {  	[smem:$0x3FA7] =	sst s5  }
0xe: {  	[smem:$0x3FA8] =	sst s6  }
0xf: {  	[smem:$0x3FA9] =	sst s7  }
0x10: {  	[smem:$0x3FAA] =	sst s8  }
0x11: {  	[smem:$0x3FAB] =	sst s9;
	s0 =	simm.s32 @!p0 $0x0  }
0x12: {  	s1 =	sld [smem:$0x3F91];
	s0 =	simm.s32 @p0 $0x1  }
0x13: {  	[smem:$0x3FAC] =	sst s0;
	s0 =	simm.s32 @!p1 $0x0  }
0x14: {  	s2 =	sld [smem:$0x3F90];
	s0 =	simm.s32 @p1 $0x1  }
0x15: {  	[smem:$0x3FAD] =	sst s0;
	s0 =	simm.s32 @!p2 $0x0  }
0x16: {  	s3 =	sld [smem:$0x3FDB];
	s0 =	simm.s32 @p2 $0x1  }
0x17: {  	s4 =	simm.s32 $0x1BF5;
	[smem:$0x3FAF] =	sst s0  }
0x18: {  	s0 =	sld [smem:$0x3F92];
	_ =	swait.ge [sflag:s4], $0x0  }
0x19: {  	s7 =	sld [smem:$0x3F93]  }
0x1a: {  	s8 =	sadd.s32 $0xFFFFE003, lr  }
0x1b: {  	s9 =	sadd.s32 $0xFFFFFEF7, lr;
	s5 =	simm.s32 $0xFFFFFFFF;
	p2 =	slt.u32 s8, $0xFFFFF086  }
0x1c: {  	p1 =	slt.u32 s9, $0xF7A;
	s5 =	simm.s32 @!p2 $0x0  }
0x1d: {  	s5 =	simm.s32 @p1 $0x1;
	p0 =	seq.s32 s7, s2  }
0x1e: {  	s7 =	smul.u32 @!p0 $0xF7A, s2;
	p2 =	seq.s32 @!p0 s5, $0x0  }
0x1f: {  	s9 =	smul.u32 $0xF7A, s1;
	s8 =	simm.s32 @!p0 $0x1BF5;
	p2 =	por !p2, p0  }
0x20: {  	[sflag:s8] =	ssyncset.s32 @!p0 $0xFFFFF086;
	s6 =	sadd.s32 @!p0 s3, s7;
	s7 =	simm.s32 @!p0 $0x108  }
0x21: {  	s3 =	sadd.s32 s3, s9;
	s6 =	sadd.s32 @!p0 $0x88, s6;
	s7 =	simm.s32 @p2 $0x1082  }
0x22: {  	[simem:s7], [sflag:s8] =	dma.local @!p0 [hbm:s6], $0xF7A  }
0x23: {  	s9 =	sor.u32 $0xD0000000, s2;
	s6 =	simm.s32 $0x108;
	_ =	swait.ge @!p0 [sflag:s8], $0x0  }
0x24: {  	s3 =	sadd.s32 $0x88, s3;
	s6 =	simm.s32 @!p1 $0x1082;
	[sflag:s4] =	ssyncset.s32 $0xFFFFF086  }
0x25: {  	[simem:s6], [sflag:s4] =	dma.local [hbm:s3], $0xF7A  }
0x26: {  	[smem:$0x3F93] =	sst s1;
	(tag) =	ssettag s2;
	_ =	strace s9  }
0x27: {  	s1 =	sld [smem:$0x3FA3]  }
0x28: {  	s2 =	sld [smem:$0x3FA4]  }
0x29: {  	s4 =	sld [smem:$0x3FA6]  }
0x2a: {  	p0 =	seq.s32 s5, $0x0;
	s5 =	sld [smem:$0x3FA7]  }
0x2b: {  	s6 =	sld [smem:$0x3FA8]  }
0x2c: {  	s7 =	sld [smem:$0x3FA9]  }
0x2d: {  	s3 =	simm.s32 $0x108;
	s8 =	sld [smem:$0x3FAA]  }
0x2e: {  	s3 =	simm.s32 @!p0 $0x1082;
	s9 =	sld [smem:$0x3FAB]  }
0x2f: {  	lr =	sadd.s32 s0, s3;
	s0 =	sld [smem:$0x3FA2]  }
0x30: {  	s3 =	sld [smem:$0x3FA5]  }
0x31: {  	[smem:$0x3FAE] =	sst s10  }
0x32: {  	s10 =	sld [smem:$0x3FAC];
	_ =	sdelay $0x3  }
0x33: {  	p0 =	seq.s32 s10, $0x1;
	s10 =	sld [smem:$0x3FAE];
	_ =	sdelay $0x3  }
0x34: {  	[smem:$0x3FAE] =	sst s10  }
0x35: {  	s10 =	sld [smem:$0x3FAD];
	_ =	sdelay $0x3  }
0x36: {  	p1 =	seq.s32 s10, $0x1;
	s10 =	sld [smem:$0x3FAE];
	_ =	sdelay $0x3  }
0x37: {  	[smem:$0x3FAE] =	sst s10  }
0x38: {  	s10 =	sld [smem:$0x3FAF]  }
0x39: {  	_ = 	snop;
	(pc) =	sbr.ind lr, $3  }
0x3a: {  	_ = 	snop  }
0x3b: {  	_ = 	snop  }
0x3c: {  	p2 =	seq.s32 s10, $0x1;
	s10 =	sld [smem:$0x3FAE]  }
0x3d: {  	_ =	shalt  }
0x3e: {  	_ =	shalt  }
0x3f: {  	_ =	shalt  }
0x40: {  	_ =	shalt  }
0x41: {  	_ =	shalt  }
0x42: {  	_ =	shalt  }
0x43: {  	_ =	shalt  }
0x44: {  	_ =	shalt  }
0x45: {  	_ =	shalt  }
0x46: {  	_ =	shalt  }
0x47: {  	_ =	shalt  }
0x48: {  	_ =	shalt  }
0x49: {  	_ =	shalt  }
0x4a: {  	_ =	shalt  }
0x4b: {  	_ =	shalt  }
0x4c: {  	_ =	shalt  }
0x4d: {  	_ =	shalt  }
0x4e: {  	_ =	shalt  }
0x4f: {  	_ =	shalt  }
0x50: {  	_ =	shalt  }
0x51: {  	_ =	shalt  }
0x52: {  	_ =	shalt  }
0x53: {  	_ =	shalt  }
0x54: {  	_ =	shalt  }
0x55: {  	_ =	shalt  }
0x56: {  	_ =	shalt  }
0x57: {  	_ =	shalt  }
0x58: {  	_ =	shalt  }
0x59: {  	_ =	shalt  }
0x5a: {  	_ =	shalt  }
0x5b: {  	_ =	shalt  }
0x5c: {  	_ =	shalt  }
0x5d: {  	_ =	shalt  }
0x5e: {  	_ =	shalt  }
0x5f: {  	_ =	shalt  }
0x60: {  	_ =	shalt  }
0x61: {  	_ =	shalt  }
0x62: {  	_ =	shalt  }
0x63: {  	_ =	shalt  }
0x64: {  	_ =	shalt  }
0x65: {  	_ =	shalt  }
0x66: {  	_ =	shalt  }
0x67: {  	_ =	shalt  }
0x68: {  	_ =	shalt  }
0x69: {  	_ =	shalt  }
0x6a: {  	_ =	shalt  }
0x6b: {  	_ =	shalt  }
0x6c: {  	_ =	shalt  }
0x6d: {  	_ =	shalt  }
0x6e: {  	_ =	shalt  }
0x6f: {  	_ =	shalt  }
0x70: {  	_ =	shalt  }
0x71: {  	_ =	shalt  }
0x72: {  	_ =	shalt  }
0x73: {  	_ =	shalt  }
0x74: {  	_ =	shalt  }
0x75: {  	_ =	shalt  }
0x76: {  	_ =	shalt  }
0x77: {  	_ =	shalt  }
0x78: {  	_ =	shalt  }
0x79: {  	_ =	shalt  }
0x7a: {  	_ =	shalt  }
0x7b: {  	_ =	shalt  }
0x7c: {  	_ =	shalt  }
0x7d: {  	_ =	shalt  }
0x7e: {  	_ =	shalt  }
0x7f: {  	_ =	shalt  }
0x80: {  	_ =	shalt  }
0x81: {  	_ =	shalt  }
0x82: {  	_ =	shalt  }
0x83: {  	_ =	shalt  }
0x84: {  	_ =	shalt  }
0x85: {  	_ =	shalt  }
0x86: {  	_ =	shalt  }
0x87: {  	_ =	shalt  }
.Lfunc_end0:
.L_simem_size_0:
called_computation_lowered:
.L_overlay_start_0:
0x88: {  	s2 =	sld [smem:$0x3FD9]  }
0x89: {  	s3 =	sld [smem:$0x3FFE];
	_ =	sdelay $0x1  }
0x8a: {  	s1 =	srdreg.scid  }
0x8b: {  	s0 =	sand.u32 $0x1, s1  }
0x8c: {  	s14 =	sshll.u32 s0, $0xA;
	s2 =	sadd.s32 s3, s2  }
0x8d: {  	s2 =	sadd.s32 s2, s14  }
0x8e: {  	[smem:$0x3FBA] =	sst s2  }
0x8f: {  	_ = 	snop  }
0x90: {  	s2 =	sld [smem:$0x3FD0];
	_ =	sdelay $0x2  }
0x91: {  	s15 =	simm.s32 $0xB;
	s4 =	simm.s32 $0x10  }
0x92: {  	[smem:s4], [sflag:s15] =	dma.local [hbm:s2], $0x1  }
0x93: {  	_ =	swait.eq [sflag:s15], $0x1  }
0x94: {  	[sflag:s15] =	ssyncset.done $0x0  }
0x95: {  	s16 =	sld [smem:$0x10];
	[sflag:s15] =	ssyncadd.s32 $0xFFFFFFFF  }
0x96: {  	s17 =	sld [smem:$0x11];
	(tm) =	ssettm $0x1  }
0x97: {  	s18 =	sld [smem:$0x3FFB];
	_ =	sdelay $0x3  }
0x98: {  	_ =	strace s18  }
0x99: {  	s4 =	sld [smem:$0x3FFC];
	_ =	sdelay $0x3  }
0x9a: {  	_ =	strace s4  }
0x9b: {  	s4 =	sld [smem:$0x3FFD];
	_ =	sdelay $0x3  }
0x9c: {  	_ =	strace s4  }
0x9d: {  	_ =	strace $0x8FFFFFFF  }
0x9e: {  	s19 =	sld [smem:$0x3FDB];
	_ =	sdelay $0x1  }
0x9f: {  	s5 =	simm.s32 $_scs_section_size  }
0xa0: {  	s6 =	simm.s32 $_size__tile_overlayer_lowered;
	s7 =	simm.s32 $_tile_overlayer_lowered  }
0xa1: {  	s22 =	simm.s32 $0x1BFF;
	s21 =	sshll.u32 s7, $0x1;
	s4 =	sadd.s32 s5, s19  }
0xa2: {  	s8 =	simm.s32 $0x0;
	s20 =	sshll.u32 s6, $0x1;
	s6 =	sadd.s32 s21, s4  }
0xa3: {  	[timem:s8], [sflag:s22] =	dma.local [hbm:s6], s20  }
0xa4: {  	_ =	swait.ge [sflag:s22], s20  }
0xa5: {  	s5 =	ssub.s32 $0x0, s20;
	[sflag:s22] =	ssyncset.done $0x0  }
0xa6: {  	[sflag:s22] =	ssyncadd.s32 s5;
	_ =	sdelay $0x1  }
0xa7: {  	s23 =	simm.s32 $0x1B8B  }
0xa8: {  	_ =	swait.ge [sflag:s23], $0x1  }
0xa9: {  	[sflag:s23] =	ssyncset.done $0x0  }
0xaa: {  	s25 =	simm.s32 $0x1B8E;
	s24 =	sld [smem:$0x3FFE];
	[sflag:s23] =	ssyncadd.s32 $0xFFFFFFFF  }
0xab: {  	s26 =	simm.s32 $execute0_lowered;
	[smem:$0x3FD2] =	sst s25  }
0xac: {  	s6 =	sshll.u32 s26, $0x1;
	_ =	strace $0x80000046;
	[dreg:$0x1] =	wrdreg $0xFFFFFFFF  }
0xad: {  	s28 =	simm.s32 $_size_execute0_lowered;
	s4 =	sadd.s32 s4, s6;
	[dreg:$0x0] =	wrdreg $0x0  }
0xae: {  	s6 =	sshll.u32 s28, $0x1;
	[dreg:$0x2] =	wrdreg s4  }
0xaf: {  	[dreg:$0x3] =	wrdreg s6  }
0xb0: {  	[dreg:$0x4] =	wrdreg $0xC0  }
0xb1: {  	_ =	task [dreg:s8], $0x5FFFF  }
0xb2: {  	[dreg:$0x1] =	wrdreg $0xFFFFFFFF  }
0xb3: {  	[dreg:$0x0] =	wrdreg $0x60  }
0xb4: {  	[dreg:$0x2] =	wrdreg s24  }
0xb5: {  	[dreg:$0x3] =	wrdreg s16  }
0xb6: {  	[dreg:$0x4] =	wrdreg s17  }
0xb7: {  	[dreg:$0x5] =	wrdreg $0x94300  }
0xb8: {  	[dreg:$0x6] =	wrdreg $0x134300  }
0xb9: {  	[dreg:$0x7] =	wrdreg $0x9  }
0xba: {  	_ =	task.clear_ibuf [dreg:s8], $0x8FFFF;
	_ =	strace $0x90000046  }
0xbb: {  	s29 =	simm.s32 $0x9;
	_ =	strace $0x80000048  }
0xbc: {  	_ =	swait.ge [sflag:s29], $0x1  }
0xbd: {  	[sflag:s29] =	ssyncadd.s32 $0xFFFFFFFF  }
0xbe: {  	_ =	strace $0x90000048  }
0xbf: {  	_ =	sfence  }
0xc0: {  	s30 =	sld [smem:$0x0];
	_ =	sdelay $0x2  }
0xc1: {  	s31 =	sshll.u32 s1, $0xD;
	s1 =	sshrl.u32 s1, $0x2  }
0xc2: {  	s3 =	sand.u32 $0x4000, s31;
	s1 =	sadd.s32 s1, s30  }
0xc3: {  	s0 =	sor.u32 s3, s0;
	s1 =	sshll.u32 s1, $0x11  }
0xc4: {  	s0 =	sor.u32 s1, s0  }
0xc5: {  	s0 =	sadd.s32 $0x8F2B, s0  }
0xc6: {  	[sflag:s0] =	ssyncadd.remote.s32 $0x1  }
0xc7: {  	_ =	sfence.sel $0xFFFF  }
0xc8: {  	[dreg:$0x0] =	wrdreg $0xFFFFFFFF;
	(pc) =	sbr.abs _section_cstart, $3  }
0xc9: {  	[dreg:$0x1] =	wrdreg $0xFFFFFFFF  }
0xca: {  	_ =	task.clear_ibuf [dreg:s8], $0x2FFFF;
	_ =	strace $0x9FFFFFFF  }
0xcb: {  	(tm) =	ssettm $0x7FFFFFFF  }
tec
execute0_lowered:
.L_overlay_start_1:
0x0: {  	(tag) =	ssettag $0x1  }
0x1: {  	s0 =	rddreg [dreg:$0x0]  }
0x2: {  	s1 =	rddreg [dreg:$0x1]  }
0x3: {  	s2 =	rddreg [dreg:$0x2]  }
0x4: {  	s3 =	rddreg [dreg:$0x3]  }
0x5: {  	s4 =	rddreg [dreg:$0x4];
	s6 =	srdreg.scid  }
0x6: {  	s16 =	stileid.u32;
	s5 =	simm.s32 $0x0;
	s28 =	simm.s32 $0x80  }
0x7: {  	s29 =	simm.s32 $0x4F20;
	s30 =	simm.s32 $0x1;
	s31 =	simm.s32 $0x6F20  }
0x8: {  	s8 =	sand.u32 $0x1, s6;
	s9 =	smul.u32 $0x280, s16;
	[smem:$0x7FF] =	sst s5  }
0x9: {  	s6 =	sadd.s32 $0xD400, s0;
	s7 =	sadd.s32 $0x3200, s0;
	s13 =	smul.u32 $0x28000, s16  }
0xa: {  	s11 =	sadd.s32 $0x17600, s0;
	s20 =	sshll.u32 s16, $0x1;
	s22 =	smul.u32 $0xA000, s16  }
0xb: {  	s10 =	smul.u32 $0x2800, s8;
	_ =	strace $0x80000047;
	[dreg:$0x6] =	wrdreg s11  }
0xc: {  	s18 =	ssub.s32 $0x2, s8;
	s15 =	smul.u32 $0xA0000, s8;
	s8 =	sor.u32 s8, s20  }
0xd: {  	s20 =	simm.s32 $0x2;
	s19 =	sshrl.u32 s18, $0x1;
	s21 =	sshrl.u32 s13, $0x2  }
0xe: {  	s11 =	sadd.s32 s9, s4;
	s16 =	smul.u32 $0x51, s8;
	s26 =	sadd.s32 s22, s3  }
0xf: {  	s10 =	sadd.s32 s9, s10;
	s14 =	ssub.s32 s18, s19;
	s23 =	sadd.s32 $0x80, s11  }
0x10: {  	s24 =	sadd.s32 $0x100, s11;
	s25 =	sadd.s32 s22, s15;
	[dreg:$0x8] =	wrdreg s23  }
0x11: {  	s9 =	sadd.s32 $0x180, s11;
	s15 =	sadd.s32 $0x200, s11;
	[dreg:$0x9] =	wrdreg s24  }
0x12: {  	s22 =	simm.s32 $0x8FB0;
	s10 =	sshrl.u32 s10, $0x3;
	[dreg:$0xa] =	wrdreg s9  }
0x13: {  	s19 =	smax.u32 s14, $0x1;
	s23 =	simm.s32 $0x93B0;
	s24 =	simm.s32 $0x4E20  }
0x14: {  	s12 =	sadd.s32 s10, s0;
	s0 =	sadd.s32 $0x17AE2, s0;
	s10 =	sadd.s32 s21, s3  }
0x15: {  	s21 =	simm.s32 $0x2710;
	[dreg:$0x7] =	wrdreg s0;
	s0 =	sshrl.u32 s25, $0x3  }
0x16: {  	s18 =	sadd.s32 $0x18000, s12;
	s25 =	sshrl.u32 s26, $0x3;
	s26 =	simm.s32 $0x4EA0  }
0x17: {  	v0 =	vimm.f32 $0.0e+00;
	s17 =	sadd.s32 s2, s0;
	s0 =	simm.s32 $0x8F20;
	s2 =	simm.s32 $0x0  }
.LBB2_1:
0x18: {  	s8 =	rddreg [dreg:$0x6]  }
0x19: {  	[tilespmem:s5], [sflag:$0x2] =	stream.linear.gather [hbm4b:s8+s5], $0x2710, $0x38;
	[tilespmem:$0x136B0] =	vst v63  }
0x1a: {  	_ =	swait.ge [sflag:s20], $0x2710  }
0x1b: {  	[sflag:s20] =	ssyncset.done $0x0  }
0x1c: {  	s13 =	rddreg [dreg:$0x7];
	[sflag:s20] =	ssyncadd.s32 $0xFFFFD8F0  }
0x1d: {  	[tilespmem:s21], [sflag:$0x2] =	stream.linear.gather [hbm4b:s13+s5], $0x2710, $0x38;
	[tilespmem:$0x136B0] =	vst v63  }
0x1e: {  	_ =	swait.ge [sflag:s20], $0x2710  }
0x1f: {  	[sflag:s20] =	ssyncset.done $0x0  }
0x20: {  	[sflag:s20] =	ssyncadd.s32 $0xFFFFD8F0  }
0x21: {  	[tilespmem:$0x8FB0] =	vst v0  }
0x22: {  	[tilespmem:$0x8FC0] =	vst v0  }
0x23: {  	[tilespmem:$0x8FD0] =	vst v0  }
0x24: {  	[tilespmem:$0x8FE0] =	vst v0  }
0x25: {  	[tilespmem:$0x8FF0] =	vst v0  }
0x26: {  	[tilespmem:$0x9000] =	vst v0  }
0x27: {  	[tilespmem:$0x9010] =	vst v0  }
0x28: {  	[tilespmem:$0x9020] =	vst v0  }
0x29: {  	[tilespmem:$0x9030] =	vst v0  }
0x2a: {  	[tilespmem:$0x9040] =	vst v0  }
0x2b: {  	[tilespmem:$0x9050] =	vst v0  }
0x2c: {  	[tilespmem:$0x9060] =	vst v0  }
0x2d: {  	[tilespmem:$0x9070] =	vst v0  }
0x2e: {  	[tilespmem:$0x9080] =	vst v0  }
0x2f: {  	[tilespmem:$0x9090] =	vst v0  }
0x30: {  	[tilespmem:$0x90A0] =	vst v0  }
0x31: {  	[tilespmem:$0x90B0] =	vst v0  }
0x32: {  	[tilespmem:$0x90C0] =	vst v0  }
0x33: {  	[tilespmem:$0x90D0] =	vst v0  }
0x34: {  	[tilespmem:$0x90E0] =	vst v0  }
0x35: {  	[tilespmem:$0x90F0] =	vst v0  }
0x36: {  	[tilespmem:$0x9100] =	vst v0  }
0x37: {  	[tilespmem:$0x9110] =	vst v0  }
0x38: {  	[tilespmem:$0x9120] =	vst v0  }
0x39: {  	[tilespmem:$0x9130] =	vst v0  }
0x3a: {  	[tilespmem:$0x9140] =	vst v0  }
0x3b: {  	[tilespmem:$0x9150] =	vst v0  }
0x3c: {  	[tilespmem:$0x9160] =	vst v0  }
0x3d: {  	[tilespmem:$0x9170] =	vst v0  }
0x3e: {  	[tilespmem:$0x9180] =	vst v0  }
0x3f: {  	[tilespmem:$0x9190] =	vst v0  }
0x40: {  	[tilespmem:$0x91A0] =	vst v0  }
0x41: {  	[tilespmem:$0x91B0] =	vst v0  }
0x42: {  	[tilespmem:$0x91C0] =	vst v0  }
0x43: {  	[tilespmem:$0x91D0] =	vst v0  }
0x44: {  	[tilespmem:$0x91E0] =	vst v0  }
0x45: {  	[tilespmem:$0x91F0] =	vst v0  }
0x46: {  	[tilespmem:$0x9200] =	vst v0  }
0x47: {  	[tilespmem:$0x9210] =	vst v0  }
0x48: {  	[tilespmem:$0x9220] =	vst v0  }
0x49: {  	[tilespmem:$0x9230] =	vst v0  }
0x4a: {  	[tilespmem:$0x9240] =	vst v0  }
0x4b: {  	[tilespmem:$0x9250] =	vst v0  }
0x4c: {  	[tilespmem:$0x9260] =	vst v0  }
0x4d: {  	[tilespmem:$0x9270] =	vst v0  }
0x4e: {  	[tilespmem:$0x9280] =	vst v0  }
0x4f: {  	[tilespmem:$0x9290] =	vst v0  }
0x50: {  	[tilespmem:$0x92A0] =	vst v0  }
0x51: {  	[tilespmem:$0x92B0] =	vst v0  }
0x52: {  	[tilespmem:$0x92C0] =	vst v0  }
0x53: {  	[tilespmem:$0x92D0] =	vst v0  }
0x54: {  	[tilespmem:$0x92E0] =	vst v0  }
0x55: {  	[tilespmem:$0x92F0] =	vst v0  }
0x56: {  	[tilespmem:$0x9300] =	vst v0  }
0x57: {  	[tilespmem:$0x9310] =	vst v0  }
0x58: {  	[tilespmem:$0x9320] =	vst v0  }
0x59: {  	[tilespmem:$0x9330] =	vst v0  }
0x5a: {  	[tilespmem:$0x9340] =	vst v0  }
0x5b: {  	[tilespmem:$0x9350] =	vst v0  }
0x5c: {  	[tilespmem:$0x9360] =	vst v0  }
0x5d: {  	[tilespmem:$0x9370] =	vst v0  }
0x5e: {  	[tilespmem:$0x9380] =	vst v0  }
0x5f: {  	[tilespmem:$0x9390] =	vst v0  }
0x60: {  	[tilespmem:$0x93A0] =	vst v0  }
0x61: {  	[tilespmem:$0x93B0] =	vst v0  }
0x62: {  	[tilespmem:$0x93C0] =	vst v0  }
0x63: {  	[tilespmem:$0x93D0] =	vst v0  }
0x64: {  	[tilespmem:$0x93E0] =	vst v0  }
0x65: {  	[tilespmem:$0x93F0] =	vst v0  }
0x66: {  	[tilespmem:$0x9400] =	vst v0  }
0x67: {  	[tilespmem:$0x9410] =	vst v0  }
0x68: {  	s14 =	sadd.s32 $0x0, s10;
	[tilespmem:$0x9420] =	vst v0  }
0x69: {  	[spmem:s14] =	stream.linear.scatter [tilespmem:s22], [sflag:$0x2], $0x400, $0x38;
	[tilespmem:$0x136B0] =	vst v63  }
0x6a: {  	s8 =	simm.s32 $0x1000;
	_ =	swait.ge [sflag:s20], $0x400  }
.LBB2_2:
0x6b: {  	s9 =	sshra.s32 s8, $0x2;
	[sflag:s20] =	ssyncset.done $0x0;
	p0 =	sne.s32 s8, $0x27000  }
.Ltmp0:
0x6c: {  	s9 =	sadd.s32 s9, s10;
	[sflag:s20] =	ssyncadd.s32 $0xFFFFFC00;
	(pc) =	sbr.rel @p0 .LBB2_2-.Ltmp0, $3  }
0x6d: {  	[spmem:s9] =	stream.linear.scatter [tilespmem:s22], [sflag:$0x2], $0x400, $0x38;
	[tilespmem:$0x136B0] =	vst v63  }
0x6e: {  	s8 =	sadd.s32 $0x1000, s8;
	_ =	sdelay $0x1  }
0x6f: {  	_ =	swait.ge [sflag:s20], $0x400  }
0x70: {  	[sflag:s20] =	ssyncset.done $0x0  }
0x71: {  	[sflag:s20] =	ssyncadd.s32 $0xFFFFFC00  }
0x72: {  	[spmem:s11] =	stream.linear.scatter [tilespmem:s23], [sflag:$0x2], $0x80, $0x38;
	[tilespmem:$0x136B0] =	vst v63  }
0x73: {  	_ =	swait.ge [sflag:s20], $0x80  }
0x74: {  	[sflag:s20] =	ssyncset.done $0x0  }
0x75: {  	s8 =	rddreg [dreg:$0x8];
	[sflag:s20] =	ssyncadd.s32 $0xFFFFFF80  }
0x76: {  	[spmem:s8] =	stream.linear.scatter [tilespmem:s23], [sflag:$0x2], $0x80, $0x38;
	[tilespmem:$0x136B0] =	vst v63  }
0x77: {  	_ =	swait.ge [sflag:s20], $0x80  }
0x78: {  	[sflag:s20] =	ssyncset.done $0x0  }
0x79: {  	s13 =	rddreg [dreg:$0x9];
	[sflag:s20] =	ssyncadd.s32 $0xFFFFFF80  }
0x7a: {  	[spmem:s13] =	stream.linear.scatter [tilespmem:s23], [sflag:$0x2], $0x80, $0x38;
	[tilespmem:$0x136B0] =	vst v63  }
0x7b: {  	_ =	swait.ge [sflag:s20], $0x80  }
0x7c: {  	[sflag:s20] =	ssyncset.done $0x0  }
0x7d: {  	s14 =	rddreg [dreg:$0xa];
	[sflag:s20] =	ssyncadd.s32 $0xFFFFFF80  }
0x7e: {  	[spmem:s14] =	stream.linear.scatter [tilespmem:s23], [sflag:$0x2], $0x80, $0x38;
	[tilespmem:$0x136B0] =	vst v63  }
0x7f: {  	_ =	swait.ge [sflag:s20], $0x80  }
0x80: {  	[sflag:s20] =	ssyncset.done $0x0  }
0x81: {  	[sflag:s20] =	ssyncadd.s32 $0xFFFFFF80  }
0x82: {  	[spmem:s15] =	stream.linear.scatter [tilespmem:s23], [sflag:$0x2], $0x80, $0x38;
	[tilespmem:$0x136B0] =	vst v63  }
0x83: {  	_ =	swait.ge [sflag:s20], $0x80  }
0x84: {  	[sflag:s20] =	ssyncset.done $0x0  }
0x85: {  	[sflag:s20] =	ssyncadd.s32 $0xFFFFFF80  }
0x86: {  	s8 =	simm.s32 $0x0;
	[bflag:$0x0] =	sbarrier.arrive $0xFFFF  }
.LBB2_4:
0x87: {  	s9 =	sadd.s32 s16, s8  }
0x88: {  	s12 =	sshll.u32 s9, $0x4  }
0x89: {  	s13 =	sadd.s32 s6, s12  }
0x8a: {  	[tilespmem:s24], [sflag:$0x2] =	stream.linear.gather [hbm4b:s13+s5], $0x80, $0x38;
	[tilespmem:$0x136B0] =	vst v63  }
0x8b: {  	_ =	swait.ge [sflag:s20], $0x80  }
0x8c: {  	[sflag:s20] =	ssyncset.done $0x0  }
0x8d: {  	s12 =	sadd.s32 s7, s12;
	[sflag:s20] =	ssyncadd.s32 $0xFFFFFF80  }
0x8e: {  	[tilespmem:s26], [sflag:$0x2] =	stream.linear.gather [hbm4b:s12+s5], $0x80, $0x38;
	[tilespmem:$0x136B0] =	vst v63  }
0x8f: {  	_ =	swait.ge [sflag:s20], $0x80  }
0x90: {  	[sflag:s20] =	ssyncset.done $0x0  }
0x91: {  	[sflag:s20] =	ssyncadd.s32 $0xFFFFFF80  }
0x92: {  	[tilespmem:s29], [sflag:$0x1] =	stream.indirect.gather [hbm4b:s1+s28], $0x40, s24, s28, $0xb8;
	[tilespmem:$0x136B0] =	vst v63  }
0x93: {  	_ =	swait.ge [sflag:s30], $0x2000  }
0x94: {  	[sflag:s30] =	ssyncset.done $0x0  }
0x95: {  	[sflag:s30] =	ssyncadd.s32 $0xFFFFE000  }
0x96: {  	v1 =	vld [tilespmem:$0x4E20]  }
0x97: {  	v2 =	vld [tilespmem:$0x4EA0];
	_ =	sdelay $0x6  }
0x98: {  	v1 =	vld.idx.msk [tilespmem:v1+s5+$0x0], $0xffff  }
0x99: {  	v2 =	vld.idx.msk [tilespmem:v2+s21+$0x0], $0xffff;
	_ =	sdelay $0x4  }
0x9a: {  	v1 =	vadd.f32 v2, v1;
	_ =	sdelay $0x1  }
0x9b: {  	v2 =	vmul.f32 $2.000000030e-01, v1  }
0x9c: {  	vm0 =	vgt.f32 v1, $0.0e+00  }
0x9d: {  	v1 =	vsel vm0, v1, v2  }
0x9e: {  	v1 =	vmul.f32 $1.442695020e+00, v1;
	_ =	sdelay $0x1  }
0x9f: {  	(erf) = vpow2.f32 v1;
	_ =	sdelay $0x3  }
0xa0: {  	v1 =	vld [tilespmem:$0x4E30]  }
0xa1: {  	v2 =	vld [tilespmem:$0x4EB0];
	_ =	sdelay $0x2  }
0xa2: {  	s9 =	sshll.u32 s9, $0x7  }
0xa3: {  	p0 =	slt.u32 s9, $0x50910;
	v3 =	vpop (erf)  }
0xa4: {  	v3 =	vpsel !p0, $0x0, v3  }
0xa5: {  	[tilespmem:$0x8F20] =	vst v3  }
0xa6: {  	v1 =	vld.idx.msk [tilespmem:v1+s5+$0x0], $0xffff  }
0xa7: {  	v2 =	vld.idx.msk [tilespmem:v2+s21+$0x0], $0xffff;
	_ =	sdelay $0x4  }
0xa8: {  	v1 =	vadd.f32 v2, v1;
	_ =	sdelay $0x1  }
0xa9: {  	v2 =	vmul.f32 $2.000000030e-01, v1  }
0xaa: {  	vm9 =	vgt.f32 v1, $0.0e+00  }
0xab: {  	v1 =	vsel vm9, v1, v2  }
0xac: {  	v1 =	vmul.f32 $1.442695020e+00, v1;
	_ =	sdelay $0x1  }
0xad: {  	(erf) = vpow2.f32 v1;
	_ =	sdelay $0x3  }
0xae: {  	v1 =	vld [tilespmem:$0x4E40]  }
0xaf: {  	v2 =	vld [tilespmem:$0x4EC0];
	_ =	sdelay $0x2  }
0xb0: {  	s14 =	sor.u32 $0x10, s9  }
0xb1: {  	p6 =	slt.u32 s14, $0x50910;
	v3 =	vpop (erf)  }
0xb2: {  	v3 =	vpsel !p6, $0x0, v3  }
0xb3: {  	[tilespmem:$0x8F30] =	vst v3  }
0xb4: {  	v1 =	vld.idx.msk [tilespmem:v1+s5+$0x0], $0xffff  }
0xb5: {  	v2 =	vld.idx.msk [tilespmem:v2+s21+$0x0], $0xffff;
	_ =	sdelay $0x4  }
0xb6: {  	v1 =	vadd.f32 v2, v1;
	_ =	sdelay $0x1  }
0xb7: {  	v2 =	vmul.f32 $2.000000030e-01, v1  }
0xb8: {  	vm10 =	vgt.f32 v1, $0.0e+00  }
0xb9: {  	v1 =	vsel vm10, v1, v2  }
0xba: {  	v1 =	vmul.f32 $1.442695020e+00, v1;
	_ =	sdelay $0x1  }
0xbb: {  	(erf) = vpow2.f32 v1;
	_ =	sdelay $0x3  }
0xbc: {  	v1 =	vld [tilespmem:$0x4E50]  }
0xbd: {  	v2 =	vld [tilespmem:$0x4ED0];
	_ =	sdelay $0x2  }
0xbe: {  	s13 =	sor.u32 $0x20, s9  }
0xbf: {  	p1 =	slt.u32 s13, $0x50910;
	v3 =	vpop (erf)  }
0xc0: {  	v3 =	vpsel !p1, $0x0, v3  }
0xc1: {  	[tilespmem:$0x8F40] =	vst v3  }
0xc2: {  	v1 =	vld.idx.msk [tilespmem:v1+s5+$0x0], $0xffff  }
0xc3: {  	v2 =	vld.idx.msk [tilespmem:v2+s21+$0x0], $0xffff;
	_ =	sdelay $0x4  }
0xc4: {  	v1 =	vadd.f32 v2, v1;
	_ =	sdelay $0x1  }
0xc5: {  	v2 =	vmul.f32 $2.000000030e-01, v1  }
0xc6: {  	vm11 =	vgt.f32 v1, $0.0e+00  }
0xc7: {  	v1 =	vsel vm11, v1, v2  }
0xc8: {  	v1 =	vmul.f32 $1.442695020e+00, v1;
	_ =	sdelay $0x1  }
0xc9: {  	(erf) = vpow2.f32 v1;
	_ =	sdelay $0x3  }
0xca: {  	v1 =	vld [tilespmem:$0x4E60]  }
0xcb: {  	v2 =	vld [tilespmem:$0x4EE0];
	_ =	sdelay $0x2  }
0xcc: {  	s14 =	sor.u32 $0x30, s9  }
0xcd: {  	p2 =	slt.u32 s14, $0x50910;
	v3 =	vpop (erf)  }
0xce: {  	v3 =	vpsel !p2, $0x0, v3  }
0xcf: {  	[tilespmem:$0x8F50] =	vst v3  }
0xd0: {  	v1 =	vld.idx.msk [tilespmem:v1+s5+$0x0], $0xffff  }
0xd1: {  	v2 =	vld.idx.msk [tilespmem:v2+s21+$0x0], $0xffff;
	_ =	sdelay $0x4  }
0xd2: {  	v1 =	vadd.f32 v2, v1;
	_ =	sdelay $0x1  }
0xd3: {  	v2 =	vmul.f32 $2.000000030e-01, v1  }
0xd4: {  	vm12 =	vgt.f32 v1, $0.0e+00  }
0xd5: {  	v1 =	vsel vm12, v1, v2  }
0xd6: {  	v1 =	vmul.f32 $1.442695020e+00, v1;
	_ =	sdelay $0x1  }
0xd7: {  	(erf) = vpow2.f32 v1;
	_ =	sdelay $0x3  }
0xd8: {  	v1 =	vld [tilespmem:$0x4E70]  }
0xd9: {  	v2 =	vld [tilespmem:$0x4EF0];
	_ =	sdelay $0x2  }
0xda: {  	s13 =	sor.u32 $0x40, s9  }
0xdb: {  	p3 =	slt.u32 s13, $0x50910;
	v3 =	vpop (erf)  }
0xdc: {  	v3 =	vpsel !p3, $0x0, v3  }
0xdd: {  	[tilespmem:$0x8F60] =	vst v3  }
0xde: {  	v1 =	vld.idx.msk [tilespmem:v1+s5+$0x0], $0xffff  }
0xdf: {  	v2 =	vld.idx.msk [tilespmem:v2+s21+$0x0], $0xffff;
	_ =	sdelay $0x4  }
0xe0: {  	v1 =	vadd.f32 v2, v1;
	_ =	sdelay $0x1  }
0xe1: {  	v2 =	vmul.f32 $2.000000030e-01, v1  }
0xe2: {  	vm13 =	vgt.f32 v1, $0.0e+00  }
0xe3: {  	v1 =	vsel vm13, v1, v2  }
0xe4: {  	v1 =	vmul.f32 $1.442695020e+00, v1;
	_ =	sdelay $0x1  }
0xe5: {  	(erf) = vpow2.f32 v1;
	_ =	sdelay $0x3  }
0xe6: {  	v1 =	vld [tilespmem:$0x4E80]  }
0xe7: {  	v2 =	vld [tilespmem:$0x4F00];
	_ =	sdelay $0x2  }
0xe8: {  	s14 =	sor.u32 $0x50, s9  }
0xe9: {  	p4 =	slt.u32 s14, $0x50910;
	v3 =	vpop (erf)  }
0xea: {  	v3 =	vpsel !p4, $0x0, v3  }
0xeb: {  	[tilespmem:$0x8F70] =	vst v3  }
0xec: {  	v1 =	vld.idx.msk [tilespmem:v1+s5+$0x0], $0xffff  }
0xed: {  	v2 =	vld.idx.msk [tilespmem:v2+s21+$0x0], $0xffff;
	_ =	sdelay $0x4  }
0xee: {  	v1 =	vadd.f32 v2, v1;
	_ =	sdelay $0x1  }
0xef: {  	v2 =	vmul.f32 $2.000000030e-01, v1  }
0xf0: {  	vm14 =	vgt.f32 v1, $0.0e+00  }
0xf1: {  	v1 =	vsel vm14, v1, v2  }
0xf2: {  	v1 =	vmul.f32 $1.442695020e+00, v1;
	_ =	sdelay $0x1  }
0xf3: {  	(erf) = vpow2.f32 v1;
	_ =	sdelay $0x3  }
0xf4: {  	v1 =	vld [tilespmem:$0x4E90]  }
0xf5: {  	v2 =	vld [tilespmem:$0x4F10];
	_ =	sdelay $0x2  }
0xf6: {  	s13 =	sor.u32 $0x60, s9  }
0xf7: {  	p5 =	slt.u32 s13, $0x50910;
	v3 =	vpop (erf)  }
0xf8: {  	v3 =	vpsel !p5, $0x0, v3  }
0xf9: {  	[tilespmem:$0x8F80] =	vst v3  }
0xfa: {  	v1 =	vld.idx.msk [tilespmem:v1+s5+$0x0], $0xffff  }
0xfb: {  	v2 =	vld.idx.msk [tilespmem:v2+s21+$0x0], $0xffff;
	_ =	sdelay $0x4  }
0xfc: {  	v1 =	vadd.f32 v2, v1;
	_ =	sdelay $0x1  }
0xfd: {  	v2 =	vmul.f32 $2.000000030e-01, v1  }
0xfe: {  	vm15 =	vgt.f32 v1, $0.0e+00  }
0xff: {  	v1 =	vsel vm15, v1, v2  }
0x100: {  	v1 =	vmul.f32 $1.442695020e+00, v1;
	_ =	sdelay $0x1  }
0x101: {  	(erf) = vpow2.f32 v1;
	_ =	sdelay $0x7  }
0x102: {  	s9 =	sor.u32 $0x70, s9  }
0x103: {  	p6 =	slt.u32 s9, $0x50910;
	v1 =	vpop (erf)  }
0x104: {  	v1 =	vpsel !p6, $0x0, v1  }
0x105: {  	s9 =	simm.s32 $0x8F22;
	[tilespmem:$0x8F90] =	vst v1  }
0x106: {  	s14 =	simm.s32 $0x4FA0;
	v1 =	vld.msk [tilespmem:s9+$0xFFFFFFFE ss:$0x0], $0xffff  }
0x107: {  	v2 =	vld [tilespmem:s14+$0xFFFFFF80];
	_ =	sdelay $0x4  }
0x108: {  	v2 =	vmul.f32 v1, v2  }
0x109: {  	s12 =	simm.s32 $0x6FA0  }
0x10a: {  	[tilespmem:s12+$0xFFFFFF80] =	vst v2  }
0x10b: {  	v2 =	vld [tilespmem:s14+$0xFFFFFF90];
	_ =	sdelay $0x4  }
0x10c: {  	v2 =	vmul.f32 v2, v1;
	_ =	sdelay $0x1  }
0x10d: {  	[tilespmem:s12+$0xFFFFFF90] =	vst v2  }
0x10e: {  	v2 =	vld [tilespmem:s14+$0xFFFFFFA0];
	_ =	sdelay $0x4  }
0x10f: {  	v2 =	vmul.f32 v2, v1;
	_ =	sdelay $0x1  }
0x110: {  	[tilespmem:s12+$0xFFFFFFA0] =	vst v2  }
0x111: {  	v2 =	vld [tilespmem:s14+$0xFFFFFFB0];
	_ =	sdelay $0x4  }
0x112: {  	v1 =	vmul.f32 v2, v1;
	_ =	sdelay $0x1  }
0x113: {  	[tilespmem:s12+$0xFFFFFFB0] =	vst v1  }
0x114: {  	v1 =	vld.msk [tilespmem:s9+$0xFFFFFFFF ss:$0x0], $0xffff  }
0x115: {  	v2 =	vld [tilespmem:s14+$0xFFFFFFC0];
	_ =	sdelay $0x4  }
0x116: {  	v2 =	vmul.f32 v1, v2;
	_ =	sdelay $0x1  }
0x117: {  	[tilespmem:s12+$0xFFFFFFC0] =	vst v2  }
0x118: {  	v2 =	vld [tilespmem:s14+$0xFFFFFFD0];
	_ =	sdelay $0x4  }
0x119: {  	v2 =	vmul.f32 v2, v1;
	_ =	sdelay $0x1  }
0x11a: {  	[tilespmem:s12+$0xFFFFFFD0] =	vst v2  }
0x11b: {  	v2 =	vld [tilespmem:s14+$0xFFFFFFE0];
	_ =	sdelay $0x4  }
0x11c: {  	v2 =	vmul.f32 v2, v1;
	_ =	sdelay $0x1  }
0x11d: {  	[tilespmem:s12+$0xFFFFFFE0] =	vst v2  }
0x11e: {  	v2 =	vld [tilespmem:s14+$0xFFFFFFF0];
	_ =	sdelay $0x4  }
0x11f: {  	v1 =	vmul.f32 v2, v1;
	_ =	sdelay $0x1  }
0x120: {  	[tilespmem:s12+$0xFFFFFFF0] =	vst v1  }
0x121: {  	v1 =	vld.msk [tilespmem:s9+$0x0 ss:$0x0], $0xffff  }
0x122: {  	v2 =	vld [tilespmem:s14+$0x0];
	_ =	sdelay $0x4  }
0x123: {  	v2 =	vmul.f32 v1, v2;
	_ =	sdelay $0x1  }
0x124: {  	[tilespmem:s12+$0x0] =	vst v2  }
0x125: {  	v2 =	vld [tilespmem:s14+$0x10];
	_ =	sdelay $0x4  }
0x126: {  	v2 =	vmul.f32 v2, v1;
	_ =	sdelay $0x1  }
0x127: {  	[tilespmem:s12+$0x10] =	vst v2  }
0x128: {  	v2 =	vld [tilespmem:s14+$0x20];
	_ =	sdelay $0x4  }
0x129: {  	v2 =	vmul.f32 v2, v1;
	_ =	sdelay $0x1  }
0x12a: {  	[tilespmem:s12+$0x20] =	vst v2  }
0x12b: {  	v2 =	vld [tilespmem:s14+$0x30];
	_ =	sdelay $0x4  }
0x12c: {  	v1 =	vmul.f32 v2, v1;
	_ =	sdelay $0x1  }
0x12d: {  	[tilespmem:s12+$0x30] =	vst v1  }
0x12e: {  	v1 =	vld.msk [tilespmem:s9+$0x1 ss:$0x0], $0xffff  }
0x12f: {  	v2 =	vld [tilespmem:s14+$0x40];
	_ =	sdelay $0x4  }
0x130: {  	v2 =	vmul.f32 v1, v2;
	_ =	sdelay $0x1  }
0x131: {  	[tilespmem:s12+$0x40] =	vst v2  }
0x132: {  	v2 =	vld [tilespmem:s14+$0x50];
	_ =	sdelay $0x4  }
0x133: {  	v2 =	vmul.f32 v2, v1;
	_ =	sdelay $0x1  }
0x134: {  	[tilespmem:s12+$0x50] =	vst v2  }
0x135: {  	v2 =	vld [tilespmem:s14+$0x60];
	_ =	sdelay $0x4  }
0x136: {  	v2 =	vmul.f32 v2, v1;
	_ =	sdelay $0x1  }
0x137: {  	[tilespmem:s12+$0x60] =	vst v2  }
0x138: {  	v2 =	vld [tilespmem:s14+$0x70];
	_ =	sdelay $0x4  }
0x139: {  	v1 =	vmul.f32 v2, v1  }
0x13a: {  	s13 =	simm.s32 $0x0;
	s14 =	simm.s32 $0x50A0  }
.LBB2_5:
0x13b: {  	s13 =	sadd.s32 $0x4, s13;
	[tilespmem:s12+$0x70] =	vst v1;
	s9 =	sadd.s32 $0x4, s9;
	s12 =	sadd.s32 $0x100, s12  }
0x13c: {  	v1 =	vld.msk [tilespmem:s9+$0xFFFFFFFE ss:$0x0], $0xffff;
	p0 =	slt.u32 s13, $0x7C  }
0x13d: {  	v2 =	vld [tilespmem:s14+$0xFFFFFF80];
	_ =	sdelay $0x4  }
0x13e: {  	v2 =	vmul.f32 v1, v2;
	_ =	sdelay $0x1  }
0x13f: {  	[tilespmem:s12+$0xFFFFFF80] =	vst v2  }
0x140: {  	v2 =	vld [tilespmem:s14+$0xFFFFFF90];
	_ =	sdelay $0x4  }
0x141: {  	v2 =	vmul.f32 v2, v1;
	_ =	sdelay $0x1  }
0x142: {  	[tilespmem:s12+$0xFFFFFF90] =	vst v2  }
0x143: {  	v2 =	vld [tilespmem:s14+$0xFFFFFFA0];
	_ =	sdelay $0x4  }
0x144: {  	v2 =	vmul.f32 v2, v1;
	_ =	sdelay $0x1  }
0x145: {  	[tilespmem:s12+$0xFFFFFFA0] =	vst v2  }
0x146: {  	v2 =	vld [tilespmem:s14+$0xFFFFFFB0];
	_ =	sdelay $0x4  }
0x147: {  	v1 =	vmul.f32 v2, v1;
	_ =	sdelay $0x1  }
0x148: {  	[tilespmem:s12+$0xFFFFFFB0] =	vst v1  }
0x149: {  	v1 =	vld.msk [tilespmem:s9+$0xFFFFFFFF ss:$0x0], $0xffff  }
0x14a: {  	v2 =	vld [tilespmem:s14+$0xFFFFFFC0];
	_ =	sdelay $0x4  }
0x14b: {  	v2 =	vmul.f32 v1, v2;
	_ =	sdelay $0x1  }
0x14c: {  	[tilespmem:s12+$0xFFFFFFC0] =	vst v2  }
0x14d: {  	v2 =	vld [tilespmem:s14+$0xFFFFFFD0];
	_ =	sdelay $0x4  }
0x14e: {  	v2 =	vmul.f32 v2, v1;
	_ =	sdelay $0x1  }
0x14f: {  	[tilespmem:s12+$0xFFFFFFD0] =	vst v2  }
0x150: {  	v2 =	vld [tilespmem:s14+$0xFFFFFFE0];
	_ =	sdelay $0x4  }
0x151: {  	v2 =	vmul.f32 v2, v1;
	_ =	sdelay $0x1  }
0x152: {  	[tilespmem:s12+$0xFFFFFFE0] =	vst v2  }
0x153: {  	v2 =	vld [tilespmem:s14+$0xFFFFFFF0];
	_ =	sdelay $0x4  }
0x154: {  	v1 =	vmul.f32 v2, v1;
	_ =	sdelay $0x1  }
0x155: {  	[tilespmem:s12+$0xFFFFFFF0] =	vst v1  }
0x156: {  	v1 =	vld.msk [tilespmem:s9+$0x0 ss:$0x0], $0xffff  }
0x157: {  	v2 =	vld [tilespmem:s14+$0x0];
	_ =	sdelay $0x4  }
0x158: {  	v2 =	vmul.f32 v1, v2;
	_ =	sdelay $0x1  }
0x159: {  	[tilespmem:s12+$0x0] =	vst v2  }
0x15a: {  	v2 =	vld [tilespmem:s14+$0x10];
	_ =	sdelay $0x4  }
0x15b: {  	v2 =	vmul.f32 v2, v1;
	_ =	sdelay $0x1  }
0x15c: {  	[tilespmem:s12+$0x10] =	vst v2  }
0x15d: {  	v2 =	vld [tilespmem:s14+$0x20];
	_ =	sdelay $0x4  }
0x15e: {  	v2 =	vmul.f32 v2, v1;
	_ =	sdelay $0x1  }
0x15f: {  	[tilespmem:s12+$0x20] =	vst v2  }
0x160: {  	v2 =	vld [tilespmem:s14+$0x30];
	_ =	sdelay $0x4  }
0x161: {  	v1 =	vmul.f32 v2, v1;
	_ =	sdelay $0x1  }
0x162: {  	[tilespmem:s12+$0x30] =	vst v1  }
0x163: {  	v1 =	vld.msk [tilespmem:s9+$0x1 ss:$0x0], $0xffff  }
0x164: {  	v2 =	vld [tilespmem:s14+$0x40];
	_ =	sdelay $0x4  }
0x165: {  	v2 =	vmul.f32 v1, v2;
	_ =	sdelay $0x1  }
0x166: {  	[tilespmem:s12+$0x40] =	vst v2  }
0x167: {  	v2 =	vld [tilespmem:s14+$0x50];
	_ =	sdelay $0x4  }
0x168: {  	v2 =	vmul.f32 v2, v1;
	_ =	sdelay $0x1  }
0x169: {  	[tilespmem:s12+$0x50] =	vst v2  }
0x16a: {  	v2 =	vld [tilespmem:s14+$0x60];
	_ =	sdelay $0x4  }
0x16b: {  	v2 =	vmul.f32 v2, v1;
	_ =	sdelay $0x1  }
0x16c: {  	[tilespmem:s12+$0x60] =	vst v2  }
0x16d: {  	v2 =	vld [tilespmem:s14+$0x70];
	_ =	sdelay $0x1  }
.Ltmp1:
0x16e: {  	(pc) =	sbr.rel @p0 .LBB2_5-.Ltmp1, $3  }
0x16f: {  	_ =	sdelay $0x1  }
0x170: {  	v1 =	vmul.f32 v2, v1  }
0x171: {  	s14 =	sadd.s32 $0x100, s14  }
0x172: {  	[tilespmem:s12+$0x70] =	vst v1  }
0x173: {  	[spmem:s3] =	stream.indirect.scatter.add.f32 [tilespmem:s31], [sflag:$0x2], $0x40, s26, s28, $0xb8;
	[tilespmem:$0x136B0] =	vst v63  }
0x174: {  	s8 =	sadd.s32 $0x1, s8;
	_ =	swait.ge [sflag:s20], $0x2000  }
0x175: {  	p0 =	sne.s32 s8, $0x51;
	[sflag:s20] =	ssyncset.done $0x0  }
.Ltmp2:
0x176: {  	[sflag:s20] =	ssyncadd.s32 $0xFFFFE000;
	(pc) =	sbr.rel @p0 .LBB2_4-.Ltmp2, $4  }
0x177: {  	[spmem:s4] =	stream.indirect.scatter.add.f32 [tilespmem:s0], [sflag:$0x2], $0x1, s26, s28, $0xb8;
	[tilespmem:$0x136B0] =	vst v63  }
0x178: {  	_ =	swait.ge [sflag:s20], $0x80  }
0x179: {  	[sflag:s20] =	ssyncset.done $0x0  }
0x17a: {  	[sflag:s20] =	ssyncadd.s32 $0xFFFFFF80  }
0x17b: {  	s8 =	stileid.u32  }
0x17c: {  	s8 =	sshll.u32 s8, $0x6  }
0x17d: {  	[bflag:$0x0] =	sbarrier.arrive $0xFFFF;
	s8 =	sor.u32 $0x1C02, s8  }
0x17e: {  	[hbm:s17], [sflag:s8] =	dma.local [spmem:s25], $0x1400  }
0x17f: {  	s2 =	sadd.s32 $0x1, s2;
	_ =	swait.ge [sflag:s20], $0x1400  }
0x180: {  	p0 =	sne.s32 s2, s19;
	[sflag:s20] =	ssyncset.done $0x0  }
.Ltmp3:
0x181: {  	s9 =	sshrl.u32 s11, $0x3;
	[sflag:s20] =	ssyncadd.s32 $0xFFFFEC00;
	(pc) =	sbr.rel @p0 .LBB2_1-.Ltmp3, $4  }
0x182: {  	[hbm:s18], [sflag:s8] =	dma.local [spmem:s9], $0x50  }
0x183: {  	_ =	swait.ge [sflag:s20], $0x50  }
0x184: {  	[sflag:s20] =	ssyncset.done $0x0  }
0x185: {  	[sflag:s20] =	ssyncadd.s32 $0xFFFFFFB0  }
0x186: {  	_ =	sfence.sel $0x180000  }
0x187: {  	[bflag:$0x0] =	sbarrier.arrive $0xFFFF  }
0x188: {  	_ =	strace $0x90000047  }
0x189: {  	s0 =	stileid.u32;
	[bflag:$0x2] =	sbarrier.arrive $0xFFFF  }
0x18a: {  	p0 =	sne.s32 s0, $0x0;
	s0 =	rddreg [dreg:$0x5]  }
0x18b: {  	s0 =	sadd.s32 @!p0 $0x100000, s0  }
0x18c: {  	[sflag:s0] =	ssyncadd.tile.s32 @!p0 $0x1;
	_ =	shalt  }
.Lfunc_end2:
_tile_overlayer_lowered:
.L_overlay_start_2:
0x18d: {  	(tag) =	ssettag $0x2  }
0x18e: {  	s0 =	rddreg [dreg:$0x0];
	s2 =	stileid.u32  }
0x18f: {  	s1 =	rddreg [dreg:$0x1];
	p0 =	sne.s32 s2, $0x0  }
0x190: {  	s3 =	rddreg [dreg:$0x2];
	[bflag:$0x3] =	sbarrier.arrive $0xFFFF;
	s2 =	simm.s32 @!p0 $0x1C02  }
0x191: {  	[timem:s3], [sflag:s2] =	dma.local @!p0 [hbm:s0], s1  }
0x192: {  	s0 =	simm.s32 @!p0 $0x2  }
0x193: {  	_ =	swait.ge @!p0 [sflag:s0], s1  }
0x194: {  	s1 =	ssub.s32 @!p0 $0x0, s1;
	[sflag:s0] =	ssyncset.done @!p0 $0x0  }
0x195: {  	[sflag:s0] =	ssyncadd.s32 @!p0 s1  }
0x196: {  	[bflag:$0x3] =	sbarrier.arrive $0xFFFF  }
0x197: {  	_ =	shalt  }

</sc_bundles>
